<compile_context>
chip_gen: v7x
topology: tpu7x:2x2x1
jax: 0.10.2.dev20260603
libtpu: 0.0.44.dev20260713+nightly
codegen_flags: <defaults>
</compile_context>

<pallas_src>
import functools

import jax
import jax.numpy as jnp
from jax import lax
from jax.experimental import pallas as pl
from jax.experimental.pallas import tpu as pltpu
from jax.experimental.pallas import tpu_sc as plsc

_NUM_CORES = 2
_NUM_SUBCORES = 16
_LANES = 16
_NUM_WORKERS = _NUM_CORES * _NUM_SUBCORES
_CP = 4
_KB = 16


def _make_kernel(B, L, V, D, P):
    d_per_w = D // _NUM_WORKERS
    nch = L // _CP
    nb = B // _LANES
    lpad = -(-L // _LANES) * _LANES

    mesh = plsc.VectorSubcoreMesh(
        core_axis_name="c",
        subcore_axis_name="s",
        num_cores=_NUM_CORES,
        num_subcores=_NUM_SUBCORES,
    )

    @functools.partial(
        pl.kernel,
        out_type=jax.ShapeDtypeStruct(
            (L, D // 8, B // 128, 8, 128), jnp.float32),
        mesh=mesh,
        compiler_params=pltpu.CompilerParams(
            use_tc_tiling_on_sc=True, needs_layout_passes=False),
        scratch_types=[
            pltpu.VMEM((1, V), jnp.float32),
            [pltpu.VMEM((_CP * B,), jnp.int32) for _ in range(2)],
            [pltpu.VMEM((_CP, 1, B // 128, 1, 128), jnp.float32)
             for _ in range(2)],
            pltpu.VMEM((lpad,), jnp.float32),
            pltpu.VMEM((lpad,), jnp.float32),
            pltpu.VMEM((D,), jnp.float32),
            pltpu.VMEM_SHARED((L * B,), jnp.int32),
            [pltpu.SemaphoreType.DMA for _ in range(2)],
            [pltpu.SemaphoreType.DMA for _ in range(2)],
            pltpu.SemaphoreType.DMA,
        ],
    )
    def emb_kernel(tok_hbm, emb_hbm, pos_hbm, seg_hbm, out_hbm,
                   row_v, tok_bufs, out_bufs, pos_v, bias_v, seg_v,
                   tok_sh, tsems, osems, rsem):
        wid = lax.axis_index("s") * _NUM_CORES + lax.axis_index("c")
        zeros16 = jnp.zeros((_LANES,), jnp.int32)

        @pl.when(lax.axis_index("s") == 0)
        def _():
            pltpu.sync_copy(tok_hbm, tok_sh)

        pltpu.sync_copy(seg_hbm.at[pl.ds(0, D)], seg_v)
        plsc.subcore_barrier()

        def tok_copy(c, b):
            return pltpu.make_async_copy(
                tok_sh.at[pl.ds(c * (_CP * B), _CP * B)], tok_bufs[b],
                tsems[b])

        def out_copy(c, b, d):
            return pltpu.make_async_copy(
                out_bufs[b],
                out_hbm.at[pl.ds(c * _CP, _CP), pl.ds(d // 8, 1), :,
                           pl.ds(d % 8, 1), :], osems[b])

        def compute(c, b):
            @pl.loop(0, _CP)
            def _(i):
                l = c * _CP + i
                bias = plsc.load_gather(
                    bias_v, [jnp.full((_LANES,), l, jnp.int32)])

                @pl.loop(0, nb // _KB)
                def _(jo):
                    base = i * B + jo * _KB * _LANES
                    idxs = [
                        tok_bufs[b][pl.ds(base + k * _LANES, _LANES)]
                        for k in range(_KB)
                    ]
                    vals = [
                        plsc.load_gather(row_v, [zeros16, ix]) for ix in idxs
                    ]
                    for k in range(_KB):
                        bt = (jo * _KB + k) // 8
                        out_bufs[b][i, 0, bt, 0,
                                    pl.ds((k % 8) * _LANES, _LANES)] = (
                                        vals[k] + bias)

        @pl.loop(0, d_per_w)
        def _(di):
            d = wid * d_per_w + di
            row_cp = pltpu.make_async_copy(
                emb_hbm.at[pl.ds(d, 1), :], row_v, rsem)
            row_cp.start()
            tok_copy(0, 0).start()
            tok_copy(1, 1).start()
            pltpu.sync_copy(pos_hbm.at[pl.ds(d * P, lpad)], pos_v)
            seg_s = plsc.load_gather(
                seg_v, [jnp.full((_LANES,), d, jnp.int32)])
            for v in range(lpad // _LANES):
                sl = pl.ds(v * _LANES, _LANES)
                bias_v[sl] = pos_v[sl] + seg_s
            row_cp.wait()

            def run_chunk(c, b, first, last):
                tok_copy(c, b).wait()
                if not first:
                    out_copy(c - 2, b, d).wait()
                compute(c, b)
                out_copy(c, b, d).start()
                if not last:
                    tok_copy(c + 2, b).start()

            run_chunk(0, 0, True, False)
            run_chunk(1, 1, True, False)

            @pl.loop(2, nch - 2, step=2)
            def _(c0):
                run_chunk(c0, 0, False, False)
                run_chunk(c0 + 1, 1, False, False)

            run_chunk(nch - 2, 0, False, True)
            run_chunk(nch - 1, 1, False, True)
            out_copy(nch - 2, 0, d).wait()
            out_copy(nch - 1, 1, d).wait()

    return emb_kernel


@jax.jit
def kernel(tokens, Embead, PosEmbead, SegEmbead):
    B, L = tokens.shape
    V, D = Embead.shape
    P = PosEmbead.shape[0]
    emb_k = _make_kernel(B, L, V, D, P)
    out5 = emb_k(
        tokens.T.reshape(L * B).astype(jnp.int32),
        Embead.T,
        PosEmbead.T.reshape(D * P),
        SegEmbead.reshape(-1),
    )
    return out5.transpose(2, 4, 0, 1, 3).reshape(B, L, D)

# --- scband reference (transcript-rebuilt; emitter-appended) ---
"""Pipeline reference for scband-bertmbeadings-79912161509654 (READ-ONLY COPY).

The authoritative reference and input builder live on the scoring server;
editing this copy changes nothing except your own understanding.
"""

import jax, jax.numpy as jnp
import numpy as np

VOCAB = 100000
EMBED_DIM = 64
NUM_POS = 512
NUM_SEG = 2
B, L = 1024, 200

def setup_inputs(seed: int = 0) -> dict:
    key = jax.random.key(seed)
    k1, k2, k3, k4 = jax.random.split(key, 4)
    tokens = jax.random.randint(k1, (B, L), 0, VOCAB, dtype=jnp.int64) if jax.config.jax_enable_x64 else jax.random.randint(k1, (B, L), 0, VOCAB, dtype=jnp.int32)
    Embead = jax.random.normal(k2, (VOCAB, EMBED_DIM), dtype=jnp.float32)
    PosEmbead = jax.random.normal(k3, (NUM_POS, EMBED_DIM), dtype=jnp.float32)
    SegEmbead = jax.random.normal(k4, (NUM_SEG, EMBED_DIM), dtype=jnp.float32)
    return {"tokens": tokens, "Embead": Embead, "PosEmbead": PosEmbead, "SegEmbead": SegEmbead}

def reference(tokens, Embead, PosEmbead, SegEmbead):
    # pos = None branch: arange over seq len, broadcast to batch
    pos = jnp.arange(tokens.shape[1], dtype=tokens.dtype)[None, :]
    pos = jnp.broadcast_to(pos, tokens.shape)
    # seg = None branch: zeros_like(tokens)
    seg = jnp.zeros_like(tokens)
    res = jnp.take(Embead, tokens, axis=0) + jnp.take(PosEmbead, pos, axis=0) + jnp.take(SegEmbead, seg, axis=0)
    return res

if __name__ == "__main__":
    import jax
    _d = setup_inputs()
    print(jax.jit(kernel)(*tuple(_d.values())))

</pallas_src>

<mosaic_0001>
#map = affine_map<(d0, d1) -> (0)>
#map1 = affine_map<(d0, d1) -> (0, 0)>
#map2 = affine_map<(d0, d1) -> (0, 0, 0, 0, 0)>
module attributes {stable_mosaic.version = 14 : i64} {
  func.func @emb_kernel(%arg0: i32, %arg1: i32, %arg2: memref<204800xi32, #tpu.memory_space<hbm>>, %arg3: memref<64x100000xf32, #tpu.memory_space<hbm>>, %arg4: memref<32768xf32, #tpu.memory_space<hbm>>, %arg5: memref<128xf32, #tpu.memory_space<hbm>>, %arg6: memref<200x8x8x8x128xf32, #tpu.memory_space<hbm>>, %arg7: memref<1x100000xf32, #tpu.memory_space<vmem>>, %arg8: memref<4096xi32, #tpu.memory_space<vmem>>, %arg9: memref<4096xi32, #tpu.memory_space<vmem>>, %arg10: memref<4x1x8x1x128xf32, #tpu.memory_space<vmem>>, %arg11: memref<4x1x8x1x128xf32, #tpu.memory_space<vmem>>, %arg12: memref<208xf32, #tpu.memory_space<vmem>>, %arg13: memref<208xf32, #tpu.memory_space<vmem>>, %arg14: memref<64xf32, #tpu.memory_space<vmem>>, %arg15: memref<204800xi32, #tpu.memory_space<vmem_shared>>, %arg16: memref<!tpu.dma_semaphore, #tpu.memory_space<semaphore_mem>>, %arg17: memref<!tpu.dma_semaphore, #tpu.memory_space<semaphore_mem>>, %arg18: memref<!tpu.dma_semaphore, #tpu.memory_space<semaphore_mem>>, %arg19: memref<!tpu.dma_semaphore, #tpu.memory_space<semaphore_mem>>, %arg20: memref<!tpu.dma_semaphore, #tpu.memory_space<semaphore_mem>>) attributes {dimension_semantics = [#tpu.dimension_semantics<core_parallel>, #tpu.dimension_semantics<subcore_parallel>], iteration_bounds = array<i64: 2, 16>, scalar_prefetch = 0 : i64, scratch_operands = 14 : i64, tpu.core_type = #tpu.core_type<sc_vector_subcore>, window_params = [{transform_indices = #map}, {transform_indices = #map1}, {transform_indices = #map}, {transform_indices = #map}, {transform_indices = #map2}]} {
    %mul3A = arith.constant 2 : i32
    %mul3A_0 = arith.muli %arg1, %mul3A : i32
    %add3A = arith.addi %mul3A_0, %arg0 : i32
    %broadcast_in_dim3A = arith.constant 0 : i32
    %broadcast_in_dim3A_1 = vector.broadcast %broadcast_in_dim3A : i32 to vector<16xi32>
    %eq3A = arith.constant 0 : i32
    %eq3A_2 = arith.cmpi eq, %arg1, %eq3A : i32
    %convert_element_type3A = arith.extui %eq3A_2 : i1 to i32
    %cond3A = arith.constant 0 : i32
    %cond3A_3 = arith.cmpi ne, %convert_element_type3A, %cond3A : i32
    scf.if %cond3A_3 {
      "tpu.region"() ({
        %run_scoped3A = tpu.sem_alloc : memref<!tpu.dma_semaphore, #tpu.memory_space<semaphore_mem>>
        tpu.enqueue_dma source(%arg2 : memref<204800xi32, #tpu.memory_space<hbm>>) target(%arg15 : memref<204800xi32, #tpu.memory_space<vmem_shared>>) target_semaphore(%run_scoped3A : memref<!tpu.dma_semaphore, #tpu.memory_space<semaphore_mem>>)
        tpu.wait_dma2 semaphore(%run_scoped3A : memref<!tpu.dma_semaphore, #tpu.memory_space<semaphore_mem>>) src(%arg2 : memref<204800xi32, #tpu.memory_space<hbm>>) dst(%arg15 : memref<204800xi32, #tpu.memory_space<vmem_shared>>)
        tpu.yield
      }) : () -> ()
    } else {
    }
    "tpu.region"() ({
      %run_scoped3A = tpu.sem_alloc : memref<!tpu.dma_semaphore, #tpu.memory_space<semaphore_mem>>
      %dma_start3A = arith.constant 0 : i32
      %dma_start3A_8 = tpu.memref_slice %arg5[%dma_start3A] : memref<128xf32, #tpu.memory_space<hbm>> -> memref<64xf32, #tpu.memory_space<hbm>>
      %dma_start3A_9 = arith.constant 0 : i32
      %dma_start3A_10 = tpu.memref_slice %arg5[%dma_start3A_9] : memref<128xf32, #tpu.memory_space<hbm>> -> memref<64xf32, #tpu.memory_space<hbm>>
      tpu.enqueue_dma source(%dma_start3A_10 : memref<64xf32, #tpu.memory_space<hbm>>) target(%arg14 : memref<64xf32, #tpu.memory_space<vmem>>) target_semaphore(%run_scoped3A : memref<!tpu.dma_semaphore, #tpu.memory_space<semaphore_mem>>)
      %dma_wait3A = arith.constant 0 : i32
      %dma_wait3A_11 = tpu.memref_slice %arg5[%dma_wait3A] : memref<128xf32, #tpu.memory_space<hbm>> -> memref<64xf32, #tpu.memory_space<hbm>>
      %dma_wait3A_12 = arith.constant 0 : i32
      %dma_wait3A_13 = tpu.memref_slice %arg5[%dma_wait3A_12] : memref<128xf32, #tpu.memory_space<hbm>> -> memref<64xf32, #tpu.memory_space<hbm>>
      tpu.wait_dma2 semaphore(%run_scoped3A : memref<!tpu.dma_semaphore, #tpu.memory_space<semaphore_mem>>) src(%dma_wait3A_13 : memref<64xf32, #tpu.memory_space<hbm>>) dst(%arg14 : memref<64xf32, #tpu.memory_space<vmem>>)
      tpu.yield
    }) : () -> ()
    %barrier3A = arith.constant 0 : index
    tpu.barrier barrier_id(%barrier3A)
    %scan3A = arith.constant 0 : i32
    %scan3A_4 = arith.constant 2 : i32
    %scan3A_5 = arith.addi %scan3A, %scan3A_4 : i32
    %scan3A_6 = arith.constant 1 : i32
    scf.for %scan3A_8 = %scan3A to %scan3A_5 step %scan3A_6  : i32 {
      %mul3A_9 = arith.constant 1 : i32
      %mul3A_10 = arith.muli %scan3A_8, %mul3A_9 : i32
      %add3A_11 = arith.constant 0 : i32
      %add3A_12 = arith.addi %add3A_11, %mul3A_10 : i32
      %mul3A_13 = arith.constant 2 : i32
      %mul3A_14 = arith.muli %add3A, %mul3A_13 : i32
      %add3A_15 = arith.addi %mul3A_14, %add3A_12 : i32
      %dma_start3A = arith.constant 0 : i32
      %dma_start3A_16 = tpu.memref_slice %arg3[%add3A_15, %dma_start3A] : memref<64x100000xf32, #tpu.memory_space<hbm>> -> memref<1x100000xf32, #tpu.memory_space<hbm>>
      %dma_start3A_17 = arith.constant 0 : i32
      %dma_start3A_18 = tpu.memref_slice %arg3[%add3A_15, %dma_start3A_17] : memref<64x100000xf32, #tpu.memory_space<hbm>> -> memref<1x100000xf32, #tpu.memory_space<hbm>>
      tpu.enqueue_dma source(%dma_start3A_18 : memref<1x100000xf32, #tpu.memory_space<hbm>>) target(%arg7 : memref<1x100000xf32, #tpu.memory_space<vmem>>) target_semaphore(%arg20 : memref<!tpu.dma_semaphore, #tpu.memory_space<semaphore_mem>>)
      %dma_start3A_19 = arith.constant 0 : i32
      %dma_start3A_20 = tpu.memref_slice %arg15[%dma_start3A_19] : memref<204800xi32, #tpu.memory_space<vmem_shared>> -> memref<4096xi32, #tpu.memory_space<vmem_shared>>
      %dma_start3A_21 = arith.constant 0 : i32
      %dma_start3A_22 = tpu.memref_slice %arg15[%dma_start3A_21] : memref<204800xi32, #tpu.memory_space<vmem_shared>> -> memref<4096xi32, #tpu.memory_space<vmem_shared>>
      tpu.enqueue_dma source(%dma_start3A_22 : memref<4096xi32, #tpu.memory_space<vmem_shared>>) target(%arg8 : memref<4096xi32, #tpu.memory_space<vmem>>) target_semaphore(%arg16 : memref<!tpu.dma_semaphore, #tpu.memory_space<semaphore_mem>>)
      %dma_start3A_23 = arith.constant 4096 : i32
      %dma_start3A_24 = tpu.memref_slice %arg15[%dma_start3A_23] : memref<204800xi32, #tpu.memory_space<vmem_shared>> -> memref<4096xi32, #tpu.memory_space<vmem_shared>>
      %dma_start3A_25 = arith.constant 4096 : i32
      %dma_start3A_26 = tpu.memref_slice %arg15[%dma_start3A_25] : memref<204800xi32, #tpu.memory_space<vmem_shared>> -> memref<4096xi32, #tpu.memory_space<vmem_shared>>
      tpu.enqueue_dma source(%dma_start3A_26 : memref<4096xi32, #tpu.memory_space<vmem_shared>>) target(%arg9 : memref<4096xi32, #tpu.memory_space<vmem>>) target_semaphore(%arg17 : memref<!tpu.dma_semaphore, #tpu.memory_space<semaphore_mem>>)
      %mul3A_27 = arith.constant 512 : i32
      %mul3A_28 = arith.muli %add3A_15, %mul3A_27 : i32
      "tpu.region"() ({
        %run_scoped3A = tpu.sem_alloc : memref<!tpu.dma_semaphore, #tpu.memory_space<semaphore_mem>>
        %dma_start3A_520 = tpu.memref_slice %arg4[%mul3A_28] : memref<32768xf32, #tpu.memory_space<hbm>> -> memref<208xf32, #tpu.memory_space<hbm>>
        %dma_start3A_521 = tpu.memref_slice %arg4[%mul3A_28] : memref<32768xf32, #tpu.memory_space<hbm>> -> memref<208xf32, #tpu.memory_space<hbm>>
        tpu.enqueue_dma source(%dma_start3A_521 : memref<208xf32, #tpu.memory_space<hbm>>) target(%arg12 : memref<208xf32, #tpu.memory_space<vmem>>) target_semaphore(%run_scoped3A : memref<!tpu.dma_semaphore, #tpu.memory_space<semaphore_mem>>)
        %dma_wait3A_522 = tpu.memref_slice %arg4[%mul3A_28] : memref<32768xf32, #tpu.memory_space<hbm>> -> memref<208xf32, #tpu.memory_space<hbm>>
        %dma_wait3A_523 = tpu.memref_slice %arg4[%mul3A_28] : memref<32768xf32, #tpu.memory_space<hbm>> -> memref<208xf32, #tpu.memory_space<hbm>>
        tpu.wait_dma2 semaphore(%run_scoped3A : memref<!tpu.dma_semaphore, #tpu.memory_space<semaphore_mem>>) src(%dma_wait3A_523 : memref<208xf32, #tpu.memory_space<hbm>>) dst(%arg12 : memref<208xf32, #tpu.memory_space<vmem>>)
        tpu.yield
      }) : () -> ()
      %broadcast_in_dim3A_29 = vector.broadcast %add3A_15 : i32 to vector<16xi32>
      %gather3A = tpu.vector_load_idx %arg14[%broadcast_in_dim3A_29] : memref<64xf32, #tpu.memory_space<vmem>>[vector<16xi32>], vector<16xf32>,
      %get3A = arith.constant 0 : index
      %get3A_30 = tpu.vector_load %arg12[%get3A] {strides = array<i32>} : memref<208xf32, #tpu.memory_space<vmem>>, vector<16xf32>,
      %add3A_31 = arith.addf %get3A_30, %gather3A : vector<16xf32>
      %swap3A = arith.constant 0 : index
      %swap3A_32 = tpu.vector_load %arg13[%swap3A] {strides = array<i32>} : memref<208xf32, #tpu.memory_space<vmem>>, vector<16xf32>,
      tpu.vector_store %arg13[%swap3A], %add3A_31 {strides = array<i32>} : memref<208xf32, #tpu.memory_space<vmem>>, vector<16xf32>,
      %get3A_33 = arith.constant 16 : index
      %get3A_34 = tpu.vector_load %arg12[%get3A_33] {strides = array<i32>} : memref<208xf32, #tpu.memory_space<vmem>>, vector<16xf32>,
      %add3A_35 = arith.addf %get3A_34, %gather3A : vector<16xf32>
      %swap3A_36 = arith.constant 16 : index
      %swap3A_37 = tpu.vector_load %arg13[%swap3A_36] {strides = array<i32>} : memref<208xf32, #tpu.memory_space<vmem>>, vector<16xf32>,
      tpu.vector_store %arg13[%swap3A_36], %add3A_35 {strides = array<i32>} : memref<208xf32, #tpu.memory_space<vmem>>, vector<16xf32>,
      %get3A_38 = arith.constant 32 : index
      %get3A_39 = tpu.vector_load %arg12[%get3A_38] {strides = array<i32>} : memref<208xf32, #tpu.memory_space<vmem>>, vector<16xf32>,
      %add3A_40 = arith.addf %get3A_39, %gather3A : vector<16xf32>
      %swap3A_41 = arith.constant 32 : index
      %swap3A_42 = tpu.vector_load %arg13[%swap3A_41] {strides = array<i32>} : memref<208xf32, #tpu.memory_space<vmem>>, vector<16xf32>,
      tpu.vector_store %arg13[%swap3A_41], %add3A_40 {strides = array<i32>} : memref<208xf32, #tpu.memory_space<vmem>>, vector<16xf32>,
      %get3A_43 = arith.constant 48 : index
      %get3A_44 = tpu.vector_load %arg12[%get3A_43] {strides = array<i32>} : memref<208xf32, #tpu.memory_space<vmem>>, vector<16xf32>,
      %add3A_45 = arith.addf %get3A_44, %gather3A : vector<16xf32>
      %swap3A_46 = arith.constant 48 : index
      %swap3A_47 = tpu.vector_load %arg13[%swap3A_46] {strides = array<i32>} : memref<208xf32, #tpu.memory_space<vmem>>, vector<16xf32>,
      tpu.vector_store %arg13[%swap3A_46], %add3A_45 {strides = array<i32>} : memref<208xf32, #tpu.memory_space<vmem>>, vector<16xf32>,
      %get3A_48 = arith.constant 64 : index
      %get3A_49 = tpu.vector_load %arg12[%get3A_48] {strides = array<i32>} : memref<208xf32, #tpu.memory_space<vmem>>, vector<16xf32>,
      %add3A_50 = arith.addf %get3A_49, %gather3A : vector<16xf32>
      %swap3A_51 = arith.constant 64 : index
      %swap3A_52 = tpu.vector_load %arg13[%swap3A_51] {strides = array<i32>} : memref<208xf32, #tpu.memory_space<vmem>>, vector<16xf32>,
      tpu.vector_store %arg13[%swap3A_51], %add3A_50 {strides = array<i32>} : memref<208xf32, #tpu.memory_space<vmem>>, vector<16xf32>,
      %get3A_53 = arith.constant 80 : index
      %get3A_54 = tpu.vector_load %arg12[%get3A_53] {strides = array<i32>} : memref<208xf32, #tpu.memory_space<vmem>>, vector<16xf32>,
      %add3A_55 = arith.addf %get3A_54, %gather3A : vector<16xf32>
      %swap3A_56 = arith.constant 80 : index
      %swap3A_57 = tpu.vector_load %arg13[%swap3A_56] {strides = array<i32>} : memref<208xf32, #tpu.memory_space<vmem>>, vector<16xf32>,
      tpu.vector_store %arg13[%swap3A_56], %add3A_55 {strides = array<i32>} : memref<208xf32, #tpu.memory_space<vmem>>, vector<16xf32>,
      %get3A_58 = arith.constant 96 : index
      %get3A_59 = tpu.vector_load %arg12[%get3A_58] {strides = array<i32>} : memref<208xf32, #tpu.memory_space<vmem>>, vector<16xf32>,
      %add3A_60 = arith.addf %get3A_59, %gather3A : vector<16xf32>
      %swap3A_61 = arith.constant 96 : index
      %swap3A_62 = tpu.vector_load %arg13[%swap3A_61] {strides = array<i32>} : memref<208xf32, #tpu.memory_space<vmem>>, vector<16xf32>,
      tpu.vector_store %arg13[%swap3A_61], %add3A_60 {strides = array<i32>} : memref<208xf32, #tpu.memory_space<vmem>>, vector<16xf32>,
      %get3A_63 = arith.constant 112 : index
      %get3A_64 = tpu.vector_load %arg12[%get3A_63] {strides = array<i32>} : memref<208xf32, #tpu.memory_space<vmem>>, vector<16xf32>,
      %add3A_65 = arith.addf %get3A_64, %gather3A : vector<16xf32>
      %swap3A_66 = arith.constant 112 : index
      %swap3A_67 = tpu.vector_load %arg13[%swap3A_66] {strides = array<i32>} : memref<208xf32, #tpu.memory_space<vmem>>, vector<16xf32>,
      tpu.vector_store %arg13[%swap3A_66], %add3A_65 {strides = array<i32>} : memref<208xf32, #tpu.memory_space<vmem>>, vector<16xf32>,
      %get3A_68 = arith.constant 128 : index
      %get3A_69 = tpu.vector_load %arg12[%get3A_68] {strides = array<i32>} : memref<208xf32, #tpu.memory_space<vmem>>, vector<16xf32>,
      %add3A_70 = arith.addf %get3A_69, %gather3A : vector<16xf32>
      %swap3A_71 = arith.constant 128 : index
      %swap3A_72 = tpu.vector_load %arg13[%swap3A_71] {strides = array<i32>} : memref<208xf32, #tpu.memory_space<vmem>>, vector<16xf32>,
      tpu.vector_store %arg13[%swap3A_71], %add3A_70 {strides = array<i32>} : memref<208xf32, #tpu.memory_space<vmem>>, vector<16xf32>,
      %get3A_73 = arith.constant 144 : index
      %get3A_74 = tpu.vector_load %arg12[%get3A_73] {strides = array<i32>} : memref<208xf32, #tpu.memory_space<vmem>>, vector<16xf32>,
      %add3A_75 = arith.addf %get3A_74, %gather3A : vector<16xf32>
      %swap3A_76 = arith.constant 144 : index
      %swap3A_77 = tpu.vector_load %arg13[%swap3A_76] {strides = array<i32>} : memref<208xf32, #tpu.memory_space<vmem>>, vector<16xf32>,
      tpu.vector_store %arg13[%swap3A_76], %add3A_75 {strides = array<i32>} : memref<208xf32, #tpu.memory_space<vmem>>, vector<16xf32>,
      %get3A_78 = arith.constant 160 : index
      %get3A_79 = tpu.vector_load %arg12[%get3A_78] {strides = array<i32>} : memref<208xf32, #tpu.memory_space<vmem>>, vector<16xf32>,
      %add3A_80 = arith.addf %get3A_79, %gather3A : vector<16xf32>
      %swap3A_81 = arith.constant 160 : index
      %swap3A_82 = tpu.vector_load %arg13[%swap3A_81] {strides = array<i32>} : memref<208xf32, #tpu.memory_space<vmem>>, vector<16xf32>,
      tpu.vector_store %arg13[%swap3A_81], %add3A_80 {strides = array<i32>} : memref<208xf32, #tpu.memory_space<vmem>>, vector<16xf32>,
      %get3A_83 = arith.constant 176 : index
      %get3A_84 = tpu.vector_load %arg12[%get3A_83] {strides = array<i32>} : memref<208xf32, #tpu.memory_space<vmem>>, vector<16xf32>,
      %add3A_85 = arith.addf %get3A_84, %gather3A : vector<16xf32>
      %swap3A_86 = arith.constant 176 : index
      %swap3A_87 = tpu.vector_load %arg13[%swap3A_86] {strides = array<i32>} : memref<208xf32, #tpu.memory_space<vmem>>, vector<16xf32>,
      tpu.vector_store %arg13[%swap3A_86], %add3A_85 {strides = array<i32>} : memref<208xf32, #tpu.memory_space<vmem>>, vector<16xf32>,
      %get3A_88 = arith.constant 192 : index
      %get3A_89 = tpu.vector_load %arg12[%get3A_88] {strides = array<i32>} : memref<208xf32, #tpu.memory_space<vmem>>, vector<16xf32>,
      %add3A_90 = arith.addf %get3A_89, %gather3A : vector<16xf32>
      %swap3A_91 = arith.constant 192 : index
      %swap3A_92 = tpu.vector_load %arg13[%swap3A_91] {strides = array<i32>} : memref<208xf32, #tpu.memory_space<vmem>>, vector<16xf32>,
      tpu.vector_store %arg13[%swap3A_91], %add3A_90 {strides = array<i32>} : memref<208xf32, #tpu.memory_space<vmem>>, vector<16xf32>,
      %dma_wait3A = arith.constant 0 : i32
      %dma_wait3A_93 = tpu.memref_slice %arg3[%add3A_15, %dma_wait3A] : memref<64x100000xf32, #tpu.memory_space<hbm>> -> memref<1x100000xf32, #tpu.memory_space<hbm>>
      %dma_wait3A_94 = arith.constant 0 : i32
      %dma_wait3A_95 = tpu.memref_slice %arg3[%add3A_15, %dma_wait3A_94] : memref<64x100000xf32, #tpu.memory_space<hbm>> -> memref<1x100000xf32, #tpu.memory_space<hbm>>
      tpu.wait_dma2 semaphore(%arg20 : memref<!tpu.dma_semaphore, #tpu.memory_space<semaphore_mem>>) src(%dma_wait3A_95 : memref<1x100000xf32, #tpu.memory_space<hbm>>) dst(%arg7 : memref<1x100000xf32, #tpu.memory_space<vmem>>)
      %dma_wait3A_96 = arith.constant 0 : i32
      %dma_wait3A_97 = tpu.memref_slice %arg15[%dma_wait3A_96] : memref<204800xi32, #tpu.memory_space<vmem_shared>> -> memref<4096xi32, #tpu.memory_space<vmem_shared>>
      %dma_wait3A_98 = arith.constant 0 : i32
      %dma_wait3A_99 = tpu.memref_slice %arg15[%dma_wait3A_98] : memref<204800xi32, #tpu.memory_space<vmem_shared>> -> memref<4096xi32, #tpu.memory_space<vmem_shared>>
      tpu.wait_dma2 semaphore(%arg16 : memref<!tpu.dma_semaphore, #tpu.memory_space<semaphore_mem>>) src(%dma_wait3A_99 : memref<4096xi32, #tpu.memory_space<vmem_shared>>) dst(%arg8 : memref<4096xi32, #tpu.memory_space<vmem>>)
      %scan3A_100 = arith.constant 0 : i32
      %scan3A_101 = arith.constant 4 : i32
      %scan3A_102 = arith.addi %scan3A_100, %scan3A_101 : i32
      %scan3A_103 = arith.constant 1 : i32
      scf.for %scan3A_520 = %scan3A_100 to %scan3A_102 step %scan3A_103  : i32 {
        %mul3A_521 = arith.constant 1 : i32
        %mul3A_522 = arith.muli %scan3A_520, %mul3A_521 : i32
        %add3A_523 = arith.constant 0 : i32
        %add3A_524 = arith.addi %add3A_523, %mul3A_522 : i32
        %add3A_525 = arith.constant 0 : i32
        %add3A_526 = arith.addi %add3A_525, %add3A_524 : i32
        %broadcast_in_dim3A_527 = vector.broadcast %add3A_526 : i32 to vector<16xi32>
        %gather3A_528 = tpu.vector_load_idx %arg13[%broadcast_in_dim3A_527] : memref<208xf32, #tpu.memory_space<vmem>>[vector<16xi32>], vector<16xf32>,
        %scan3A_529 = arith.constant 0 : i32
        %scan3A_530 = arith.constant 4 : i32
        %scan3A_531 = arith.addi %scan3A_529, %scan3A_530 : i32
        %scan3A_532 = arith.constant 1 : i32
        scf.for %scan3A_534 = %scan3A_529 to %scan3A_531 step %scan3A_532  : i32 {
          %mul3A_535 = arith.constant 1 : i32
          %mul3A_536 = arith.muli %scan3A_534, %mul3A_535 : i32
          %add3A_537 = arith.constant 0 : i32
          %add3A_538 = arith.addi %add3A_537, %mul3A_536 : i32
          %mul3A_539 = arith.constant 1024 : i32
          %mul3A_540 = arith.muli %add3A_524, %mul3A_539 : i32
          %mul3A_541 = arith.constant 16 : i32
          %mul3A_542 = arith.muli %add3A_538, %mul3A_541 : i32
          %mul3A_543 = arith.constant 16 : i32
          %mul3A_544 = arith.muli %mul3A_542, %mul3A_543 : i32
          %add3A_545 = arith.addi %mul3A_540, %mul3A_544 : i32
          %add3A_546 = arith.constant 0 : i32
          %add3A_547 = arith.addi %add3A_545, %add3A_546 : i32
          %get3A_548 = arith.index_cast %add3A_547 : i32 to index
          %get3A_549 = tpu.vector_load %arg8[%get3A_548] {strides = array<i32>} : memref<4096xi32, #tpu.memory_space<vmem>>, vector<16xi32>,
          %add3A_550 = arith.constant 16 : i32
          %add3A_551 = arith.addi %add3A_545, %add3A_550 : i32
          %get3A_552 = arith.index_cast %add3A_551 : i32 to index
          %get3A_553 = tpu.vector_load %arg8[%get3A_552] {strides = array<i32>} : memref<4096xi32, #tpu.memory_space<vmem>>, vector<16xi32>,
          %add3A_554 = arith.constant 32 : i32
          %add3A_555 = arith.addi %add3A_545, %add3A_554 : i32
          %get3A_556 = arith.index_cast %add3A_555 : i32 to index
          %get3A_557 = tpu.vector_load %arg8[%get3A_556] {strides = array<i32>} : memref<4096xi32, #tpu.memory_space<vmem>>, vector<16xi32>,
          %add3A_558 = arith.constant 48 : i32
          %add3A_559 = arith.addi %add3A_545, %add3A_558 : i32
          %get3A_560 = arith.index_cast %add3A_559 : i32 to index
          %get3A_561 = tpu.vector_load %arg8[%get3A_560] {strides = array<i32>} : memref<4096xi32, #tpu.memory_space<vmem>>, vector<16xi32>,
          %add3A_562 = arith.constant 64 : i32
          %add3A_563 = arith.addi %add3A_545, %add3A_562 : i32
          %get3A_564 = arith.index_cast %add3A_563 : i32 to index
          %get3A_565 = tpu.vector_load %arg8[%get3A_564] {strides = array<i32>} : memref<4096xi32, #tpu.memory_space<vmem>>, vector<16xi32>,
          %add3A_566 = arith.constant 80 : i32
          %add3A_567 = arith.addi %add3A_545, %add3A_566 : i32
          %get3A_568 = arith.index_cast %add3A_567 : i32 to index
          %get3A_569 = tpu.vector_load %arg8[%get3A_568] {strides = array<i32>} : memref<4096xi32, #tpu.memory_space<vmem>>, vector<16xi32>,
          %add3A_570 = arith.constant 96 : i32
          %add3A_571 = arith.addi %add3A_545, %add3A_570 : i32
          %get3A_572 = arith.index_cast %add3A_571 : i32 to index
          %get3A_573 = tpu.vector_load %arg8[%get3A_572] {strides = array<i32>} : memref<4096xi32, #tpu.memory_space<vmem>>, vector<16xi32>,
          %add3A_574 = arith.constant 112 : i32
          %add3A_575 = arith.addi %add3A_545, %add3A_574 : i32
          %get3A_576 = arith.index_cast %add3A_575 : i32 to index
          %get3A_577 = tpu.vector_load %arg8[%get3A_576] {strides = array<i32>} : memref<4096xi32, #tpu.memory_space<vmem>>, vector<16xi32>,
          %add3A_578 = arith.constant 128 : i32
          %add3A_579 = arith.addi %add3A_545, %add3A_578 : i32
          %get3A_580 = arith.index_cast %add3A_579 : i32 to index
          %get3A_581 = tpu.vector_load %arg8[%get3A_580] {strides = array<i32>} : memref<4096xi32, #tpu.memory_space<vmem>>, vector<16xi32>,
          %add3A_582 = arith.constant 144 : i32
          %add3A_583 = arith.addi %add3A_545, %add3A_582 : i32
          %get3A_584 = arith.index_cast %add3A_583 : i32 to index
          %get3A_585 = tpu.vector_load %arg8[%get3A_584] {strides = array<i32>} : memref<4096xi32, #tpu.memory_space<vmem>>, vector<16xi32>,
          %add3A_586 = arith.constant 160 : i32
          %add3A_587 = arith.addi %add3A_545, %add3A_586 : i32
          %get3A_588 = arith.index_cast %add3A_587 : i32 to index
          %get3A_589 = tpu.vector_load %arg8[%get3A_588] {strides = array<i32>} : memref<4096xi32, #tpu.memory_space<vmem>>, vector<16xi32>,
          %add3A_590 = arith.constant 176 : i32
          %add3A_591 = arith.addi %add3A_545, %add3A_590 : i32
          %get3A_592 = arith.index_cast %add3A_591 : i32 to index
          %get3A_593 = tpu.vector_load %arg8[%get3A_592] {strides = array<i32>} : memref<4096xi32, #tpu.memory_space<vmem>>, vector<16xi32>,
          %add3A_594 = arith.constant 192 : i32
          %add3A_595 = arith.addi %add3A_545, %add3A_594 : i32
          %get3A_596 = arith.index_cast %add3A_595 : i32 to index
          %get3A_597 = tpu.vector_load %arg8[%get3A_596] {strides = array<i32>} : memref<4096xi32, #tpu.memory_space<vmem>>, vector<16xi32>,
          %add3A_598 = arith.constant 208 : i32
          %add3A_599 = arith.addi %add3A_545, %add3A_598 : i32
          %get3A_600 = arith.index_cast %add3A_599 : i32 to index
          %get3A_601 = tpu.vector_load %arg8[%get3A_600] {strides = array<i32>} : memref<4096xi32, #tpu.memory_space<vmem>>, vector<16xi32>,
          %add3A_602 = arith.constant 224 : i32
          %add3A_603 = arith.addi %add3A_545, %add3A_602 : i32
          %get3A_604 = arith.index_cast %add3A_603 : i32 to index
          %get3A_605 = tpu.vector_load %arg8[%get3A_604] {strides = array<i32>} : memref<4096xi32, #tpu.memory_space<vmem>>, vector<16xi32>,
          %add3A_606 = arith.constant 240 : i32
          %add3A_607 = arith.addi %add3A_545, %add3A_606 : i32
          %get3A_608 = arith.index_cast %add3A_607 : i32 to index
          %get3A_609 = tpu.vector_load %arg8[%get3A_608] {strides = array<i32>} : memref<4096xi32, #tpu.memory_space<vmem>>, vector<16xi32>,
          %gather3A_610 = tpu.vector_load_idx %arg7[%broadcast_in_dim3A_1, %get3A_549] : memref<1x100000xf32, #tpu.memory_space<vmem>>[vector<16xi32>, vector<16xi32>], vector<16xf32>,
          %gather3A_611 = tpu.vector_load_idx %arg7[%broadcast_in_dim3A_1, %get3A_553] : memref<1x100000xf32, #tpu.memory_space<vmem>>[vector<16xi32>, vector<16xi32>], vector<16xf32>,
          %gather3A_612 = tpu.vector_load_idx %arg7[%broadcast_in_dim3A_1, %get3A_557] : memref<1x100000xf32, #tpu.memory_space<vmem>>[vector<16xi32>, vector<16xi32>], vector<16xf32>,
          %gather3A_613 = tpu.vector_load_idx %arg7[%broadcast_in_dim3A_1, %get3A_561] : memref<1x100000xf32, #tpu.memory_space<vmem>>[vector<16xi32>, vector<16xi32>], vector<16xf32>,
          %gather3A_614 = tpu.vector_load_idx %arg7[%broadcast_in_dim3A_1, %get3A_565] : memref<1x100000xf32, #tpu.memory_space<vmem>>[vector<16xi32>, vector<16xi32>], vector<16xf32>,
          %gather3A_615 = tpu.vector_load_idx %arg7[%broadcast_in_dim3A_1, %get3A_569] : memref<1x100000xf32, #tpu.memory_space<vmem>>[vector<16xi32>, vector<16xi32>], vector<16xf32>,
          %gather3A_616 = tpu.vector_load_idx %arg7[%broadcast_in_dim3A_1, %get3A_573] : memref<1x100000xf32, #tpu.memory_space<vmem>>[vector<16xi32>, vector<16xi32>], vector<16xf32>,
          %gather3A_617 = tpu.vector_load_idx %arg7[%broadcast_in_dim3A_1, %get3A_577] : memref<1x100000xf32, #tpu.memory_space<vmem>>[vector<16xi32>, vector<16xi32>], vector<16xf32>,
          %gather3A_618 = tpu.vector_load_idx %arg7[%broadcast_in_dim3A_1, %get3A_581] : memref<1x100000xf32, #tpu.memory_space<vmem>>[vector<16xi32>, vector<16xi32>], vector<16xf32>,
          %gather3A_619 = tpu.vector_load_idx %arg7[%broadcast_in_dim3A_1, %get3A_585] : memref<1x100000xf32, #tpu.memory_space<vmem>>[vector<16xi32>, vector<16xi32>], vector<16xf32>,
          %gather3A_620 = tpu.vector_load_idx %arg7[%broadcast_in_dim3A_1, %get3A_589] : memref<1x100000xf32, #tpu.memory_space<vmem>>[vector<16xi32>, vector<16xi32>], vector<16xf32>,
          %gather3A_621 = tpu.vector_load_idx %arg7[%broadcast_in_dim3A_1, %get3A_593] : memref<1x100000xf32, #tpu.memory_space<vmem>>[vector<16xi32>, vector<16xi32>], vector<16xf32>,
          %gather3A_622 = tpu.vector_load_idx %arg7[%broadcast_in_dim3A_1, %get3A_597] : memref<1x100000xf32, #tpu.memory_space<vmem>>[vector<16xi32>, vector<16xi32>], vector<16xf32>,
          %gather3A_623 = tpu.vector_load_idx %arg7[%broadcast_in_dim3A_1, %get3A_601] : memref<1x100000xf32, #tpu.memory_space<vmem>>[vector<16xi32>, vector<16xi32>], vector<16xf32>,
          %gather3A_624 = tpu.vector_load_idx %arg7[%broadcast_in_dim3A_1, %get3A_605] : memref<1x100000xf32, #tpu.memory_space<vmem>>[vector<16xi32>, vector<16xi32>], vector<16xf32>,
          %gather3A_625 = tpu.vector_load_idx %arg7[%broadcast_in_dim3A_1, %get3A_609] : memref<1x100000xf32, #tpu.memory_space<vmem>>[vector<16xi32>, vector<16xi32>], vector<16xf32>,
          %mul3A_626 = arith.constant 16 : i32
          %mul3A_627 = arith.muli %add3A_538, %mul3A_626 : i32
          %add3A_628 = arith.constant 0 : i32
          %add3A_629 = arith.addi %mul3A_627, %add3A_628 : i32
          %jit3A_630 = arith.constant 8 : i32
          %div3A_631 = arith.divsi %add3A_629, %jit3A_630 : i32
          %sign3A_632 = arith.constant 0 : i32
          %sign3A_633 = arith.cmpi sgt, %add3A_629, %sign3A_632 : i32
          %sign3A_634 = arith.extui %sign3A_633 : i1 to i32
          %sign3A_635 = arith.constant 0 : i32
          %sign3A_636 = arith.cmpi slt, %add3A_629, %sign3A_635 : i32
          %sign3A_637 = arith.extui %sign3A_636 : i1 to i32
          %sign3A_638 = arith.subi %sign3A_634, %sign3A_637 : i32
          %sign3A_639 = arith.constant 0 : i32
          %sign3A_640 = arith.cmpi sgt, %jit3A_630, %sign3A_639 : i32
          %sign3A_641 = arith.extui %sign3A_640 : i1 to i32
          %sign3A_642 = arith.constant 0 : i32
          %sign3A_643 = arith.cmpi slt, %jit3A_630, %sign3A_642 : i32
          %sign3A_644 = arith.extui %sign3A_643 : i1 to i32
          %sign3A_645 = arith.subi %sign3A_641, %sign3A_644 : i32
          %ne3A_646 = arith.cmpi ne, %sign3A_638, %sign3A_645 : i32
          %rem3A_647 = arith.remsi %add3A_629, %jit3A_630 : i32
          %ne3A_648 = arith.constant 0 : i32
          %ne3A_649 = arith.cmpi ne, %rem3A_647, %ne3A_648 : i32
          %and3A_650 = arith.andi %ne3A_646, %ne3A_649 : i1
          %sub3A_651 = arith.constant 1 : i32
          %sub3A_652 = arith.subi %div3A_631, %sub3A_651 : i32
          %select_n3A_653 = arith.select %and3A_650, %sub3A_652, %div3A_631 : i32
          %add3A_654 = arith.addf %gather3A_610, %gather3A_528 : vector<16xf32>
          %swap3A_655 = arith.constant 0 : i32
          %swap3A_656 = arith.constant 0 : i32
          %swap3A_657 = arith.index_cast %add3A_524 : i32 to index
          %swap3A_658 = arith.index_cast %swap3A_655 : i32 to index
          %swap3A_659 = arith.index_cast %select_n3A_653 : i32 to index
          %swap3A_660 = arith.index_cast %swap3A_656 : i32 to index
          %swap3A_661 = arith.constant 0 : index
          %swap3A_662 = tpu.vector_load %arg10[%swap3A_657, %swap3A_658, %swap3A_659, %swap3A_660, %swap3A_661] {strides = array<i32>} : memref<4x1x8x1x128xf32, #tpu.memory_space<vmem>>, vector<16xf32>,
          tpu.vector_store %arg10[%swap3A_657, %swap3A_658, %swap3A_659, %swap3A_660, %swap3A_661], %add3A_654 {strides = array<i32>} : memref<4x1x8x1x128xf32, #tpu.memory_space<vmem>>, vector<16xf32>,
          %mul3A_663 = arith.constant 16 : i32
          %mul3A_664 = arith.muli %add3A_538, %mul3A_663 : i32
          %add3A_665 = arith.constant 1 : i32
          %add3A_666 = arith.addi %mul3A_664, %add3A_665 : i32
          %jit3A_667 = arith.constant 8 : i32
          %div3A_668 = arith.divsi %add3A_666, %jit3A_667 : i32
          %sign3A_669 = arith.constant 0 : i32
          %sign3A_670 = arith.cmpi sgt, %add3A_666, %sign3A_669 : i32
          %sign3A_671 = arith.extui %sign3A_670 : i1 to i32
          %sign3A_672 = arith.constant 0 : i32
          %sign3A_673 = arith.cmpi slt, %add3A_666, %sign3A_672 : i32
          %sign3A_674 = arith.extui %sign3A_673 : i1 to i32
          %sign3A_675 = arith.subi %sign3A_671, %sign3A_674 : i32
          %sign3A_676 = arith.constant 0 : i32
          %sign3A_677 = arith.cmpi sgt, %jit3A_667, %sign3A_676 : i32
          %sign3A_678 = arith.extui %sign3A_677 : i1 to i32
          %sign3A_679 = arith.constant 0 : i32
          %sign3A_680 = arith.cmpi slt, %jit3A_667, %sign3A_679 : i32
          %sign3A_681 = arith.extui %sign3A_680 : i1 to i32
          %sign3A_682 = arith.subi %sign3A_678, %sign3A_681 : i32
          %ne3A_683 = arith.cmpi ne, %sign3A_675, %sign3A_682 : i32
          %rem3A_684 = arith.remsi %add3A_666, %jit3A_667 : i32
          %ne3A_685 = arith.constant 0 : i32
          %ne3A_686 = arith.cmpi ne, %rem3A_684, %ne3A_685 : i32
          %and3A_687 = arith.andi %ne3A_683, %ne3A_686 : i1
          %sub3A_688 = arith.constant 1 : i32
          %sub3A_689 = arith.subi %div3A_668, %sub3A_688 : i32
          %select_n3A_690 = arith.select %and3A_687, %sub3A_689, %div3A_668 : i32
          %add3A_691 = arith.addf %gather3A_611, %gather3A_528 : vector<16xf32>
          %swap3A_692 = arith.constant 0 : i32
          %swap3A_693 = arith.constant 0 : i32
          %swap3A_694 = arith.index_cast %add3A_524 : i32 to index
          %swap3A_695 = arith.index_cast %swap3A_692 : i32 to index
          %swap3A_696 = arith.index_cast %select_n3A_690 : i32 to index
          %swap3A_697 = arith.index_cast %swap3A_693 : i32 to index
          %swap3A_698 = arith.constant 16 : index
          %swap3A_699 = tpu.vector_load %arg10[%swap3A_694, %swap3A_695, %swap3A_696, %swap3A_697, %swap3A_698] {strides = array<i32>} : memref<4x1x8x1x128xf32, #tpu.memory_space<vmem>>, vector<16xf32>,
          tpu.vector_store %arg10[%swap3A_694, %swap3A_695, %swap3A_696, %swap3A_697, %swap3A_698], %add3A_691 {strides = array<i32>} : memref<4x1x8x1x128xf32, #tpu.memory_space<vmem>>, vector<16xf32>,
          %mul3A_700 = arith.constant 16 : i32
          %mul3A_701 = arith.muli %add3A_538, %mul3A_700 : i32
          %add3A_702 = arith.constant 2 : i32
          %add3A_703 = arith.addi %mul3A_701, %add3A_702 : i32
          %jit3A_704 = arith.constant 8 : i32
          %div3A_705 = arith.divsi %add3A_703, %jit3A_704 : i32
          %sign3A_706 = arith.constant 0 : i32
          %sign3A_707 = arith.cmpi sgt, %add3A_703, %sign3A_706 : i32
          %sign3A_708 = arith.extui %sign3A_707 : i1 to i32
          %sign3A_709 = arith.constant 0 : i32
          %sign3A_710 = arith.cmpi slt, %add3A_703, %sign3A_709 : i32
          %sign3A_711 = arith.extui %sign3A_710 : i1 to i32
          %sign3A_712 = arith.subi %sign3A_708, %sign3A_711 : i32
          %sign3A_713 = arith.constant 0 : i32
          %sign3A_714 = arith.cmpi sgt, %jit3A_704, %sign3A_713 : i32
          %sign3A_715 = arith.extui %sign3A_714 : i1 to i32
          %sign3A_716 = arith.constant 0 : i32
          %sign3A_717 = arith.cmpi slt, %jit3A_704, %sign3A_716 : i32
          %sign3A_718 = arith.extui %sign3A_717 : i1 to i32
          %sign3A_719 = arith.subi %sign3A_715, %sign3A_718 : i32
          %ne3A_720 = arith.cmpi ne, %sign3A_712, %sign3A_719 : i32
          %rem3A_721 = arith.remsi %add3A_703, %jit3A_704 : i32
          %ne3A_722 = arith.constant 0 : i32
          %ne3A_723 = arith.cmpi ne, %rem3A_721, %ne3A_722 : i32
          %and3A_724 = arith.andi %ne3A_720, %ne3A_723 : i1
          %sub3A_725 = arith.constant 1 : i32
          %sub3A_726 = arith.subi %div3A_705, %sub3A_725 : i32
          %select_n3A_727 = arith.select %and3A_724, %sub3A_726, %div3A_705 : i32
          %add3A_728 = arith.addf %gather3A_612, %gather3A_528 : vector<16xf32>
          %swap3A_729 = arith.constant 0 : i32
          %swap3A_730 = arith.constant 0 : i32
          %swap3A_731 = arith.index_cast %add3A_524 : i32 to index
          %swap3A_732 = arith.index_cast %swap3A_729 : i32 to index
          %swap3A_733 = arith.index_cast %select_n3A_727 : i32 to index
          %swap3A_734 = arith.index_cast %swap3A_730 : i32 to index
          %swap3A_735 = arith.constant 32 : index
          %swap3A_736 = tpu.vector_load %arg10[%swap3A_731, %swap3A_732, %swap3A_733, %swap3A_734, %swap3A_735] {strides = array<i32>} : memref<4x1x8x1x128xf32, #tpu.memory_space<vmem>>, vector<16xf32>,
          tpu.vector_store %arg10[%swap3A_731, %swap3A_732, %swap3A_733, %swap3A_734, %swap3A_735], %add3A_728 {strides = array<i32>} : memref<4x1x8x1x128xf32, #tpu.memory_space<vmem>>, vector<16xf32>,
          %mul3A_737 = arith.constant 16 : i32
          %mul3A_738 = arith.muli %add3A_538, %mul3A_737 : i32
          %add3A_739 = arith.constant 3 : i32
          %add3A_740 = arith.addi %mul3A_738, %add3A_739 : i32
          %jit3A_741 = arith.constant 8 : i32
          %div3A_742 = arith.divsi %add3A_740, %jit3A_741 : i32
          %sign3A_743 = arith.constant 0 : i32
          %sign3A_744 = arith.cmpi sgt, %add3A_740, %sign3A_743 : i32
          %sign3A_745 = arith.extui %sign3A_744 : i1 to i32
          %sign3A_746 = arith.constant 0 : i32
          %sign3A_747 = arith.cmpi slt, %add3A_740, %sign3A_746 : i32
          %sign3A_748 = arith.extui %sign3A_747 : i1 to i32
          %sign3A_749 = arith.subi %sign3A_745, %sign3A_748 : i32
          %sign3A_750 = arith.constant 0 : i32
          %sign3A_751 = arith.cmpi sgt, %jit3A_741, %sign3A_750 : i32
          %sign3A_752 = arith.extui %sign3A_751 : i1 to i32
          %sign3A_753 = arith.constant 0 : i32
          %sign3A_754 = arith.cmpi slt, %jit3A_741, %sign3A_753 : i32
          %sign3A_755 = arith.extui %sign3A_754 : i1 to i32
          %sign3A_756 = arith.subi %sign3A_752, %sign3A_755 : i32
          %ne3A_757 = arith.cmpi ne, %sign3A_749, %sign3A_756 : i32
          %rem3A_758 = arith.remsi %add3A_740, %jit3A_741 : i32
          %ne3A_759 = arith.constant 0 : i32
          %ne3A_760 = arith.cmpi ne, %rem3A_758, %ne3A_759 : i32
          %and3A_761 = arith.andi %ne3A_757, %ne3A_760 : i1
          %sub3A_762 = arith.constant 1 : i32
          %sub3A_763 = arith.subi %div3A_742, %sub3A_762 : i32
          %select_n3A_764 = arith.select %and3A_761, %sub3A_763, %div3A_742 : i32
          %add3A_765 = arith.addf %gather3A_613, %gather3A_528 : vector<16xf32>
          %swap3A_766 = arith.constant 0 : i32
          %swap3A_767 = arith.constant 0 : i32
          %swap3A_768 = arith.index_cast %add3A_524 : i32 to index
          %swap3A_769 = arith.index_cast %swap3A_766 : i32 to index
          %swap3A_770 = arith.index_cast %select_n3A_764 : i32 to index
          %swap3A_771 = arith.index_cast %swap3A_767 : i32 to index
          %swap3A_772 = arith.constant 48 : index
          %swap3A_773 = tpu.vector_load %arg10[%swap3A_768, %swap3A_769, %swap3A_770, %swap3A_771, %swap3A_772] {strides = array<i32>} : memref<4x1x8x1x128xf32, #tpu.memory_space<vmem>>, vector<16xf32>,
          tpu.vector_store %arg10[%swap3A_768, %swap3A_769, %swap3A_770, %swap3A_771, %swap3A_772], %add3A_765 {strides = array<i32>} : memref<4x1x8x1x128xf32, #tpu.memory_space<vmem>>, vector<16xf32>,
          %mul3A_774 = arith.constant 16 : i32
          %mul3A_775 = arith.muli %add3A_538, %mul3A_774 : i32
          %add3A_776 = arith.constant 4 : i32
          %add3A_777 = arith.addi %mul3A_775, %add3A_776 : i32
          %jit3A_778 = arith.constant 8 : i32
          %div3A_779 = arith.divsi %add3A_777, %jit3A_778 : i32
          %sign3A_780 = arith.constant 0 : i32
          %sign3A_781 = arith.cmpi sgt, %add3A_777, %sign3A_780 : i32
          %sign3A_782 = arith.extui %sign3A_781 : i1 to i32
          %sign3A_783 = arith.constant 0 : i32
          %sign3A_784 = arith.cmpi slt, %add3A_777, %sign3A_783 : i32
          %sign3A_785 = arith.extui %sign3A_784 : i1 to i32
          %sign3A_786 = arith.subi %sign3A_782, %sign3A_785 : i32
          %sign3A_787 = arith.constant 0 : i32
          %sign3A_788 = arith.cmpi sgt, %jit3A_778, %sign3A_787 : i32
          %sign3A_789 = arith.extui %sign3A_788 : i1 to i32
          %sign3A_790 = arith.constant 0 : i32
          %sign3A_791 = arith.cmpi slt, %jit3A_778, %sign3A_790 : i32
          %sign3A_792 = arith.extui %sign3A_791 : i1 to i32
          %sign3A_793 = arith.subi %sign3A_789, %sign3A_792 : i32
          %ne3A_794 = arith.cmpi ne, %sign3A_786, %sign3A_793 : i32
          %rem3A_795 = arith.remsi %add3A_777, %jit3A_778 : i32
          %ne3A_796 = arith.constant 0 : i32
          %ne3A_797 = arith.cmpi ne, %rem3A_795, %ne3A_796 : i32
          %and3A_798 = arith.andi %ne3A_794, %ne3A_797 : i1
          %sub3A_799 = arith.constant 1 : i32
          %sub3A_800 = arith.subi %div3A_779, %sub3A_799 : i32
          %select_n3A_801 = arith.select %and3A_798, %sub3A_800, %div3A_779 : i32
          %add3A_802 = arith.addf %gather3A_614, %gather3A_528 : vector<16xf32>
          %swap3A_803 = arith.constant 0 : i32
          %swap3A_804 = arith.constant 0 : i32
          %swap3A_805 = arith.index_cast %add3A_524 : i32 to index
          %swap3A_806 = arith.index_cast %swap3A_803 : i32 to index
          %swap3A_807 = arith.index_cast %select_n3A_801 : i32 to index
          %swap3A_808 = arith.index_cast %swap3A_804 : i32 to index
          %swap3A_809 = arith.constant 64 : index
          %swap3A_810 = tpu.vector_load %arg10[%swap3A_805, %swap3A_806, %swap3A_807, %swap3A_808, %swap3A_809] {strides = array<i32>} : memref<4x1x8x1x128xf32, #tpu.memory_space<vmem>>, vector<16xf32>,
          tpu.vector_store %arg10[%swap3A_805, %swap3A_806, %swap3A_807, %swap3A_808, %swap3A_809], %add3A_802 {strides = array<i32>} : memref<4x1x8x1x128xf32, #tpu.memory_space<vmem>>, vector<16xf32>,
          %mul3A_811 = arith.constant 16 : i32
          %mul3A_812 = arith.muli %add3A_538, %mul3A_811 : i32
          %add3A_813 = arith.constant 5 : i32
          %add3A_814 = arith.addi %mul3A_812, %add3A_813 : i32
          %jit3A_815 = arith.constant 8 : i32
          %div3A_816 = arith.divsi %add3A_814, %jit3A_815 : i32
          %sign3A_817 = arith.constant 0 : i32
          %sign3A_818 = arith.cmpi sgt, %add3A_814, %sign3A_817 : i32
          %sign3A_819 = arith.extui %sign3A_818 : i1 to i32
          %sign3A_820 = arith.constant 0 : i32
          %sign3A_821 = arith.cmpi slt, %add3A_814, %sign3A_820 : i32
          %sign3A_822 = arith.extui %sign3A_821 : i1 to i32
          %sign3A_823 = arith.subi %sign3A_819, %sign3A_822 : i32
          %sign3A_824 = arith.constant 0 : i32
          %sign3A_825 = arith.cmpi sgt, %jit3A_815, %sign3A_824 : i32
          %sign3A_826 = arith.extui %sign3A_825 : i1 to i32
          %sign3A_827 = arith.constant 0 : i32
          %sign3A_828 = arith.cmpi slt, %jit3A_815, %sign3A_827 : i32
          %sign3A_829 = arith.extui %sign3A_828 : i1 to i32
          %sign3A_830 = arith.subi %sign3A_826, %sign3A_829 : i32
          %ne3A_831 = arith.cmpi ne, %sign3A_823, %sign3A_830 : i32
          %rem3A_832 = arith.remsi %add3A_814, %jit3A_815 : i32
          %ne3A_833 = arith.constant 0 : i32
          %ne3A_834 = arith.cmpi ne, %rem3A_832, %ne3A_833 : i32
          %and3A_835 = arith.andi %ne3A_831, %ne3A_834 : i1
          %sub3A_836 = arith.constant 1 : i32
          %sub3A_837 = arith.subi %div3A_816, %sub3A_836 : i32
          %select_n3A_838 = arith.select %and3A_835, %sub3A_837, %div3A_816 : i32
          %add3A_839 = arith.addf %gather3A_615, %gather3A_528 : vector<16xf32>
          %swap3A_840 = arith.constant 0 : i32
          %swap3A_841 = arith.constant 0 : i32
          %swap3A_842 = arith.index_cast %add3A_524 : i32 to index
          %swap3A_843 = arith.index_cast %swap3A_840 : i32 to index
          %swap3A_844 = arith.index_cast %select_n3A_838 : i32 to index
          %swap3A_845 = arith.index_cast %swap3A_841 : i32 to index
          %swap3A_846 = arith.constant 80 : index
          %swap3A_847 = tpu.vector_load %arg10[%swap3A_842, %swap3A_843, %swap3A_844, %swap3A_845, %swap3A_846] {strides = array<i32>} : memref<4x1x8x1x128xf32, #tpu.memory_space<vmem>>, vector<16xf32>,
          tpu.vector_store %arg10[%swap3A_842, %swap3A_843, %swap3A_844, %swap3A_845, %swap3A_846], %add3A_839 {strides = array<i32>} : memref<4x1x8x1x128xf32, #tpu.memory_space<vmem>>, vector<16xf32>,
          %mul3A_848 = arith.constant 16 : i32
          %mul3A_849 = arith.muli %add3A_538, %mul3A_848 : i32
          %add3A_850 = arith.constant 6 : i32
          %add3A_851 = arith.addi %mul3A_849, %add3A_850 : i32
          %jit3A_852 = arith.constant 8 : i32
          %div3A_853 = arith.divsi %add3A_851, %jit3A_852 : i32
          %sign3A_854 = arith.constant 0 : i32
          %sign3A_855 = arith.cmpi sgt, %add3A_851, %sign3A_854 : i32
          %sign3A_856 = arith.extui %sign3A_855 : i1 to i32
          %sign3A_857 = arith.constant 0 : i32
          %sign3A_858 = arith.cmpi slt, %add3A_851, %sign3A_857 : i32
          %sign3A_859 = arith.extui %sign3A_858 : i1 to i32
          %sign3A_860 = arith.subi %sign3A_856, %sign3A_859 : i32
          %sign3A_861 = arith.constant 0 : i32
          %sign3A_862 = arith.cmpi sgt, %jit3A_852, %sign3A_861 : i32
          %sign3A_863 = arith.extui %sign3A_862 : i1 to i32
          %sign3A_864 = arith.constant 0 : i32
          %sign3A_865 = arith.cmpi slt, %jit3A_852, %sign3A_864 : i32
          %sign3A_866 = arith.extui %sign3A_865 : i1 to i32
          %sign3A_867 = arith.subi %sign3A_863, %sign3A_866 : i32
          %ne3A_868 = arith.cmpi ne, %sign3A_860, %sign3A_867 : i32
          %rem3A_869 = arith.remsi %add3A_851, %jit3A_852 : i32
          %ne3A_870 = arith.constant 0 : i32
          %ne3A_871 = arith.cmpi ne, %rem3A_869, %ne3A_870 : i32
          %and3A_872 = arith.andi %ne3A_868, %ne3A_871 : i1
          %sub3A_873 = arith.constant 1 : i32
          %sub3A_874 = arith.subi %div3A_853, %sub3A_873 : i32
          %select_n3A_875 = arith.select %and3A_872, %sub3A_874, %div3A_853 : i32
          %add3A_876 = arith.addf %gather3A_616, %gather3A_528 : vector<16xf32>
          %swap3A_877 = arith.constant 0 : i32
          %swap3A_878 = arith.constant 0 : i32
          %swap3A_879 = arith.index_cast %add3A_524 : i32 to index
          %swap3A_880 = arith.index_cast %swap3A_877 : i32 to index
          %swap3A_881 = arith.index_cast %select_n3A_875 : i32 to index
          %swap3A_882 = arith.index_cast %swap3A_878 : i32 to index
          %swap3A_883 = arith.constant 96 : index
          %swap3A_884 = tpu.vector_load %arg10[%swap3A_879, %swap3A_880, %swap3A_881, %swap3A_882, %swap3A_883] {strides = array<i32>} : memref<4x1x8x1x128xf32, #tpu.memory_space<vmem>>, vector<16xf32>,
          tpu.vector_store %arg10[%swap3A_879, %swap3A_880, %swap3A_881, %swap3A_882, %swap3A_883], %add3A_876 {strides = array<i32>} : memref<4x1x8x1x128xf32, #tpu.memory_space<vmem>>, vector<16xf32>,
          %mul3A_885 = arith.constant 16 : i32
          %mul3A_886 = arith.muli %add3A_538, %mul3A_885 : i32
          %add3A_887 = arith.constant 7 : i32
          %add3A_888 = arith.addi %mul3A_886, %add3A_887 : i32
          %jit3A_889 = arith.constant 8 : i32
          %div3A_890 = arith.divsi %add3A_888, %jit3A_889 : i32
          %sign3A_891 = arith.constant 0 : i32
          %sign3A_892 = arith.cmpi sgt, %add3A_888, %sign3A_891 : i32
          %sign3A_893 = arith.extui %sign3A_892 : i1 to i32
          %sign3A_894 = arith.constant 0 : i32
          %sign3A_895 = arith.cmpi slt, %add3A_888, %sign3A_894 : i32
          %sign3A_896 = arith.extui %sign3A_895 : i1 to i32
          %sign3A_897 = arith.subi %sign3A_893, %sign3A_896 : i32
          %sign3A_898 = arith.constant 0 : i32
          %sign3A_899 = arith.cmpi sgt, %jit3A_889, %sign3A_898 : i32
          %sign3A_900 = arith.extui %sign3A_899 : i1 to i32
          %sign3A_901 = arith.constant 0 : i32
          %sign3A_902 = arith.cmpi slt, %jit3A_889, %sign3A_901 : i32
          %sign3A_903 = arith.extui %sign3A_902 : i1 to i32
          %sign3A_904 = arith.subi %sign3A_900, %sign3A_903 : i32
          %ne3A_905 = arith.cmpi ne, %sign3A_897, %sign3A_904 : i32
          %rem3A_906 = arith.remsi %add3A_888, %jit3A_889 : i32
          %ne3A_907 = arith.constant 0 : i32
          %ne3A_908 = arith.cmpi ne, %rem3A_906, %ne3A_907 : i32
          %and3A_909 = arith.andi %ne3A_905, %ne3A_908 : i1
          %sub3A_910 = arith.constant 1 : i32
          %sub3A_911 = arith.subi %div3A_890, %sub3A_910 : i32
          %select_n3A_912 = arith.select %and3A_909, %sub3A_911, %div3A_890 : i32
          %add3A_913 = arith.addf %gather3A_617, %gather3A_528 : vector<16xf32>
          %swap3A_914 = arith.constant 0 : i32
          %swap3A_915 = arith.constant 0 : i32
          %swap3A_916 = arith.index_cast %add3A_524 : i32 to index
          %swap3A_917 = arith.index_cast %swap3A_914 : i32 to index
          %swap3A_918 = arith.index_cast %select_n3A_912 : i32 to index
          %swap3A_919 = arith.index_cast %swap3A_915 : i32 to index
          %swap3A_920 = arith.constant 112 : index
          %swap3A_921 = tpu.vector_load %arg10[%swap3A_916, %swap3A_917, %swap3A_918, %swap3A_919, %swap3A_920] {strides = array<i32>} : memref<4x1x8x1x128xf32, #tpu.memory_space<vmem>>, vector<16xf32>,
          tpu.vector_store %arg10[%swap3A_916, %swap3A_917, %swap3A_918, %swap3A_919, %swap3A_920], %add3A_913 {strides = array<i32>} : memref<4x1x8x1x128xf32, #tpu.memory_space<vmem>>, vector<16xf32>,
          %mul3A_922 = arith.constant 16 : i32
          %mul3A_923 = arith.muli %add3A_538, %mul3A_922 : i32
          %add3A_924 = arith.constant 8 : i32
          %add3A_925 = arith.addi %mul3A_923, %add3A_924 : i32
          %jit3A_926 = arith.constant 8 : i32
          %div3A_927 = arith.divsi %add3A_925, %jit3A_926 : i32
          %sign3A_928 = arith.constant 0 : i32
          %sign3A_929 = arith.cmpi sgt, %add3A_925, %sign3A_928 : i32
          %sign3A_930 = arith.extui %sign3A_929 : i1 to i32
          %sign3A_931 = arith.constant 0 : i32
          %sign3A_932 = arith.cmpi slt, %add3A_925, %sign3A_931 : i32
          %sign3A_933 = arith.extui %sign3A_932 : i1 to i32
          %sign3A_934 = arith.subi %sign3A_930, %sign3A_933 : i32
          %sign3A_935 = arith.constant 0 : i32
          %sign3A_936 = arith.cmpi sgt, %jit3A_926, %sign3A_935 : i32
          %sign3A_937 = arith.extui %sign3A_936 : i1 to i32
          %sign3A_938 = arith.constant 0 : i32
          %sign3A_939 = arith.cmpi slt, %jit3A_926, %sign3A_938 : i32
          %sign3A_940 = arith.extui %sign3A_939 : i1 to i32
          %sign3A_941 = arith.subi %sign3A_937, %sign3A_940 : i32
          %ne3A_942 = arith.cmpi ne, %sign3A_934, %sign3A_941 : i32
          %rem3A_943 = arith.remsi %add3A_925, %jit3A_926 : i32
          %ne3A_944 = arith.constant 0 : i32
          %ne3A_945 = arith.cmpi ne, %rem3A_943, %ne3A_944 : i32
          %and3A_946 = arith.andi %ne3A_942, %ne3A_945 : i1
          %sub3A_947 = arith.constant 1 : i32
          %sub3A_948 = arith.subi %div3A_927, %sub3A_947 : i32
          %select_n3A_949 = arith.select %and3A_946, %sub3A_948, %div3A_927 : i32
          %add3A_950 = arith.addf %gather3A_618, %gather3A_528 : vector<16xf32>
          %swap3A_951 = arith.constant 0 : i32
          %swap3A_952 = arith.constant 0 : i32
          %swap3A_953 = arith.index_cast %add3A_524 : i32 to index
          %swap3A_954 = arith.index_cast %swap3A_951 : i32 to index
          %swap3A_955 = arith.index_cast %select_n3A_949 : i32 to index
          %swap3A_956 = arith.index_cast %swap3A_952 : i32 to index
          %swap3A_957 = arith.constant 0 : index
          %swap3A_958 = tpu.vector_load %arg10[%swap3A_953, %swap3A_954, %swap3A_955, %swap3A_956, %swap3A_957] {strides = array<i32>} : memref<4x1x8x1x128xf32, #tpu.memory_space<vmem>>, vector<16xf32>,
          tpu.vector_store %arg10[%swap3A_953, %swap3A_954, %swap3A_955, %swap3A_956, %swap3A_957], %add3A_950 {strides = array<i32>} : memref<4x1x8x1x128xf32, #tpu.memory_space<vmem>>, vector<16xf32>,
          %mul3A_959 = arith.constant 16 : i32
          %mul3A_960 = arith.muli %add3A_538, %mul3A_959 : i32
          %add3A_961 = arith.constant 9 : i32
          %add3A_962 = arith.addi %mul3A_960, %add3A_961 : i32
          %jit3A_963 = arith.constant 8 : i32
          %div3A_964 = arith.divsi %add3A_962, %jit3A_963 : i32
          %sign3A_965 = arith.constant 0 : i32
          %sign3A_966 = arith.cmpi sgt, %add3A_962, %sign3A_965 : i32
          %sign3A_967 = arith.extui %sign3A_966 : i1 to i32
          %sign3A_968 = arith.constant 0 : i32
          %sign3A_969 = arith.cmpi slt, %add3A_962, %sign3A_968 : i32
          %sign3A_970 = arith.extui %sign3A_969 : i1 to i32
          %sign3A_971 = arith.subi %sign3A_967, %sign3A_970 : i32
          %sign3A_972 = arith.constant 0 : i32
          %sign3A_973 = arith.cmpi sgt, %jit3A_963, %sign3A_972 : i32
          %sign3A_974 = arith.extui %sign3A_973 : i1 to i32
          %sign3A_975 = arith.constant 0 : i32
          %sign3A_976 = arith.cmpi slt, %jit3A_963, %sign3A_975 : i32
          %sign3A_977 = arith.extui %sign3A_976 : i1 to i32
          %sign3A_978 = arith.subi %sign3A_974, %sign3A_977 : i32
          %ne3A_979 = arith.cmpi ne, %sign3A_971, %sign3A_978 : i32
          %rem3A_980 = arith.remsi %add3A_962, %jit3A_963 : i32
          %ne3A_981 = arith.constant 0 : i32
          %ne3A_982 = arith.cmpi ne, %rem3A_980, %ne3A_981 : i32
          %and3A_983 = arith.andi %ne3A_979, %ne3A_982 : i1
          %sub3A_984 = arith.constant 1 : i32
          %sub3A_985 = arith.subi %div3A_964, %sub3A_984 : i32
          %select_n3A_986 = arith.select %and3A_983, %sub3A_985, %div3A_964 : i32
          %add3A_987 = arith.addf %gather3A_619, %gather3A_528 : vector<16xf32>
          %swap3A_988 = arith.constant 0 : i32
          %swap3A_989 = arith.constant 0 : i32
          %swap3A_990 = arith.index_cast %add3A_524 : i32 to index
          %swap3A_991 = arith.index_cast %swap3A_988 : i32 to index
          %swap3A_992 = arith.index_cast %select_n3A_986 : i32 to index
          %swap3A_993 = arith.index_cast %swap3A_989 : i32 to index
          %swap3A_994 = arith.constant 16 : index
          %swap3A_995 = tpu.vector_load %arg10[%swap3A_990, %swap3A_991, %swap3A_992, %swap3A_993, %swap3A_994] {strides = array<i32>} : memref<4x1x8x1x128xf32, #tpu.memory_space<vmem>>, vector<16xf32>,
          tpu.vector_store %arg10[%swap3A_990, %swap3A_991, %swap3A_992, %swap3A_993, %swap3A_994], %add3A_987 {strides = array<i32>} : memref<4x1x8x1x128xf32, #tpu.memory_space<vmem>>, vector<16xf32>,
          %mul3A_996 = arith.constant 16 : i32
          %mul3A_997 = arith.muli %add3A_538, %mul3A_996 : i32
          %add3A_998 = arith.constant 10 : i32
          %add3A_999 = arith.addi %mul3A_997, %add3A_998 : i32
          %jit3A_1000 = arith.constant 8 : i32
          %div3A_1001 = arith.divsi %add3A_999, %jit3A_1000 : i32
          %sign3A_1002 = arith.constant 0 : i32
          %sign3A_1003 = arith.cmpi sgt, %add3A_999, %sign3A_1002 : i32
          %sign3A_1004 = arith.extui %sign3A_1003 : i1 to i32
          %sign3A_1005 = arith.constant 0 : i32
          %sign3A_1006 = arith.cmpi slt, %add3A_999, %sign3A_1005 : i32
          %sign3A_1007 = arith.extui %sign3A_1006 : i1 to i32
          %sign3A_1008 = arith.subi %sign3A_1004, %sign3A_1007 : i32
          %sign3A_1009 = arith.constant 0 : i32
          %sign3A_1010 = arith.cmpi sgt, %jit3A_1000, %sign3A_1009 : i32
          %sign3A_1011 = arith.extui %sign3A_1010 : i1 to i32
          %sign3A_1012 = arith.constant 0 : i32
          %sign3A_1013 = arith.cmpi slt, %jit3A_1000, %sign3A_1012 : i32
          %sign3A_1014 = arith.extui %sign3A_1013 : i1 to i32
          %sign3A_1015 = arith.subi %sign3A_1011, %sign3A_1014 : i32
          %ne3A_1016 = arith.cmpi ne, %sign3A_1008, %sign3A_1015 : i32
          %rem3A_1017 = arith.remsi %add3A_999, %jit3A_1000 : i32
          %ne3A_1018 = arith.constant 0 : i32
          %ne3A_1019 = arith.cmpi ne, %rem3A_1017, %ne3A_1018 : i32
          %and3A_1020 = arith.andi %ne3A_1016, %ne3A_1019 : i1
          %sub3A_1021 = arith.constant 1 : i32
          %sub3A_1022 = arith.subi %div3A_1001, %sub3A_1021 : i32
          %select_n3A_1023 = arith.select %and3A_1020, %sub3A_1022, %div3A_1001 : i32
          %add3A_1024 = arith.addf %gather3A_620, %gather3A_528 : vector<16xf32>
          %swap3A_1025 = arith.constant 0 : i32
          %swap3A_1026 = arith.constant 0 : i32
          %swap3A_1027 = arith.index_cast %add3A_524 : i32 to index
          %swap3A_1028 = arith.index_cast %swap3A_1025 : i32 to index
          %swap3A_1029 = arith.index_cast %select_n3A_1023 : i32 to index
          %swap3A_1030 = arith.index_cast %swap3A_1026 : i32 to index
          %swap3A_1031 = arith.constant 32 : index
          %swap3A_1032 = tpu.vector_load %arg10[%swap3A_1027, %swap3A_1028, %swap3A_1029, %swap3A_1030, %swap3A_1031] {strides = array<i32>} : memref<4x1x8x1x128xf32, #tpu.memory_space<vmem>>, vector<16xf32>,
          tpu.vector_store %arg10[%swap3A_1027, %swap3A_1028, %swap3A_1029, %swap3A_1030, %swap3A_1031], %add3A_1024 {strides = array<i32>} : memref<4x1x8x1x128xf32, #tpu.memory_space<vmem>>, vector<16xf32>,
          %mul3A_1033 = arith.constant 16 : i32
          %mul3A_1034 = arith.muli %add3A_538, %mul3A_1033 : i32
          %add3A_1035 = arith.constant 11 : i32
          %add3A_1036 = arith.addi %mul3A_1034, %add3A_1035 : i32
          %jit3A_1037 = arith.constant 8 : i32
          %div3A_1038 = arith.divsi %add3A_1036, %jit3A_1037 : i32
          %sign3A_1039 = arith.constant 0 : i32
          %sign3A_1040 = arith.cmpi sgt, %add3A_1036, %sign3A_1039 : i32
          %sign3A_1041 = arith.extui %sign3A_1040 : i1 to i32
          %sign3A_1042 = arith.constant 0 : i32
          %sign3A_1043 = arith.cmpi slt, %add3A_1036, %sign3A_1042 : i32
          %sign3A_1044 = arith.extui %sign3A_1043 : i1 to i32
          %sign3A_1045 = arith.subi %sign3A_1041, %sign3A_1044 : i32
          %sign3A_1046 = arith.constant 0 : i32
          %sign3A_1047 = arith.cmpi sgt, %jit3A_1037, %sign3A_1046 : i32
          %sign3A_1048 = arith.extui %sign3A_1047 : i1 to i32
          %sign3A_1049 = arith.constant 0 : i32
          %sign3A_1050 = arith.cmpi slt, %jit3A_1037, %sign3A_1049 : i32
          %sign3A_1051 = arith.extui %sign3A_1050 : i1 to i32
          %sign3A_1052 = arith.subi %sign3A_1048, %sign3A_1051 : i32
          %ne3A_1053 = arith.cmpi ne, %sign3A_1045, %sign3A_1052 : i32
          %rem3A_1054 = arith.remsi %add3A_1036, %jit3A_1037 : i32
          %ne3A_1055 = arith.constant 0 : i32
          %ne3A_1056 = arith.cmpi ne, %rem3A_1054, %ne3A_1055 : i32
          %and3A_1057 = arith.andi %ne3A_1053, %ne3A_1056 : i1
          %sub3A_1058 = arith.constant 1 : i32
          %sub3A_1059 = arith.subi %div3A_1038, %sub3A_1058 : i32
          %select_n3A_1060 = arith.select %and3A_1057, %sub3A_1059, %div3A_1038 : i32
          %add3A_1061 = arith.addf %gather3A_621, %gather3A_528 : vector<16xf32>
          %swap3A_1062 = arith.constant 0 : i32
          %swap3A_1063 = arith.constant 0 : i32
          %swap3A_1064 = arith.index_cast %add3A_524 : i32 to index
          %swap3A_1065 = arith.index_cast %swap3A_1062 : i32 to index
          %swap3A_1066 = arith.index_cast %select_n3A_1060 : i32 to index
          %swap3A_1067 = arith.index_cast %swap3A_1063 : i32 to index
          %swap3A_1068 = arith.constant 48 : index
          %swap3A_1069 = tpu.vector_load %arg10[%swap3A_1064, %swap3A_1065, %swap3A_1066, %swap3A_1067, %swap3A_1068] {strides = array<i32>} : memref<4x1x8x1x128xf32, #tpu.memory_space<vmem>>, vector<16xf32>,
          tpu.vector_store %arg10[%swap3A_1064, %swap3A_1065, %swap3A_1066, %swap3A_1067, %swap3A_1068], %add3A_1061 {strides = array<i32>} : memref<4x1x8x1x128xf32, #tpu.memory_space<vmem>>, vector<16xf32>,
          %mul3A_1070 = arith.constant 16 : i32
          %mul3A_1071 = arith.muli %add3A_538, %mul3A_1070 : i32
          %add3A_1072 = arith.constant 12 : i32
          %add3A_1073 = arith.addi %mul3A_1071, %add3A_1072 : i32
          %jit3A_1074 = arith.constant 8 : i32
          %div3A_1075 = arith.divsi %add3A_1073, %jit3A_1074 : i32
          %sign3A_1076 = arith.constant 0 : i32
          %sign3A_1077 = arith.cmpi sgt, %add3A_1073, %sign3A_1076 : i32
          %sign3A_1078 = arith.extui %sign3A_1077 : i1 to i32
          %sign3A_1079 = arith.constant 0 : i32
          %sign3A_1080 = arith.cmpi slt, %add3A_1073, %sign3A_1079 : i32
          %sign3A_1081 = arith.extui %sign3A_1080 : i1 to i32
          %sign3A_1082 = arith.subi %sign3A_1078, %sign3A_1081 : i32
          %sign3A_1083 = arith.constant 0 : i32
          %sign3A_1084 = arith.cmpi sgt, %jit3A_1074, %sign3A_1083 : i32
          %sign3A_1085 = arith.extui %sign3A_1084 : i1 to i32
          %sign3A_1086 = arith.constant 0 : i32
          %sign3A_1087 = arith.cmpi slt, %jit3A_1074, %sign3A_1086 : i32
          %sign3A_1088 = arith.extui %sign3A_1087 : i1 to i32
          %sign3A_1089 = arith.subi %sign3A_1085, %sign3A_1088 : i32
          %ne3A_1090 = arith.cmpi ne, %sign3A_1082, %sign3A_1089 : i32
          %rem3A_1091 = arith.remsi %add3A_1073, %jit3A_1074 : i32
          %ne3A_1092 = arith.constant 0 : i32
          %ne3A_1093 = arith.cmpi ne, %rem3A_1091, %ne3A_1092 : i32
          %and3A_1094 = arith.andi %ne3A_1090, %ne3A_1093 : i1
          %sub3A_1095 = arith.constant 1 : i32
          %sub3A_1096 = arith.subi %div3A_1075, %sub3A_1095 : i32
          %select_n3A_1097 = arith.select %and3A_1094, %sub3A_1096, %div3A_1075 : i32
          %add3A_1098 = arith.addf %gather3A_622, %gather3A_528 : vector<16xf32>
          %swap3A_1099 = arith.constant 0 : i32
          %swap3A_1100 = arith.constant 0 : i32
          %swap3A_1101 = arith.index_cast %add3A_524 : i32 to index
          %swap3A_1102 = arith.index_cast %swap3A_1099 : i32 to index
          %swap3A_1103 = arith.index_cast %select_n3A_1097 : i32 to index
          %swap3A_1104 = arith.index_cast %swap3A_1100 : i32 to index
          %swap3A_1105 = arith.constant 64 : index
          %swap3A_1106 = tpu.vector_load %arg10[%swap3A_1101, %swap3A_1102, %swap3A_1103, %swap3A_1104, %swap3A_1105] {strides = array<i32>} : memref<4x1x8x1x128xf32, #tpu.memory_space<vmem>>, vector<16xf32>,
          tpu.vector_store %arg10[%swap3A_1101, %swap3A_1102, %swap3A_1103, %swap3A_1104, %swap3A_1105], %add3A_1098 {strides = array<i32>} : memref<4x1x8x1x128xf32, #tpu.memory_space<vmem>>, vector<16xf32>,
          %mul3A_1107 = arith.constant 16 : i32
          %mul3A_1108 = arith.muli %add3A_538, %mul3A_1107 : i32
          %add3A_1109 = arith.constant 13 : i32
          %add3A_1110 = arith.addi %mul3A_1108, %add3A_1109 : i32
          %jit3A_1111 = arith.constant 8 : i32
          %div3A_1112 = arith.divsi %add3A_1110, %jit3A_1111 : i32
          %sign3A_1113 = arith.constant 0 : i32
          %sign3A_1114 = arith.cmpi sgt, %add3A_1110, %sign3A_1113 : i32
          %sign3A_1115 = arith.extui %sign3A_1114 : i1 to i32
          %sign3A_1116 = arith.constant 0 : i32
          %sign3A_1117 = arith.cmpi slt, %add3A_1110, %sign3A_1116 : i32
          %sign3A_1118 = arith.extui %sign3A_1117 : i1 to i32
          %sign3A_1119 = arith.subi %sign3A_1115, %sign3A_1118 : i32
          %sign3A_1120 = arith.constant 0 : i32
          %sign3A_1121 = arith.cmpi sgt, %jit3A_1111, %sign3A_1120 : i32
          %sign3A_1122 = arith.extui %sign3A_1121 : i1 to i32
          %sign3A_1123 = arith.constant 0 : i32
          %sign3A_1124 = arith.cmpi slt, %jit3A_1111, %sign3A_1123 : i32
          %sign3A_1125 = arith.extui %sign3A_1124 : i1 to i32
          %sign3A_1126 = arith.subi %sign3A_1122, %sign3A_1125 : i32
          %ne3A_1127 = arith.cmpi ne, %sign3A_1119, %sign3A_1126 : i32
          %rem3A_1128 = arith.remsi %add3A_1110, %jit3A_1111 : i32
          %ne3A_1129 = arith.constant 0 : i32
          %ne3A_1130 = arith.cmpi ne, %rem3A_1128, %ne3A_1129 : i32
          %and3A_1131 = arith.andi %ne3A_1127, %ne3A_1130 : i1
          %sub3A_1132 = arith.constant 1 : i32
          %sub3A_1133 = arith.subi %div3A_1112, %sub3A_1132 : i32
          %select_n3A_1134 = arith.select %and3A_1131, %sub3A_1133, %div3A_1112 : i32
          %add3A_1135 = arith.addf %gather3A_623, %gather3A_528 : vector<16xf32>
          %swap3A_1136 = arith.constant 0 : i32
          %swap3A_1137 = arith.constant 0 : i32
          %swap3A_1138 = arith.index_cast %add3A_524 : i32 to index
          %swap3A_1139 = arith.index_cast %swap3A_1136 : i32 to index
          %swap3A_1140 = arith.index_cast %select_n3A_1134 : i32 to index
          %swap3A_1141 = arith.index_cast %swap3A_1137 : i32 to index
          %swap3A_1142 = arith.constant 80 : index
          %swap3A_1143 = tpu.vector_load %arg10[%swap3A_1138, %swap3A_1139, %swap3A_1140, %swap3A_1141, %swap3A_1142] {strides = array<i32>} : memref<4x1x8x1x128xf32, #tpu.memory_space<vmem>>, vector<16xf32>,
          tpu.vector_store %arg10[%swap3A_1138, %swap3A_1139, %swap3A_1140, %swap3A_1141, %swap3A_1142], %add3A_1135 {strides = array<i32>} : memref<4x1x8x1x128xf32, #tpu.memory_space<vmem>>, vector<16xf32>,
          %mul3A_1144 = arith.constant 16 : i32
          %mul3A_1145 = arith.muli %add3A_538, %mul3A_1144 : i32
          %add3A_1146 = arith.constant 14 : i32
          %add3A_1147 = arith.addi %mul3A_1145, %add3A_1146 : i32
          %jit3A_1148 = arith.constant 8 : i32
          %div3A_1149 = arith.divsi %add3A_1147, %jit3A_1148 : i32
          %sign3A_1150 = arith.constant 0 : i32
          %sign3A_1151 = arith.cmpi sgt, %add3A_1147, %sign3A_1150 : i32
          %sign3A_1152 = arith.extui %sign3A_1151 : i1 to i32
          %sign3A_1153 = arith.constant 0 : i32
          %sign3A_1154 = arith.cmpi slt, %add3A_1147, %sign3A_1153 : i32
          %sign3A_1155 = arith.extui %sign3A_1154 : i1 to i32
          %sign3A_1156 = arith.subi %sign3A_1152, %sign3A_1155 : i32
          %sign3A_1157 = arith.constant 0 : i32
          %sign3A_1158 = arith.cmpi sgt, %jit3A_1148, %sign3A_1157 : i32
          %sign3A_1159 = arith.extui %sign3A_1158 : i1 to i32
          %sign3A_1160 = arith.constant 0 : i32
          %sign3A_1161 = arith.cmpi slt, %jit3A_1148, %sign3A_1160 : i32
          %sign3A_1162 = arith.extui %sign3A_1161 : i1 to i32
          %sign3A_1163 = arith.subi %sign3A_1159, %sign3A_1162 : i32
          %ne3A_1164 = arith.cmpi ne, %sign3A_1156, %sign3A_1163 : i32
          %rem3A_1165 = arith.remsi %add3A_1147, %jit3A_1148 : i32
          %ne3A_1166 = arith.constant 0 : i32
          %ne3A_1167 = arith.cmpi ne, %rem3A_1165, %ne3A_1166 : i32
          %and3A_1168 = arith.andi %ne3A_1164, %ne3A_1167 : i1
          %sub3A_1169 = arith.constant 1 : i32
          %sub3A_1170 = arith.subi %div3A_1149, %sub3A_1169 : i32
          %select_n3A_1171 = arith.select %and3A_1168, %sub3A_1170, %div3A_1149 : i32
          %add3A_1172 = arith.addf %gather3A_624, %gather3A_528 : vector<16xf32>
          %swap3A_1173 = arith.constant 0 : i32
          %swap3A_1174 = arith.constant 0 : i32
          %swap3A_1175 = arith.index_cast %add3A_524 : i32 to index
          %swap3A_1176 = arith.index_cast %swap3A_1173 : i32 to index
          %swap3A_1177 = arith.index_cast %select_n3A_1171 : i32 to index
          %swap3A_1178 = arith.index_cast %swap3A_1174 : i32 to index
          %swap3A_1179 = arith.constant 96 : index
          %swap3A_1180 = tpu.vector_load %arg10[%swap3A_1175, %swap3A_1176, %swap3A_1177, %swap3A_1178, %swap3A_1179] {strides = array<i32>} : memref<4x1x8x1x128xf32, #tpu.memory_space<vmem>>, vector<16xf32>,
          tpu.vector_store %arg10[%swap3A_1175, %swap3A_1176, %swap3A_1177, %swap3A_1178, %swap3A_1179], %add3A_1172 {strides = array<i32>} : memref<4x1x8x1x128xf32, #tpu.memory_space<vmem>>, vector<16xf32>,
          %mul3A_1181 = arith.constant 16 : i32
          %mul3A_1182 = arith.muli %add3A_538, %mul3A_1181 : i32
          %add3A_1183 = arith.constant 15 : i32
          %add3A_1184 = arith.addi %mul3A_1182, %add3A_1183 : i32
          %jit3A_1185 = arith.constant 8 : i32
          %div3A_1186 = arith.divsi %add3A_1184, %jit3A_1185 : i32
          %sign3A_1187 = arith.constant 0 : i32
          %sign3A_1188 = arith.cmpi sgt, %add3A_1184, %sign3A_1187 : i32
          %sign3A_1189 = arith.extui %sign3A_1188 : i1 to i32
          %sign3A_1190 = arith.constant 0 : i32
          %sign3A_1191 = arith.cmpi slt, %add3A_1184, %sign3A_1190 : i32
          %sign3A_1192 = arith.extui %sign3A_1191 : i1 to i32
          %sign3A_1193 = arith.subi %sign3A_1189, %sign3A_1192 : i32
          %sign3A_1194 = arith.constant 0 : i32
          %sign3A_1195 = arith.cmpi sgt, %jit3A_1185, %sign3A_1194 : i32
          %sign3A_1196 = arith.extui %sign3A_1195 : i1 to i32
          %sign3A_1197 = arith.constant 0 : i32
          %sign3A_1198 = arith.cmpi slt, %jit3A_1185, %sign3A_1197 : i32
          %sign3A_1199 = arith.extui %sign3A_1198 : i1 to i32
          %sign3A_1200 = arith.subi %sign3A_1196, %sign3A_1199 : i32
          %ne3A_1201 = arith.cmpi ne, %sign3A_1193, %sign3A_1200 : i32
          %rem3A_1202 = arith.remsi %add3A_1184, %jit3A_1185 : i32
          %ne3A_1203 = arith.constant 0 : i32
          %ne3A_1204 = arith.cmpi ne, %rem3A_1202, %ne3A_1203 : i32
          %and3A_1205 = arith.andi %ne3A_1201, %ne3A_1204 : i1
          %sub3A_1206 = arith.constant 1 : i32
          %sub3A_1207 = arith.subi %div3A_1186, %sub3A_1206 : i32
          %select_n3A_1208 = arith.select %and3A_1205, %sub3A_1207, %div3A_1186 : i32
          %add3A_1209 = arith.addf %gather3A_625, %gather3A_528 : vector<16xf32>
          %swap3A_1210 = arith.constant 0 : i32
          %swap3A_1211 = arith.constant 0 : i32
          %swap3A_1212 = arith.index_cast %add3A_524 : i32 to index
          %swap3A_1213 = arith.index_cast %swap3A_1210 : i32 to index
          %swap3A_1214 = arith.index_cast %select_n3A_1208 : i32 to index
          %swap3A_1215 = arith.index_cast %swap3A_1211 : i32 to index
          %swap3A_1216 = arith.constant 112 : index
          %swap3A_1217 = tpu.vector_load %arg10[%swap3A_1212, %swap3A_1213, %swap3A_1214, %swap3A_1215, %swap3A_1216] {strides = array<i32>} : memref<4x1x8x1x128xf32, #tpu.memory_space<vmem>>, vector<16xf32>,
          tpu.vector_store %arg10[%swap3A_1212, %swap3A_1213, %swap3A_1214, %swap3A_1215, %swap3A_1216], %add3A_1209 {strides = array<i32>} : memref<4x1x8x1x128xf32, #tpu.memory_space<vmem>>, vector<16xf32>,
        }
        %scan3A_533 = arith.constant 4 : i32
      }
      %scan3A_104 = arith.constant 4 : i32
      %jit3A = arith.constant 8 : i32
      %div3A = arith.divsi %add3A_15, %jit3A : i32
      %sign3A = arith.constant 0 : i32
      %sign3A_105 = arith.cmpi sgt, %add3A_15, %sign3A : i32
      %sign3A_106 = arith.extui %sign3A_105 : i1 to i32
      %sign3A_107 = arith.constant 0 : i32
      %sign3A_108 = arith.cmpi slt, %add3A_15, %sign3A_107 : i32
      %sign3A_109 = arith.extui %sign3A_108 : i1 to i32
      %sign3A_110 = arith.subi %sign3A_106, %sign3A_109 : i32
      %sign3A_111 = arith.constant 0 : i32
      %sign3A_112 = arith.cmpi sgt, %jit3A, %sign3A_111 : i32
      %sign3A_113 = arith.extui %sign3A_112 : i1 to i32
      %sign3A_114 = arith.constant 0 : i32
      %sign3A_115 = arith.cmpi slt, %jit3A, %sign3A_114 : i32
      %sign3A_116 = arith.extui %sign3A_115 : i1 to i32
      %sign3A_117 = arith.subi %sign3A_113, %sign3A_116 : i32
      %ne3A = arith.cmpi ne, %sign3A_110, %sign3A_117 : i32
      %rem3A = arith.remsi %add3A_15, %jit3A : i32
      %ne3A_118 = arith.constant 0 : i32
      %ne3A_119 = arith.cmpi ne, %rem3A, %ne3A_118 : i32
      %and3A = arith.andi %ne3A, %ne3A_119 : i1
      %sub3A = arith.constant 1 : i32
      %sub3A_120 = arith.subi %div3A, %sub3A : i32
      %select_n3A = arith.select %and3A, %sub3A_120, %div3A : i32
      %jit3A_121 = arith.constant 8 : i32
      %eq3A_122 = arith.constant 0 : i32
      %eq3A_123 = arith.cmpi eq, %jit3A_121, %eq3A_122 : i32
      %jit3A_124 = arith.constant 1 : i32
      %select_n3A_125 = arith.select %eq3A_123, %jit3A_124, %jit3A_121 : i32
      %rem3A_126 = arith.remsi %add3A_15, %select_n3A_125 : i32
      %ne3A_127 = arith.constant 0 : i32
      %ne3A_128 = arith.cmpi ne, %rem3A_126, %ne3A_127 : i32
      %lt3A = arith.constant 0 : i32
      %lt3A_129 = arith.cmpi slt, %rem3A_126, %lt3A : i32
      %lt3A_130 = arith.constant 0 : i32
      %lt3A_131 = arith.cmpi slt, %select_n3A_125, %lt3A_130 : i32
      %ne3A_132 = arith.xori %lt3A_129, %lt3A_131 : i1
      %and3A_133 = arith.andi %ne3A_132, %ne3A_128 : i1
      %add3A_134 = arith.addi %rem3A_126, %select_n3A_125 : i32
      %select_n3A_135 = arith.select %and3A_133, %add3A_134, %rem3A_126 : i32
      %dma_start3A_136 = arith.constant 0 : i32
      %dma_start3A_137 = arith.constant 0 : i32
      %dma_start3A_138 = arith.constant 0 : i32
      %dma_start3A_139 = tpu.memref_slice %arg6[%dma_start3A_136, %select_n3A, %dma_start3A_137, %select_n3A_135, %dma_start3A_138] : memref<200x8x8x8x128xf32, #tpu.memory_space<hbm>> -> memref<4x1x8x1x128xf32, #tpu.memory_space<hbm>>
      %dma_start3A_140 = arith.constant 0 : i32
      %dma_start3A_141 = arith.constant 0 : i32
      %dma_start3A_142 = arith.constant 0 : i32
      %dma_start3A_143 = tpu.memref_slice %arg6[%dma_start3A_140, %select_n3A, %dma_start3A_141, %select_n3A_135, %dma_start3A_142] : memref<200x8x8x8x128xf32, #tpu.memory_space<hbm>> -> memref<4x1x8x1x128xf32, #tpu.memory_space<hbm>>
      tpu.enqueue_dma source(%arg10 : memref<4x1x8x1x128xf32, #tpu.memory_space<vmem>>) target(%dma_start3A_143 : memref<4x1x8x1x128xf32, #tpu.memory_space<hbm>>) target_semaphore(%arg18 : memref<!tpu.dma_semaphore, #tpu.memory_space<semaphore_mem>>)
      %dma_start3A_144 = arith.constant 8192 : i32
      %dma_start3A_145 = tpu.memref_slice %arg15[%dma_start3A_144] : memref<204800xi32, #tpu.memory_space<vmem_shared>> -> memref<4096xi32, #tpu.memory_space<vmem_shared>>
      %dma_start3A_146 = arith.constant 8192 : i32
      %dma_start3A_147 = tpu.memref_slice %arg15[%dma_start3A_146] : memref<204800xi32, #tpu.memory_space<vmem_shared>> -> memref<4096xi32, #tpu.memory_space<vmem_shared>>
      tpu.enqueue_dma source(%dma_start3A_147 : memref<4096xi32, #tpu.memory_space<vmem_shared>>) target(%arg8 : memref<4096xi32, #tpu.memory_space<vmem>>) target_semaphore(%arg16 : memref<!tpu.dma_semaphore, #tpu.memory_space<semaphore_mem>>)
      %dma_wait3A_148 = arith.constant 4096 : i32
      %dma_wait3A_149 = tpu.memref_slice %arg15[%dma_wait3A_148] : memref<204800xi32, #tpu.memory_space<vmem_shared>> -> memref<4096xi32, #tpu.memory_space<vmem_shared>>
      %dma_wait3A_150 = arith.constant 4096 : i32
      %dma_wait3A_151 = tpu.memref_slice %arg15[%dma_wait3A_150] : memref<204800xi32, #tpu.memory_space<vmem_shared>> -> memref<4096xi32, #tpu.memory_space<vmem_shared>>
      tpu.wait_dma2 semaphore(%arg17 : memref<!tpu.dma_semaphore, #tpu.memory_space<semaphore_mem>>) src(%dma_wait3A_151 : memref<4096xi32, #tpu.memory_space<vmem_shared>>) dst(%arg9 : memref<4096xi32, #tpu.memory_space<vmem>>)
      %scan3A_152 = arith.constant 0 : i32
      %scan3A_153 = arith.constant 4 : i32
      %scan3A_154 = arith.addi %scan3A_152, %scan3A_153 : i32
      %scan3A_155 = arith.constant 1 : i32
      scf.for %scan3A_520 = %scan3A_152 to %scan3A_154 step %scan3A_155  : i32 {
        %mul3A_521 = arith.constant 1 : i32
        %mul3A_522 = arith.muli %scan3A_520, %mul3A_521 : i32
        %add3A_523 = arith.constant 0 : i32
        %add3A_524 = arith.addi %add3A_523, %mul3A_522 : i32
        %add3A_525 = arith.constant 4 : i32
        %add3A_526 = arith.addi %add3A_525, %add3A_524 : i32
        %broadcast_in_dim3A_527 = vector.broadcast %add3A_526 : i32 to vector<16xi32>
        %gather3A_528 = tpu.vector_load_idx %arg13[%broadcast_in_dim3A_527] : memref<208xf32, #tpu.memory_space<vmem>>[vector<16xi32>], vector<16xf32>,
        %scan3A_529 = arith.constant 0 : i32
        %scan3A_530 = arith.constant 4 : i32
        %scan3A_531 = arith.addi %scan3A_529, %scan3A_530 : i32
        %scan3A_532 = arith.constant 1 : i32
        scf.for %scan3A_534 = %scan3A_529 to %scan3A_531 step %scan3A_532  : i32 {
          %mul3A_535 = arith.constant 1 : i32
          %mul3A_536 = arith.muli %scan3A_534, %mul3A_535 : i32
          %add3A_537 = arith.constant 0 : i32
          %add3A_538 = arith.addi %add3A_537, %mul3A_536 : i32
          %mul3A_539 = arith.constant 1024 : i32
          %mul3A_540 = arith.muli %add3A_524, %mul3A_539 : i32
          %mul3A_541 = arith.constant 16 : i32
          %mul3A_542 = arith.muli %add3A_538, %mul3A_541 : i32
          %mul3A_543 = arith.constant 16 : i32
          %mul3A_544 = arith.muli %mul3A_542, %mul3A_543 : i32
          %add3A_545 = arith.addi %mul3A_540, %mul3A_544 : i32
          %add3A_546 = arith.constant 0 : i32
          %add3A_547 = arith.addi %add3A_545, %add3A_546 : i32
          %get3A_548 = arith.index_cast %add3A_547 : i32 to index
          %get3A_549 = tpu.vector_load %arg9[%get3A_548] {strides = array<i32>} : memref<4096xi32, #tpu.memory_space<vmem>>, vector<16xi32>,
          %add3A_550 = arith.constant 16 : i32
          %add3A_551 = arith.addi %add3A_545, %add3A_550 : i32
          %get3A_552 = arith.index_cast %add3A_551 : i32 to index
          %get3A_553 = tpu.vector_load %arg9[%get3A_552] {strides = array<i32>} : memref<4096xi32, #tpu.memory_space<vmem>>, vector<16xi32>,
          %add3A_554 = arith.constant 32 : i32
          %add3A_555 = arith.addi %add3A_545, %add3A_554 : i32
          %get3A_556 = arith.index_cast %add3A_555 : i32 to index
          %get3A_557 = tpu.vector_load %arg9[%get3A_556] {strides = array<i32>} : memref<4096xi32, #tpu.memory_space<vmem>>, vector<16xi32>,
          %add3A_558 = arith.constant 48 : i32
          %add3A_559 = arith.addi %add3A_545, %add3A_558 : i32
          %get3A_560 = arith.index_cast %add3A_559 : i32 to index
          %get3A_561 = tpu.vector_load %arg9[%get3A_560] {strides = array<i32>} : memref<4096xi32, #tpu.memory_space<vmem>>, vector<16xi32>,
          %add3A_562 = arith.constant 64 : i32
          %add3A_563 = arith.addi %add3A_545, %add3A_562 : i32
          %get3A_564 = arith.index_cast %add3A_563 : i32 to index
          %get3A_565 = tpu.vector_load %arg9[%get3A_564] {strides = array<i32>} : memref<4096xi32, #tpu.memory_space<vmem>>, vector<16xi32>,
          %add3A_566 = arith.constant 80 : i32
          %add3A_567 = arith.addi %add3A_545, %add3A_566 : i32
          %get3A_568 = arith.index_cast %add3A_567 : i32 to index
          %get3A_569 = tpu.vector_load %arg9[%get3A_568] {strides = array<i32>} : memref<4096xi32, #tpu.memory_space<vmem>>, vector<16xi32>,
          %add3A_570 = arith.constant 96 : i32
          %add3A_571 = arith.addi %add3A_545, %add3A_570 : i32
          %get3A_572 = arith.index_cast %add3A_571 : i32 to index
          %get3A_573 = tpu.vector_load %arg9[%get3A_572] {strides = array<i32>} : memref<4096xi32, #tpu.memory_space<vmem>>, vector<16xi32>,
          %add3A_574 = arith.constant 112 : i32
          %add3A_575 = arith.addi %add3A_545, %add3A_574 : i32
          %get3A_576 = arith.index_cast %add3A_575 : i32 to index
          %get3A_577 = tpu.vector_load %arg9[%get3A_576] {strides = array<i32>} : memref<4096xi32, #tpu.memory_space<vmem>>, vector<16xi32>,
          %add3A_578 = arith.constant 128 : i32
          %add3A_579 = arith.addi %add3A_545, %add3A_578 : i32
          %get3A_580 = arith.index_cast %add3A_579 : i32 to index
          %get3A_581 = tpu.vector_load %arg9[%get3A_580] {strides = array<i32>} : memref<4096xi32, #tpu.memory_space<vmem>>, vector<16xi32>,
          %add3A_582 = arith.constant 144 : i32
          %add3A_583 = arith.addi %add3A_545, %add3A_582 : i32
          %get3A_584 = arith.index_cast %add3A_583 : i32 to index
          %get3A_585 = tpu.vector_load %arg9[%get3A_584] {strides = array<i32>} : memref<4096xi32, #tpu.memory_space<vmem>>, vector<16xi32>,
          %add3A_586 = arith.constant 160 : i32
          %add3A_587 = arith.addi %add3A_545, %add3A_586 : i32
          %get3A_588 = arith.index_cast %add3A_587 : i32 to index
          %get3A_589 = tpu.vector_load %arg9[%get3A_588] {strides = array<i32>} : memref<4096xi32, #tpu.memory_space<vmem>>, vector<16xi32>,
          %add3A_590 = arith.constant 176 : i32
          %add3A_591 = arith.addi %add3A_545, %add3A_590 : i32
          %get3A_592 = arith.index_cast %add3A_591 : i32 to index
          %get3A_593 = tpu.vector_load %arg9[%get3A_592] {strides = array<i32>} : memref<4096xi32, #tpu.memory_space<vmem>>, vector<16xi32>,
          %add3A_594 = arith.constant 192 : i32
          %add3A_595 = arith.addi %add3A_545, %add3A_594 : i32
          %get3A_596 = arith.index_cast %add3A_595 : i32 to index
          %get3A_597 = tpu.vector_load %arg9[%get3A_596] {strides = array<i32>} : memref<4096xi32, #tpu.memory_space<vmem>>, vector<16xi32>,
          %add3A_598 = arith.constant 208 : i32
          %add3A_599 = arith.addi %add3A_545, %add3A_598 : i32
          %get3A_600 = arith.index_cast %add3A_599 : i32 to index
          %get3A_601 = tpu.vector_load %arg9[%get3A_600] {strides = array<i32>} : memref<4096xi32, #tpu.memory_space<vmem>>, vector<16xi32>,
          %add3A_602 = arith.constant 224 : i32
          %add3A_603 = arith.addi %add3A_545, %add3A_602 : i32
          %get3A_604 = arith.index_cast %add3A_603 : i32 to index
          %get3A_605 = tpu.vector_load %arg9[%get3A_604] {strides = array<i32>} : memref<4096xi32, #tpu.memory_space<vmem>>, vector<16xi32>,
          %add3A_606 = arith.constant 240 : i32
          %add3A_607 = arith.addi %add3A_545, %add3A_606 : i32
          %get3A_608 = arith.index_cast %add3A_607 : i32 to index
          %get3A_609 = tpu.vector_load %arg9[%get3A_608] {strides = array<i32>} : memref<4096xi32, #tpu.memory_space<vmem>>, vector<16xi32>,
          %gather3A_610 = tpu.vector_load_idx %arg7[%broadcast_in_dim3A_1, %get3A_549] : memref<1x100000xf32, #tpu.memory_space<vmem>>[vector<16xi32>, vector<16xi32>], vector<16xf32>,
          %gather3A_611 = tpu.vector_load_idx %arg7[%broadcast_in_dim3A_1, %get3A_553] : memref<1x100000xf32, #tpu.memory_space<vmem>>[vector<16xi32>, vector<16xi32>], vector<16xf32>,
          %gather3A_612 = tpu.vector_load_idx %arg7[%broadcast_in_dim3A_1, %get3A_557] : memref<1x100000xf32, #tpu.memory_space<vmem>>[vector<16xi32>, vector<16xi32>], vector<16xf32>,
          %gather3A_613 = tpu.vector_load_idx %arg7[%broadcast_in_dim3A_1, %get3A_561] : memref<1x100000xf32, #tpu.memory_space<vmem>>[vector<16xi32>, vector<16xi32>], vector<16xf32>,
          %gather3A_614 = tpu.vector_load_idx %arg7[%broadcast_in_dim3A_1, %get3A_565] : memref<1x100000xf32, #tpu.memory_space<vmem>>[vector<16xi32>, vector<16xi32>], vector<16xf32>,
          %gather3A_615 = tpu.vector_load_idx %arg7[%broadcast_in_dim3A_1, %get3A_569] : memref<1x100000xf32, #tpu.memory_space<vmem>>[vector<16xi32>, vector<16xi32>], vector<16xf32>,
          %gather3A_616 = tpu.vector_load_idx %arg7[%broadcast_in_dim3A_1, %get3A_573] : memref<1x100000xf32, #tpu.memory_space<vmem>>[vector<16xi32>, vector<16xi32>], vector<16xf32>,
          %gather3A_617 = tpu.vector_load_idx %arg7[%broadcast_in_dim3A_1, %get3A_577] : memref<1x100000xf32, #tpu.memory_space<vmem>>[vector<16xi32>, vector<16xi32>], vector<16xf32>,
          %gather3A_618 = tpu.vector_load_idx %arg7[%broadcast_in_dim3A_1, %get3A_581] : memref<1x100000xf32, #tpu.memory_space<vmem>>[vector<16xi32>, vector<16xi32>], vector<16xf32>,
          %gather3A_619 = tpu.vector_load_idx %arg7[%broadcast_in_dim3A_1, %get3A_585] : memref<1x100000xf32, #tpu.memory_space<vmem>>[vector<16xi32>, vector<16xi32>], vector<16xf32>,
          %gather3A_620 = tpu.vector_load_idx %arg7[%broadcast_in_dim3A_1, %get3A_589] : memref<1x100000xf32, #tpu.memory_space<vmem>>[vector<16xi32>, vector<16xi32>], vector<16xf32>,
          %gather3A_621 = tpu.vector_load_idx %arg7[%broadcast_in_dim3A_1, %get3A_593] : memref<1x100000xf32, #tpu.memory_space<vmem>>[vector<16xi32>, vector<16xi32>], vector<16xf32>,
          %gather3A_622 = tpu.vector_load_idx %arg7[%broadcast_in_dim3A_1, %get3A_597] : memref<1x100000xf32, #tpu.memory_space<vmem>>[vector<16xi32>, vector<16xi32>], vector<16xf32>,
          %gather3A_623 = tpu.vector_load_idx %arg7[%broadcast_in_dim3A_1, %get3A_601] : memref<1x100000xf32, #tpu.memory_space<vmem>>[vector<16xi32>, vector<16xi32>], vector<16xf32>,
          %gather3A_624 = tpu.vector_load_idx %arg7[%broadcast_in_dim3A_1, %get3A_605] : memref<1x100000xf32, #tpu.memory_space<vmem>>[vector<16xi32>, vector<16xi32>], vector<16xf32>,
          %gather3A_625 = tpu.vector_load_idx %arg7[%broadcast_in_dim3A_1, %get3A_609] : memref<1x100000xf32, #tpu.memory_space<vmem>>[vector<16xi32>, vector<16xi32>], vector<16xf32>,
          %mul3A_626 = arith.constant 16 : i32
          %mul3A_627 = arith.muli %add3A_538, %mul3A_626 : i32
          %add3A_628 = arith.constant 0 : i32
          %add3A_629 = arith.addi %mul3A_627, %add3A_628 : i32
          %jit3A_630 = arith.constant 8 : i32
          %div3A_631 = arith.divsi %add3A_629, %jit3A_630 : i32
          %sign3A_632 = arith.constant 0 : i32
          %sign3A_633 = arith.cmpi sgt, %add3A_629, %sign3A_632 : i32
          %sign3A_634 = arith.extui %sign3A_633 : i1 to i32
          %sign3A_635 = arith.constant 0 : i32
          %sign3A_636 = arith.cmpi slt, %add3A_629, %sign3A_635 : i32
          %sign3A_637 = arith.extui %sign3A_636 : i1 to i32
          %sign3A_638 = arith.subi %sign3A_634, %sign3A_637 : i32
          %sign3A_639 = arith.constant 0 : i32
          %sign3A_640 = arith.cmpi sgt, %jit3A_630, %sign3A_639 : i32
          %sign3A_641 = arith.extui %sign3A_640 : i1 to i32
          %sign3A_642 = arith.constant 0 : i32
          %sign3A_643 = arith.cmpi slt, %jit3A_630, %sign3A_642 : i32
          %sign3A_644 = arith.extui %sign3A_643 : i1 to i32
          %sign3A_645 = arith.subi %sign3A_641, %sign3A_644 : i32
          %ne3A_646 = arith.cmpi ne, %sign3A_638, %sign3A_645 : i32
          %rem3A_647 = arith.remsi %add3A_629, %jit3A_630 : i32
          %ne3A_648 = arith.constant 0 : i32
          %ne3A_649 = arith.cmpi ne, %rem3A_647, %ne3A_648 : i32
          %and3A_650 = arith.andi %ne3A_646, %ne3A_649 : i1
          %sub3A_651 = arith.constant 1 : i32
          %sub3A_652 = arith.subi %div3A_631, %sub3A_651 : i32
          %select_n3A_653 = arith.select %and3A_650, %sub3A_652, %div3A_631 : i32
          %add3A_654 = arith.addf %gather3A_610, %gather3A_528 : vector<16xf32>
          %swap3A_655 = arith.constant 0 : i32
          %swap3A_656 = arith.constant 0 : i32
          %swap3A_657 = arith.index_cast %add3A_524 : i32 to index
          %swap3A_658 = arith.index_cast %swap3A_655 : i32 to index
          %swap3A_659 = arith.index_cast %select_n3A_653 : i32 to index
          %swap3A_660 = arith.index_cast %swap3A_656 : i32 to index
          %swap3A_661 = arith.constant 0 : index
          %swap3A_662 = tpu.vector_load %arg11[%swap3A_657, %swap3A_658, %swap3A_659, %swap3A_660, %swap3A_661] {strides = array<i32>} : memref<4x1x8x1x128xf32, #tpu.memory_space<vmem>>, vector<16xf32>,
          tpu.vector_store %arg11[%swap3A_657, %swap3A_658, %swap3A_659, %swap3A_660, %swap3A_661], %add3A_654 {strides = array<i32>} : memref<4x1x8x1x128xf32, #tpu.memory_space<vmem>>, vector<16xf32>,
          %mul3A_663 = arith.constant 16 : i32
          %mul3A_664 = arith.muli %add3A_538, %mul3A_663 : i32
          %add3A_665 = arith.constant 1 : i32
          %add3A_666 = arith.addi %mul3A_664, %add3A_665 : i32
          %jit3A_667 = arith.constant 8 : i32
          %div3A_668 = arith.divsi %add3A_666, %jit3A_667 : i32
          %sign3A_669 = arith.constant 0 : i32
          %sign3A_670 = arith.cmpi sgt, %add3A_666, %sign3A_669 : i32
          %sign3A_671 = arith.extui %sign3A_670 : i1 to i32
          %sign3A_672 = arith.constant 0 : i32
          %sign3A_673 = arith.cmpi slt, %add3A_666, %sign3A_672 : i32
          %sign3A_674 = arith.extui %sign3A_673 : i1 to i32
          %sign3A_675 = arith.subi %sign3A_671, %sign3A_674 : i32
          %sign3A_676 = arith.constant 0 : i32
          %sign3A_677 = arith.cmpi sgt, %jit3A_667, %sign3A_676 : i32
          %sign3A_678 = arith.extui %sign3A_677 : i1 to i32
          %sign3A_679 = arith.constant 0 : i32
          %sign3A_680 = arith.cmpi slt, %jit3A_667, %sign3A_679 : i32
          %sign3A_681 = arith.extui %sign3A_680 : i1 to i32
          %sign3A_682 = arith.subi %sign3A_678, %sign3A_681 : i32
          %ne3A_683 = arith.cmpi ne, %sign3A_675, %sign3A_682 : i32
          %rem3A_684 = arith.remsi %add3A_666, %jit3A_667 : i32
          %ne3A_685 = arith.constant 0 : i32
          %ne3A_686 = arith.cmpi ne, %rem3A_684, %ne3A_685 : i32
          %and3A_687 = arith.andi %ne3A_683, %ne3A_686 : i1
          %sub3A_688 = arith.constant 1 : i32
          %sub3A_689 = arith.subi %div3A_668, %sub3A_688 : i32
          %select_n3A_690 = arith.select %and3A_687, %sub3A_689, %div3A_668 : i32
          %add3A_691 = arith.addf %gather3A_611, %gather3A_528 : vector<16xf32>
          %swap3A_692 = arith.constant 0 : i32
          %swap3A_693 = arith.constant 0 : i32
          %swap3A_694 = arith.index_cast %add3A_524 : i32 to index
          %swap3A_695 = arith.index_cast %swap3A_692 : i32 to index
          %swap3A_696 = arith.index_cast %select_n3A_690 : i32 to index
          %swap3A_697 = arith.index_cast %swap3A_693 : i32 to index
          %swap3A_698 = arith.constant 16 : index
          %swap3A_699 = tpu.vector_load %arg11[%swap3A_694, %swap3A_695, %swap3A_696, %swap3A_697, %swap3A_698] {strides = array<i32>} : memref<4x1x8x1x128xf32, #tpu.memory_space<vmem>>, vector<16xf32>,
          tpu.vector_store %arg11[%swap3A_694, %swap3A_695, %swap3A_696, %swap3A_697, %swap3A_698], %add3A_691 {strides = array<i32>} : memref<4x1x8x1x128xf32, #tpu.memory_space<vmem>>, vector<16xf32>,
          %mul3A_700 = arith.constant 16 : i32
          %mul3A_701 = arith.muli %add3A_538, %mul3A_700 : i32
          %add3A_702 = arith.constant 2 : i32
          %add3A_703 = arith.addi %mul3A_701, %add3A_702 : i32
          %jit3A_704 = arith.constant 8 : i32
          %div3A_705 = arith.divsi %add3A_703, %jit3A_704 : i32
          %sign3A_706 = arith.constant 0 : i32
          %sign3A_707 = arith.cmpi sgt, %add3A_703, %sign3A_706 : i32
          %sign3A_708 = arith.extui %sign3A_707 : i1 to i32
          %sign3A_709 = arith.constant 0 : i32
          %sign3A_710 = arith.cmpi slt, %add3A_703, %sign3A_709 : i32
          %sign3A_711 = arith.extui %sign3A_710 : i1 to i32
          %sign3A_712 = arith.subi %sign3A_708, %sign3A_711 : i32
          %sign3A_713 = arith.constant 0 : i32
          %sign3A_714 = arith.cmpi sgt, %jit3A_704, %sign3A_713 : i32
          %sign3A_715 = arith.extui %sign3A_714 : i1 to i32
          %sign3A_716 = arith.constant 0 : i32
          %sign3A_717 = arith.cmpi slt, %jit3A_704, %sign3A_716 : i32
          %sign3A_718 = arith.extui %sign3A_717 : i1 to i32
          %sign3A_719 = arith.subi %sign3A_715, %sign3A_718 : i32
          %ne3A_720 = arith.cmpi ne, %sign3A_712, %sign3A_719 : i32
          %rem3A_721 = arith.remsi %add3A_703, %jit3A_704 : i32
          %ne3A_722 = arith.constant 0 : i32
          %ne3A_723 = arith.cmpi ne, %rem3A_721, %ne3A_722 : i32
          %and3A_724 = arith.andi %ne3A_720, %ne3A_723 : i1
          %sub3A_725 = arith.constant 1 : i32
          %sub3A_726 = arith.subi %div3A_705, %sub3A_725 : i32
          %select_n3A_727 = arith.select %and3A_724, %sub3A_726, %div3A_705 : i32
          %add3A_728 = arith.addf %gather3A_612, %gather3A_528 : vector<16xf32>
          %swap3A_729 = arith.constant 0 : i32
          %swap3A_730 = arith.constant 0 : i32
          %swap3A_731 = arith.index_cast %add3A_524 : i32 to index
          %swap3A_732 = arith.index_cast %swap3A_729 : i32 to index
          %swap3A_733 = arith.index_cast %select_n3A_727 : i32 to index
          %swap3A_734 = arith.index_cast %swap3A_730 : i32 to index
          %swap3A_735 = arith.constant 32 : index
          %swap3A_736 = tpu.vector_load %arg11[%swap3A_731, %swap3A_732, %swap3A_733, %swap3A_734, %swap3A_735] {strides = array<i32>} : memref<4x1x8x1x128xf32, #tpu.memory_space<vmem>>, vector<16xf32>,
          tpu.vector_store %arg11[%swap3A_731, %swap3A_732, %swap3A_733, %swap3A_734, %swap3A_735], %add3A_728 {strides = array<i32>} : memref<4x1x8x1x128xf32, #tpu.memory_space<vmem>>, vector<16xf32>,
          %mul3A_737 = arith.constant 16 : i32
          %mul3A_738 = arith.muli %add3A_538, %mul3A_737 : i32
          %add3A_739 = arith.constant 3 : i32
          %add3A_740 = arith.addi %mul3A_738, %add3A_739 : i32
          %jit3A_741 = arith.constant 8 : i32
          %div3A_742 = arith.divsi %add3A_740, %jit3A_741 : i32
          %sign3A_743 = arith.constant 0 : i32
          %sign3A_744 = arith.cmpi sgt, %add3A_740, %sign3A_743 : i32
          %sign3A_745 = arith.extui %sign3A_744 : i1 to i32
          %sign3A_746 = arith.constant 0 : i32
          %sign3A_747 = arith.cmpi slt, %add3A_740, %sign3A_746 : i32
          %sign3A_748 = arith.extui %sign3A_747 : i1 to i32
          %sign3A_749 = arith.subi %sign3A_745, %sign3A_748 : i32
          %sign3A_750 = arith.constant 0 : i32
          %sign3A_751 = arith.cmpi sgt, %jit3A_741, %sign3A_750 : i32
          %sign3A_752 = arith.extui %sign3A_751 : i1 to i32
          %sign3A_753 = arith.constant 0 : i32
          %sign3A_754 = arith.cmpi slt, %jit3A_741, %sign3A_753 : i32
          %sign3A_755 = arith.extui %sign3A_754 : i1 to i32
          %sign3A_756 = arith.subi %sign3A_752, %sign3A_755 : i32
          %ne3A_757 = arith.cmpi ne, %sign3A_749, %sign3A_756 : i32
          %rem3A_758 = arith.remsi %add3A_740, %jit3A_741 : i32
          %ne3A_759 = arith.constant 0 : i32
          %ne3A_760 = arith.cmpi ne, %rem3A_758, %ne3A_759 : i32
          %and3A_761 = arith.andi %ne3A_757, %ne3A_760 : i1
          %sub3A_762 = arith.constant 1 : i32
          %sub3A_763 = arith.subi %div3A_742, %sub3A_762 : i32
          %select_n3A_764 = arith.select %and3A_761, %sub3A_763, %div3A_742 : i32
          %add3A_765 = arith.addf %gather3A_613, %gather3A_528 : vector<16xf32>
          %swap3A_766 = arith.constant 0 : i32
          %swap3A_767 = arith.constant 0 : i32
          %swap3A_768 = arith.index_cast %add3A_524 : i32 to index
          %swap3A_769 = arith.index_cast %swap3A_766 : i32 to index
          %swap3A_770 = arith.index_cast %select_n3A_764 : i32 to index
          %swap3A_771 = arith.index_cast %swap3A_767 : i32 to index
          %swap3A_772 = arith.constant 48 : index
          %swap3A_773 = tpu.vector_load %arg11[%swap3A_768, %swap3A_769, %swap3A_770, %swap3A_771, %swap3A_772] {strides = array<i32>} : memref<4x1x8x1x128xf32, #tpu.memory_space<vmem>>, vector<16xf32>,
          tpu.vector_store %arg11[%swap3A_768, %swap3A_769, %swap3A_770, %swap3A_771, %swap3A_772], %add3A_765 {strides = array<i32>} : memref<4x1x8x1x128xf32, #tpu.memory_space<vmem>>, vector<16xf32>,
          %mul3A_774 = arith.constant 16 : i32
          %mul3A_775 = arith.muli %add3A_538, %mul3A_774 : i32
          %add3A_776 = arith.constant 4 : i32
          %add3A_777 = arith.addi %mul3A_775, %add3A_776 : i32
          %jit3A_778 = arith.constant 8 : i32
          %div3A_779 = arith.divsi %add3A_777, %jit3A_778 : i32
          %sign3A_780 = arith.constant 0 : i32
          %sign3A_781 = arith.cmpi sgt, %add3A_777, %sign3A_780 : i32
          %sign3A_782 = arith.extui %sign3A_781 : i1 to i32
          %sign3A_783 = arith.constant 0 : i32
          %sign3A_784 = arith.cmpi slt, %add3A_777, %sign3A_783 : i32
          %sign3A_785 = arith.extui %sign3A_784 : i1 to i32
          %sign3A_786 = arith.subi %sign3A_782, %sign3A_785 : i32
          %sign3A_787 = arith.constant 0 : i32
          %sign3A_788 = arith.cmpi sgt, %jit3A_778, %sign3A_787 : i32
          %sign3A_789 = arith.extui %sign3A_788 : i1 to i32
          %sign3A_790 = arith.constant 0 : i32
          %sign3A_791 = arith.cmpi slt, %jit3A_778, %sign3A_790 : i32
          %sign3A_792 = arith.extui %sign3A_791 : i1 to i32
          %sign3A_793 = arith.subi %sign3A_789, %sign3A_792 : i32
          %ne3A_794 = arith.cmpi ne, %sign3A_786, %sign3A_793 : i32
          %rem3A_795 = arith.remsi %add3A_777, %jit3A_778 : i32
          %ne3A_796 = arith.constant 0 : i32
          %ne3A_797 = arith.cmpi ne, %rem3A_795, %ne3A_796 : i32
          %and3A_798 = arith.andi %ne3A_794, %ne3A_797 : i1
          %sub3A_799 = arith.constant 1 : i32
          %sub3A_800 = arith.subi %div3A_779, %sub3A_799 : i32
          %select_n3A_801 = arith.select %and3A_798, %sub3A_800, %div3A_779 : i32
          %add3A_802 = arith.addf %gather3A_614, %gather3A_528 : vector<16xf32>
          %swap3A_803 = arith.constant 0 : i32
          %swap3A_804 = arith.constant 0 : i32
          %swap3A_805 = arith.index_cast %add3A_524 : i32 to index
          %swap3A_806 = arith.index_cast %swap3A_803 : i32 to index
          %swap3A_807 = arith.index_cast %select_n3A_801 : i32 to index
          %swap3A_808 = arith.index_cast %swap3A_804 : i32 to index
          %swap3A_809 = arith.constant 64 : index
          %swap3A_810 = tpu.vector_load %arg11[%swap3A_805, %swap3A_806, %swap3A_807, %swap3A_808, %swap3A_809] {strides = array<i32>} : memref<4x1x8x1x128xf32, #tpu.memory_space<vmem>>, vector<16xf32>,
          tpu.vector_store %arg11[%swap3A_805, %swap3A_806, %swap3A_807, %swap3A_808, %swap3A_809], %add3A_802 {strides = array<i32>} : memref<4x1x8x1x128xf32, #tpu.memory_space<vmem>>, vector<16xf32>,
          %mul3A_811 = arith.constant 16 : i32
          %mul3A_812 = arith.muli %add3A_538, %mul3A_811 : i32
          %add3A_813 = arith.constant 5 : i32
          %add3A_814 = arith.addi %mul3A_812, %add3A_813 : i32
          %jit3A_815 = arith.constant 8 : i32
          %div3A_816 = arith.divsi %add3A_814, %jit3A_815 : i32
          %sign3A_817 = arith.constant 0 : i32
          %sign3A_818 = arith.cmpi sgt, %add3A_814, %sign3A_817 : i32
          %sign3A_819 = arith.extui %sign3A_818 : i1 to i32
          %sign3A_820 = arith.constant 0 : i32
          %sign3A_821 = arith.cmpi slt, %add3A_814, %sign3A_820 : i32
          %sign3A_822 = arith.extui %sign3A_821 : i1 to i32
          %sign3A_823 = arith.subi %sign3A_819, %sign3A_822 : i32
          %sign3A_824 = arith.constant 0 : i32
          %sign3A_825 = arith.cmpi sgt, %jit3A_815, %sign3A_824 : i32
          %sign3A_826 = arith.extui %sign3A_825 : i1 to i32
          %sign3A_827 = arith.constant 0 : i32
          %sign3A_828 = arith.cmpi slt, %jit3A_815, %sign3A_827 : i32
          %sign3A_829 = arith.extui %sign3A_828 : i1 to i32
          %sign3A_830 = arith.subi %sign3A_826, %sign3A_829 : i32
          %ne3A_831 = arith.cmpi ne, %sign3A_823, %sign3A_830 : i32
          %rem3A_832 = arith.remsi %add3A_814, %jit3A_815 : i32
          %ne3A_833 = arith.constant 0 : i32
          %ne3A_834 = arith.cmpi ne, %rem3A_832, %ne3A_833 : i32
          %and3A_835 = arith.andi %ne3A_831, %ne3A_834 : i1
          %sub3A_836 = arith.constant 1 : i32
          %sub3A_837 = arith.subi %div3A_816, %sub3A_836 : i32
          %select_n3A_838 = arith.select %and3A_835, %sub3A_837, %div3A_816 : i32
          %add3A_839 = arith.addf %gather3A_615, %gather3A_528 : vector<16xf32>
          %swap3A_840 = arith.constant 0 : i32
          %swap3A_841 = arith.constant 0 : i32
          %swap3A_842 = arith.index_cast %add3A_524 : i32 to index
          %swap3A_843 = arith.index_cast %swap3A_840 : i32 to index
          %swap3A_844 = arith.index_cast %select_n3A_838 : i32 to index
          %swap3A_845 = arith.index_cast %swap3A_841 : i32 to index
          %swap3A_846 = arith.constant 80 : index
          %swap3A_847 = tpu.vector_load %arg11[%swap3A_842, %swap3A_843, %swap3A_844, %swap3A_845, %swap3A_846] {strides = array<i32>} : memref<4x1x8x1x128xf32, #tpu.memory_space<vmem>>, vector<16xf32>,
          tpu.vector_store %arg11[%swap3A_842, %swap3A_843, %swap3A_844, %swap3A_845, %swap3A_846], %add3A_839 {strides = array<i32>} : memref<4x1x8x1x128xf32, #tpu.memory_space<vmem>>, vector<16xf32>,
          %mul3A_848 = arith.constant 16 : i32
          %mul3A_849 = arith.muli %add3A_538, %mul3A_848 : i32
          %add3A_850 = arith.constant 6 : i32
          %add3A_851 = arith.addi %mul3A_849, %add3A_850 : i32
          %jit3A_852 = arith.constant 8 : i32
          %div3A_853 = arith.divsi %add3A_851, %jit3A_852 : i32
          %sign3A_854 = arith.constant 0 : i32
          %sign3A_855 = arith.cmpi sgt, %add3A_851, %sign3A_854 : i32
          %sign3A_856 = arith.extui %sign3A_855 : i1 to i32
          %sign3A_857 = arith.constant 0 : i32
          %sign3A_858 = arith.cmpi slt, %add3A_851, %sign3A_857 : i32
          %sign3A_859 = arith.extui %sign3A_858 : i1 to i32
          %sign3A_860 = arith.subi %sign3A_856, %sign3A_859 : i32
          %sign3A_861 = arith.constant 0 : i32
          %sign3A_862 = arith.cmpi sgt, %jit3A_852, %sign3A_861 : i32
          %sign3A_863 = arith.extui %sign3A_862 : i1 to i32
          %sign3A_864 = arith.constant 0 : i32
          %sign3A_865 = arith.cmpi slt, %jit3A_852, %sign3A_864 : i32
          %sign3A_866 = arith.extui %sign3A_865 : i1 to i32
          %sign3A_867 = arith.subi %sign3A_863, %sign3A_866 : i32
          %ne3A_868 = arith.cmpi ne, %sign3A_860, %sign3A_867 : i32
          %rem3A_869 = arith.remsi %add3A_851, %jit3A_852 : i32
          %ne3A_870 = arith.constant 0 : i32
          %ne3A_871 = arith.cmpi ne, %rem3A_869, %ne3A_870 : i32
          %and3A_872 = arith.andi %ne3A_868, %ne3A_871 : i1
          %sub3A_873 = arith.constant 1 : i32
          %sub3A_874 = arith.subi %div3A_853, %sub3A_873 : i32
          %select_n3A_875 = arith.select %and3A_872, %sub3A_874, %div3A_853 : i32
          %add3A_876 = arith.addf %gather3A_616, %gather3A_528 : vector<16xf32>
          %swap3A_877 = arith.constant 0 : i32
          %swap3A_878 = arith.constant 0 : i32
          %swap3A_879 = arith.index_cast %add3A_524 : i32 to index
          %swap3A_880 = arith.index_cast %swap3A_877 : i32 to index
          %swap3A_881 = arith.index_cast %select_n3A_875 : i32 to index
          %swap3A_882 = arith.index_cast %swap3A_878 : i32 to index
          %swap3A_883 = arith.constant 96 : index
          %swap3A_884 = tpu.vector_load %arg11[%swap3A_879, %swap3A_880, %swap3A_881, %swap3A_882, %swap3A_883] {strides = array<i32>} : memref<4x1x8x1x128xf32, #tpu.memory_space<vmem>>, vector<16xf32>,
          tpu.vector_store %arg11[%swap3A_879, %swap3A_880, %swap3A_881, %swap3A_882, %swap3A_883], %add3A_876 {strides = array<i32>} : memref<4x1x8x1x128xf32, #tpu.memory_space<vmem>>, vector<16xf32>,
          %mul3A_885 = arith.constant 16 : i32
          %mul3A_886 = arith.muli %add3A_538, %mul3A_885 : i32
          %add3A_887 = arith.constant 7 : i32
          %add3A_888 = arith.addi %mul3A_886, %add3A_887 : i32
          %jit3A_889 = arith.constant 8 : i32
          %div3A_890 = arith.divsi %add3A_888, %jit3A_889 : i32
          %sign3A_891 = arith.constant 0 : i32
          %sign3A_892 = arith.cmpi sgt, %add3A_888, %sign3A_891 : i32
          %sign3A_893 = arith.extui %sign3A_892 : i1 to i32
          %sign3A_894 = arith.constant 0 : i32
          %sign3A_895 = arith.cmpi slt, %add3A_888, %sign3A_894 : i32
          %sign3A_896 = arith.extui %sign3A_895 : i1 to i32
          %sign3A_897 = arith.subi %sign3A_893, %sign3A_896 : i32
          %sign3A_898 = arith.constant 0 : i32
          %sign3A_899 = arith.cmpi sgt, %jit3A_889, %sign3A_898 : i32
          %sign3A_900 = arith.extui %sign3A_899 : i1 to i32
          %sign3A_901 = arith.constant 0 : i32
          %sign3A_902 = arith.cmpi slt, %jit3A_889, %sign3A_901 : i32
          %sign3A_903 = arith.extui %sign3A_902 : i1 to i32
          %sign3A_904 = arith.subi %sign3A_900, %sign3A_903 : i32
          %ne3A_905 = arith.cmpi ne, %sign3A_897, %sign3A_904 : i32
          %rem3A_906 = arith.remsi %add3A_888, %jit3A_889 : i32
          %ne3A_907 = arith.constant 0 : i32
          %ne3A_908 = arith.cmpi ne, %rem3A_906, %ne3A_907 : i32
          %and3A_909 = arith.andi %ne3A_905, %ne3A_908 : i1
          %sub3A_910 = arith.constant 1 : i32
          %sub3A_911 = arith.subi %div3A_890, %sub3A_910 : i32
          %select_n3A_912 = arith.select %and3A_909, %sub3A_911, %div3A_890 : i32
          %add3A_913 = arith.addf %gather3A_617, %gather3A_528 : vector<16xf32>
          %swap3A_914 = arith.constant 0 : i32
          %swap3A_915 = arith.constant 0 : i32
          %swap3A_916 = arith.index_cast %add3A_524 : i32 to index
          %swap3A_917 = arith.index_cast %swap3A_914 : i32 to index
          %swap3A_918 = arith.index_cast %select_n3A_912 : i32 to index
          %swap3A_919 = arith.index_cast %swap3A_915 : i32 to index
          %swap3A_920 = arith.constant 112 : index
          %swap3A_921 = tpu.vector_load %arg11[%swap3A_916, %swap3A_917, %swap3A_918, %swap3A_919, %swap3A_920] {strides = array<i32>} : memref<4x1x8x1x128xf32, #tpu.memory_space<vmem>>, vector<16xf32>,
          tpu.vector_store %arg11[%swap3A_916, %swap3A_917, %swap3A_918, %swap3A_919, %swap3A_920], %add3A_913 {strides = array<i32>} : memref<4x1x8x1x128xf32, #tpu.memory_space<vmem>>, vector<16xf32>,
          %mul3A_922 = arith.constant 16 : i32
          %mul3A_923 = arith.muli %add3A_538, %mul3A_922 : i32
          %add3A_924 = arith.constant 8 : i32
          %add3A_925 = arith.addi %mul3A_923, %add3A_924 : i32
          %jit3A_926 = arith.constant 8 : i32
          %div3A_927 = arith.divsi %add3A_925, %jit3A_926 : i32
          %sign3A_928 = arith.constant 0 : i32
          %sign3A_929 = arith.cmpi sgt, %add3A_925, %sign3A_928 : i32
          %sign3A_930 = arith.extui %sign3A_929 : i1 to i32
          %sign3A_931 = arith.constant 0 : i32
          %sign3A_932 = arith.cmpi slt, %add3A_925, %sign3A_931 : i32
          %sign3A_933 = arith.extui %sign3A_932 : i1 to i32
          %sign3A_934 = arith.subi %sign3A_930, %sign3A_933 : i32
          %sign3A_935 = arith.constant 0 : i32
          %sign3A_936 = arith.cmpi sgt, %jit3A_926, %sign3A_935 : i32
          %sign3A_937 = arith.extui %sign3A_936 : i1 to i32
          %sign3A_938 = arith.constant 0 : i32
          %sign3A_939 = arith.cmpi slt, %jit3A_926, %sign3A_938 : i32
          %sign3A_940 = arith.extui %sign3A_939 : i1 to i32
          %sign3A_941 = arith.subi %sign3A_937, %sign3A_940 : i32
          %ne3A_942 = arith.cmpi ne, %sign3A_934, %sign3A_941 : i32
          %rem3A_943 = arith.remsi %add3A_925, %jit3A_926 : i32
          %ne3A_944 = arith.constant 0 : i32
          %ne3A_945 = arith.cmpi ne, %rem3A_943, %ne3A_944 : i32
          %and3A_946 = arith.andi %ne3A_942, %ne3A_945 : i1
          %sub3A_947 = arith.constant 1 : i32
          %sub3A_948 = arith.subi %div3A_927, %sub3A_947 : i32
          %select_n3A_949 = arith.select %and3A_946, %sub3A_948, %div3A_927 : i32
          %add3A_950 = arith.addf %gather3A_618, %gather3A_528 : vector<16xf32>
          %swap3A_951 = arith.constant 0 : i32
          %swap3A_952 = arith.constant 0 : i32
          %swap3A_953 = arith.index_cast %add3A_524 : i32 to index
          %swap3A_954 = arith.index_cast %swap3A_951 : i32 to index
          %swap3A_955 = arith.index_cast %select_n3A_949 : i32 to index
          %swap3A_956 = arith.index_cast %swap3A_952 : i32 to index
          %swap3A_957 = arith.constant 0 : index
          %swap3A_958 = tpu.vector_load %arg11[%swap3A_953, %swap3A_954, %swap3A_955, %swap3A_956, %swap3A_957] {strides = array<i32>} : memref<4x1x8x1x128xf32, #tpu.memory_space<vmem>>, vector<16xf32>,
          tpu.vector_store %arg11[%swap3A_953, %swap3A_954, %swap3A_955, %swap3A_956, %swap3A_957], %add3A_950 {strides = array<i32>} : memref<4x1x8x1x128xf32, #tpu.memory_space<vmem>>, vector<16xf32>,
          %mul3A_959 = arith.constant 16 : i32
          %mul3A_960 = arith.muli %add3A_538, %mul3A_959 : i32
          %add3A_961 = arith.constant 9 : i32
          %add3A_962 = arith.addi %mul3A_960, %add3A_961 : i32
          %jit3A_963 = arith.constant 8 : i32
          %div3A_964 = arith.divsi %add3A_962, %jit3A_963 : i32
          %sign3A_965 = arith.constant 0 : i32
          %sign3A_966 = arith.cmpi sgt, %add3A_962, %sign3A_965 : i32
          %sign3A_967 = arith.extui %sign3A_966 : i1 to i32
          %sign3A_968 = arith.constant 0 : i32
          %sign3A_969 = arith.cmpi slt, %add3A_962, %sign3A_968 : i32
          %sign3A_970 = arith.extui %sign3A_969 : i1 to i32
          %sign3A_971 = arith.subi %sign3A_967, %sign3A_970 : i32
          %sign3A_972 = arith.constant 0 : i32
          %sign3A_973 = arith.cmpi sgt, %jit3A_963, %sign3A_972 : i32
          %sign3A_974 = arith.extui %sign3A_973 : i1 to i32
          %sign3A_975 = arith.constant 0 : i32
          %sign3A_976 = arith.cmpi slt, %jit3A_963, %sign3A_975 : i32
          %sign3A_977 = arith.extui %sign3A_976 : i1 to i32
          %sign3A_978 = arith.subi %sign3A_974, %sign3A_977 : i32
          %ne3A_979 = arith.cmpi ne, %sign3A_971, %sign3A_978 : i32
          %rem3A_980 = arith.remsi %add3A_962, %jit3A_963 : i32
          %ne3A_981 = arith.constant 0 : i32
          %ne3A_982 = arith.cmpi ne, %rem3A_980, %ne3A_981 : i32
          %and3A_983 = arith.andi %ne3A_979, %ne3A_982 : i1
          %sub3A_984 = arith.constant 1 : i32
          %sub3A_985 = arith.subi %div3A_964, %sub3A_984 : i32
          %select_n3A_986 = arith.select %and3A_983, %sub3A_985, %div3A_964 : i32
          %add3A_987 = arith.addf %gather3A_619, %gather3A_528 : vector<16xf32>
          %swap3A_988 = arith.constant 0 : i32
          %swap3A_989 = arith.constant 0 : i32
          %swap3A_990 = arith.index_cast %add3A_524 : i32 to index
          %swap3A_991 = arith.index_cast %swap3A_988 : i32 to index
          %swap3A_992 = arith.index_cast %select_n3A_986 : i32 to index
          %swap3A_993 = arith.index_cast %swap3A_989 : i32 to index
          %swap3A_994 = arith.constant 16 : index
          %swap3A_995 = tpu.vector_load %arg11[%swap3A_990, %swap3A_991, %swap3A_992, %swap3A_993, %swap3A_994] {strides = array<i32>} : memref<4x1x8x1x128xf32, #tpu.memory_space<vmem>>, vector<16xf32>,
          tpu.vector_store %arg11[%swap3A_990, %swap3A_991, %swap3A_992, %swap3A_993, %swap3A_994], %add3A_987 {strides = array<i32>} : memref<4x1x8x1x128xf32, #tpu.memory_space<vmem>>, vector<16xf32>,
          %mul3A_996 = arith.constant 16 : i32
          %mul3A_997 = arith.muli %add3A_538, %mul3A_996 : i32
          %add3A_998 = arith.constant 10 : i32
          %add3A_999 = arith.addi %mul3A_997, %add3A_998 : i32
          %jit3A_1000 = arith.constant 8 : i32
          %div3A_1001 = arith.divsi %add3A_999, %jit3A_1000 : i32
          %sign3A_1002 = arith.constant 0 : i32
          %sign3A_1003 = arith.cmpi sgt, %add3A_999, %sign3A_1002 : i32
          %sign3A_1004 = arith.extui %sign3A_1003 : i1 to i32
          %sign3A_1005 = arith.constant 0 : i32
          %sign3A_1006 = arith.cmpi slt, %add3A_999, %sign3A_1005 : i32
          %sign3A_1007 = arith.extui %sign3A_1006 : i1 to i32
          %sign3A_1008 = arith.subi %sign3A_1004, %sign3A_1007 : i32
          %sign3A_1009 = arith.constant 0 : i32
          %sign3A_1010 = arith.cmpi sgt, %jit3A_1000, %sign3A_1009 : i32
          %sign3A_1011 = arith.extui %sign3A_1010 : i1 to i32
          %sign3A_1012 = arith.constant 0 : i32
          %sign3A_1013 = arith.cmpi slt, %jit3A_1000, %sign3A_1012 : i32
          %sign3A_1014 = arith.extui %sign3A_1013 : i1 to i32
          %sign3A_1015 = arith.subi %sign3A_1011, %sign3A_1014 : i32
          %ne3A_1016 = arith.cmpi ne, %sign3A_1008, %sign3A_1015 : i32
          %rem3A_1017 = arith.remsi %add3A_999, %jit3A_1000 : i32
          %ne3A_1018 = arith.constant 0 : i32
          %ne3A_1019 = arith.cmpi ne, %rem3A_1017, %ne3A_1018 : i32
          %and3A_1020 = arith.andi %ne3A_1016, %ne3A_1019 : i1
          %sub3A_1021 = arith.constant 1 : i32
          %sub3A_1022 = arith.subi %div3A_1001, %sub3A_1021 : i32
          %select_n3A_1023 = arith.select %and3A_1020, %sub3A_1022, %div3A_1001 : i32
          %add3A_1024 = arith.addf %gather3A_620, %gather3A_528 : vector<16xf32>
          %swap3A_1025 = arith.constant 0 : i32
          %swap3A_1026 = arith.constant 0 : i32
          %swap3A_1027 = arith.index_cast %add3A_524 : i32 to index
          %swap3A_1028 = arith.index_cast %swap3A_1025 : i32 to index
          %swap3A_1029 = arith.index_cast %select_n3A_1023 : i32 to index
          %swap3A_1030 = arith.index_cast %swap3A_1026 : i32 to index
          %swap3A_1031 = arith.constant 32 : index
          %swap3A_1032 = tpu.vector_load %arg11[%swap3A_1027, %swap3A_1028, %swap3A_1029, %swap3A_1030, %swap3A_1031] {strides = array<i32>} : memref<4x1x8x1x128xf32, #tpu.memory_space<vmem>>, vector<16xf32>,
          tpu.vector_store %arg11[%swap3A_1027, %swap3A_1028, %swap3A_1029, %swap3A_1030, %swap3A_1031], %add3A_1024 {strides = array<i32>} : memref<4x1x8x1x128xf32, #tpu.memory_space<vmem>>, vector<16xf32>,
          %mul3A_1033 = arith.constant 16 : i32
          %mul3A_1034 = arith.muli %add3A_538, %mul3A_1033 : i32
          %add3A_1035 = arith.constant 11 : i32
          %add3A_1036 = arith.addi %mul3A_1034, %add3A_1035 : i32
          %jit3A_1037 = arith.constant 8 : i32
          %div3A_1038 = arith.divsi %add3A_1036, %jit3A_1037 : i32
          %sign3A_1039 = arith.constant 0 : i32
          %sign3A_1040 = arith.cmpi sgt, %add3A_1036, %sign3A_1039 : i32
          %sign3A_1041 = arith.extui %sign3A_1040 : i1 to i32
          %sign3A_1042 = arith.constant 0 : i32
          %sign3A_1043 = arith.cmpi slt, %add3A_1036, %sign3A_1042 : i32
          %sign3A_1044 = arith.extui %sign3A_1043 : i1 to i32
          %sign3A_1045 = arith.subi %sign3A_1041, %sign3A_1044 : i32
          %sign3A_1046 = arith.constant 0 : i32
          %sign3A_1047 = arith.cmpi sgt, %jit3A_1037, %sign3A_1046 : i32
          %sign3A_1048 = arith.extui %sign3A_1047 : i1 to i32
          %sign3A_1049 = arith.constant 0 : i32
          %sign3A_1050 = arith.cmpi slt, %jit3A_1037, %sign3A_1049 : i32
          %sign3A_1051 = arith.extui %sign3A_1050 : i1 to i32
          %sign3A_1052 = arith.subi %sign3A_1048, %sign3A_1051 : i32
          %ne3A_1053 = arith.cmpi ne, %sign3A_1045, %sign3A_1052 : i32
          %rem3A_1054 = arith.remsi %add3A_1036, %jit3A_1037 : i32
          %ne3A_1055 = arith.constant 0 : i32
          %ne3A_1056 = arith.cmpi ne, %rem3A_1054, %ne3A_1055 : i32
          %and3A_1057 = arith.andi %ne3A_1053, %ne3A_1056 : i1
          %sub3A_1058 = arith.constant 1 : i32
          %sub3A_1059 = arith.subi %div3A_1038, %sub3A_1058 : i32
          %select_n3A_1060 = arith.select %and3A_1057, %sub3A_1059, %div3A_1038 : i32
          %add3A_1061 = arith.addf %gather3A_621, %gather3A_528 : vector<16xf32>
          %swap3A_1062 = arith.constant 0 : i32
          %swap3A_1063 = arith.constant 0 : i32
          %swap3A_1064 = arith.index_cast %add3A_524 : i32 to index
          %swap3A_1065 = arith.index_cast %swap3A_1062 : i32 to index
          %swap3A_1066 = arith.index_cast %select_n3A_1060 : i32 to index
          %swap3A_1067 = arith.index_cast %swap3A_1063 : i32 to index
          %swap3A_1068 = arith.constant 48 : index
          %swap3A_1069 = tpu.vector_load %arg11[%swap3A_1064, %swap3A_1065, %swap3A_1066, %swap3A_1067, %swap3A_1068] {strides = array<i32>} : memref<4x1x8x1x128xf32, #tpu.memory_space<vmem>>, vector<16xf32>,
          tpu.vector_store %arg11[%swap3A_1064, %swap3A_1065, %swap3A_1066, %swap3A_1067, %swap3A_1068], %add3A_1061 {strides = array<i32>} : memref<4x1x8x1x128xf32, #tpu.memory_space<vmem>>, vector<16xf32>,
          %mul3A_1070 = arith.constant 16 : i32
          %mul3A_1071 = arith.muli %add3A_538, %mul3A_1070 : i32
          %add3A_1072 = arith.constant 12 : i32
          %add3A_1073 = arith.addi %mul3A_1071, %add3A_1072 : i32
          %jit3A_1074 = arith.constant 8 : i32
          %div3A_1075 = arith.divsi %add3A_1073, %jit3A_1074 : i32
          %sign3A_1076 = arith.constant 0 : i32
          %sign3A_1077 = arith.cmpi sgt, %add3A_1073, %sign3A_1076 : i32
          %sign3A_1078 = arith.extui %sign3A_1077 : i1 to i32
          %sign3A_1079 = arith.constant 0 : i32
          %sign3A_1080 = arith.cmpi slt, %add3A_1073, %sign3A_1079 : i32
          %sign3A_1081 = arith.extui %sign3A_1080 : i1 to i32
          %sign3A_1082 = arith.subi %sign3A_1078, %sign3A_1081 : i32
          %sign3A_1083 = arith.constant 0 : i32
          %sign3A_1084 = arith.cmpi sgt, %jit3A_1074, %sign3A_1083 : i32
          %sign3A_1085 = arith.extui %sign3A_1084 : i1 to i32
          %sign3A_1086 = arith.constant 0 : i32
          %sign3A_1087 = arith.cmpi slt, %jit3A_1074, %sign3A_1086 : i32
          %sign3A_1088 = arith.extui %sign3A_1087 : i1 to i32
          %sign3A_1089 = arith.subi %sign3A_1085, %sign3A_1088 : i32
          %ne3A_1090 = arith.cmpi ne, %sign3A_1082, %sign3A_1089 : i32
          %rem3A_1091 = arith.remsi %add3A_1073, %jit3A_1074 : i32
          %ne3A_1092 = arith.constant 0 : i32
          %ne3A_1093 = arith.cmpi ne, %rem3A_1091, %ne3A_1092 : i32
          %and3A_1094 = arith.andi %ne3A_1090, %ne3A_1093 : i1
          %sub3A_1095 = arith.constant 1 : i32
          %sub3A_1096 = arith.subi %div3A_1075, %sub3A_1095 : i32
          %select_n3A_1097 = arith.select %and3A_1094, %sub3A_1096, %div3A_1075 : i32
          %add3A_1098 = arith.addf %gather3A_622, %gather3A_528 : vector<16xf32>
          %swap3A_1099 = arith.constant 0 : i32
          %swap3A_1100 = arith.constant 0 : i32
          %swap3A_1101 = arith.index_cast %add3A_524 : i32 to index
          %swap3A_1102 = arith.index_cast %swap3A_1099 : i32 to index
          %swap3A_1103 = arith.index_cast %select_n3A_1097 : i32 to index
          %swap3A_1104 = arith.index_cast %swap3A_1100 : i32 to index
          %swap3A_1105 = arith.constant 64 : index
          %swap3A_1106 = tpu.vector_load %arg11[%swap3A_1101, %swap3A_1102, %swap3A_1103, %swap3A_1104, %swap3A_1105] {strides = array<i32>} : memref<4x1x8x1x128xf32, #tpu.memory_space<vmem>>, vector<16xf32>,
          tpu.vector_store %arg11[%swap3A_1101, %swap3A_1102, %swap3A_1103, %swap3A_1104, %swap3A_1105], %add3A_1098 {strides = array<i32>} : memref<4x1x8x1x128xf32, #tpu.memory_space<vmem>>, vector<16xf32>,
          %mul3A_1107 = arith.constant 16 : i32
          %mul3A_1108 = arith.muli %add3A_538, %mul3A_1107 : i32
          %add3A_1109 = arith.constant 13 : i32
          %add3A_1110 = arith.addi %mul3A_1108, %add3A_1109 : i32
          %jit3A_1111 = arith.constant 8 : i32
          %div3A_1112 = arith.divsi %add3A_1110, %jit3A_1111 : i32
          %sign3A_1113 = arith.constant 0 : i32
          %sign3A_1114 = arith.cmpi sgt, %add3A_1110, %sign3A_1113 : i32
          %sign3A_1115 = arith.extui %sign3A_1114 : i1 to i32
          %sign3A_1116 = arith.constant 0 : i32
          %sign3A_1117 = arith.cmpi slt, %add3A_1110, %sign3A_1116 : i32
          %sign3A_1118 = arith.extui %sign3A_1117 : i1 to i32
          %sign3A_1119 = arith.subi %sign3A_1115, %sign3A_1118 : i32
          %sign3A_1120 = arith.constant 0 : i32
          %sign3A_1121 = arith.cmpi sgt, %jit3A_1111, %sign3A_1120 : i32
          %sign3A_1122 = arith.extui %sign3A_1121 : i1 to i32
          %sign3A_1123 = arith.constant 0 : i32
          %sign3A_1124 = arith.cmpi slt, %jit3A_1111, %sign3A_1123 : i32
          %sign3A_1125 = arith.extui %sign3A_1124 : i1 to i32
          %sign3A_1126 = arith.subi %sign3A_1122, %sign3A_1125 : i32
          %ne3A_1127 = arith.cmpi ne, %sign3A_1119, %sign3A_1126 : i32
          %rem3A_1128 = arith.remsi %add3A_1110, %jit3A_1111 : i32
          %ne3A_1129 = arith.constant 0 : i32
          %ne3A_1130 = arith.cmpi ne, %rem3A_1128, %ne3A_1129 : i32
          %and3A_1131 = arith.andi %ne3A_1127, %ne3A_1130 : i1
          %sub3A_1132 = arith.constant 1 : i32
          %sub3A_1133 = arith.subi %div3A_1112, %sub3A_1132 : i32
          %select_n3A_1134 = arith.select %and3A_1131, %sub3A_1133, %div3A_1112 : i32
          %add3A_1135 = arith.addf %gather3A_623, %gather3A_528 : vector<16xf32>
          %swap3A_1136 = arith.constant 0 : i32
          %swap3A_1137 = arith.constant 0 : i32
          %swap3A_1138 = arith.index_cast %add3A_524 : i32 to index
          %swap3A_1139 = arith.index_cast %swap3A_1136 : i32 to index
          %swap3A_1140 = arith.index_cast %select_n3A_1134 : i32 to index
          %swap3A_1141 = arith.index_cast %swap3A_1137 : i32 to index
          %swap3A_1142 = arith.constant 80 : index
          %swap3A_1143 = tpu.vector_load %arg11[%swap3A_1138, %swap3A_1139, %swap3A_1140, %swap3A_1141, %swap3A_1142] {strides = array<i32>} : memref<4x1x8x1x128xf32, #tpu.memory_space<vmem>>, vector<16xf32>,
          tpu.vector_store %arg11[%swap3A_1138, %swap3A_1139, %swap3A_1140, %swap3A_1141, %swap3A_1142], %add3A_1135 {strides = array<i32>} : memref<4x1x8x1x128xf32, #tpu.memory_space<vmem>>, vector<16xf32>,
          %mul3A_1144 = arith.constant 16 : i32
          %mul3A_1145 = arith.muli %add3A_538, %mul3A_1144 : i32
          %add3A_1146 = arith.constant 14 : i32
          %add3A_1147 = arith.addi %mul3A_1145, %add3A_1146 : i32
          %jit3A_1148 = arith.constant 8 : i32
          %div3A_1149 = arith.divsi %add3A_1147, %jit3A_1148 : i32
          %sign3A_1150 = arith.constant 0 : i32
          %sign3A_1151 = arith.cmpi sgt, %add3A_1147, %sign3A_1150 : i32
          %sign3A_1152 = arith.extui %sign3A_1151 : i1 to i32
          %sign3A_1153 = arith.constant 0 : i32
          %sign3A_1154 = arith.cmpi slt, %add3A_1147, %sign3A_1153 : i32
          %sign3A_1155 = arith.extui %sign3A_1154 : i1 to i32
          %sign3A_1156 = arith.subi %sign3A_1152, %sign3A_1155 : i32
          %sign3A_1157 = arith.constant 0 : i32
          %sign3A_1158 = arith.cmpi sgt, %jit3A_1148, %sign3A_1157 : i32
          %sign3A_1159 = arith.extui %sign3A_1158 : i1 to i32
          %sign3A_1160 = arith.constant 0 : i32
          %sign3A_1161 = arith.cmpi slt, %jit3A_1148, %sign3A_1160 : i32
          %sign3A_1162 = arith.extui %sign3A_1161 : i1 to i32
          %sign3A_1163 = arith.subi %sign3A_1159, %sign3A_1162 : i32
          %ne3A_1164 = arith.cmpi ne, %sign3A_1156, %sign3A_1163 : i32
          %rem3A_1165 = arith.remsi %add3A_1147, %jit3A_1148 : i32
          %ne3A_1166 = arith.constant 0 : i32
          %ne3A_1167 = arith.cmpi ne, %rem3A_1165, %ne3A_1166 : i32
          %and3A_1168 = arith.andi %ne3A_1164, %ne3A_1167 : i1
          %sub3A_1169 = arith.constant 1 : i32
          %sub3A_1170 = arith.subi %div3A_1149, %sub3A_1169 : i32
          %select_n3A_1171 = arith.select %and3A_1168, %sub3A_1170, %div3A_1149 : i32
          %add3A_1172 = arith.addf %gather3A_624, %gather3A_528 : vector<16xf32>
          %swap3A_1173 = arith.constant 0 : i32
          %swap3A_1174 = arith.constant 0 : i32
          %swap3A_1175 = arith.index_cast %add3A_524 : i32 to index
          %swap3A_1176 = arith.index_cast %swap3A_1173 : i32 to index
          %swap3A_1177 = arith.index_cast %select_n3A_1171 : i32 to index
          %swap3A_1178 = arith.index_cast %swap3A_1174 : i32 to index
          %swap3A_1179 = arith.constant 96 : index
          %swap3A_1180 = tpu.vector_load %arg11[%swap3A_1175, %swap3A_1176, %swap3A_1177, %swap3A_1178, %swap3A_1179] {strides = array<i32>} : memref<4x1x8x1x128xf32, #tpu.memory_space<vmem>>, vector<16xf32>,
          tpu.vector_store %arg11[%swap3A_1175, %swap3A_1176, %swap3A_1177, %swap3A_1178, %swap3A_1179], %add3A_1172 {strides = array<i32>} : memref<4x1x8x1x128xf32, #tpu.memory_space<vmem>>, vector<16xf32>,
          %mul3A_1181 = arith.constant 16 : i32
          %mul3A_1182 = arith.muli %add3A_538, %mul3A_1181 : i32
          %add3A_1183 = arith.constant 15 : i32
          %add3A_1184 = arith.addi %mul3A_1182, %add3A_1183 : i32
          %jit3A_1185 = arith.constant 8 : i32
          %div3A_1186 = arith.divsi %add3A_1184, %jit3A_1185 : i32
          %sign3A_1187 = arith.constant 0 : i32
          %sign3A_1188 = arith.cmpi sgt, %add3A_1184, %sign3A_1187 : i32
          %sign3A_1189 = arith.extui %sign3A_1188 : i1 to i32
          %sign3A_1190 = arith.constant 0 : i32
          %sign3A_1191 = arith.cmpi slt, %add3A_1184, %sign3A_1190 : i32
          %sign3A_1192 = arith.extui %sign3A_1191 : i1 to i32
          %sign3A_1193 = arith.subi %sign3A_1189, %sign3A_1192 : i32
          %sign3A_1194 = arith.constant 0 : i32
          %sign3A_1195 = arith.cmpi sgt, %jit3A_1185, %sign3A_1194 : i32
          %sign3A_1196 = arith.extui %sign3A_1195 : i1 to i32
          %sign3A_1197 = arith.constant 0 : i32
          %sign3A_1198 = arith.cmpi slt, %jit3A_1185, %sign3A_1197 : i32
          %sign3A_1199 = arith.extui %sign3A_1198 : i1 to i32
          %sign3A_1200 = arith.subi %sign3A_1196, %sign3A_1199 : i32
          %ne3A_1201 = arith.cmpi ne, %sign3A_1193, %sign3A_1200 : i32
          %rem3A_1202 = arith.remsi %add3A_1184, %jit3A_1185 : i32
          %ne3A_1203 = arith.constant 0 : i32
          %ne3A_1204 = arith.cmpi ne, %rem3A_1202, %ne3A_1203 : i32
          %and3A_1205 = arith.andi %ne3A_1201, %ne3A_1204 : i1
          %sub3A_1206 = arith.constant 1 : i32
          %sub3A_1207 = arith.subi %div3A_1186, %sub3A_1206 : i32
          %select_n3A_1208 = arith.select %and3A_1205, %sub3A_1207, %div3A_1186 : i32
          %add3A_1209 = arith.addf %gather3A_625, %gather3A_528 : vector<16xf32>
          %swap3A_1210 = arith.constant 0 : i32
          %swap3A_1211 = arith.constant 0 : i32
          %swap3A_1212 = arith.index_cast %add3A_524 : i32 to index
          %swap3A_1213 = arith.index_cast %swap3A_1210 : i32 to index
          %swap3A_1214 = arith.index_cast %select_n3A_1208 : i32 to index
          %swap3A_1215 = arith.index_cast %swap3A_1211 : i32 to index
          %swap3A_1216 = arith.constant 112 : index
          %swap3A_1217 = tpu.vector_load %arg11[%swap3A_1212, %swap3A_1213, %swap3A_1214, %swap3A_1215, %swap3A_1216] {strides = array<i32>} : memref<4x1x8x1x128xf32, #tpu.memory_space<vmem>>, vector<16xf32>,
          tpu.vector_store %arg11[%swap3A_1212, %swap3A_1213, %swap3A_1214, %swap3A_1215, %swap3A_1216], %add3A_1209 {strides = array<i32>} : memref<4x1x8x1x128xf32, #tpu.memory_space<vmem>>, vector<16xf32>,
        }
        %scan3A_533 = arith.constant 4 : i32
      }
      %scan3A_156 = arith.constant 4 : i32
      %jit3A_157 = arith.constant 8 : i32
      %div3A_158 = arith.divsi %add3A_15, %jit3A_157 : i32
      %sign3A_159 = arith.constant 0 : i32
      %sign3A_160 = arith.cmpi sgt, %add3A_15, %sign3A_159 : i32
      %sign3A_161 = arith.extui %sign3A_160 : i1 to i32
      %sign3A_162 = arith.constant 0 : i32
      %sign3A_163 = arith.cmpi slt, %add3A_15, %sign3A_162 : i32
      %sign3A_164 = arith.extui %sign3A_163 : i1 to i32
      %sign3A_165 = arith.subi %sign3A_161, %sign3A_164 : i32
      %sign3A_166 = arith.constant 0 : i32
      %sign3A_167 = arith.cmpi sgt, %jit3A_157, %sign3A_166 : i32
      %sign3A_168 = arith.extui %sign3A_167 : i1 to i32
      %sign3A_169 = arith.constant 0 : i32
      %sign3A_170 = arith.cmpi slt, %jit3A_157, %sign3A_169 : i32
      %sign3A_171 = arith.extui %sign3A_170 : i1 to i32
      %sign3A_172 = arith.subi %sign3A_168, %sign3A_171 : i32
      %ne3A_173 = arith.cmpi ne, %sign3A_165, %sign3A_172 : i32
      %rem3A_174 = arith.remsi %add3A_15, %jit3A_157 : i32
      %ne3A_175 = arith.constant 0 : i32
      %ne3A_176 = arith.cmpi ne, %rem3A_174, %ne3A_175 : i32
      %and3A_177 = arith.andi %ne3A_173, %ne3A_176 : i1
      %sub3A_178 = arith.constant 1 : i32
      %sub3A_179 = arith.subi %div3A_158, %sub3A_178 : i32
      %select_n3A_180 = arith.select %and3A_177, %sub3A_179, %div3A_158 : i32
      %jit3A_181 = arith.constant 8 : i32
      %eq3A_182 = arith.constant 0 : i32
      %eq3A_183 = arith.cmpi eq, %jit3A_181, %eq3A_182 : i32
      %jit3A_184 = arith.constant 1 : i32
      %select_n3A_185 = arith.select %eq3A_183, %jit3A_184, %jit3A_181 : i32
      %rem3A_186 = arith.remsi %add3A_15, %select_n3A_185 : i32
      %ne3A_187 = arith.constant 0 : i32
      %ne3A_188 = arith.cmpi ne, %rem3A_186, %ne3A_187 : i32
      %lt3A_189 = arith.constant 0 : i32
      %lt3A_190 = arith.cmpi slt, %rem3A_186, %lt3A_189 : i32
      %lt3A_191 = arith.constant 0 : i32
      %lt3A_192 = arith.cmpi slt, %select_n3A_185, %lt3A_191 : i32
      %ne3A_193 = arith.xori %lt3A_190, %lt3A_192 : i1
      %and3A_194 = arith.andi %ne3A_193, %ne3A_188 : i1
      %add3A_195 = arith.addi %rem3A_186, %select_n3A_185 : i32
      %select_n3A_196 = arith.select %and3A_194, %add3A_195, %rem3A_186 : i32
      %dma_start3A_197 = arith.constant 4 : i32
      %dma_start3A_198 = arith.constant 0 : i32
      %dma_start3A_199 = arith.constant 0 : i32
      %dma_start3A_200 = tpu.memref_slice %arg6[%dma_start3A_197, %select_n3A_180, %dma_start3A_198, %select_n3A_196, %dma_start3A_199] : memref<200x8x8x8x128xf32, #tpu.memory_space<hbm>> -> memref<4x1x8x1x128xf32, #tpu.memory_space<hbm>>
      %dma_start3A_201 = arith.constant 4 : i32
      %dma_start3A_202 = arith.constant 0 : i32
      %dma_start3A_203 = arith.constant 0 : i32
      %dma_start3A_204 = tpu.memref_slice %arg6[%dma_start3A_201, %select_n3A_180, %dma_start3A_202, %select_n3A_196, %dma_start3A_203] : memref<200x8x8x8x128xf32, #tpu.memory_space<hbm>> -> memref<4x1x8x1x128xf32, #tpu.memory_space<hbm>>
      tpu.enqueue_dma source(%arg11 : memref<4x1x8x1x128xf32, #tpu.memory_space<vmem>>) target(%dma_start3A_204 : memref<4x1x8x1x128xf32, #tpu.memory_space<hbm>>) target_semaphore(%arg19 : memref<!tpu.dma_semaphore, #tpu.memory_space<semaphore_mem>>)
      %dma_start3A_205 = arith.constant 12288 : i32
      %dma_start3A_206 = tpu.memref_slice %arg15[%dma_start3A_205] : memref<204800xi32, #tpu.memory_space<vmem_shared>> -> memref<4096xi32, #tpu.memory_space<vmem_shared>>
      %dma_start3A_207 = arith.constant 12288 : i32
      %dma_start3A_208 = tpu.memref_slice %arg15[%dma_start3A_207] : memref<204800xi32, #tpu.memory_space<vmem_shared>> -> memref<4096xi32, #tpu.memory_space<vmem_shared>>
      tpu.enqueue_dma source(%dma_start3A_208 : memref<4096xi32, #tpu.memory_space<vmem_shared>>) target(%arg9 : memref<4096xi32, #tpu.memory_space<vmem>>) target_semaphore(%arg17 : memref<!tpu.dma_semaphore, #tpu.memory_space<semaphore_mem>>)
      %scan3A_209 = arith.constant 0 : i32
      %scan3A_210 = arith.constant 23 : i32
      %scan3A_211 = arith.addi %scan3A_209, %scan3A_210 : i32
      %scan3A_212 = arith.constant 1 : i32
      scf.for %scan3A_520 = %scan3A_209 to %scan3A_211 step %scan3A_212  : i32 {
        %mul3A_521 = arith.constant 2 : i32
        %mul3A_522 = arith.muli %scan3A_520, %mul3A_521 : i32
        %add3A_523 = arith.constant 2 : i32
        %add3A_524 = arith.addi %add3A_523, %mul3A_522 : i32
        %mul3A_525 = arith.constant 4096 : i32
        %mul3A_526 = arith.muli %add3A_524, %mul3A_525 : i32
        %dma_wait3A_527 = tpu.memref_slice %arg15[%mul3A_526] : memref<204800xi32, #tpu.memory_space<vmem_shared>> -> memref<4096xi32, #tpu.memory_space<vmem_shared>>
        %dma_wait3A_528 = tpu.memref_slice %arg15[%mul3A_526] : memref<204800xi32, #tpu.memory_space<vmem_shared>> -> memref<4096xi32, #tpu.memory_space<vmem_shared>>
        tpu.wait_dma2 semaphore(%arg16 : memref<!tpu.dma_semaphore, #tpu.memory_space<semaphore_mem>>) src(%dma_wait3A_528 : memref<4096xi32, #tpu.memory_space<vmem_shared>>) dst(%arg8 : memref<4096xi32, #tpu.memory_space<vmem>>)
        %sub3A_529 = arith.constant 2 : i32
        %sub3A_530 = arith.subi %add3A_524, %sub3A_529 : i32
        %mul3A_531 = arith.constant 4 : i32
        %mul3A_532 = arith.muli %sub3A_530, %mul3A_531 : i32
        %jit3A_533 = arith.constant 8 : i32
        %div3A_534 = arith.divsi %add3A_15, %jit3A_533 : i32
        %sign3A_535 = arith.constant 0 : i32
        %sign3A_536 = arith.cmpi sgt, %add3A_15, %sign3A_535 : i32
        %sign3A_537 = arith.extui %sign3A_536 : i1 to i32
        %sign3A_538 = arith.constant 0 : i32
        %sign3A_539 = arith.cmpi slt, %add3A_15, %sign3A_538 : i32
        %sign3A_540 = arith.extui %sign3A_539 : i1 to i32
        %sign3A_541 = arith.subi %sign3A_537, %sign3A_540 : i32
        %sign3A_542 = arith.constant 0 : i32
        %sign3A_543 = arith.cmpi sgt, %jit3A_533, %sign3A_542 : i32
        %sign3A_544 = arith.extui %sign3A_543 : i1 to i32
        %sign3A_545 = arith.constant 0 : i32
        %sign3A_546 = arith.cmpi slt, %jit3A_533, %sign3A_545 : i32
        %sign3A_547 = arith.extui %sign3A_546 : i1 to i32
        %sign3A_548 = arith.subi %sign3A_544, %sign3A_547 : i32
        %ne3A_549 = arith.cmpi ne, %sign3A_541, %sign3A_548 : i32
        %rem3A_550 = arith.remsi %add3A_15, %jit3A_533 : i32
        %ne3A_551 = arith.constant 0 : i32
        %ne3A_552 = arith.cmpi ne, %rem3A_550, %ne3A_551 : i32
        %and3A_553 = arith.andi %ne3A_549, %ne3A_552 : i1
        %sub3A_554 = arith.constant 1 : i32
        %sub3A_555 = arith.subi %div3A_534, %sub3A_554 : i32
        %select_n3A_556 = arith.select %and3A_553, %sub3A_555, %div3A_534 : i32
        %jit3A_557 = arith.constant 8 : i32
        %eq3A_558 = arith.constant 0 : i32
        %eq3A_559 = arith.cmpi eq, %jit3A_557, %eq3A_558 : i32
        %jit3A_560 = arith.constant 1 : i32
        %select_n3A_561 = arith.select %eq3A_559, %jit3A_560, %jit3A_557 : i32
        %rem3A_562 = arith.remsi %add3A_15, %select_n3A_561 : i32
        %ne3A_563 = arith.constant 0 : i32
        %ne3A_564 = arith.cmpi ne, %rem3A_562, %ne3A_563 : i32
        %lt3A_565 = arith.constant 0 : i32
        %lt3A_566 = arith.cmpi slt, %rem3A_562, %lt3A_565 : i32
        %lt3A_567 = arith.constant 0 : i32
        %lt3A_568 = arith.cmpi slt, %select_n3A_561, %lt3A_567 : i32
        %ne3A_569 = arith.xori %lt3A_566, %lt3A_568 : i1
        %and3A_570 = arith.andi %ne3A_569, %ne3A_564 : i1
        %add3A_571 = arith.addi %rem3A_562, %select_n3A_561 : i32
        %select_n3A_572 = arith.select %and3A_570, %add3A_571, %rem3A_562 : i32
        %dma_wait3A_573 = arith.constant 0 : i32
        %dma_wait3A_574 = arith.constant 0 : i32
        %dma_wait3A_575 = tpu.memref_slice %arg6[%mul3A_532, %select_n3A_556, %dma_wait3A_573, %select_n3A_572, %dma_wait3A_574] : memref<200x8x8x8x128xf32, #tpu.memory_space<hbm>> -> memref<4x1x8x1x128xf32, #tpu.memory_space<hbm>>
        %dma_wait3A_576 = arith.constant 0 : i32
        %dma_wait3A_577 = arith.constant 0 : i32
        %dma_wait3A_578 = tpu.memref_slice %arg6[%mul3A_532, %select_n3A_556, %dma_wait3A_576, %select_n3A_572, %dma_wait3A_577] : memref<200x8x8x8x128xf32, #tpu.memory_space<hbm>> -> memref<4x1x8x1x128xf32, #tpu.memory_space<hbm>>
        tpu.wait_dma2 semaphore(%arg18 : memref<!tpu.dma_semaphore, #tpu.memory_space<semaphore_mem>>) src(%arg10 : memref<4x1x8x1x128xf32, #tpu.memory_space<vmem>>) dst(%dma_wait3A_578 : memref<4x1x8x1x128xf32, #tpu.memory_space<hbm>>)
        %scan3A_579 = arith.constant 0 : i32
        %scan3A_580 = arith.constant 4 : i32
        %scan3A_581 = arith.addi %scan3A_579, %scan3A_580 : i32
        %scan3A_582 = arith.constant 1 : i32
        scf.for %scan3A_753 = %scan3A_579 to %scan3A_581 step %scan3A_582  : i32 {
          %mul3A_754 = arith.constant 1 : i32
          %mul3A_755 = arith.muli %scan3A_753, %mul3A_754 : i32
          %add3A_756 = arith.constant 0 : i32
          %add3A_757 = arith.addi %add3A_756, %mul3A_755 : i32
          %mul3A_758 = arith.constant 4 : i32
          %mul3A_759 = arith.muli %add3A_524, %mul3A_758 : i32
          %add3A_760 = arith.addi %mul3A_759, %add3A_757 : i32
          %broadcast_in_dim3A_761 = vector.broadcast %add3A_760 : i32 to vector<16xi32>
          %gather3A_762 = tpu.vector_load_idx %arg13[%broadcast_in_dim3A_761] : memref<208xf32, #tpu.memory_space<vmem>>[vector<16xi32>], vector<16xf32>,
          %scan3A_763 = arith.constant 0 : i32
          %scan3A_764 = arith.constant 4 : i32
          %scan3A_765 = arith.addi %scan3A_763, %scan3A_764 : i32
          %scan3A_766 = arith.constant 1 : i32
          scf.for %scan3A_768 = %scan3A_763 to %scan3A_765 step %scan3A_766  : i32 {
            %mul3A_769 = arith.constant 1 : i32
            %mul3A_770 = arith.muli %scan3A_768, %mul3A_769 : i32
            %add3A_771 = arith.constant 0 : i32
            %add3A_772 = arith.addi %add3A_771, %mul3A_770 : i32
            %mul3A_773 = arith.constant 1024 : i32
            %mul3A_774 = arith.muli %add3A_757, %mul3A_773 : i32
            %mul3A_775 = arith.constant 16 : i32
            %mul3A_776 = arith.muli %add3A_772, %mul3A_775 : i32
            %mul3A_777 = arith.constant 16 : i32
            %mul3A_778 = arith.muli %mul3A_776, %mul3A_777 : i32
            %add3A_779 = arith.addi %mul3A_774, %mul3A_778 : i32
            %add3A_780 = arith.constant 0 : i32
            %add3A_781 = arith.addi %add3A_779, %add3A_780 : i32
            %get3A_782 = arith.index_cast %add3A_781 : i32 to index
            %get3A_783 = tpu.vector_load %arg8[%get3A_782] {strides = array<i32>} : memref<4096xi32, #tpu.memory_space<vmem>>, vector<16xi32>,
            %add3A_784 = arith.constant 16 : i32
            %add3A_785 = arith.addi %add3A_779, %add3A_784 : i32
            %get3A_786 = arith.index_cast %add3A_785 : i32 to index
            %get3A_787 = tpu.vector_load %arg8[%get3A_786] {strides = array<i32>} : memref<4096xi32, #tpu.memory_space<vmem>>, vector<16xi32>,
            %add3A_788 = arith.constant 32 : i32
            %add3A_789 = arith.addi %add3A_779, %add3A_788 : i32
            %get3A_790 = arith.index_cast %add3A_789 : i32 to index
            %get3A_791 = tpu.vector_load %arg8[%get3A_790] {strides = array<i32>} : memref<4096xi32, #tpu.memory_space<vmem>>, vector<16xi32>,
            %add3A_792 = arith.constant 48 : i32
            %add3A_793 = arith.addi %add3A_779, %add3A_792 : i32
            %get3A_794 = arith.index_cast %add3A_793 : i32 to index
            %get3A_795 = tpu.vector_load %arg8[%get3A_794] {strides = array<i32>} : memref<4096xi32, #tpu.memory_space<vmem>>, vector<16xi32>,
            %add3A_796 = arith.constant 64 : i32
            %add3A_797 = arith.addi %add3A_779, %add3A_796 : i32
            %get3A_798 = arith.index_cast %add3A_797 : i32 to index
            %get3A_799 = tpu.vector_load %arg8[%get3A_798] {strides = array<i32>} : memref<4096xi32, #tpu.memory_space<vmem>>, vector<16xi32>,
            %add3A_800 = arith.constant 80 : i32
            %add3A_801 = arith.addi %add3A_779, %add3A_800 : i32
            %get3A_802 = arith.index_cast %add3A_801 : i32 to index
            %get3A_803 = tpu.vector_load %arg8[%get3A_802] {strides = array<i32>} : memref<4096xi32, #tpu.memory_space<vmem>>, vector<16xi32>,
            %add3A_804 = arith.constant 96 : i32
            %add3A_805 = arith.addi %add3A_779, %add3A_804 : i32
            %get3A_806 = arith.index_cast %add3A_805 : i32 to index
            %get3A_807 = tpu.vector_load %arg8[%get3A_806] {strides = array<i32>} : memref<4096xi32, #tpu.memory_space<vmem>>, vector<16xi32>,
            %add3A_808 = arith.constant 112 : i32
            %add3A_809 = arith.addi %add3A_779, %add3A_808 : i32
            %get3A_810 = arith.index_cast %add3A_809 : i32 to index
            %get3A_811 = tpu.vector_load %arg8[%get3A_810] {strides = array<i32>} : memref<4096xi32, #tpu.memory_space<vmem>>, vector<16xi32>,
            %add3A_812 = arith.constant 128 : i32
            %add3A_813 = arith.addi %add3A_779, %add3A_812 : i32
            %get3A_814 = arith.index_cast %add3A_813 : i32 to index
            %get3A_815 = tpu.vector_load %arg8[%get3A_814] {strides = array<i32>} : memref<4096xi32, #tpu.memory_space<vmem>>, vector<16xi32>,
            %add3A_816 = arith.constant 144 : i32
            %add3A_817 = arith.addi %add3A_779, %add3A_816 : i32
            %get3A_818 = arith.index_cast %add3A_817 : i32 to index
            %get3A_819 = tpu.vector_load %arg8[%get3A_818] {strides = array<i32>} : memref<4096xi32, #tpu.memory_space<vmem>>, vector<16xi32>,
            %add3A_820 = arith.constant 160 : i32
            %add3A_821 = arith.addi %add3A_779, %add3A_820 : i32
            %get3A_822 = arith.index_cast %add3A_821 : i32 to index
            %get3A_823 = tpu.vector_load %arg8[%get3A_822] {strides = array<i32>} : memref<4096xi32, #tpu.memory_space<vmem>>, vector<16xi32>,
            %add3A_824 = arith.constant 176 : i32
            %add3A_825 = arith.addi %add3A_779, %add3A_824 : i32
            %get3A_826 = arith.index_cast %add3A_825 : i32 to index
            %get3A_827 = tpu.vector_load %arg8[%get3A_826] {strides = array<i32>} : memref<4096xi32, #tpu.memory_space<vmem>>, vector<16xi32>,
            %add3A_828 = arith.constant 192 : i32
            %add3A_829 = arith.addi %add3A_779, %add3A_828 : i32
            %get3A_830 = arith.index_cast %add3A_829 : i32 to index
            %get3A_831 = tpu.vector_load %arg8[%get3A_830] {strides = array<i32>} : memref<4096xi32, #tpu.memory_space<vmem>>, vector<16xi32>,
            %add3A_832 = arith.constant 208 : i32
            %add3A_833 = arith.addi %add3A_779, %add3A_832 : i32
            %get3A_834 = arith.index_cast %add3A_833 : i32 to index
            %get3A_835 = tpu.vector_load %arg8[%get3A_834] {strides = array<i32>} : memref<4096xi32, #tpu.memory_space<vmem>>, vector<16xi32>,
            %add3A_836 = arith.constant 224 : i32
            %add3A_837 = arith.addi %add3A_779, %add3A_836 : i32
            %get3A_838 = arith.index_cast %add3A_837 : i32 to index
            %get3A_839 = tpu.vector_load %arg8[%get3A_838] {strides = array<i32>} : memref<4096xi32, #tpu.memory_space<vmem>>, vector<16xi32>,
            %add3A_840 = arith.constant 240 : i32
            %add3A_841 = arith.addi %add3A_779, %add3A_840 : i32
            %get3A_842 = arith.index_cast %add3A_841 : i32 to index
            %get3A_843 = tpu.vector_load %arg8[%get3A_842] {strides = array<i32>} : memref<4096xi32, #tpu.memory_space<vmem>>, vector<16xi32>,
            %gather3A_844 = tpu.vector_load_idx %arg7[%broadcast_in_dim3A_1, %get3A_783] : memref<1x100000xf32, #tpu.memory_space<vmem>>[vector<16xi32>, vector<16xi32>], vector<16xf32>,
            %gather3A_845 = tpu.vector_load_idx %arg7[%broadcast_in_dim3A_1, %get3A_787] : memref<1x100000xf32, #tpu.memory_space<vmem>>[vector<16xi32>, vector<16xi32>], vector<16xf32>,
            %gather3A_846 = tpu.vector_load_idx %arg7[%broadcast_in_dim3A_1, %get3A_791] : memref<1x100000xf32, #tpu.memory_space<vmem>>[vector<16xi32>, vector<16xi32>], vector<16xf32>,
            %gather3A_847 = tpu.vector_load_idx %arg7[%broadcast_in_dim3A_1, %get3A_795] : memref<1x100000xf32, #tpu.memory_space<vmem>>[vector<16xi32>, vector<16xi32>], vector<16xf32>,
            %gather3A_848 = tpu.vector_load_idx %arg7[%broadcast_in_dim3A_1, %get3A_799] : memref<1x100000xf32, #tpu.memory_space<vmem>>[vector<16xi32>, vector<16xi32>], vector<16xf32>,
            %gather3A_849 = tpu.vector_load_idx %arg7[%broadcast_in_dim3A_1, %get3A_803] : memref<1x100000xf32, #tpu.memory_space<vmem>>[vector<16xi32>, vector<16xi32>], vector<16xf32>,
            %gather3A_850 = tpu.vector_load_idx %arg7[%broadcast_in_dim3A_1, %get3A_807] : memref<1x100000xf32, #tpu.memory_space<vmem>>[vector<16xi32>, vector<16xi32>], vector<16xf32>,
            %gather3A_851 = tpu.vector_load_idx %arg7[%broadcast_in_dim3A_1, %get3A_811] : memref<1x100000xf32, #tpu.memory_space<vmem>>[vector<16xi32>, vector<16xi32>], vector<16xf32>,
            %gather3A_852 = tpu.vector_load_idx %arg7[%broadcast_in_dim3A_1, %get3A_815] : memref<1x100000xf32, #tpu.memory_space<vmem>>[vector<16xi32>, vector<16xi32>], vector<16xf32>,
            %gather3A_853 = tpu.vector_load_idx %arg7[%broadcast_in_dim3A_1, %get3A_819] : memref<1x100000xf32, #tpu.memory_space<vmem>>[vector<16xi32>, vector<16xi32>], vector<16xf32>,
            %gather3A_854 = tpu.vector_load_idx %arg7[%broadcast_in_dim3A_1, %get3A_823] : memref<1x100000xf32, #tpu.memory_space<vmem>>[vector<16xi32>, vector<16xi32>], vector<16xf32>,
            %gather3A_855 = tpu.vector_load_idx %arg7[%broadcast_in_dim3A_1, %get3A_827] : memref<1x100000xf32, #tpu.memory_space<vmem>>[vector<16xi32>, vector<16xi32>], vector<16xf32>,
            %gather3A_856 = tpu.vector_load_idx %arg7[%broadcast_in_dim3A_1, %get3A_831] : memref<1x100000xf32, #tpu.memory_space<vmem>>[vector<16xi32>, vector<16xi32>], vector<16xf32>,
            %gather3A_857 = tpu.vector_load_idx %arg7[%broadcast_in_dim3A_1, %get3A_835] : memref<1x100000xf32, #tpu.memory_space<vmem>>[vector<16xi32>, vector<16xi32>], vector<16xf32>,
            %gather3A_858 = tpu.vector_load_idx %arg7[%broadcast_in_dim3A_1, %get3A_839] : memref<1x100000xf32, #tpu.memory_space<vmem>>[vector<16xi32>, vector<16xi32>], vector<16xf32>,
            %gather3A_859 = tpu.vector_load_idx %arg7[%broadcast_in_dim3A_1, %get3A_843] : memref<1x100000xf32, #tpu.memory_space<vmem>>[vector<16xi32>, vector<16xi32>], vector<16xf32>,
            %mul3A_860 = arith.constant 16 : i32
            %mul3A_861 = arith.muli %add3A_772, %mul3A_860 : i32
            %add3A_862 = arith.constant 0 : i32
            %add3A_863 = arith.addi %mul3A_861, %add3A_862 : i32
            %jit3A_864 = arith.constant 8 : i32
            %div3A_865 = arith.divsi %add3A_863, %jit3A_864 : i32
            %sign3A_866 = arith.constant 0 : i32
            %sign3A_867 = arith.cmpi sgt, %add3A_863, %sign3A_866 : i32
            %sign3A_868 = arith.extui %sign3A_867 : i1 to i32
            %sign3A_869 = arith.constant 0 : i32
            %sign3A_870 = arith.cmpi slt, %add3A_863, %sign3A_869 : i32
            %sign3A_871 = arith.extui %sign3A_870 : i1 to i32
            %sign3A_872 = arith.subi %sign3A_868, %sign3A_871 : i32
            %sign3A_873 = arith.constant 0 : i32
            %sign3A_874 = arith.cmpi sgt, %jit3A_864, %sign3A_873 : i32
            %sign3A_875 = arith.extui %sign3A_874 : i1 to i32
            %sign3A_876 = arith.constant 0 : i32
            %sign3A_877 = arith.cmpi slt, %jit3A_864, %sign3A_876 : i32
            %sign3A_878 = arith.extui %sign3A_877 : i1 to i32
            %sign3A_879 = arith.subi %sign3A_875, %sign3A_878 : i32
            %ne3A_880 = arith.cmpi ne, %sign3A_872, %sign3A_879 : i32
            %rem3A_881 = arith.remsi %add3A_863, %jit3A_864 : i32
            %ne3A_882 = arith.constant 0 : i32
            %ne3A_883 = arith.cmpi ne, %rem3A_881, %ne3A_882 : i32
            %and3A_884 = arith.andi %ne3A_880, %ne3A_883 : i1
            %sub3A_885 = arith.constant 1 : i32
            %sub3A_886 = arith.subi %div3A_865, %sub3A_885 : i32
            %select_n3A_887 = arith.select %and3A_884, %sub3A_886, %div3A_865 : i32
            %add3A_888 = arith.addf %gather3A_844, %gather3A_762 : vector<16xf32>
            %swap3A_889 = arith.constant 0 : i32
            %swap3A_890 = arith.constant 0 : i32
            %swap3A_891 = arith.index_cast %add3A_757 : i32 to index
            %swap3A_892 = arith.index_cast %swap3A_889 : i32 to index
            %swap3A_893 = arith.index_cast %select_n3A_887 : i32 to index
            %swap3A_894 = arith.index_cast %swap3A_890 : i32 to index
            %swap3A_895 = arith.constant 0 : index
            %swap3A_896 = tpu.vector_load %arg10[%swap3A_891, %swap3A_892, %swap3A_893, %swap3A_894, %swap3A_895] {strides = array<i32>} : memref<4x1x8x1x128xf32, #tpu.memory_space<vmem>>, vector<16xf32>,
            tpu.vector_store %arg10[%swap3A_891, %swap3A_892, %swap3A_893, %swap3A_894, %swap3A_895], %add3A_888 {strides = array<i32>} : memref<4x1x8x1x128xf32, #tpu.memory_space<vmem>>, vector<16xf32>,
            %mul3A_897 = arith.constant 16 : i32
            %mul3A_898 = arith.muli %add3A_772, %mul3A_897 : i32
            %add3A_899 = arith.constant 1 : i32
            %add3A_900 = arith.addi %mul3A_898, %add3A_899 : i32
            %jit3A_901 = arith.constant 8 : i32
            %div3A_902 = arith.divsi %add3A_900, %jit3A_901 : i32
            %sign3A_903 = arith.constant 0 : i32
            %sign3A_904 = arith.cmpi sgt, %add3A_900, %sign3A_903 : i32
            %sign3A_905 = arith.extui %sign3A_904 : i1 to i32
            %sign3A_906 = arith.constant 0 : i32
            %sign3A_907 = arith.cmpi slt, %add3A_900, %sign3A_906 : i32
            %sign3A_908 = arith.extui %sign3A_907 : i1 to i32
            %sign3A_909 = arith.subi %sign3A_905, %sign3A_908 : i32
            %sign3A_910 = arith.constant 0 : i32
            %sign3A_911 = arith.cmpi sgt, %jit3A_901, %sign3A_910 : i32
            %sign3A_912 = arith.extui %sign3A_911 : i1 to i32
            %sign3A_913 = arith.constant 0 : i32
            %sign3A_914 = arith.cmpi slt, %jit3A_901, %sign3A_913 : i32
            %sign3A_915 = arith.extui %sign3A_914 : i1 to i32
            %sign3A_916 = arith.subi %sign3A_912, %sign3A_915 : i32
            %ne3A_917 = arith.cmpi ne, %sign3A_909, %sign3A_916 : i32
            %rem3A_918 = arith.remsi %add3A_900, %jit3A_901 : i32
            %ne3A_919 = arith.constant 0 : i32
            %ne3A_920 = arith.cmpi ne, %rem3A_918, %ne3A_919 : i32
            %and3A_921 = arith.andi %ne3A_917, %ne3A_920 : i1
            %sub3A_922 = arith.constant 1 : i32
            %sub3A_923 = arith.subi %div3A_902, %sub3A_922 : i32
            %select_n3A_924 = arith.select %and3A_921, %sub3A_923, %div3A_902 : i32
            %add3A_925 = arith.addf %gather3A_845, %gather3A_762 : vector<16xf32>
            %swap3A_926 = arith.constant 0 : i32
            %swap3A_927 = arith.constant 0 : i32
            %swap3A_928 = arith.index_cast %add3A_757 : i32 to index
            %swap3A_929 = arith.index_cast %swap3A_926 : i32 to index
            %swap3A_930 = arith.index_cast %select_n3A_924 : i32 to index
            %swap3A_931 = arith.index_cast %swap3A_927 : i32 to index
            %swap3A_932 = arith.constant 16 : index
            %swap3A_933 = tpu.vector_load %arg10[%swap3A_928, %swap3A_929, %swap3A_930, %swap3A_931, %swap3A_932] {strides = array<i32>} : memref<4x1x8x1x128xf32, #tpu.memory_space<vmem>>, vector<16xf32>,
            tpu.vector_store %arg10[%swap3A_928, %swap3A_929, %swap3A_930, %swap3A_931, %swap3A_932], %add3A_925 {strides = array<i32>} : memref<4x1x8x1x128xf32, #tpu.memory_space<vmem>>, vector<16xf32>,
            %mul3A_934 = arith.constant 16 : i32
            %mul3A_935 = arith.muli %add3A_772, %mul3A_934 : i32
            %add3A_936 = arith.constant 2 : i32
            %add3A_937 = arith.addi %mul3A_935, %add3A_936 : i32
            %jit3A_938 = arith.constant 8 : i32
            %div3A_939 = arith.divsi %add3A_937, %jit3A_938 : i32
            %sign3A_940 = arith.constant 0 : i32
            %sign3A_941 = arith.cmpi sgt, %add3A_937, %sign3A_940 : i32
            %sign3A_942 = arith.extui %sign3A_941 : i1 to i32
            %sign3A_943 = arith.constant 0 : i32
            %sign3A_944 = arith.cmpi slt, %add3A_937, %sign3A_943 : i32
            %sign3A_945 = arith.extui %sign3A_944 : i1 to i32
            %sign3A_946 = arith.subi %sign3A_942, %sign3A_945 : i32
            %sign3A_947 = arith.constant 0 : i32
            %sign3A_948 = arith.cmpi sgt, %jit3A_938, %sign3A_947 : i32
            %sign3A_949 = arith.extui %sign3A_948 : i1 to i32
            %sign3A_950 = arith.constant 0 : i32
            %sign3A_951 = arith.cmpi slt, %jit3A_938, %sign3A_950 : i32
            %sign3A_952 = arith.extui %sign3A_951 : i1 to i32
            %sign3A_953 = arith.subi %sign3A_949, %sign3A_952 : i32
            %ne3A_954 = arith.cmpi ne, %sign3A_946, %sign3A_953 : i32
            %rem3A_955 = arith.remsi %add3A_937, %jit3A_938 : i32
            %ne3A_956 = arith.constant 0 : i32
            %ne3A_957 = arith.cmpi ne, %rem3A_955, %ne3A_956 : i32
            %and3A_958 = arith.andi %ne3A_954, %ne3A_957 : i1
            %sub3A_959 = arith.constant 1 : i32
            %sub3A_960 = arith.subi %div3A_939, %sub3A_959 : i32
            %select_n3A_961 = arith.select %and3A_958, %sub3A_960, %div3A_939 : i32
            %add3A_962 = arith.addf %gather3A_846, %gather3A_762 : vector<16xf32>
            %swap3A_963 = arith.constant 0 : i32
            %swap3A_964 = arith.constant 0 : i32
            %swap3A_965 = arith.index_cast %add3A_757 : i32 to index
            %swap3A_966 = arith.index_cast %swap3A_963 : i32 to index
            %swap3A_967 = arith.index_cast %select_n3A_961 : i32 to index
            %swap3A_968 = arith.index_cast %swap3A_964 : i32 to index
            %swap3A_969 = arith.constant 32 : index
            %swap3A_970 = tpu.vector_load %arg10[%swap3A_965, %swap3A_966, %swap3A_967, %swap3A_968, %swap3A_969] {strides = array<i32>} : memref<4x1x8x1x128xf32, #tpu.memory_space<vmem>>, vector<16xf32>,
            tpu.vector_store %arg10[%swap3A_965, %swap3A_966, %swap3A_967, %swap3A_968, %swap3A_969], %add3A_962 {strides = array<i32>} : memref<4x1x8x1x128xf32, #tpu.memory_space<vmem>>, vector<16xf32>,
            %mul3A_971 = arith.constant 16 : i32
            %mul3A_972 = arith.muli %add3A_772, %mul3A_971 : i32
            %add3A_973 = arith.constant 3 : i32
            %add3A_974 = arith.addi %mul3A_972, %add3A_973 : i32
            %jit3A_975 = arith.constant 8 : i32
            %div3A_976 = arith.divsi %add3A_974, %jit3A_975 : i32
            %sign3A_977 = arith.constant 0 : i32
            %sign3A_978 = arith.cmpi sgt, %add3A_974, %sign3A_977 : i32
            %sign3A_979 = arith.extui %sign3A_978 : i1 to i32
            %sign3A_980 = arith.constant 0 : i32
            %sign3A_981 = arith.cmpi slt, %add3A_974, %sign3A_980 : i32
            %sign3A_982 = arith.extui %sign3A_981 : i1 to i32
            %sign3A_983 = arith.subi %sign3A_979, %sign3A_982 : i32
            %sign3A_984 = arith.constant 0 : i32
            %sign3A_985 = arith.cmpi sgt, %jit3A_975, %sign3A_984 : i32
            %sign3A_986 = arith.extui %sign3A_985 : i1 to i32
            %sign3A_987 = arith.constant 0 : i32
            %sign3A_988 = arith.cmpi slt, %jit3A_975, %sign3A_987 : i32
            %sign3A_989 = arith.extui %sign3A_988 : i1 to i32
            %sign3A_990 = arith.subi %sign3A_986, %sign3A_989 : i32
            %ne3A_991 = arith.cmpi ne, %sign3A_983, %sign3A_990 : i32
            %rem3A_992 = arith.remsi %add3A_974, %jit3A_975 : i32
            %ne3A_993 = arith.constant 0 : i32
            %ne3A_994 = arith.cmpi ne, %rem3A_992, %ne3A_993 : i32
            %and3A_995 = arith.andi %ne3A_991, %ne3A_994 : i1
            %sub3A_996 = arith.constant 1 : i32
            %sub3A_997 = arith.subi %div3A_976, %sub3A_996 : i32
            %select_n3A_998 = arith.select %and3A_995, %sub3A_997, %div3A_976 : i32
            %add3A_999 = arith.addf %gather3A_847, %gather3A_762 : vector<16xf32>
            %swap3A_1000 = arith.constant 0 : i32
            %swap3A_1001 = arith.constant 0 : i32
            %swap3A_1002 = arith.index_cast %add3A_757 : i32 to index
            %swap3A_1003 = arith.index_cast %swap3A_1000 : i32 to index
            %swap3A_1004 = arith.index_cast %select_n3A_998 : i32 to index
            %swap3A_1005 = arith.index_cast %swap3A_1001 : i32 to index
            %swap3A_1006 = arith.constant 48 : index
            %swap3A_1007 = tpu.vector_load %arg10[%swap3A_1002, %swap3A_1003, %swap3A_1004, %swap3A_1005, %swap3A_1006] {strides = array<i32>} : memref<4x1x8x1x128xf32, #tpu.memory_space<vmem>>, vector<16xf32>,
            tpu.vector_store %arg10[%swap3A_1002, %swap3A_1003, %swap3A_1004, %swap3A_1005, %swap3A_1006], %add3A_999 {strides = array<i32>} : memref<4x1x8x1x128xf32, #tpu.memory_space<vmem>>, vector<16xf32>,
            %mul3A_1008 = arith.constant 16 : i32
            %mul3A_1009 = arith.muli %add3A_772, %mul3A_1008 : i32
            %add3A_1010 = arith.constant 4 : i32
            %add3A_1011 = arith.addi %mul3A_1009, %add3A_1010 : i32
            %jit3A_1012 = arith.constant 8 : i32
            %div3A_1013 = arith.divsi %add3A_1011, %jit3A_1012 : i32
            %sign3A_1014 = arith.constant 0 : i32
            %sign3A_1015 = arith.cmpi sgt, %add3A_1011, %sign3A_1014 : i32
            %sign3A_1016 = arith.extui %sign3A_1015 : i1 to i32
            %sign3A_1017 = arith.constant 0 : i32
            %sign3A_1018 = arith.cmpi slt, %add3A_1011, %sign3A_1017 : i32
            %sign3A_1019 = arith.extui %sign3A_1018 : i1 to i32
            %sign3A_1020 = arith.subi %sign3A_1016, %sign3A_1019 : i32
            %sign3A_1021 = arith.constant 0 : i32
            %sign3A_1022 = arith.cmpi sgt, %jit3A_1012, %sign3A_1021 : i32
            %sign3A_1023 = arith.extui %sign3A_1022 : i1 to i32
            %sign3A_1024 = arith.constant 0 : i32
            %sign3A_1025 = arith.cmpi slt, %jit3A_1012, %sign3A_1024 : i32
            %sign3A_1026 = arith.extui %sign3A_1025 : i1 to i32
            %sign3A_1027 = arith.subi %sign3A_1023, %sign3A_1026 : i32
            %ne3A_1028 = arith.cmpi ne, %sign3A_1020, %sign3A_1027 : i32
            %rem3A_1029 = arith.remsi %add3A_1011, %jit3A_1012 : i32
            %ne3A_1030 = arith.constant 0 : i32
            %ne3A_1031 = arith.cmpi ne, %rem3A_1029, %ne3A_1030 : i32
            %and3A_1032 = arith.andi %ne3A_1028, %ne3A_1031 : i1
            %sub3A_1033 = arith.constant 1 : i32
            %sub3A_1034 = arith.subi %div3A_1013, %sub3A_1033 : i32
            %select_n3A_1035 = arith.select %and3A_1032, %sub3A_1034, %div3A_1013 : i32
            %add3A_1036 = arith.addf %gather3A_848, %gather3A_762 : vector<16xf32>
            %swap3A_1037 = arith.constant 0 : i32
            %swap3A_1038 = arith.constant 0 : i32
            %swap3A_1039 = arith.index_cast %add3A_757 : i32 to index
            %swap3A_1040 = arith.index_cast %swap3A_1037 : i32 to index
            %swap3A_1041 = arith.index_cast %select_n3A_1035 : i32 to index
            %swap3A_1042 = arith.index_cast %swap3A_1038 : i32 to index
            %swap3A_1043 = arith.constant 64 : index
            %swap3A_1044 = tpu.vector_load %arg10[%swap3A_1039, %swap3A_1040, %swap3A_1041, %swap3A_1042, %swap3A_1043] {strides = array<i32>} : memref<4x1x8x1x128xf32, #tpu.memory_space<vmem>>, vector<16xf32>,
            tpu.vector_store %arg10[%swap3A_1039, %swap3A_1040, %swap3A_1041, %swap3A_1042, %swap3A_1043], %add3A_1036 {strides = array<i32>} : memref<4x1x8x1x128xf32, #tpu.memory_space<vmem>>, vector<16xf32>,
            %mul3A_1045 = arith.constant 16 : i32
            %mul3A_1046 = arith.muli %add3A_772, %mul3A_1045 : i32
            %add3A_1047 = arith.constant 5 : i32
            %add3A_1048 = arith.addi %mul3A_1046, %add3A_1047 : i32
            %jit3A_1049 = arith.constant 8 : i32
            %div3A_1050 = arith.divsi %add3A_1048, %jit3A_1049 : i32
            %sign3A_1051 = arith.constant 0 : i32
            %sign3A_1052 = arith.cmpi sgt, %add3A_1048, %sign3A_1051 : i32
            %sign3A_1053 = arith.extui %sign3A_1052 : i1 to i32
            %sign3A_1054 = arith.constant 0 : i32
            %sign3A_1055 = arith.cmpi slt, %add3A_1048, %sign3A_1054 : i32
            %sign3A_1056 = arith.extui %sign3A_1055 : i1 to i32
            %sign3A_1057 = arith.subi %sign3A_1053, %sign3A_1056 : i32
            %sign3A_1058 = arith.constant 0 : i32
            %sign3A_1059 = arith.cmpi sgt, %jit3A_1049, %sign3A_1058 : i32
            %sign3A_1060 = arith.extui %sign3A_1059 : i1 to i32
            %sign3A_1061 = arith.constant 0 : i32
            %sign3A_1062 = arith.cmpi slt, %jit3A_1049, %sign3A_1061 : i32
            %sign3A_1063 = arith.extui %sign3A_1062 : i1 to i32
            %sign3A_1064 = arith.subi %sign3A_1060, %sign3A_1063 : i32
            %ne3A_1065 = arith.cmpi ne, %sign3A_1057, %sign3A_1064 : i32
            %rem3A_1066 = arith.remsi %add3A_1048, %jit3A_1049 : i32
            %ne3A_1067 = arith.constant 0 : i32
            %ne3A_1068 = arith.cmpi ne, %rem3A_1066, %ne3A_1067 : i32
            %and3A_1069 = arith.andi %ne3A_1065, %ne3A_1068 : i1
            %sub3A_1070 = arith.constant 1 : i32
            %sub3A_1071 = arith.subi %div3A_1050, %sub3A_1070 : i32
            %select_n3A_1072 = arith.select %and3A_1069, %sub3A_1071, %div3A_1050 : i32
            %add3A_1073 = arith.addf %gather3A_849, %gather3A_762 : vector<16xf32>
            %swap3A_1074 = arith.constant 0 : i32
            %swap3A_1075 = arith.constant 0 : i32
            %swap3A_1076 = arith.index_cast %add3A_757 : i32 to index
            %swap3A_1077 = arith.index_cast %swap3A_1074 : i32 to index
            %swap3A_1078 = arith.index_cast %select_n3A_1072 : i32 to index
            %swap3A_1079 = arith.index_cast %swap3A_1075 : i32 to index
            %swap3A_1080 = arith.constant 80 : index
            %swap3A_1081 = tpu.vector_load %arg10[%swap3A_1076, %swap3A_1077, %swap3A_1078, %swap3A_1079, %swap3A_1080] {strides = array<i32>} : memref<4x1x8x1x128xf32, #tpu.memory_space<vmem>>, vector<16xf32>,
            tpu.vector_store %arg10[%swap3A_1076, %swap3A_1077, %swap3A_1078, %swap3A_1079, %swap3A_1080], %add3A_1073 {strides = array<i32>} : memref<4x1x8x1x128xf32, #tpu.memory_space<vmem>>, vector<16xf32>,
            %mul3A_1082 = arith.constant 16 : i32
            %mul3A_1083 = arith.muli %add3A_772, %mul3A_1082 : i32
            %add3A_1084 = arith.constant 6 : i32
            %add3A_1085 = arith.addi %mul3A_1083, %add3A_1084 : i32
            %jit3A_1086 = arith.constant 8 : i32
            %div3A_1087 = arith.divsi %add3A_1085, %jit3A_1086 : i32
            %sign3A_1088 = arith.constant 0 : i32
            %sign3A_1089 = arith.cmpi sgt, %add3A_1085, %sign3A_1088 : i32
            %sign3A_1090 = arith.extui %sign3A_1089 : i1 to i32
            %sign3A_1091 = arith.constant 0 : i32
            %sign3A_1092 = arith.cmpi slt, %add3A_1085, %sign3A_1091 : i32
            %sign3A_1093 = arith.extui %sign3A_1092 : i1 to i32
            %sign3A_1094 = arith.subi %sign3A_1090, %sign3A_1093 : i32
            %sign3A_1095 = arith.constant 0 : i32
            %sign3A_1096 = arith.cmpi sgt, %jit3A_1086, %sign3A_1095 : i32
            %sign3A_1097 = arith.extui %sign3A_1096 : i1 to i32
            %sign3A_1098 = arith.constant 0 : i32
            %sign3A_1099 = arith.cmpi slt, %jit3A_1086, %sign3A_1098 : i32
            %sign3A_1100 = arith.extui %sign3A_1099 : i1 to i32
            %sign3A_1101 = arith.subi %sign3A_1097, %sign3A_1100 : i32
            %ne3A_1102 = arith.cmpi ne, %sign3A_1094, %sign3A_1101 : i32
            %rem3A_1103 = arith.remsi %add3A_1085, %jit3A_1086 : i32
            %ne3A_1104 = arith.constant 0 : i32
            %ne3A_1105 = arith.cmpi ne, %rem3A_1103, %ne3A_1104 : i32
            %and3A_1106 = arith.andi %ne3A_1102, %ne3A_1105 : i1
            %sub3A_1107 = arith.constant 1 : i32
            %sub3A_1108 = arith.subi %div3A_1087, %sub3A_1107 : i32
            %select_n3A_1109 = arith.select %and3A_1106, %sub3A_1108, %div3A_1087 : i32
            %add3A_1110 = arith.addf %gather3A_850, %gather3A_762 : vector<16xf32>
            %swap3A_1111 = arith.constant 0 : i32
            %swap3A_1112 = arith.constant 0 : i32
            %swap3A_1113 = arith.index_cast %add3A_757 : i32 to index
            %swap3A_1114 = arith.index_cast %swap3A_1111 : i32 to index
            %swap3A_1115 = arith.index_cast %select_n3A_1109 : i32 to index
            %swap3A_1116 = arith.index_cast %swap3A_1112 : i32 to index
            %swap3A_1117 = arith.constant 96 : index
            %swap3A_1118 = tpu.vector_load %arg10[%swap3A_1113, %swap3A_1114, %swap3A_1115, %swap3A_1116, %swap3A_1117] {strides = array<i32>} : memref<4x1x8x1x128xf32, #tpu.memory_space<vmem>>, vector<16xf32>,
            tpu.vector_store %arg10[%swap3A_1113, %swap3A_1114, %swap3A_1115, %swap3A_1116, %swap3A_1117], %add3A_1110 {strides = array<i32>} : memref<4x1x8x1x128xf32, #tpu.memory_space<vmem>>, vector<16xf32>,
            %mul3A_1119 = arith.constant 16 : i32
            %mul3A_1120 = arith.muli %add3A_772, %mul3A_1119 : i32
            %add3A_1121 = arith.constant 7 : i32
            %add3A_1122 = arith.addi %mul3A_1120, %add3A_1121 : i32
            %jit3A_1123 = arith.constant 8 : i32
            %div3A_1124 = arith.divsi %add3A_1122, %jit3A_1123 : i32
            %sign3A_1125 = arith.constant 0 : i32
            %sign3A_1126 = arith.cmpi sgt, %add3A_1122, %sign3A_1125 : i32
            %sign3A_1127 = arith.extui %sign3A_1126 : i1 to i32
            %sign3A_1128 = arith.constant 0 : i32
            %sign3A_1129 = arith.cmpi slt, %add3A_1122, %sign3A_1128 : i32
            %sign3A_1130 = arith.extui %sign3A_1129 : i1 to i32
            %sign3A_1131 = arith.subi %sign3A_1127, %sign3A_1130 : i32
            %sign3A_1132 = arith.constant 0 : i32
            %sign3A_1133 = arith.cmpi sgt, %jit3A_1123, %sign3A_1132 : i32
            %sign3A_1134 = arith.extui %sign3A_1133 : i1 to i32
            %sign3A_1135 = arith.constant 0 : i32
            %sign3A_1136 = arith.cmpi slt, %jit3A_1123, %sign3A_1135 : i32
            %sign3A_1137 = arith.extui %sign3A_1136 : i1 to i32
            %sign3A_1138 = arith.subi %sign3A_1134, %sign3A_1137 : i32
            %ne3A_1139 = arith.cmpi ne, %sign3A_1131, %sign3A_1138 : i32
            %rem3A_1140 = arith.remsi %add3A_1122, %jit3A_1123 : i32
            %ne3A_1141 = arith.constant 0 : i32
            %ne3A_1142 = arith.cmpi ne, %rem3A_1140, %ne3A_1141 : i32
            %and3A_1143 = arith.andi %ne3A_1139, %ne3A_1142 : i1
            %sub3A_1144 = arith.constant 1 : i32
            %sub3A_1145 = arith.subi %div3A_1124, %sub3A_1144 : i32
            %select_n3A_1146 = arith.select %and3A_1143, %sub3A_1145, %div3A_1124 : i32
            %add3A_1147 = arith.addf %gather3A_851, %gather3A_762 : vector<16xf32>
            %swap3A_1148 = arith.constant 0 : i32
            %swap3A_1149 = arith.constant 0 : i32
            %swap3A_1150 = arith.index_cast %add3A_757 : i32 to index
            %swap3A_1151 = arith.index_cast %swap3A_1148 : i32 to index
            %swap3A_1152 = arith.index_cast %select_n3A_1146 : i32 to index
            %swap3A_1153 = arith.index_cast %swap3A_1149 : i32 to index
            %swap3A_1154 = arith.constant 112 : index
            %swap3A_1155 = tpu.vector_load %arg10[%swap3A_1150, %swap3A_1151, %swap3A_1152, %swap3A_1153, %swap3A_1154] {strides = array<i32>} : memref<4x1x8x1x128xf32, #tpu.memory_space<vmem>>, vector<16xf32>,
            tpu.vector_store %arg10[%swap3A_1150, %swap3A_1151, %swap3A_1152, %swap3A_1153, %swap3A_1154], %add3A_1147 {strides = array<i32>} : memref<4x1x8x1x128xf32, #tpu.memory_space<vmem>>, vector<16xf32>,
            %mul3A_1156 = arith.constant 16 : i32
            %mul3A_1157 = arith.muli %add3A_772, %mul3A_1156 : i32
            %add3A_1158 = arith.constant 8 : i32
            %add3A_1159 = arith.addi %mul3A_1157, %add3A_1158 : i32
            %jit3A_1160 = arith.constant 8 : i32
            %div3A_1161 = arith.divsi %add3A_1159, %jit3A_1160 : i32
            %sign3A_1162 = arith.constant 0 : i32
            %sign3A_1163 = arith.cmpi sgt, %add3A_1159, %sign3A_1162 : i32
            %sign3A_1164 = arith.extui %sign3A_1163 : i1 to i32
            %sign3A_1165 = arith.constant 0 : i32
            %sign3A_1166 = arith.cmpi slt, %add3A_1159, %sign3A_1165 : i32
            %sign3A_1167 = arith.extui %sign3A_1166 : i1 to i32
            %sign3A_1168 = arith.subi %sign3A_1164, %sign3A_1167 : i32
            %sign3A_1169 = arith.constant 0 : i32
            %sign3A_1170 = arith.cmpi sgt, %jit3A_1160, %sign3A_1169 : i32
            %sign3A_1171 = arith.extui %sign3A_1170 : i1 to i32
            %sign3A_1172 = arith.constant 0 : i32
            %sign3A_1173 = arith.cmpi slt, %jit3A_1160, %sign3A_1172 : i32
            %sign3A_1174 = arith.extui %sign3A_1173 : i1 to i32
            %sign3A_1175 = arith.subi %sign3A_1171, %sign3A_1174 : i32
            %ne3A_1176 = arith.cmpi ne, %sign3A_1168, %sign3A_1175 : i32
            %rem3A_1177 = arith.remsi %add3A_1159, %jit3A_1160 : i32
            %ne3A_1178 = arith.constant 0 : i32
            %ne3A_1179 = arith.cmpi ne, %rem3A_1177, %ne3A_1178 : i32
            %and3A_1180 = arith.andi %ne3A_1176, %ne3A_1179 : i1
            %sub3A_1181 = arith.constant 1 : i32
            %sub3A_1182 = arith.subi %div3A_1161, %sub3A_1181 : i32
            %select_n3A_1183 = arith.select %and3A_1180, %sub3A_1182, %div3A_1161 : i32
            %add3A_1184 = arith.addf %gather3A_852, %gather3A_762 : vector<16xf32>
            %swap3A_1185 = arith.constant 0 : i32
            %swap3A_1186 = arith.constant 0 : i32
            %swap3A_1187 = arith.index_cast %add3A_757 : i32 to index
            %swap3A_1188 = arith.index_cast %swap3A_1185 : i32 to index
            %swap3A_1189 = arith.index_cast %select_n3A_1183 : i32 to index
            %swap3A_1190 = arith.index_cast %swap3A_1186 : i32 to index
            %swap3A_1191 = arith.constant 0 : index
            %swap3A_1192 = tpu.vector_load %arg10[%swap3A_1187, %swap3A_1188, %swap3A_1189, %swap3A_1190, %swap3A_1191] {strides = array<i32>} : memref<4x1x8x1x128xf32, #tpu.memory_space<vmem>>, vector<16xf32>,
            tpu.vector_store %arg10[%swap3A_1187, %swap3A_1188, %swap3A_1189, %swap3A_1190, %swap3A_1191], %add3A_1184 {strides = array<i32>} : memref<4x1x8x1x128xf32, #tpu.memory_space<vmem>>, vector<16xf32>,
            %mul3A_1193 = arith.constant 16 : i32
            %mul3A_1194 = arith.muli %add3A_772, %mul3A_1193 : i32
            %add3A_1195 = arith.constant 9 : i32
            %add3A_1196 = arith.addi %mul3A_1194, %add3A_1195 : i32
            %jit3A_1197 = arith.constant 8 : i32
            %div3A_1198 = arith.divsi %add3A_1196, %jit3A_1197 : i32
            %sign3A_1199 = arith.constant 0 : i32
            %sign3A_1200 = arith.cmpi sgt, %add3A_1196, %sign3A_1199 : i32
            %sign3A_1201 = arith.extui %sign3A_1200 : i1 to i32
            %sign3A_1202 = arith.constant 0 : i32
            %sign3A_1203 = arith.cmpi slt, %add3A_1196, %sign3A_1202 : i32
            %sign3A_1204 = arith.extui %sign3A_1203 : i1 to i32
            %sign3A_1205 = arith.subi %sign3A_1201, %sign3A_1204 : i32
            %sign3A_1206 = arith.constant 0 : i32
            %sign3A_1207 = arith.cmpi sgt, %jit3A_1197, %sign3A_1206 : i32
            %sign3A_1208 = arith.extui %sign3A_1207 : i1 to i32
            %sign3A_1209 = arith.constant 0 : i32
            %sign3A_1210 = arith.cmpi slt, %jit3A_1197, %sign3A_1209 : i32
            %sign3A_1211 = arith.extui %sign3A_1210 : i1 to i32
            %sign3A_1212 = arith.subi %sign3A_1208, %sign3A_1211 : i32
            %ne3A_1213 = arith.cmpi ne, %sign3A_1205, %sign3A_1212 : i32
            %rem3A_1214 = arith.remsi %add3A_1196, %jit3A_1197 : i32
            %ne3A_1215 = arith.constant 0 : i32
            %ne3A_1216 = arith.cmpi ne, %rem3A_1214, %ne3A_1215 : i32
            %and3A_1217 = arith.andi %ne3A_1213, %ne3A_1216 : i1
            %sub3A_1218 = arith.constant 1 : i32
            %sub3A_1219 = arith.subi %div3A_1198, %sub3A_1218 : i32
            %select_n3A_1220 = arith.select %and3A_1217, %sub3A_1219, %div3A_1198 : i32
            %add3A_1221 = arith.addf %gather3A_853, %gather3A_762 : vector<16xf32>
            %swap3A_1222 = arith.constant 0 : i32
            %swap3A_1223 = arith.constant 0 : i32
            %swap3A_1224 = arith.index_cast %add3A_757 : i32 to index
            %swap3A_1225 = arith.index_cast %swap3A_1222 : i32 to index
            %swap3A_1226 = arith.index_cast %select_n3A_1220 : i32 to index
            %swap3A_1227 = arith.index_cast %swap3A_1223 : i32 to index
            %swap3A_1228 = arith.constant 16 : index
            %swap3A_1229 = tpu.vector_load %arg10[%swap3A_1224, %swap3A_1225, %swap3A_1226, %swap3A_1227, %swap3A_1228] {strides = array<i32>} : memref<4x1x8x1x128xf32, #tpu.memory_space<vmem>>, vector<16xf32>,
            tpu.vector_store %arg10[%swap3A_1224, %swap3A_1225, %swap3A_1226, %swap3A_1227, %swap3A_1228], %add3A_1221 {strides = array<i32>} : memref<4x1x8x1x128xf32, #tpu.memory_space<vmem>>, vector<16xf32>,
            %mul3A_1230 = arith.constant 16 : i32
            %mul3A_1231 = arith.muli %add3A_772, %mul3A_1230 : i32
            %add3A_1232 = arith.constant 10 : i32
            %add3A_1233 = arith.addi %mul3A_1231, %add3A_1232 : i32
            %jit3A_1234 = arith.constant 8 : i32
            %div3A_1235 = arith.divsi %add3A_1233, %jit3A_1234 : i32
            %sign3A_1236 = arith.constant 0 : i32
            %sign3A_1237 = arith.cmpi sgt, %add3A_1233, %sign3A_1236 : i32
            %sign3A_1238 = arith.extui %sign3A_1237 : i1 to i32
            %sign3A_1239 = arith.constant 0 : i32
            %sign3A_1240 = arith.cmpi slt, %add3A_1233, %sign3A_1239 : i32
            %sign3A_1241 = arith.extui %sign3A_1240 : i1 to i32
            %sign3A_1242 = arith.subi %sign3A_1238, %sign3A_1241 : i32
            %sign3A_1243 = arith.constant 0 : i32
            %sign3A_1244 = arith.cmpi sgt, %jit3A_1234, %sign3A_1243 : i32
            %sign3A_1245 = arith.extui %sign3A_1244 : i1 to i32
            %sign3A_1246 = arith.constant 0 : i32
            %sign3A_1247 = arith.cmpi slt, %jit3A_1234, %sign3A_1246 : i32
            %sign3A_1248 = arith.extui %sign3A_1247 : i1 to i32
            %sign3A_1249 = arith.subi %sign3A_1245, %sign3A_1248 : i32
            %ne3A_1250 = arith.cmpi ne, %sign3A_1242, %sign3A_1249 : i32
            %rem3A_1251 = arith.remsi %add3A_1233, %jit3A_1234 : i32
            %ne3A_1252 = arith.constant 0 : i32
            %ne3A_1253 = arith.cmpi ne, %rem3A_1251, %ne3A_1252 : i32
            %and3A_1254 = arith.andi %ne3A_1250, %ne3A_1253 : i1
            %sub3A_1255 = arith.constant 1 : i32
            %sub3A_1256 = arith.subi %div3A_1235, %sub3A_1255 : i32
            %select_n3A_1257 = arith.select %and3A_1254, %sub3A_1256, %div3A_1235 : i32
            %add3A_1258 = arith.addf %gather3A_854, %gather3A_762 : vector<16xf32>
            %swap3A_1259 = arith.constant 0 : i32
            %swap3A_1260 = arith.constant 0 : i32
            %swap3A_1261 = arith.index_cast %add3A_757 : i32 to index
            %swap3A_1262 = arith.index_cast %swap3A_1259 : i32 to index
            %swap3A_1263 = arith.index_cast %select_n3A_1257 : i32 to index
            %swap3A_1264 = arith.index_cast %swap3A_1260 : i32 to index
            %swap3A_1265 = arith.constant 32 : index
            %swap3A_1266 = tpu.vector_load %arg10[%swap3A_1261, %swap3A_1262, %swap3A_1263, %swap3A_1264, %swap3A_1265] {strides = array<i32>} : memref<4x1x8x1x128xf32, #tpu.memory_space<vmem>>, vector<16xf32>,
            tpu.vector_store %arg10[%swap3A_1261, %swap3A_1262, %swap3A_1263, %swap3A_1264, %swap3A_1265], %add3A_1258 {strides = array<i32>} : memref<4x1x8x1x128xf32, #tpu.memory_space<vmem>>, vector<16xf32>,
            %mul3A_1267 = arith.constant 16 : i32
            %mul3A_1268 = arith.muli %add3A_772, %mul3A_1267 : i32
            %add3A_1269 = arith.constant 11 : i32
            %add3A_1270 = arith.addi %mul3A_1268, %add3A_1269 : i32
            %jit3A_1271 = arith.constant 8 : i32
            %div3A_1272 = arith.divsi %add3A_1270, %jit3A_1271 : i32
            %sign3A_1273 = arith.constant 0 : i32
            %sign3A_1274 = arith.cmpi sgt, %add3A_1270, %sign3A_1273 : i32
            %sign3A_1275 = arith.extui %sign3A_1274 : i1 to i32
            %sign3A_1276 = arith.constant 0 : i32
            %sign3A_1277 = arith.cmpi slt, %add3A_1270, %sign3A_1276 : i32
            %sign3A_1278 = arith.extui %sign3A_1277 : i1 to i32
            %sign3A_1279 = arith.subi %sign3A_1275, %sign3A_1278 : i32
            %sign3A_1280 = arith.constant 0 : i32
            %sign3A_1281 = arith.cmpi sgt, %jit3A_1271, %sign3A_1280 : i32
            %sign3A_1282 = arith.extui %sign3A_1281 : i1 to i32
            %sign3A_1283 = arith.constant 0 : i32
            %sign3A_1284 = arith.cmpi slt, %jit3A_1271, %sign3A_1283 : i32
            %sign3A_1285 = arith.extui %sign3A_1284 : i1 to i32
            %sign3A_1286 = arith.subi %sign3A_1282, %sign3A_1285 : i32
            %ne3A_1287 = arith.cmpi ne, %sign3A_1279, %sign3A_1286 : i32
            %rem3A_1288 = arith.remsi %add3A_1270, %jit3A_1271 : i32
            %ne3A_1289 = arith.constant 0 : i32
            %ne3A_1290 = arith.cmpi ne, %rem3A_1288, %ne3A_1289 : i32
            %and3A_1291 = arith.andi %ne3A_1287, %ne3A_1290 : i1
            %sub3A_1292 = arith.constant 1 : i32
            %sub3A_1293 = arith.subi %div3A_1272, %sub3A_1292 : i32
            %select_n3A_1294 = arith.select %and3A_1291, %sub3A_1293, %div3A_1272 : i32
            %add3A_1295 = arith.addf %gather3A_855, %gather3A_762 : vector<16xf32>
            %swap3A_1296 = arith.constant 0 : i32
            %swap3A_1297 = arith.constant 0 : i32
            %swap3A_1298 = arith.index_cast %add3A_757 : i32 to index
            %swap3A_1299 = arith.index_cast %swap3A_1296 : i32 to index
            %swap3A_1300 = arith.index_cast %select_n3A_1294 : i32 to index
            %swap3A_1301 = arith.index_cast %swap3A_1297 : i32 to index
            %swap3A_1302 = arith.constant 48 : index
            %swap3A_1303 = tpu.vector_load %arg10[%swap3A_1298, %swap3A_1299, %swap3A_1300, %swap3A_1301, %swap3A_1302] {strides = array<i32>} : memref<4x1x8x1x128xf32, #tpu.memory_space<vmem>>, vector<16xf32>,
            tpu.vector_store %arg10[%swap3A_1298, %swap3A_1299, %swap3A_1300, %swap3A_1301, %swap3A_1302], %add3A_1295 {strides = array<i32>} : memref<4x1x8x1x128xf32, #tpu.memory_space<vmem>>, vector<16xf32>,
            %mul3A_1304 = arith.constant 16 : i32
            %mul3A_1305 = arith.muli %add3A_772, %mul3A_1304 : i32
            %add3A_1306 = arith.constant 12 : i32
            %add3A_1307 = arith.addi %mul3A_1305, %add3A_1306 : i32
            %jit3A_1308 = arith.constant 8 : i32
            %div3A_1309 = arith.divsi %add3A_1307, %jit3A_1308 : i32
            %sign3A_1310 = arith.constant 0 : i32
            %sign3A_1311 = arith.cmpi sgt, %add3A_1307, %sign3A_1310 : i32
            %sign3A_1312 = arith.extui %sign3A_1311 : i1 to i32
            %sign3A_1313 = arith.constant 0 : i32
            %sign3A_1314 = arith.cmpi slt, %add3A_1307, %sign3A_1313 : i32
            %sign3A_1315 = arith.extui %sign3A_1314 : i1 to i32
            %sign3A_1316 = arith.subi %sign3A_1312, %sign3A_1315 : i32
            %sign3A_1317 = arith.constant 0 : i32
            %sign3A_1318 = arith.cmpi sgt, %jit3A_1308, %sign3A_1317 : i32
            %sign3A_1319 = arith.extui %sign3A_1318 : i1 to i32
            %sign3A_1320 = arith.constant 0 : i32
            %sign3A_1321 = arith.cmpi slt, %jit3A_1308, %sign3A_1320 : i32
            %sign3A_1322 = arith.extui %sign3A_1321 : i1 to i32
            %sign3A_1323 = arith.subi %sign3A_1319, %sign3A_1322 : i32
            %ne3A_1324 = arith.cmpi ne, %sign3A_1316, %sign3A_1323 : i32
            %rem3A_1325 = arith.remsi %add3A_1307, %jit3A_1308 : i32
            %ne3A_1326 = arith.constant 0 : i32
            %ne3A_1327 = arith.cmpi ne, %rem3A_1325, %ne3A_1326 : i32
            %and3A_1328 = arith.andi %ne3A_1324, %ne3A_1327 : i1
            %sub3A_1329 = arith.constant 1 : i32
            %sub3A_1330 = arith.subi %div3A_1309, %sub3A_1329 : i32
            %select_n3A_1331 = arith.select %and3A_1328, %sub3A_1330, %div3A_1309 : i32
            %add3A_1332 = arith.addf %gather3A_856, %gather3A_762 : vector<16xf32>
            %swap3A_1333 = arith.constant 0 : i32
            %swap3A_1334 = arith.constant 0 : i32
            %swap3A_1335 = arith.index_cast %add3A_757 : i32 to index
            %swap3A_1336 = arith.index_cast %swap3A_1333 : i32 to index
            %swap3A_1337 = arith.index_cast %select_n3A_1331 : i32 to index
            %swap3A_1338 = arith.index_cast %swap3A_1334 : i32 to index
            %swap3A_1339 = arith.constant 64 : index
            %swap3A_1340 = tpu.vector_load %arg10[%swap3A_1335, %swap3A_1336, %swap3A_1337, %swap3A_1338, %swap3A_1339] {strides = array<i32>} : memref<4x1x8x1x128xf32, #tpu.memory_space<vmem>>, vector<16xf32>,
            tpu.vector_store %arg10[%swap3A_1335, %swap3A_1336, %swap3A_1337, %swap3A_1338, %swap3A_1339], %add3A_1332 {strides = array<i32>} : memref<4x1x8x1x128xf32, #tpu.memory_space<vmem>>, vector<16xf32>,
            %mul3A_1341 = arith.constant 16 : i32
            %mul3A_1342 = arith.muli %add3A_772, %mul3A_1341 : i32
            %add3A_1343 = arith.constant 13 : i32
            %add3A_1344 = arith.addi %mul3A_1342, %add3A_1343 : i32
            %jit3A_1345 = arith.constant 8 : i32
            %div3A_1346 = arith.divsi %add3A_1344, %jit3A_1345 : i32
            %sign3A_1347 = arith.constant 0 : i32
            %sign3A_1348 = arith.cmpi sgt, %add3A_1344, %sign3A_1347 : i32
            %sign3A_1349 = arith.extui %sign3A_1348 : i1 to i32
            %sign3A_1350 = arith.constant 0 : i32
            %sign3A_1351 = arith.cmpi slt, %add3A_1344, %sign3A_1350 : i32
            %sign3A_1352 = arith.extui %sign3A_1351 : i1 to i32
            %sign3A_1353 = arith.subi %sign3A_1349, %sign3A_1352 : i32
            %sign3A_1354 = arith.constant 0 : i32
            %sign3A_1355 = arith.cmpi sgt, %jit3A_1345, %sign3A_1354 : i32
            %sign3A_1356 = arith.extui %sign3A_1355 : i1 to i32
            %sign3A_1357 = arith.constant 0 : i32
            %sign3A_1358 = arith.cmpi slt, %jit3A_1345, %sign3A_1357 : i32
            %sign3A_1359 = arith.extui %sign3A_1358 : i1 to i32
            %sign3A_1360 = arith.subi %sign3A_1356, %sign3A_1359 : i32
            %ne3A_1361 = arith.cmpi ne, %sign3A_1353, %sign3A_1360 : i32
            %rem3A_1362 = arith.remsi %add3A_1344, %jit3A_1345 : i32
            %ne3A_1363 = arith.constant 0 : i32
            %ne3A_1364 = arith.cmpi ne, %rem3A_1362, %ne3A_1363 : i32
            %and3A_1365 = arith.andi %ne3A_1361, %ne3A_1364 : i1
            %sub3A_1366 = arith.constant 1 : i32
            %sub3A_1367 = arith.subi %div3A_1346, %sub3A_1366 : i32
            %select_n3A_1368 = arith.select %and3A_1365, %sub3A_1367, %div3A_1346 : i32
            %add3A_1369 = arith.addf %gather3A_857, %gather3A_762 : vector<16xf32>
            %swap3A_1370 = arith.constant 0 : i32
            %swap3A_1371 = arith.constant 0 : i32
            %swap3A_1372 = arith.index_cast %add3A_757 : i32 to index
            %swap3A_1373 = arith.index_cast %swap3A_1370 : i32 to index
            %swap3A_1374 = arith.index_cast %select_n3A_1368 : i32 to index
            %swap3A_1375 = arith.index_cast %swap3A_1371 : i32 to index
            %swap3A_1376 = arith.constant 80 : index
            %swap3A_1377 = tpu.vector_load %arg10[%swap3A_1372, %swap3A_1373, %swap3A_1374, %swap3A_1375, %swap3A_1376] {strides = array<i32>} : memref<4x1x8x1x128xf32, #tpu.memory_space<vmem>>, vector<16xf32>,
            tpu.vector_store %arg10[%swap3A_1372, %swap3A_1373, %swap3A_1374, %swap3A_1375, %swap3A_1376], %add3A_1369 {strides = array<i32>} : memref<4x1x8x1x128xf32, #tpu.memory_space<vmem>>, vector<16xf32>,
            %mul3A_1378 = arith.constant 16 : i32
            %mul3A_1379 = arith.muli %add3A_772, %mul3A_1378 : i32
            %add3A_1380 = arith.constant 14 : i32
            %add3A_1381 = arith.addi %mul3A_1379, %add3A_1380 : i32
            %jit3A_1382 = arith.constant 8 : i32
            %div3A_1383 = arith.divsi %add3A_1381, %jit3A_1382 : i32
            %sign3A_1384 = arith.constant 0 : i32
            %sign3A_1385 = arith.cmpi sgt, %add3A_1381, %sign3A_1384 : i32
            %sign3A_1386 = arith.extui %sign3A_1385 : i1 to i32
            %sign3A_1387 = arith.constant 0 : i32
            %sign3A_1388 = arith.cmpi slt, %add3A_1381, %sign3A_1387 : i32
            %sign3A_1389 = arith.extui %sign3A_1388 : i1 to i32
            %sign3A_1390 = arith.subi %sign3A_1386, %sign3A_1389 : i32
            %sign3A_1391 = arith.constant 0 : i32
            %sign3A_1392 = arith.cmpi sgt, %jit3A_1382, %sign3A_1391 : i32
            %sign3A_1393 = arith.extui %sign3A_1392 : i1 to i32
            %sign3A_1394 = arith.constant 0 : i32
            %sign3A_1395 = arith.cmpi slt, %jit3A_1382, %sign3A_1394 : i32
            %sign3A_1396 = arith.extui %sign3A_1395 : i1 to i32
            %sign3A_1397 = arith.subi %sign3A_1393, %sign3A_1396 : i32
            %ne3A_1398 = arith.cmpi ne, %sign3A_1390, %sign3A_1397 : i32
            %rem3A_1399 = arith.remsi %add3A_1381, %jit3A_1382 : i32
            %ne3A_1400 = arith.constant 0 : i32
            %ne3A_1401 = arith.cmpi ne, %rem3A_1399, %ne3A_1400 : i32
            %and3A_1402 = arith.andi %ne3A_1398, %ne3A_1401 : i1
            %sub3A_1403 = arith.constant 1 : i32
            %sub3A_1404 = arith.subi %div3A_1383, %sub3A_1403 : i32
            %select_n3A_1405 = arith.select %and3A_1402, %sub3A_1404, %div3A_1383 : i32
            %add3A_1406 = arith.addf %gather3A_858, %gather3A_762 : vector<16xf32>
            %swap3A_1407 = arith.constant 0 : i32
            %swap3A_1408 = arith.constant 0 : i32
            %swap3A_1409 = arith.index_cast %add3A_757 : i32 to index
            %swap3A_1410 = arith.index_cast %swap3A_1407 : i32 to index
            %swap3A_1411 = arith.index_cast %select_n3A_1405 : i32 to index
            %swap3A_1412 = arith.index_cast %swap3A_1408 : i32 to index
            %swap3A_1413 = arith.constant 96 : index
            %swap3A_1414 = tpu.vector_load %arg10[%swap3A_1409, %swap3A_1410, %swap3A_1411, %swap3A_1412, %swap3A_1413] {strides = array<i32>} : memref<4x1x8x1x128xf32, #tpu.memory_space<vmem>>, vector<16xf32>,
            tpu.vector_store %arg10[%swap3A_1409, %swap3A_1410, %swap3A_1411, %swap3A_1412, %swap3A_1413], %add3A_1406 {strides = array<i32>} : memref<4x1x8x1x128xf32, #tpu.memory_space<vmem>>, vector<16xf32>,
            %mul3A_1415 = arith.constant 16 : i32
            %mul3A_1416 = arith.muli %add3A_772, %mul3A_1415 : i32
            %add3A_1417 = arith.constant 15 : i32
            %add3A_1418 = arith.addi %mul3A_1416, %add3A_1417 : i32
            %jit3A_1419 = arith.constant 8 : i32
            %div3A_1420 = arith.divsi %add3A_1418, %jit3A_1419 : i32
            %sign3A_1421 = arith.constant 0 : i32
            %sign3A_1422 = arith.cmpi sgt, %add3A_1418, %sign3A_1421 : i32
            %sign3A_1423 = arith.extui %sign3A_1422 : i1 to i32
            %sign3A_1424 = arith.constant 0 : i32
            %sign3A_1425 = arith.cmpi slt, %add3A_1418, %sign3A_1424 : i32
            %sign3A_1426 = arith.extui %sign3A_1425 : i1 to i32
            %sign3A_1427 = arith.subi %sign3A_1423, %sign3A_1426 : i32
            %sign3A_1428 = arith.constant 0 : i32
            %sign3A_1429 = arith.cmpi sgt, %jit3A_1419, %sign3A_1428 : i32
            %sign3A_1430 = arith.extui %sign3A_1429 : i1 to i32
            %sign3A_1431 = arith.constant 0 : i32
            %sign3A_1432 = arith.cmpi slt, %jit3A_1419, %sign3A_1431 : i32
            %sign3A_1433 = arith.extui %sign3A_1432 : i1 to i32
            %sign3A_1434 = arith.subi %sign3A_1430, %sign3A_1433 : i32
            %ne3A_1435 = arith.cmpi ne, %sign3A_1427, %sign3A_1434 : i32
            %rem3A_1436 = arith.remsi %add3A_1418, %jit3A_1419 : i32
            %ne3A_1437 = arith.constant 0 : i32
            %ne3A_1438 = arith.cmpi ne, %rem3A_1436, %ne3A_1437 : i32
            %and3A_1439 = arith.andi %ne3A_1435, %ne3A_1438 : i1
            %sub3A_1440 = arith.constant 1 : i32
            %sub3A_1441 = arith.subi %div3A_1420, %sub3A_1440 : i32
            %select_n3A_1442 = arith.select %and3A_1439, %sub3A_1441, %div3A_1420 : i32
            %add3A_1443 = arith.addf %gather3A_859, %gather3A_762 : vector<16xf32>
            %swap3A_1444 = arith.constant 0 : i32
            %swap3A_1445 = arith.constant 0 : i32
            %swap3A_1446 = arith.index_cast %add3A_757 : i32 to index
            %swap3A_1447 = arith.index_cast %swap3A_1444 : i32 to index
            %swap3A_1448 = arith.index_cast %select_n3A_1442 : i32 to index
            %swap3A_1449 = arith.index_cast %swap3A_1445 : i32 to index
            %swap3A_1450 = arith.constant 112 : index
            %swap3A_1451 = tpu.vector_load %arg10[%swap3A_1446, %swap3A_1447, %swap3A_1448, %swap3A_1449, %swap3A_1450] {strides = array<i32>} : memref<4x1x8x1x128xf32, #tpu.memory_space<vmem>>, vector<16xf32>,
            tpu.vector_store %arg10[%swap3A_1446, %swap3A_1447, %swap3A_1448, %swap3A_1449, %swap3A_1450], %add3A_1443 {strides = array<i32>} : memref<4x1x8x1x128xf32, #tpu.memory_space<vmem>>, vector<16xf32>,
          }
          %scan3A_767 = arith.constant 4 : i32
        }
        %scan3A_583 = arith.constant 4 : i32
        %mul3A_584 = arith.constant 4 : i32
        %mul3A_585 = arith.muli %add3A_524, %mul3A_584 : i32
        %jit3A_586 = arith.constant 8 : i32
        %div3A_587 = arith.divsi %add3A_15, %jit3A_586 : i32
        %sign3A_588 = arith.constant 0 : i32
        %sign3A_589 = arith.cmpi sgt, %add3A_15, %sign3A_588 : i32
        %sign3A_590 = arith.extui %sign3A_589 : i1 to i32
        %sign3A_591 = arith.constant 0 : i32
        %sign3A_592 = arith.cmpi slt, %add3A_15, %sign3A_591 : i32
        %sign3A_593 = arith.extui %sign3A_592 : i1 to i32
        %sign3A_594 = arith.subi %sign3A_590, %sign3A_593 : i32
        %sign3A_595 = arith.constant 0 : i32
        %sign3A_596 = arith.cmpi sgt, %jit3A_586, %sign3A_595 : i32
        %sign3A_597 = arith.extui %sign3A_596 : i1 to i32
        %sign3A_598 = arith.constant 0 : i32
        %sign3A_599 = arith.cmpi slt, %jit3A_586, %sign3A_598 : i32
        %sign3A_600 = arith.extui %sign3A_599 : i1 to i32
        %sign3A_601 = arith.subi %sign3A_597, %sign3A_600 : i32
        %ne3A_602 = arith.cmpi ne, %sign3A_594, %sign3A_601 : i32
        %rem3A_603 = arith.remsi %add3A_15, %jit3A_586 : i32
        %ne3A_604 = arith.constant 0 : i32
        %ne3A_605 = arith.cmpi ne, %rem3A_603, %ne3A_604 : i32
        %and3A_606 = arith.andi %ne3A_602, %ne3A_605 : i1
        %sub3A_607 = arith.constant 1 : i32
        %sub3A_608 = arith.subi %div3A_587, %sub3A_607 : i32
        %select_n3A_609 = arith.select %and3A_606, %sub3A_608, %div3A_587 : i32
        %jit3A_610 = arith.constant 8 : i32
        %eq3A_611 = arith.constant 0 : i32
        %eq3A_612 = arith.cmpi eq, %jit3A_610, %eq3A_611 : i32
        %jit3A_613 = arith.constant 1 : i32
        %select_n3A_614 = arith.select %eq3A_612, %jit3A_613, %jit3A_610 : i32
        %rem3A_615 = arith.remsi %add3A_15, %select_n3A_614 : i32
        %ne3A_616 = arith.constant 0 : i32
        %ne3A_617 = arith.cmpi ne, %rem3A_615, %ne3A_616 : i32
        %lt3A_618 = arith.constant 0 : i32
        %lt3A_619 = arith.cmpi slt, %rem3A_615, %lt3A_618 : i32
        %lt3A_620 = arith.constant 0 : i32
        %lt3A_621 = arith.cmpi slt, %select_n3A_614, %lt3A_620 : i32
        %ne3A_622 = arith.xori %lt3A_619, %lt3A_621 : i1
        %and3A_623 = arith.andi %ne3A_622, %ne3A_617 : i1
        %add3A_624 = arith.addi %rem3A_615, %select_n3A_614 : i32
        %select_n3A_625 = arith.select %and3A_623, %add3A_624, %rem3A_615 : i32
        %dma_start3A_626 = arith.constant 0 : i32
        %dma_start3A_627 = arith.constant 0 : i32
        %dma_start3A_628 = tpu.memref_slice %arg6[%mul3A_585, %select_n3A_609, %dma_start3A_626, %select_n3A_625, %dma_start3A_627] : memref<200x8x8x8x128xf32, #tpu.memory_space<hbm>> -> memref<4x1x8x1x128xf32, #tpu.memory_space<hbm>>
        %dma_start3A_629 = arith.constant 0 : i32
        %dma_start3A_630 = arith.constant 0 : i32
        %dma_start3A_631 = tpu.memref_slice %arg6[%mul3A_585, %select_n3A_609, %dma_start3A_629, %select_n3A_625, %dma_start3A_630] : memref<200x8x8x8x128xf32, #tpu.memory_space<hbm>> -> memref<4x1x8x1x128xf32, #tpu.memory_space<hbm>>
        tpu.enqueue_dma source(%arg10 : memref<4x1x8x1x128xf32, #tpu.memory_space<vmem>>) target(%dma_start3A_631 : memref<4x1x8x1x128xf32, #tpu.memory_space<hbm>>) target_semaphore(%arg18 : memref<!tpu.dma_semaphore, #tpu.memory_space<semaphore_mem>>)
        %add3A_632 = arith.constant 2 : i32
        %add3A_633 = arith.addi %add3A_524, %add3A_632 : i32
        %mul3A_634 = arith.constant 4096 : i32
        %mul3A_635 = arith.muli %add3A_633, %mul3A_634 : i32
        %dma_start3A_636 = tpu.memref_slice %arg15[%mul3A_635] : memref<204800xi32, #tpu.memory_space<vmem_shared>> -> memref<4096xi32, #tpu.memory_space<vmem_shared>>
        %dma_start3A_637 = tpu.memref_slice %arg15[%mul3A_635] : memref<204800xi32, #tpu.memory_space<vmem_shared>> -> memref<4096xi32, #tpu.memory_space<vmem_shared>>
        tpu.enqueue_dma source(%dma_start3A_637 : memref<4096xi32, #tpu.memory_space<vmem_shared>>) target(%arg8 : memref<4096xi32, #tpu.memory_space<vmem>>) target_semaphore(%arg16 : memref<!tpu.dma_semaphore, #tpu.memory_space<semaphore_mem>>)
        %add3A_638 = arith.constant 1 : i32
        %add3A_639 = arith.addi %add3A_524, %add3A_638 : i32
        %mul3A_640 = arith.constant 4096 : i32
        %mul3A_641 = arith.muli %add3A_639, %mul3A_640 : i32
        %dma_wait3A_642 = tpu.memref_slice %arg15[%mul3A_641] : memref<204800xi32, #tpu.memory_space<vmem_shared>> -> memref<4096xi32, #tpu.memory_space<vmem_shared>>
        %dma_wait3A_643 = tpu.memref_slice %arg15[%mul3A_641] : memref<204800xi32, #tpu.memory_space<vmem_shared>> -> memref<4096xi32, #tpu.memory_space<vmem_shared>>
        tpu.wait_dma2 semaphore(%arg17 : memref<!tpu.dma_semaphore, #tpu.memory_space<semaphore_mem>>) src(%dma_wait3A_643 : memref<4096xi32, #tpu.memory_space<vmem_shared>>) dst(%arg9 : memref<4096xi32, #tpu.memory_space<vmem>>)
        %sub3A_644 = arith.constant 2 : i32
        %sub3A_645 = arith.subi %add3A_639, %sub3A_644 : i32
        %mul3A_646 = arith.constant 4 : i32
        %mul3A_647 = arith.muli %sub3A_645, %mul3A_646 : i32
        %jit3A_648 = arith.constant 8 : i32
        %div3A_649 = arith.divsi %add3A_15, %jit3A_648 : i32
        %sign3A_650 = arith.constant 0 : i32
        %sign3A_651 = arith.cmpi sgt, %add3A_15, %sign3A_650 : i32
        %sign3A_652 = arith.extui %sign3A_651 : i1 to i32
        %sign3A_653 = arith.constant 0 : i32
        %sign3A_654 = arith.cmpi slt, %add3A_15, %sign3A_653 : i32
        %sign3A_655 = arith.extui %sign3A_654 : i1 to i32
        %sign3A_656 = arith.subi %sign3A_652, %sign3A_655 : i32
        %sign3A_657 = arith.constant 0 : i32
        %sign3A_658 = arith.cmpi sgt, %jit3A_648, %sign3A_657 : i32
        %sign3A_659 = arith.extui %sign3A_658 : i1 to i32
        %sign3A_660 = arith.constant 0 : i32
        %sign3A_661 = arith.cmpi slt, %jit3A_648, %sign3A_660 : i32
        %sign3A_662 = arith.extui %sign3A_661 : i1 to i32
        %sign3A_663 = arith.subi %sign3A_659, %sign3A_662 : i32
        %ne3A_664 = arith.cmpi ne, %sign3A_656, %sign3A_663 : i32
        %rem3A_665 = arith.remsi %add3A_15, %jit3A_648 : i32
        %ne3A_666 = arith.constant 0 : i32
        %ne3A_667 = arith.cmpi ne, %rem3A_665, %ne3A_666 : i32
        %and3A_668 = arith.andi %ne3A_664, %ne3A_667 : i1
        %sub3A_669 = arith.constant 1 : i32
        %sub3A_670 = arith.subi %div3A_649, %sub3A_669 : i32
        %select_n3A_671 = arith.select %and3A_668, %sub3A_670, %div3A_649 : i32
        %jit3A_672 = arith.constant 8 : i32
        %eq3A_673 = arith.constant 0 : i32
        %eq3A_674 = arith.cmpi eq, %jit3A_672, %eq3A_673 : i32
        %jit3A_675 = arith.constant 1 : i32
        %select_n3A_676 = arith.select %eq3A_674, %jit3A_675, %jit3A_672 : i32
        %rem3A_677 = arith.remsi %add3A_15, %select_n3A_676 : i32
        %ne3A_678 = arith.constant 0 : i32
        %ne3A_679 = arith.cmpi ne, %rem3A_677, %ne3A_678 : i32
        %lt3A_680 = arith.constant 0 : i32
        %lt3A_681 = arith.cmpi slt, %rem3A_677, %lt3A_680 : i32
        %lt3A_682 = arith.constant 0 : i32
        %lt3A_683 = arith.cmpi slt, %select_n3A_676, %lt3A_682 : i32
        %ne3A_684 = arith.xori %lt3A_681, %lt3A_683 : i1
        %and3A_685 = arith.andi %ne3A_684, %ne3A_679 : i1
        %add3A_686 = arith.addi %rem3A_677, %select_n3A_676 : i32
        %select_n3A_687 = arith.select %and3A_685, %add3A_686, %rem3A_677 : i32
        %dma_wait3A_688 = arith.constant 0 : i32
        %dma_wait3A_689 = arith.constant 0 : i32
        %dma_wait3A_690 = tpu.memref_slice %arg6[%mul3A_647, %select_n3A_671, %dma_wait3A_688, %select_n3A_687, %dma_wait3A_689] : memref<200x8x8x8x128xf32, #tpu.memory_space<hbm>> -> memref<4x1x8x1x128xf32, #tpu.memory_space<hbm>>
        %dma_wait3A_691 = arith.constant 0 : i32
        %dma_wait3A_692 = arith.constant 0 : i32
        %dma_wait3A_693 = tpu.memref_slice %arg6[%mul3A_647, %select_n3A_671, %dma_wait3A_691, %select_n3A_687, %dma_wait3A_692] : memref<200x8x8x8x128xf32, #tpu.memory_space<hbm>> -> memref<4x1x8x1x128xf32, #tpu.memory_space<hbm>>
        tpu.wait_dma2 semaphore(%arg19 : memref<!tpu.dma_semaphore, #tpu.memory_space<semaphore_mem>>) src(%arg11 : memref<4x1x8x1x128xf32, #tpu.memory_space<vmem>>) dst(%dma_wait3A_693 : memref<4x1x8x1x128xf32, #tpu.memory_space<hbm>>)
        %scan3A_694 = arith.constant 0 : i32
        %scan3A_695 = arith.constant 4 : i32
        %scan3A_696 = arith.addi %scan3A_694, %scan3A_695 : i32
        %scan3A_697 = arith.constant 1 : i32
        scf.for %scan3A_753 = %scan3A_694 to %scan3A_696 step %scan3A_697  : i32 {
          %mul3A_754 = arith.constant 1 : i32
          %mul3A_755 = arith.muli %scan3A_753, %mul3A_754 : i32
          %add3A_756 = arith.constant 0 : i32
          %add3A_757 = arith.addi %add3A_756, %mul3A_755 : i32
          %mul3A_758 = arith.constant 4 : i32
          %mul3A_759 = arith.muli %add3A_639, %mul3A_758 : i32
          %add3A_760 = arith.addi %mul3A_759, %add3A_757 : i32
          %broadcast_in_dim3A_761 = vector.broadcast %add3A_760 : i32 to vector<16xi32>
          %gather3A_762 = tpu.vector_load_idx %arg13[%broadcast_in_dim3A_761] : memref<208xf32, #tpu.memory_space<vmem>>[vector<16xi32>], vector<16xf32>,
          %scan3A_763 = arith.constant 0 : i32
          %scan3A_764 = arith.constant 4 : i32
          %scan3A_765 = arith.addi %scan3A_763, %scan3A_764 : i32
          %scan3A_766 = arith.constant 1 : i32
          scf.for %scan3A_768 = %scan3A_763 to %scan3A_765 step %scan3A_766  : i32 {
            %mul3A_769 = arith.constant 1 : i32
            %mul3A_770 = arith.muli %scan3A_768, %mul3A_769 : i32
            %add3A_771 = arith.constant 0 : i32
            %add3A_772 = arith.addi %add3A_771, %mul3A_770 : i32
            %mul3A_773 = arith.constant 1024 : i32
            %mul3A_774 = arith.muli %add3A_757, %mul3A_773 : i32
            %mul3A_775 = arith.constant 16 : i32
            %mul3A_776 = arith.muli %add3A_772, %mul3A_775 : i32
            %mul3A_777 = arith.constant 16 : i32
            %mul3A_778 = arith.muli %mul3A_776, %mul3A_777 : i32
            %add3A_779 = arith.addi %mul3A_774, %mul3A_778 : i32
            %add3A_780 = arith.constant 0 : i32
            %add3A_781 = arith.addi %add3A_779, %add3A_780 : i32
            %get3A_782 = arith.index_cast %add3A_781 : i32 to index
            %get3A_783 = tpu.vector_load %arg9[%get3A_782] {strides = array<i32>} : memref<4096xi32, #tpu.memory_space<vmem>>, vector<16xi32>,
            %add3A_784 = arith.constant 16 : i32
            %add3A_785 = arith.addi %add3A_779, %add3A_784 : i32
            %get3A_786 = arith.index_cast %add3A_785 : i32 to index
            %get3A_787 = tpu.vector_load %arg9[%get3A_786] {strides = array<i32>} : memref<4096xi32, #tpu.memory_space<vmem>>, vector<16xi32>,
            %add3A_788 = arith.constant 32 : i32
            %add3A_789 = arith.addi %add3A_779, %add3A_788 : i32
            %get3A_790 = arith.index_cast %add3A_789 : i32 to index
            %get3A_791 = tpu.vector_load %arg9[%get3A_790] {strides = array<i32>} : memref<4096xi32, #tpu.memory_space<vmem>>, vector<16xi32>,
            %add3A_792 = arith.constant 48 : i32
            %add3A_793 = arith.addi %add3A_779, %add3A_792 : i32
            %get3A_794 = arith.index_cast %add3A_793 : i32 to index
            %get3A_795 = tpu.vector_load %arg9[%get3A_794] {strides = array<i32>} : memref<4096xi32, #tpu.memory_space<vmem>>, vector<16xi32>,
            %add3A_796 = arith.constant 64 : i32
            %add3A_797 = arith.addi %add3A_779, %add3A_796 : i32
            %get3A_798 = arith.index_cast %add3A_797 : i32 to index
            %get3A_799 = tpu.vector_load %arg9[%get3A_798] {strides = array<i32>} : memref<4096xi32, #tpu.memory_space<vmem>>, vector<16xi32>,
            %add3A_800 = arith.constant 80 : i32
            %add3A_801 = arith.addi %add3A_779, %add3A_800 : i32
            %get3A_802 = arith.index_cast %add3A_801 : i32 to index
            %get3A_803 = tpu.vector_load %arg9[%get3A_802] {strides = array<i32>} : memref<4096xi32, #tpu.memory_space<vmem>>, vector<16xi32>,
            %add3A_804 = arith.constant 96 : i32
            %add3A_805 = arith.addi %add3A_779, %add3A_804 : i32
            %get3A_806 = arith.index_cast %add3A_805 : i32 to index
            %get3A_807 = tpu.vector_load %arg9[%get3A_806] {strides = array<i32>} : memref<4096xi32, #tpu.memory_space<vmem>>, vector<16xi32>,
            %add3A_808 = arith.constant 112 : i32
            %add3A_809 = arith.addi %add3A_779, %add3A_808 : i32
            %get3A_810 = arith.index_cast %add3A_809 : i32 to index
            %get3A_811 = tpu.vector_load %arg9[%get3A_810] {strides = array<i32>} : memref<4096xi32, #tpu.memory_space<vmem>>, vector<16xi32>,
            %add3A_812 = arith.constant 128 : i32
            %add3A_813 = arith.addi %add3A_779, %add3A_812 : i32
            %get3A_814 = arith.index_cast %add3A_813 : i32 to index
            %get3A_815 = tpu.vector_load %arg9[%get3A_814] {strides = array<i32>} : memref<4096xi32, #tpu.memory_space<vmem>>, vector<16xi32>,
            %add3A_816 = arith.constant 144 : i32
            %add3A_817 = arith.addi %add3A_779, %add3A_816 : i32
            %get3A_818 = arith.index_cast %add3A_817 : i32 to index
            %get3A_819 = tpu.vector_load %arg9[%get3A_818] {strides = array<i32>} : memref<4096xi32, #tpu.memory_space<vmem>>, vector<16xi32>,
            %add3A_820 = arith.constant 160 : i32
            %add3A_821 = arith.addi %add3A_779, %add3A_820 : i32
            %get3A_822 = arith.index_cast %add3A_821 : i32 to index
            %get3A_823 = tpu.vector_load %arg9[%get3A_822] {strides = array<i32>} : memref<4096xi32, #tpu.memory_space<vmem>>, vector<16xi32>,
            %add3A_824 = arith.constant 176 : i32
            %add3A_825 = arith.addi %add3A_779, %add3A_824 : i32
            %get3A_826 = arith.index_cast %add3A_825 : i32 to index
            %get3A_827 = tpu.vector_load %arg9[%get3A_826] {strides = array<i32>} : memref<4096xi32, #tpu.memory_space<vmem>>, vector<16xi32>,
            %add3A_828 = arith.constant 192 : i32
            %add3A_829 = arith.addi %add3A_779, %add3A_828 : i32
            %get3A_830 = arith.index_cast %add3A_829 : i32 to index
            %get3A_831 = tpu.vector_load %arg9[%get3A_830] {strides = array<i32>} : memref<4096xi32, #tpu.memory_space<vmem>>, vector<16xi32>,
            %add3A_832 = arith.constant 208 : i32
            %add3A_833 = arith.addi %add3A_779, %add3A_832 : i32
            %get3A_834 = arith.index_cast %add3A_833 : i32 to index
            %get3A_835 = tpu.vector_load %arg9[%get3A_834] {strides = array<i32>} : memref<4096xi32, #tpu.memory_space<vmem>>, vector<16xi32>,
            %add3A_836 = arith.constant 224 : i32
            %add3A_837 = arith.addi %add3A_779, %add3A_836 : i32
            %get3A_838 = arith.index_cast %add3A_837 : i32 to index
            %get3A_839 = tpu.vector_load %arg9[%get3A_838] {strides = array<i32>} : memref<4096xi32, #tpu.memory_space<vmem>>, vector<16xi32>,
            %add3A_840 = arith.constant 240 : i32
            %add3A_841 = arith.addi %add3A_779, %add3A_840 : i32
            %get3A_842 = arith.index_cast %add3A_841 : i32 to index
            %get3A_843 = tpu.vector_load %arg9[%get3A_842] {strides = array<i32>} : memref<4096xi32, #tpu.memory_space<vmem>>, vector<16xi32>,
            %gather3A_844 = tpu.vector_load_idx %arg7[%broadcast_in_dim3A_1, %get3A_783] : memref<1x100000xf32, #tpu.memory_space<vmem>>[vector<16xi32>, vector<16xi32>], vector<16xf32>,
            %gather3A_845 = tpu.vector_load_idx %arg7[%broadcast_in_dim3A_1, %get3A_787] : memref<1x100000xf32, #tpu.memory_space<vmem>>[vector<16xi32>, vector<16xi32>], vector<16xf32>,
            %gather3A_846 = tpu.vector_load_idx %arg7[%broadcast_in_dim3A_1, %get3A_791] : memref<1x100000xf32, #tpu.memory_space<vmem>>[vector<16xi32>, vector<16xi32>], vector<16xf32>,
            %gather3A_847 = tpu.vector_load_idx %arg7[%broadcast_in_dim3A_1, %get3A_795] : memref<1x100000xf32, #tpu.memory_space<vmem>>[vector<16xi32>, vector<16xi32>], vector<16xf32>,
            %gather3A_848 = tpu.vector_load_idx %arg7[%broadcast_in_dim3A_1, %get3A_799] : memref<1x100000xf32, #tpu.memory_space<vmem>>[vector<16xi32>, vector<16xi32>], vector<16xf32>,
            %gather3A_849 = tpu.vector_load_idx %arg7[%broadcast_in_dim3A_1, %get3A_803] : memref<1x100000xf32, #tpu.memory_space<vmem>>[vector<16xi32>, vector<16xi32>], vector<16xf32>,
            %gather3A_850 = tpu.vector_load_idx %arg7[%broadcast_in_dim3A_1, %get3A_807] : memref<1x100000xf32, #tpu.memory_space<vmem>>[vector<16xi32>, vector<16xi32>], vector<16xf32>,
            %gather3A_851 = tpu.vector_load_idx %arg7[%broadcast_in_dim3A_1, %get3A_811] : memref<1x100000xf32, #tpu.memory_space<vmem>>[vector<16xi32>, vector<16xi32>], vector<16xf32>,
            %gather3A_852 = tpu.vector_load_idx %arg7[%broadcast_in_dim3A_1, %get3A_815] : memref<1x100000xf32, #tpu.memory_space<vmem>>[vector<16xi32>, vector<16xi32>], vector<16xf32>,
            %gather3A_853 = tpu.vector_load_idx %arg7[%broadcast_in_dim3A_1, %get3A_819] : memref<1x100000xf32, #tpu.memory_space<vmem>>[vector<16xi32>, vector<16xi32>], vector<16xf32>,
            %gather3A_854 = tpu.vector_load_idx %arg7[%broadcast_in_dim3A_1, %get3A_823] : memref<1x100000xf32, #tpu.memory_space<vmem>>[vector<16xi32>, vector<16xi32>], vector<16xf32>,
            %gather3A_855 = tpu.vector_load_idx %arg7[%broadcast_in_dim3A_1, %get3A_827] : memref<1x100000xf32, #tpu.memory_space<vmem>>[vector<16xi32>, vector<16xi32>], vector<16xf32>,
            %gather3A_856 = tpu.vector_load_idx %arg7[%broadcast_in_dim3A_1, %get3A_831] : memref<1x100000xf32, #tpu.memory_space<vmem>>[vector<16xi32>, vector<16xi32>], vector<16xf32>,
            %gather3A_857 = tpu.vector_load_idx %arg7[%broadcast_in_dim3A_1, %get3A_835] : memref<1x100000xf32, #tpu.memory_space<vmem>>[vector<16xi32>, vector<16xi32>], vector<16xf32>,
            %gather3A_858 = tpu.vector_load_idx %arg7[%broadcast_in_dim3A_1, %get3A_839] : memref<1x100000xf32, #tpu.memory_space<vmem>>[vector<16xi32>, vector<16xi32>], vector<16xf32>,
            %gather3A_859 = tpu.vector_load_idx %arg7[%broadcast_in_dim3A_1, %get3A_843] : memref<1x100000xf32, #tpu.memory_space<vmem>>[vector<16xi32>, vector<16xi32>], vector<16xf32>,
            %mul3A_860 = arith.constant 16 : i32
            %mul3A_861 = arith.muli %add3A_772, %mul3A_860 : i32
            %add3A_862 = arith.constant 0 : i32
            %add3A_863 = arith.addi %mul3A_861, %add3A_862 : i32
            %jit3A_864 = arith.constant 8 : i32
            %div3A_865 = arith.divsi %add3A_863, %jit3A_864 : i32
            %sign3A_866 = arith.constant 0 : i32
            %sign3A_867 = arith.cmpi sgt, %add3A_863, %sign3A_866 : i32
            %sign3A_868 = arith.extui %sign3A_867 : i1 to i32
            %sign3A_869 = arith.constant 0 : i32
            %sign3A_870 = arith.cmpi slt, %add3A_863, %sign3A_869 : i32
            %sign3A_871 = arith.extui %sign3A_870 : i1 to i32
            %sign3A_872 = arith.subi %sign3A_868, %sign3A_871 : i32
            %sign3A_873 = arith.constant 0 : i32
            %sign3A_874 = arith.cmpi sgt, %jit3A_864, %sign3A_873 : i32
            %sign3A_875 = arith.extui %sign3A_874 : i1 to i32
            %sign3A_876 = arith.constant 0 : i32
            %sign3A_877 = arith.cmpi slt, %jit3A_864, %sign3A_876 : i32
            %sign3A_878 = arith.extui %sign3A_877 : i1 to i32
            %sign3A_879 = arith.subi %sign3A_875, %sign3A_878 : i32
            %ne3A_880 = arith.cmpi ne, %sign3A_872, %sign3A_879 : i32
            %rem3A_881 = arith.remsi %add3A_863, %jit3A_864 : i32
            %ne3A_882 = arith.constant 0 : i32
            %ne3A_883 = arith.cmpi ne, %rem3A_881, %ne3A_882 : i32
            %and3A_884 = arith.andi %ne3A_880, %ne3A_883 : i1
            %sub3A_885 = arith.constant 1 : i32
            %sub3A_886 = arith.subi %div3A_865, %sub3A_885 : i32
            %select_n3A_887 = arith.select %and3A_884, %sub3A_886, %div3A_865 : i32
            %add3A_888 = arith.addf %gather3A_844, %gather3A_762 : vector<16xf32>
            %swap3A_889 = arith.constant 0 : i32
            %swap3A_890 = arith.constant 0 : i32
            %swap3A_891 = arith.index_cast %add3A_757 : i32 to index
            %swap3A_892 = arith.index_cast %swap3A_889 : i32 to index
            %swap3A_893 = arith.index_cast %select_n3A_887 : i32 to index
            %swap3A_894 = arith.index_cast %swap3A_890 : i32 to index
            %swap3A_895 = arith.constant 0 : index
            %swap3A_896 = tpu.vector_load %arg11[%swap3A_891, %swap3A_892, %swap3A_893, %swap3A_894, %swap3A_895] {strides = array<i32>} : memref<4x1x8x1x128xf32, #tpu.memory_space<vmem>>, vector<16xf32>,
            tpu.vector_store %arg11[%swap3A_891, %swap3A_892, %swap3A_893, %swap3A_894, %swap3A_895], %add3A_888 {strides = array<i32>} : memref<4x1x8x1x128xf32, #tpu.memory_space<vmem>>, vector<16xf32>,
            %mul3A_897 = arith.constant 16 : i32
            %mul3A_898 = arith.muli %add3A_772, %mul3A_897 : i32
            %add3A_899 = arith.constant 1 : i32
            %add3A_900 = arith.addi %mul3A_898, %add3A_899 : i32
            %jit3A_901 = arith.constant 8 : i32
            %div3A_902 = arith.divsi %add3A_900, %jit3A_901 : i32
            %sign3A_903 = arith.constant 0 : i32
            %sign3A_904 = arith.cmpi sgt, %add3A_900, %sign3A_903 : i32
            %sign3A_905 = arith.extui %sign3A_904 : i1 to i32
            %sign3A_906 = arith.constant 0 : i32
            %sign3A_907 = arith.cmpi slt, %add3A_900, %sign3A_906 : i32
            %sign3A_908 = arith.extui %sign3A_907 : i1 to i32
            %sign3A_909 = arith.subi %sign3A_905, %sign3A_908 : i32
            %sign3A_910 = arith.constant 0 : i32
            %sign3A_911 = arith.cmpi sgt, %jit3A_901, %sign3A_910 : i32
            %sign3A_912 = arith.extui %sign3A_911 : i1 to i32
            %sign3A_913 = arith.constant 0 : i32
            %sign3A_914 = arith.cmpi slt, %jit3A_901, %sign3A_913 : i32
            %sign3A_915 = arith.extui %sign3A_914 : i1 to i32
            %sign3A_916 = arith.subi %sign3A_912, %sign3A_915 : i32
            %ne3A_917 = arith.cmpi ne, %sign3A_909, %sign3A_916 : i32
            %rem3A_918 = arith.remsi %add3A_900, %jit3A_901 : i32
            %ne3A_919 = arith.constant 0 : i32
            %ne3A_920 = arith.cmpi ne, %rem3A_918, %ne3A_919 : i32
            %and3A_921 = arith.andi %ne3A_917, %ne3A_920 : i1
            %sub3A_922 = arith.constant 1 : i32
            %sub3A_923 = arith.subi %div3A_902, %sub3A_922 : i32
            %select_n3A_924 = arith.select %and3A_921, %sub3A_923, %div3A_902 : i32
            %add3A_925 = arith.addf %gather3A_845, %gather3A_762 : vector<16xf32>
            %swap3A_926 = arith.constant 0 : i32
            %swap3A_927 = arith.constant 0 : i32
            %swap3A_928 = arith.index_cast %add3A_757 : i32 to index
            %swap3A_929 = arith.index_cast %swap3A_926 : i32 to index
            %swap3A_930 = arith.index_cast %select_n3A_924 : i32 to index
            %swap3A_931 = arith.index_cast %swap3A_927 : i32 to index
            %swap3A_932 = arith.constant 16 : index
            %swap3A_933 = tpu.vector_load %arg11[%swap3A_928, %swap3A_929, %swap3A_930, %swap3A_931, %swap3A_932] {strides = array<i32>} : memref<4x1x8x1x128xf32, #tpu.memory_space<vmem>>, vector<16xf32>,
            tpu.vector_store %arg11[%swap3A_928, %swap3A_929, %swap3A_930, %swap3A_931, %swap3A_932], %add3A_925 {strides = array<i32>} : memref<4x1x8x1x128xf32, #tpu.memory_space<vmem>>, vector<16xf32>,
            %mul3A_934 = arith.constant 16 : i32
            %mul3A_935 = arith.muli %add3A_772, %mul3A_934 : i32
            %add3A_936 = arith.constant 2 : i32
            %add3A_937 = arith.addi %mul3A_935, %add3A_936 : i32
            %jit3A_938 = arith.constant 8 : i32
            %div3A_939 = arith.divsi %add3A_937, %jit3A_938 : i32
            %sign3A_940 = arith.constant 0 : i32
            %sign3A_941 = arith.cmpi sgt, %add3A_937, %sign3A_940 : i32
            %sign3A_942 = arith.extui %sign3A_941 : i1 to i32
            %sign3A_943 = arith.constant 0 : i32
            %sign3A_944 = arith.cmpi slt, %add3A_937, %sign3A_943 : i32
            %sign3A_945 = arith.extui %sign3A_944 : i1 to i32
            %sign3A_946 = arith.subi %sign3A_942, %sign3A_945 : i32
            %sign3A_947 = arith.constant 0 : i32
            %sign3A_948 = arith.cmpi sgt, %jit3A_938, %sign3A_947 : i32
            %sign3A_949 = arith.extui %sign3A_948 : i1 to i32
            %sign3A_950 = arith.constant 0 : i32
            %sign3A_951 = arith.cmpi slt, %jit3A_938, %sign3A_950 : i32
            %sign3A_952 = arith.extui %sign3A_951 : i1 to i32
            %sign3A_953 = arith.subi %sign3A_949, %sign3A_952 : i32
            %ne3A_954 = arith.cmpi ne, %sign3A_946, %sign3A_953 : i32
            %rem3A_955 = arith.remsi %add3A_937, %jit3A_938 : i32
            %ne3A_956 = arith.constant 0 : i32
            %ne3A_957 = arith.cmpi ne, %rem3A_955, %ne3A_956 : i32
            %and3A_958 = arith.andi %ne3A_954, %ne3A_957 : i1
            %sub3A_959 = arith.constant 1 : i32
            %sub3A_960 = arith.subi %div3A_939, %sub3A_959 : i32
            %select_n3A_961 = arith.select %and3A_958, %sub3A_960, %div3A_939 : i32
            %add3A_962 = arith.addf %gather3A_846, %gather3A_762 : vector<16xf32>
            %swap3A_963 = arith.constant 0 : i32
            %swap3A_964 = arith.constant 0 : i32
            %swap3A_965 = arith.index_cast %add3A_757 : i32 to index
            %swap3A_966 = arith.index_cast %swap3A_963 : i32 to index
            %swap3A_967 = arith.index_cast %select_n3A_961 : i32 to index
            %swap3A_968 = arith.index_cast %swap3A_964 : i32 to index
            %swap3A_969 = arith.constant 32 : index
            %swap3A_970 = tpu.vector_load %arg11[%swap3A_965, %swap3A_966, %swap3A_967, %swap3A_968, %swap3A_969] {strides = array<i32>} : memref<4x1x8x1x128xf32, #tpu.memory_space<vmem>>, vector<16xf32>,
            tpu.vector_store %arg11[%swap3A_965, %swap3A_966, %swap3A_967, %swap3A_968, %swap3A_969], %add3A_962 {strides = array<i32>} : memref<4x1x8x1x128xf32, #tpu.memory_space<vmem>>, vector<16xf32>,
            %mul3A_971 = arith.constant 16 : i32
            %mul3A_972 = arith.muli %add3A_772, %mul3A_971 : i32
            %add3A_973 = arith.constant 3 : i32
            %add3A_974 = arith.addi %mul3A_972, %add3A_973 : i32
            %jit3A_975 = arith.constant 8 : i32
            %div3A_976 = arith.divsi %add3A_974, %jit3A_975 : i32
            %sign3A_977 = arith.constant 0 : i32
            %sign3A_978 = arith.cmpi sgt, %add3A_974, %sign3A_977 : i32
            %sign3A_979 = arith.extui %sign3A_978 : i1 to i32
            %sign3A_980 = arith.constant 0 : i32
            %sign3A_981 = arith.cmpi slt, %add3A_974, %sign3A_980 : i32
            %sign3A_982 = arith.extui %sign3A_981 : i1 to i32
            %sign3A_983 = arith.subi %sign3A_979, %sign3A_982 : i32
            %sign3A_984 = arith.constant 0 : i32
            %sign3A_985 = arith.cmpi sgt, %jit3A_975, %sign3A_984 : i32
            %sign3A_986 = arith.extui %sign3A_985 : i1 to i32
            %sign3A_987 = arith.constant 0 : i32
            %sign3A_988 = arith.cmpi slt, %jit3A_975, %sign3A_987 : i32
            %sign3A_989 = arith.extui %sign3A_988 : i1 to i32
            %sign3A_990 = arith.subi %sign3A_986, %sign3A_989 : i32
            %ne3A_991 = arith.cmpi ne, %sign3A_983, %sign3A_990 : i32
            %rem3A_992 = arith.remsi %add3A_974, %jit3A_975 : i32
            %ne3A_993 = arith.constant 0 : i32
            %ne3A_994 = arith.cmpi ne, %rem3A_992, %ne3A_993 : i32
            %and3A_995 = arith.andi %ne3A_991, %ne3A_994 : i1
            %sub3A_996 = arith.constant 1 : i32
            %sub3A_997 = arith.subi %div3A_976, %sub3A_996 : i32
            %select_n3A_998 = arith.select %and3A_995, %sub3A_997, %div3A_976 : i32
            %add3A_999 = arith.addf %gather3A_847, %gather3A_762 : vector<16xf32>
            %swap3A_1000 = arith.constant 0 : i32
            %swap3A_1001 = arith.constant 0 : i32
            %swap3A_1002 = arith.index_cast %add3A_757 : i32 to index
            %swap3A_1003 = arith.index_cast %swap3A_1000 : i32 to index
            %swap3A_1004 = arith.index_cast %select_n3A_998 : i32 to index
            %swap3A_1005 = arith.index_cast %swap3A_1001 : i32 to index
            %swap3A_1006 = arith.constant 48 : index
            %swap3A_1007 = tpu.vector_load %arg11[%swap3A_1002, %swap3A_1003, %swap3A_1004, %swap3A_1005, %swap3A_1006] {strides = array<i32>} : memref<4x1x8x1x128xf32, #tpu.memory_space<vmem>>, vector<16xf32>,
            tpu.vector_store %arg11[%swap3A_1002, %swap3A_1003, %swap3A_1004, %swap3A_1005, %swap3A_1006], %add3A_999 {strides = array<i32>} : memref<4x1x8x1x128xf32, #tpu.memory_space<vmem>>, vector<16xf32>,
            %mul3A_1008 = arith.constant 16 : i32
            %mul3A_1009 = arith.muli %add3A_772, %mul3A_1008 : i32
            %add3A_1010 = arith.constant 4 : i32
            %add3A_1011 = arith.addi %mul3A_1009, %add3A_1010 : i32
            %jit3A_1012 = arith.constant 8 : i32
            %div3A_1013 = arith.divsi %add3A_1011, %jit3A_1012 : i32
            %sign3A_1014 = arith.constant 0 : i32
            %sign3A_1015 = arith.cmpi sgt, %add3A_1011, %sign3A_1014 : i32
            %sign3A_1016 = arith.extui %sign3A_1015 : i1 to i32
            %sign3A_1017 = arith.constant 0 : i32
            %sign3A_1018 = arith.cmpi slt, %add3A_1011, %sign3A_1017 : i32
            %sign3A_1019 = arith.extui %sign3A_1018 : i1 to i32
            %sign3A_1020 = arith.subi %sign3A_1016, %sign3A_1019 : i32
            %sign3A_1021 = arith.constant 0 : i32
            %sign3A_1022 = arith.cmpi sgt, %jit3A_1012, %sign3A_1021 : i32
            %sign3A_1023 = arith.extui %sign3A_1022 : i1 to i32
            %sign3A_1024 = arith.constant 0 : i32
            %sign3A_1025 = arith.cmpi slt, %jit3A_1012, %sign3A_1024 : i32
            %sign3A_1026 = arith.extui %sign3A_1025 : i1 to i32
            %sign3A_1027 = arith.subi %sign3A_1023, %sign3A_1026 : i32
            %ne3A_1028 = arith.cmpi ne, %sign3A_1020, %sign3A_1027 : i32
            %rem3A_1029 = arith.remsi %add3A_1011, %jit3A_1012 : i32
            %ne3A_1030 = arith.constant 0 : i32
            %ne3A_1031 = arith.cmpi ne, %rem3A_1029, %ne3A_1030 : i32
            %and3A_1032 = arith.andi %ne3A_1028, %ne3A_1031 : i1
            %sub3A_1033 = arith.constant 1 : i32
            %sub3A_1034 = arith.subi %div3A_1013, %sub3A_1033 : i32
            %select_n3A_1035 = arith.select %and3A_1032, %sub3A_1034, %div3A_1013 : i32
            %add3A_1036 = arith.addf %gather3A_848, %gather3A_762 : vector<16xf32>
            %swap3A_1037 = arith.constant 0 : i32
            %swap3A_1038 = arith.constant 0 : i32
            %swap3A_1039 = arith.index_cast %add3A_757 : i32 to index
            %swap3A_1040 = arith.index_cast %swap3A_1037 : i32 to index
            %swap3A_1041 = arith.index_cast %select_n3A_1035 : i32 to index
            %swap3A_1042 = arith.index_cast %swap3A_1038 : i32 to index
            %swap3A_1043 = arith.constant 64 : index
            %swap3A_1044 = tpu.vector_load %arg11[%swap3A_1039, %swap3A_1040, %swap3A_1041, %swap3A_1042, %swap3A_1043] {strides = array<i32>} : memref<4x1x8x1x128xf32, #tpu.memory_space<vmem>>, vector<16xf32>,
            tpu.vector_store %arg11[%swap3A_1039, %swap3A_1040, %swap3A_1041, %swap3A_1042, %swap3A_1043], %add3A_1036 {strides = array<i32>} : memref<4x1x8x1x128xf32, #tpu.memory_space<vmem>>, vector<16xf32>,
            %mul3A_1045 = arith.constant 16 : i32
            %mul3A_1046 = arith.muli %add3A_772, %mul3A_1045 : i32
            %add3A_1047 = arith.constant 5 : i32
            %add3A_1048 = arith.addi %mul3A_1046, %add3A_1047 : i32
            %jit3A_1049 = arith.constant 8 : i32
            %div3A_1050 = arith.divsi %add3A_1048, %jit3A_1049 : i32
            %sign3A_1051 = arith.constant 0 : i32
            %sign3A_1052 = arith.cmpi sgt, %add3A_1048, %sign3A_1051 : i32
            %sign3A_1053 = arith.extui %sign3A_1052 : i1 to i32
            %sign3A_1054 = arith.constant 0 : i32
            %sign3A_1055 = arith.cmpi slt, %add3A_1048, %sign3A_1054 : i32
            %sign3A_1056 = arith.extui %sign3A_1055 : i1 to i32
            %sign3A_1057 = arith.subi %sign3A_1053, %sign3A_1056 : i32
            %sign3A_1058 = arith.constant 0 : i32
            %sign3A_1059 = arith.cmpi sgt, %jit3A_1049, %sign3A_1058 : i32
            %sign3A_1060 = arith.extui %sign3A_1059 : i1 to i32
            %sign3A_1061 = arith.constant 0 : i32
            %sign3A_1062 = arith.cmpi slt, %jit3A_1049, %sign3A_1061 : i32
            %sign3A_1063 = arith.extui %sign3A_1062 : i1 to i32
            %sign3A_1064 = arith.subi %sign3A_1060, %sign3A_1063 : i32
            %ne3A_1065 = arith.cmpi ne, %sign3A_1057, %sign3A_1064 : i32
            %rem3A_1066 = arith.remsi %add3A_1048, %jit3A_1049 : i32
            %ne3A_1067 = arith.constant 0 : i32
            %ne3A_1068 = arith.cmpi ne, %rem3A_1066, %ne3A_1067 : i32
            %and3A_1069 = arith.andi %ne3A_1065, %ne3A_1068 : i1
            %sub3A_1070 = arith.constant 1 : i32
            %sub3A_1071 = arith.subi %div3A_1050, %sub3A_1070 : i32
            %select_n3A_1072 = arith.select %and3A_1069, %sub3A_1071, %div3A_1050 : i32
            %add3A_1073 = arith.addf %gather3A_849, %gather3A_762 : vector<16xf32>
            %swap3A_1074 = arith.constant 0 : i32
            %swap3A_1075 = arith.constant 0 : i32
            %swap3A_1076 = arith.index_cast %add3A_757 : i32 to index
            %swap3A_1077 = arith.index_cast %swap3A_1074 : i32 to index
            %swap3A_1078 = arith.index_cast %select_n3A_1072 : i32 to index
            %swap3A_1079 = arith.index_cast %swap3A_1075 : i32 to index
            %swap3A_1080 = arith.constant 80 : index
            %swap3A_1081 = tpu.vector_load %arg11[%swap3A_1076, %swap3A_1077, %swap3A_1078, %swap3A_1079, %swap3A_1080] {strides = array<i32>} : memref<4x1x8x1x128xf32, #tpu.memory_space<vmem>>, vector<16xf32>,
            tpu.vector_store %arg11[%swap3A_1076, %swap3A_1077, %swap3A_1078, %swap3A_1079, %swap3A_1080], %add3A_1073 {strides = array<i32>} : memref<4x1x8x1x128xf32, #tpu.memory_space<vmem>>, vector<16xf32>,
            %mul3A_1082 = arith.constant 16 : i32
            %mul3A_1083 = arith.muli %add3A_772, %mul3A_1082 : i32
            %add3A_1084 = arith.constant 6 : i32
            %add3A_1085 = arith.addi %mul3A_1083, %add3A_1084 : i32
            %jit3A_1086 = arith.constant 8 : i32
            %div3A_1087 = arith.divsi %add3A_1085, %jit3A_1086 : i32
            %sign3A_1088 = arith.constant 0 : i32
            %sign3A_1089 = arith.cmpi sgt, %add3A_1085, %sign3A_1088 : i32
            %sign3A_1090 = arith.extui %sign3A_1089 : i1 to i32
            %sign3A_1091 = arith.constant 0 : i32
            %sign3A_1092 = arith.cmpi slt, %add3A_1085, %sign3A_1091 : i32
            %sign3A_1093 = arith.extui %sign3A_1092 : i1 to i32
            %sign3A_1094 = arith.subi %sign3A_1090, %sign3A_1093 : i32
            %sign3A_1095 = arith.constant 0 : i32
            %sign3A_1096 = arith.cmpi sgt, %jit3A_1086, %sign3A_1095 : i32
            %sign3A_1097 = arith.extui %sign3A_1096 : i1 to i32
            %sign3A_1098 = arith.constant 0 : i32
            %sign3A_1099 = arith.cmpi slt, %jit3A_1086, %sign3A_1098 : i32
            %sign3A_1100 = arith.extui %sign3A_1099 : i1 to i32
            %sign3A_1101 = arith.subi %sign3A_1097, %sign3A_1100 : i32
            %ne3A_1102 = arith.cmpi ne, %sign3A_1094, %sign3A_1101 : i32
            %rem3A_1103 = arith.remsi %add3A_1085, %jit3A_1086 : i32
            %ne3A_1104 = arith.constant 0 : i32
            %ne3A_1105 = arith.cmpi ne, %rem3A_1103, %ne3A_1104 : i32
            %and3A_1106 = arith.andi %ne3A_1102, %ne3A_1105 : i1
            %sub3A_1107 = arith.constant 1 : i32
            %sub3A_1108 = arith.subi %div3A_1087, %sub3A_1107 : i32
            %select_n3A_1109 = arith.select %and3A_1106, %sub3A_1108, %div3A_1087 : i32
            %add3A_1110 = arith.addf %gather3A_850, %gather3A_762 : vector<16xf32>
            %swap3A_1111 = arith.constant 0 : i32
            %swap3A_1112 = arith.constant 0 : i32
            %swap3A_1113 = arith.index_cast %add3A_757 : i32 to index
            %swap3A_1114 = arith.index_cast %swap3A_1111 : i32 to index
            %swap3A_1115 = arith.index_cast %select_n3A_1109 : i32 to index
            %swap3A_1116 = arith.index_cast %swap3A_1112 : i32 to index
            %swap3A_1117 = arith.constant 96 : index
            %swap3A_1118 = tpu.vector_load %arg11[%swap3A_1113, %swap3A_1114, %swap3A_1115, %swap3A_1116, %swap3A_1117] {strides = array<i32>} : memref<4x1x8x1x128xf32, #tpu.memory_space<vmem>>, vector<16xf32>,
            tpu.vector_store %arg11[%swap3A_1113, %swap3A_1114, %swap3A_1115, %swap3A_1116, %swap3A_1117], %add3A_1110 {strides = array<i32>} : memref<4x1x8x1x128xf32, #tpu.memory_space<vmem>>, vector<16xf32>,
            %mul3A_1119 = arith.constant 16 : i32
            %mul3A_1120 = arith.muli %add3A_772, %mul3A_1119 : i32
            %add3A_1121 = arith.constant 7 : i32
            %add3A_1122 = arith.addi %mul3A_1120, %add3A_1121 : i32
            %jit3A_1123 = arith.constant 8 : i32
            %div3A_1124 = arith.divsi %add3A_1122, %jit3A_1123 : i32
            %sign3A_1125 = arith.constant 0 : i32
            %sign3A_1126 = arith.cmpi sgt, %add3A_1122, %sign3A_1125 : i32
            %sign3A_1127 = arith.extui %sign3A_1126 : i1 to i32
            %sign3A_1128 = arith.constant 0 : i32
            %sign3A_1129 = arith.cmpi slt, %add3A_1122, %sign3A_1128 : i32
            %sign3A_1130 = arith.extui %sign3A_1129 : i1 to i32
            %sign3A_1131 = arith.subi %sign3A_1127, %sign3A_1130 : i32
            %sign3A_1132 = arith.constant 0 : i32
            %sign3A_1133 = arith.cmpi sgt, %jit3A_1123, %sign3A_1132 : i32
            %sign3A_1134 = arith.extui %sign3A_1133 : i1 to i32
            %sign3A_1135 = arith.constant 0 : i32
            %sign3A_1136 = arith.cmpi slt, %jit3A_1123, %sign3A_1135 : i32
            %sign3A_1137 = arith.extui %sign3A_1136 : i1 to i32
            %sign3A_1138 = arith.subi %sign3A_1134, %sign3A_1137 : i32
            %ne3A_1139 = arith.cmpi ne, %sign3A_1131, %sign3A_1138 : i32
            %rem3A_1140 = arith.remsi %add3A_1122, %jit3A_1123 : i32
            %ne3A_1141 = arith.constant 0 : i32
            %ne3A_1142 = arith.cmpi ne, %rem3A_1140, %ne3A_1141 : i32
            %and3A_1143 = arith.andi %ne3A_1139, %ne3A_1142 : i1
            %sub3A_1144 = arith.constant 1 : i32
            %sub3A_1145 = arith.subi %div3A_1124, %sub3A_1144 : i32
            %select_n3A_1146 = arith.select %and3A_1143, %sub3A_1145, %div3A_1124 : i32
            %add3A_1147 = arith.addf %gather3A_851, %gather3A_762 : vector<16xf32>
            %swap3A_1148 = arith.constant 0 : i32
            %swap3A_1149 = arith.constant 0 : i32
            %swap3A_1150 = arith.index_cast %add3A_757 : i32 to index
            %swap3A_1151 = arith.index_cast %swap3A_1148 : i32 to index
            %swap3A_1152 = arith.index_cast %select_n3A_1146 : i32 to index
            %swap3A_1153 = arith.index_cast %swap3A_1149 : i32 to index
            %swap3A_1154 = arith.constant 112 : index
            %swap3A_1155 = tpu.vector_load %arg11[%swap3A_1150, %swap3A_1151, %swap3A_1152, %swap3A_1153, %swap3A_1154] {strides = array<i32>} : memref<4x1x8x1x128xf32, #tpu.memory_space<vmem>>, vector<16xf32>,
            tpu.vector_store %arg11[%swap3A_1150, %swap3A_1151, %swap3A_1152, %swap3A_1153, %swap3A_1154], %add3A_1147 {strides = array<i32>} : memref<4x1x8x1x128xf32, #tpu.memory_space<vmem>>, vector<16xf32>,
            %mul3A_1156 = arith.constant 16 : i32
            %mul3A_1157 = arith.muli %add3A_772, %mul3A_1156 : i32
            %add3A_1158 = arith.constant 8 : i32
            %add3A_1159 = arith.addi %mul3A_1157, %add3A_1158 : i32
            %jit3A_1160 = arith.constant 8 : i32
            %div3A_1161 = arith.divsi %add3A_1159, %jit3A_1160 : i32
            %sign3A_1162 = arith.constant 0 : i32
            %sign3A_1163 = arith.cmpi sgt, %add3A_1159, %sign3A_1162 : i32
            %sign3A_1164 = arith.extui %sign3A_1163 : i1 to i32
            %sign3A_1165 = arith.constant 0 : i32
            %sign3A_1166 = arith.cmpi slt, %add3A_1159, %sign3A_1165 : i32
            %sign3A_1167 = arith.extui %sign3A_1166 : i1 to i32
            %sign3A_1168 = arith.subi %sign3A_1164, %sign3A_1167 : i32
            %sign3A_1169 = arith.constant 0 : i32
            %sign3A_1170 = arith.cmpi sgt, %jit3A_1160, %sign3A_1169 : i32
            %sign3A_1171 = arith.extui %sign3A_1170 : i1 to i32
            %sign3A_1172 = arith.constant 0 : i32
            %sign3A_1173 = arith.cmpi slt, %jit3A_1160, %sign3A_1172 : i32
            %sign3A_1174 = arith.extui %sign3A_1173 : i1 to i32
            %sign3A_1175 = arith.subi %sign3A_1171, %sign3A_1174 : i32
            %ne3A_1176 = arith.cmpi ne, %sign3A_1168, %sign3A_1175 : i32
            %rem3A_1177 = arith.remsi %add3A_1159, %jit3A_1160 : i32
            %ne3A_1178 = arith.constant 0 : i32
            %ne3A_1179 = arith.cmpi ne, %rem3A_1177, %ne3A_1178 : i32
            %and3A_1180 = arith.andi %ne3A_1176, %ne3A_1179 : i1
            %sub3A_1181 = arith.constant 1 : i32
            %sub3A_1182 = arith.subi %div3A_1161, %sub3A_1181 : i32
            %select_n3A_1183 = arith.select %and3A_1180, %sub3A_1182, %div3A_1161 : i32
            %add3A_1184 = arith.addf %gather3A_852, %gather3A_762 : vector<16xf32>
            %swap3A_1185 = arith.constant 0 : i32
            %swap3A_1186 = arith.constant 0 : i32
            %swap3A_1187 = arith.index_cast %add3A_757 : i32 to index
            %swap3A_1188 = arith.index_cast %swap3A_1185 : i32 to index
            %swap3A_1189 = arith.index_cast %select_n3A_1183 : i32 to index
            %swap3A_1190 = arith.index_cast %swap3A_1186 : i32 to index
            %swap3A_1191 = arith.constant 0 : index
            %swap3A_1192 = tpu.vector_load %arg11[%swap3A_1187, %swap3A_1188, %swap3A_1189, %swap3A_1190, %swap3A_1191] {strides = array<i32>} : memref<4x1x8x1x128xf32, #tpu.memory_space<vmem>>, vector<16xf32>,
            tpu.vector_store %arg11[%swap3A_1187, %swap3A_1188, %swap3A_1189, %swap3A_1190, %swap3A_1191], %add3A_1184 {strides = array<i32>} : memref<4x1x8x1x128xf32, #tpu.memory_space<vmem>>, vector<16xf32>,
            %mul3A_1193 = arith.constant 16 : i32
            %mul3A_1194 = arith.muli %add3A_772, %mul3A_1193 : i32
            %add3A_1195 = arith.constant 9 : i32
            %add3A_1196 = arith.addi %mul3A_1194, %add3A_1195 : i32
            %jit3A_1197 = arith.constant 8 : i32
            %div3A_1198 = arith.divsi %add3A_1196, %jit3A_1197 : i32
            %sign3A_1199 = arith.constant 0 : i32
            %sign3A_1200 = arith.cmpi sgt, %add3A_1196, %sign3A_1199 : i32
            %sign3A_1201 = arith.extui %sign3A_1200 : i1 to i32
            %sign3A_1202 = arith.constant 0 : i32
            %sign3A_1203 = arith.cmpi slt, %add3A_1196, %sign3A_1202 : i32
            %sign3A_1204 = arith.extui %sign3A_1203 : i1 to i32
            %sign3A_1205 = arith.subi %sign3A_1201, %sign3A_1204 : i32
            %sign3A_1206 = arith.constant 0 : i32
            %sign3A_1207 = arith.cmpi sgt, %jit3A_1197, %sign3A_1206 : i32
            %sign3A_1208 = arith.extui %sign3A_1207 : i1 to i32
            %sign3A_1209 = arith.constant 0 : i32
            %sign3A_1210 = arith.cmpi slt, %jit3A_1197, %sign3A_1209 : i32
            %sign3A_1211 = arith.extui %sign3A_1210 : i1 to i32
            %sign3A_1212 = arith.subi %sign3A_1208, %sign3A_1211 : i32
            %ne3A_1213 = arith.cmpi ne, %sign3A_1205, %sign3A_1212 : i32
            %rem3A_1214 = arith.remsi %add3A_1196, %jit3A_1197 : i32
            %ne3A_1215 = arith.constant 0 : i32
            %ne3A_1216 = arith.cmpi ne, %rem3A_1214, %ne3A_1215 : i32
            %and3A_1217 = arith.andi %ne3A_1213, %ne3A_1216 : i1
            %sub3A_1218 = arith.constant 1 : i32
            %sub3A_1219 = arith.subi %div3A_1198, %sub3A_1218 : i32
            %select_n3A_1220 = arith.select %and3A_1217, %sub3A_1219, %div3A_1198 : i32
            %add3A_1221 = arith.addf %gather3A_853, %gather3A_762 : vector<16xf32>
            %swap3A_1222 = arith.constant 0 : i32
            %swap3A_1223 = arith.constant 0 : i32
            %swap3A_1224 = arith.index_cast %add3A_757 : i32 to index
            %swap3A_1225 = arith.index_cast %swap3A_1222 : i32 to index
            %swap3A_1226 = arith.index_cast %select_n3A_1220 : i32 to index
            %swap3A_1227 = arith.index_cast %swap3A_1223 : i32 to index
            %swap3A_1228 = arith.constant 16 : index
            %swap3A_1229 = tpu.vector_load %arg11[%swap3A_1224, %swap3A_1225, %swap3A_1226, %swap3A_1227, %swap3A_1228] {strides = array<i32>} : memref<4x1x8x1x128xf32, #tpu.memory_space<vmem>>, vector<16xf32>,
            tpu.vector_store %arg11[%swap3A_1224, %swap3A_1225, %swap3A_1226, %swap3A_1227, %swap3A_1228], %add3A_1221 {strides = array<i32>} : memref<4x1x8x1x128xf32, #tpu.memory_space<vmem>>, vector<16xf32>,
            %mul3A_1230 = arith.constant 16 : i32
            %mul3A_1231 = arith.muli %add3A_772, %mul3A_1230 : i32
            %add3A_1232 = arith.constant 10 : i32
            %add3A_1233 = arith.addi %mul3A_1231, %add3A_1232 : i32
            %jit3A_1234 = arith.constant 8 : i32
            %div3A_1235 = arith.divsi %add3A_1233, %jit3A_1234 : i32
            %sign3A_1236 = arith.constant 0 : i32
            %sign3A_1237 = arith.cmpi sgt, %add3A_1233, %sign3A_1236 : i32
            %sign3A_1238 = arith.extui %sign3A_1237 : i1 to i32
            %sign3A_1239 = arith.constant 0 : i32
            %sign3A_1240 = arith.cmpi slt, %add3A_1233, %sign3A_1239 : i32
            %sign3A_1241 = arith.extui %sign3A_1240 : i1 to i32
            %sign3A_1242 = arith.subi %sign3A_1238, %sign3A_1241 : i32
            %sign3A_1243 = arith.constant 0 : i32
            %sign3A_1244 = arith.cmpi sgt, %jit3A_1234, %sign3A_1243 : i32
            %sign3A_1245 = arith.extui %sign3A_1244 : i1 to i32
            %sign3A_1246 = arith.constant 0 : i32
            %sign3A_1247 = arith.cmpi slt, %jit3A_1234, %sign3A_1246 : i32
            %sign3A_1248 = arith.extui %sign3A_1247 : i1 to i32
            %sign3A_1249 = arith.subi %sign3A_1245, %sign3A_1248 : i32
            %ne3A_1250 = arith.cmpi ne, %sign3A_1242, %sign3A_1249 : i32
            %rem3A_1251 = arith.remsi %add3A_1233, %jit3A_1234 : i32
            %ne3A_1252 = arith.constant 0 : i32
            %ne3A_1253 = arith.cmpi ne, %rem3A_1251, %ne3A_1252 : i32
            %and3A_1254 = arith.andi %ne3A_1250, %ne3A_1253 : i1
            %sub3A_1255 = arith.constant 1 : i32
            %sub3A_1256 = arith.subi %div3A_1235, %sub3A_1255 : i32
            %select_n3A_1257 = arith.select %and3A_1254, %sub3A_1256, %div3A_1235 : i32
            %add3A_1258 = arith.addf %gather3A_854, %gather3A_762 : vector<16xf32>
            %swap3A_1259 = arith.constant 0 : i32
            %swap3A_1260 = arith.constant 0 : i32
            %swap3A_1261 = arith.index_cast %add3A_757 : i32 to index
            %swap3A_1262 = arith.index_cast %swap3A_1259 : i32 to index
            %swap3A_1263 = arith.index_cast %select_n3A_1257 : i32 to index
            %swap3A_1264 = arith.index_cast %swap3A_1260 : i32 to index
            %swap3A_1265 = arith.constant 32 : index
            %swap3A_1266 = tpu.vector_load %arg11[%swap3A_1261, %swap3A_1262, %swap3A_1263, %swap3A_1264, %swap3A_1265] {strides = array<i32>} : memref<4x1x8x1x128xf32, #tpu.memory_space<vmem>>, vector<16xf32>,
            tpu.vector_store %arg11[%swap3A_1261, %swap3A_1262, %swap3A_1263, %swap3A_1264, %swap3A_1265], %add3A_1258 {strides = array<i32>} : memref<4x1x8x1x128xf32, #tpu.memory_space<vmem>>, vector<16xf32>,
            %mul3A_1267 = arith.constant 16 : i32
            %mul3A_1268 = arith.muli %add3A_772, %mul3A_1267 : i32
            %add3A_1269 = arith.constant 11 : i32
            %add3A_1270 = arith.addi %mul3A_1268, %add3A_1269 : i32
            %jit3A_1271 = arith.constant 8 : i32
            %div3A_1272 = arith.divsi %add3A_1270, %jit3A_1271 : i32
            %sign3A_1273 = arith.constant 0 : i32
            %sign3A_1274 = arith.cmpi sgt, %add3A_1270, %sign3A_1273 : i32
            %sign3A_1275 = arith.extui %sign3A_1274 : i1 to i32
            %sign3A_1276 = arith.constant 0 : i32
            %sign3A_1277 = arith.cmpi slt, %add3A_1270, %sign3A_1276 : i32
            %sign3A_1278 = arith.extui %sign3A_1277 : i1 to i32
            %sign3A_1279 = arith.subi %sign3A_1275, %sign3A_1278 : i32
            %sign3A_1280 = arith.constant 0 : i32
            %sign3A_1281 = arith.cmpi sgt, %jit3A_1271, %sign3A_1280 : i32
            %sign3A_1282 = arith.extui %sign3A_1281 : i1 to i32
            %sign3A_1283 = arith.constant 0 : i32
            %sign3A_1284 = arith.cmpi slt, %jit3A_1271, %sign3A_1283 : i32
            %sign3A_1285 = arith.extui %sign3A_1284 : i1 to i32
            %sign3A_1286 = arith.subi %sign3A_1282, %sign3A_1285 : i32
            %ne3A_1287 = arith.cmpi ne, %sign3A_1279, %sign3A_1286 : i32
            %rem3A_1288 = arith.remsi %add3A_1270, %jit3A_1271 : i32
            %ne3A_1289 = arith.constant 0 : i32
            %ne3A_1290 = arith.cmpi ne, %rem3A_1288, %ne3A_1289 : i32
            %and3A_1291 = arith.andi %ne3A_1287, %ne3A_1290 : i1
            %sub3A_1292 = arith.constant 1 : i32
            %sub3A_1293 = arith.subi %div3A_1272, %sub3A_1292 : i32
            %select_n3A_1294 = arith.select %and3A_1291, %sub3A_1293, %div3A_1272 : i32
            %add3A_1295 = arith.addf %gather3A_855, %gather3A_762 : vector<16xf32>
            %swap3A_1296 = arith.constant 0 : i32
            %swap3A_1297 = arith.constant 0 : i32
            %swap3A_1298 = arith.index_cast %add3A_757 : i32 to index
            %swap3A_1299 = arith.index_cast %swap3A_1296 : i32 to index
            %swap3A_1300 = arith.index_cast %select_n3A_1294 : i32 to index
            %swap3A_1301 = arith.index_cast %swap3A_1297 : i32 to index
            %swap3A_1302 = arith.constant 48 : index
            %swap3A_1303 = tpu.vector_load %arg11[%swap3A_1298, %swap3A_1299, %swap3A_1300, %swap3A_1301, %swap3A_1302] {strides = array<i32>} : memref<4x1x8x1x128xf32, #tpu.memory_space<vmem>>, vector<16xf32>,
            tpu.vector_store %arg11[%swap3A_1298, %swap3A_1299, %swap3A_1300, %swap3A_1301, %swap3A_1302], %add3A_1295 {strides = array<i32>} : memref<4x1x8x1x128xf32, #tpu.memory_space<vmem>>, vector<16xf32>,
            %mul3A_1304 = arith.constant 16 : i32
            %mul3A_1305 = arith.muli %add3A_772, %mul3A_1304 : i32
            %add3A_1306 = arith.constant 12 : i32
            %add3A_1307 = arith.addi %mul3A_1305, %add3A_1306 : i32
            %jit3A_1308 = arith.constant 8 : i32
            %div3A_1309 = arith.divsi %add3A_1307, %jit3A_1308 : i32
            %sign3A_1310 = arith.constant 0 : i32
            %sign3A_1311 = arith.cmpi sgt, %add3A_1307, %sign3A_1310 : i32
            %sign3A_1312 = arith.extui %sign3A_1311 : i1 to i32
            %sign3A_1313 = arith.constant 0 : i32
            %sign3A_1314 = arith.cmpi slt, %add3A_1307, %sign3A_1313 : i32
            %sign3A_1315 = arith.extui %sign3A_1314 : i1 to i32
            %sign3A_1316 = arith.subi %sign3A_1312, %sign3A_1315 : i32
            %sign3A_1317 = arith.constant 0 : i32
            %sign3A_1318 = arith.cmpi sgt, %jit3A_1308, %sign3A_1317 : i32
            %sign3A_1319 = arith.extui %sign3A_1318 : i1 to i32
            %sign3A_1320 = arith.constant 0 : i32
            %sign3A_1321 = arith.cmpi slt, %jit3A_1308, %sign3A_1320 : i32
            %sign3A_1322 = arith.extui %sign3A_1321 : i1 to i32
            %sign3A_1323 = arith.subi %sign3A_1319, %sign3A_1322 : i32
            %ne3A_1324 = arith.cmpi ne, %sign3A_1316, %sign3A_1323 : i32
            %rem3A_1325 = arith.remsi %add3A_1307, %jit3A_1308 : i32
            %ne3A_1326 = arith.constant 0 : i32
            %ne3A_1327 = arith.cmpi ne, %rem3A_1325, %ne3A_1326 : i32
            %and3A_1328 = arith.andi %ne3A_1324, %ne3A_1327 : i1
            %sub3A_1329 = arith.constant 1 : i32
            %sub3A_1330 = arith.subi %div3A_1309, %sub3A_1329 : i32
            %select_n3A_1331 = arith.select %and3A_1328, %sub3A_1330, %div3A_1309 : i32
            %add3A_1332 = arith.addf %gather3A_856, %gather3A_762 : vector<16xf32>
            %swap3A_1333 = arith.constant 0 : i32
            %swap3A_1334 = arith.constant 0 : i32
            %swap3A_1335 = arith.index_cast %add3A_757 : i32 to index
            %swap3A_1336 = arith.index_cast %swap3A_1333 : i32 to index
            %swap3A_1337 = arith.index_cast %select_n3A_1331 : i32 to index
            %swap3A_1338 = arith.index_cast %swap3A_1334 : i32 to index
            %swap3A_1339 = arith.constant 64 : index
            %swap3A_1340 = tpu.vector_load %arg11[%swap3A_1335, %swap3A_1336, %swap3A_1337, %swap3A_1338, %swap3A_1339] {strides = array<i32>} : memref<4x1x8x1x128xf32, #tpu.memory_space<vmem>>, vector<16xf32>,
            tpu.vector_store %arg11[%swap3A_1335, %swap3A_1336, %swap3A_1337, %swap3A_1338, %swap3A_1339], %add3A_1332 {strides = array<i32>} : memref<4x1x8x1x128xf32, #tpu.memory_space<vmem>>, vector<16xf32>,
            %mul3A_1341 = arith.constant 16 : i32
            %mul3A_1342 = arith.muli %add3A_772, %mul3A_1341 : i32
            %add3A_1343 = arith.constant 13 : i32
            %add3A_1344 = arith.addi %mul3A_1342, %add3A_1343 : i32
            %jit3A_1345 = arith.constant 8 : i32
            %div3A_1346 = arith.divsi %add3A_1344, %jit3A_1345 : i32
            %sign3A_1347 = arith.constant 0 : i32
            %sign3A_1348 = arith.cmpi sgt, %add3A_1344, %sign3A_1347 : i32
            %sign3A_1349 = arith.extui %sign3A_1348 : i1 to i32
            %sign3A_1350 = arith.constant 0 : i32
            %sign3A_1351 = arith.cmpi slt, %add3A_1344, %sign3A_1350 : i32
            %sign3A_1352 = arith.extui %sign3A_1351 : i1 to i32
            %sign3A_1353 = arith.subi %sign3A_1349, %sign3A_1352 : i32
            %sign3A_1354 = arith.constant 0 : i32
            %sign3A_1355 = arith.cmpi sgt, %jit3A_1345, %sign3A_1354 : i32
            %sign3A_1356 = arith.extui %sign3A_1355 : i1 to i32
            %sign3A_1357 = arith.constant 0 : i32
            %sign3A_1358 = arith.cmpi slt, %jit3A_1345, %sign3A_1357 : i32
            %sign3A_1359 = arith.extui %sign3A_1358 : i1 to i32
            %sign3A_1360 = arith.subi %sign3A_1356, %sign3A_1359 : i32
            %ne3A_1361 = arith.cmpi ne, %sign3A_1353, %sign3A_1360 : i32
            %rem3A_1362 = arith.remsi %add3A_1344, %jit3A_1345 : i32
            %ne3A_1363 = arith.constant 0 : i32
            %ne3A_1364 = arith.cmpi ne, %rem3A_1362, %ne3A_1363 : i32
            %and3A_1365 = arith.andi %ne3A_1361, %ne3A_1364 : i1
            %sub3A_1366 = arith.constant 1 : i32
            %sub3A_1367 = arith.subi %div3A_1346, %sub3A_1366 : i32
            %select_n3A_1368 = arith.select %and3A_1365, %sub3A_1367, %div3A_1346 : i32
            %add3A_1369 = arith.addf %gather3A_857, %gather3A_762 : vector<16xf32>
            %swap3A_1370 = arith.constant 0 : i32
            %swap3A_1371 = arith.constant 0 : i32
            %swap3A_1372 = arith.index_cast %add3A_757 : i32 to index
            %swap3A_1373 = arith.index_cast %swap3A_1370 : i32 to index
            %swap3A_1374 = arith.index_cast %select_n3A_1368 : i32 to index
            %swap3A_1375 = arith.index_cast %swap3A_1371 : i32 to index
            %swap3A_1376 = arith.constant 80 : index
            %swap3A_1377 = tpu.vector_load %arg11[%swap3A_1372, %swap3A_1373, %swap3A_1374, %swap3A_1375, %swap3A_1376] {strides = array<i32>} : memref<4x1x8x1x128xf32, #tpu.memory_space<vmem>>, vector<16xf32>,
            tpu.vector_store %arg11[%swap3A_1372, %swap3A_1373, %swap3A_1374, %swap3A_1375, %swap3A_1376], %add3A_1369 {strides = array<i32>} : memref<4x1x8x1x128xf32, #tpu.memory_space<vmem>>, vector<16xf32>,
            %mul3A_1378 = arith.constant 16 : i32
            %mul3A_1379 = arith.muli %add3A_772, %mul3A_1378 : i32
            %add3A_1380 = arith.constant 14 : i32
            %add3A_1381 = arith.addi %mul3A_1379, %add3A_1380 : i32
            %jit3A_1382 = arith.constant 8 : i32
            %div3A_1383 = arith.divsi %add3A_1381, %jit3A_1382 : i32
            %sign3A_1384 = arith.constant 0 : i32
            %sign3A_1385 = arith.cmpi sgt, %add3A_1381, %sign3A_1384 : i32
            %sign3A_1386 = arith.extui %sign3A_1385 : i1 to i32
            %sign3A_1387 = arith.constant 0 : i32
            %sign3A_1388 = arith.cmpi slt, %add3A_1381, %sign3A_1387 : i32
            %sign3A_1389 = arith.extui %sign3A_1388 : i1 to i32
            %sign3A_1390 = arith.subi %sign3A_1386, %sign3A_1389 : i32
            %sign3A_1391 = arith.constant 0 : i32
            %sign3A_1392 = arith.cmpi sgt, %jit3A_1382, %sign3A_1391 : i32
            %sign3A_1393 = arith.extui %sign3A_1392 : i1 to i32
            %sign3A_1394 = arith.constant 0 : i32
            %sign3A_1395 = arith.cmpi slt, %jit3A_1382, %sign3A_1394 : i32
            %sign3A_1396 = arith.extui %sign3A_1395 : i1 to i32
            %sign3A_1397 = arith.subi %sign3A_1393, %sign3A_1396 : i32
            %ne3A_1398 = arith.cmpi ne, %sign3A_1390, %sign3A_1397 : i32
            %rem3A_1399 = arith.remsi %add3A_1381, %jit3A_1382 : i32
            %ne3A_1400 = arith.constant 0 : i32
            %ne3A_1401 = arith.cmpi ne, %rem3A_1399, %ne3A_1400 : i32
            %and3A_1402 = arith.andi %ne3A_1398, %ne3A_1401 : i1
            %sub3A_1403 = arith.constant 1 : i32
            %sub3A_1404 = arith.subi %div3A_1383, %sub3A_1403 : i32
            %select_n3A_1405 = arith.select %and3A_1402, %sub3A_1404, %div3A_1383 : i32
            %add3A_1406 = arith.addf %gather3A_858, %gather3A_762 : vector<16xf32>
            %swap3A_1407 = arith.constant 0 : i32
            %swap3A_1408 = arith.constant 0 : i32
            %swap3A_1409 = arith.index_cast %add3A_757 : i32 to index
            %swap3A_1410 = arith.index_cast %swap3A_1407 : i32 to index
            %swap3A_1411 = arith.index_cast %select_n3A_1405 : i32 to index
            %swap3A_1412 = arith.index_cast %swap3A_1408 : i32 to index
            %swap3A_1413 = arith.constant 96 : index
            %swap3A_1414 = tpu.vector_load %arg11[%swap3A_1409, %swap3A_1410, %swap3A_1411, %swap3A_1412, %swap3A_1413] {strides = array<i32>} : memref<4x1x8x1x128xf32, #tpu.memory_space<vmem>>, vector<16xf32>,
            tpu.vector_store %arg11[%swap3A_1409, %swap3A_1410, %swap3A_1411, %swap3A_1412, %swap3A_1413], %add3A_1406 {strides = array<i32>} : memref<4x1x8x1x128xf32, #tpu.memory_space<vmem>>, vector<16xf32>,
            %mul3A_1415 = arith.constant 16 : i32
            %mul3A_1416 = arith.muli %add3A_772, %mul3A_1415 : i32
            %add3A_1417 = arith.constant 15 : i32
            %add3A_1418 = arith.addi %mul3A_1416, %add3A_1417 : i32
            %jit3A_1419 = arith.constant 8 : i32
            %div3A_1420 = arith.divsi %add3A_1418, %jit3A_1419 : i32
            %sign3A_1421 = arith.constant 0 : i32
            %sign3A_1422 = arith.cmpi sgt, %add3A_1418, %sign3A_1421 : i32
            %sign3A_1423 = arith.extui %sign3A_1422 : i1 to i32
            %sign3A_1424 = arith.constant 0 : i32
            %sign3A_1425 = arith.cmpi slt, %add3A_1418, %sign3A_1424 : i32
            %sign3A_1426 = arith.extui %sign3A_1425 : i1 to i32
            %sign3A_1427 = arith.subi %sign3A_1423, %sign3A_1426 : i32
            %sign3A_1428 = arith.constant 0 : i32
            %sign3A_1429 = arith.cmpi sgt, %jit3A_1419, %sign3A_1428 : i32
            %sign3A_1430 = arith.extui %sign3A_1429 : i1 to i32
            %sign3A_1431 = arith.constant 0 : i32
            %sign3A_1432 = arith.cmpi slt, %jit3A_1419, %sign3A_1431 : i32
            %sign3A_1433 = arith.extui %sign3A_1432 : i1 to i32
            %sign3A_1434 = arith.subi %sign3A_1430, %sign3A_1433 : i32
            %ne3A_1435 = arith.cmpi ne, %sign3A_1427, %sign3A_1434 : i32
            %rem3A_1436 = arith.remsi %add3A_1418, %jit3A_1419 : i32
            %ne3A_1437 = arith.constant 0 : i32
            %ne3A_1438 = arith.cmpi ne, %rem3A_1436, %ne3A_1437 : i32
            %and3A_1439 = arith.andi %ne3A_1435, %ne3A_1438 : i1
            %sub3A_1440 = arith.constant 1 : i32
            %sub3A_1441 = arith.subi %div3A_1420, %sub3A_1440 : i32
            %select_n3A_1442 = arith.select %and3A_1439, %sub3A_1441, %div3A_1420 : i32
            %add3A_1443 = arith.addf %gather3A_859, %gather3A_762 : vector<16xf32>
            %swap3A_1444 = arith.constant 0 : i32
            %swap3A_1445 = arith.constant 0 : i32
            %swap3A_1446 = arith.index_cast %add3A_757 : i32 to index
            %swap3A_1447 = arith.index_cast %swap3A_1444 : i32 to index
            %swap3A_1448 = arith.index_cast %select_n3A_1442 : i32 to index
            %swap3A_1449 = arith.index_cast %swap3A_1445 : i32 to index
            %swap3A_1450 = arith.constant 112 : index
            %swap3A_1451 = tpu.vector_load %arg11[%swap3A_1446, %swap3A_1447, %swap3A_1448, %swap3A_1449, %swap3A_1450] {strides = array<i32>} : memref<4x1x8x1x128xf32, #tpu.memory_space<vmem>>, vector<16xf32>,
            tpu.vector_store %arg11[%swap3A_1446, %swap3A_1447, %swap3A_1448, %swap3A_1449, %swap3A_1450], %add3A_1443 {strides = array<i32>} : memref<4x1x8x1x128xf32, #tpu.memory_space<vmem>>, vector<16xf32>,
          }
          %scan3A_767 = arith.constant 4 : i32
        }
        %scan3A_698 = arith.constant 4 : i32
        %mul3A_699 = arith.constant 4 : i32
        %mul3A_700 = arith.muli %add3A_639, %mul3A_699 : i32
        %jit3A_701 = arith.constant 8 : i32
        %div3A_702 = arith.divsi %add3A_15, %jit3A_701 : i32
        %sign3A_703 = arith.constant 0 : i32
        %sign3A_704 = arith.cmpi sgt, %add3A_15, %sign3A_703 : i32
        %sign3A_705 = arith.extui %sign3A_704 : i1 to i32
        %sign3A_706 = arith.constant 0 : i32
        %sign3A_707 = arith.cmpi slt, %add3A_15, %sign3A_706 : i32
        %sign3A_708 = arith.extui %sign3A_707 : i1 to i32
        %sign3A_709 = arith.subi %sign3A_705, %sign3A_708 : i32
        %sign3A_710 = arith.constant 0 : i32
        %sign3A_711 = arith.cmpi sgt, %jit3A_701, %sign3A_710 : i32
        %sign3A_712 = arith.extui %sign3A_711 : i1 to i32
        %sign3A_713 = arith.constant 0 : i32
        %sign3A_714 = arith.cmpi slt, %jit3A_701, %sign3A_713 : i32
        %sign3A_715 = arith.extui %sign3A_714 : i1 to i32
        %sign3A_716 = arith.subi %sign3A_712, %sign3A_715 : i32
        %ne3A_717 = arith.cmpi ne, %sign3A_709, %sign3A_716 : i32
        %rem3A_718 = arith.remsi %add3A_15, %jit3A_701 : i32
        %ne3A_719 = arith.constant 0 : i32
        %ne3A_720 = arith.cmpi ne, %rem3A_718, %ne3A_719 : i32
        %and3A_721 = arith.andi %ne3A_717, %ne3A_720 : i1
        %sub3A_722 = arith.constant 1 : i32
        %sub3A_723 = arith.subi %div3A_702, %sub3A_722 : i32
        %select_n3A_724 = arith.select %and3A_721, %sub3A_723, %div3A_702 : i32
        %jit3A_725 = arith.constant 8 : i32
        %eq3A_726 = arith.constant 0 : i32
        %eq3A_727 = arith.cmpi eq, %jit3A_725, %eq3A_726 : i32
        %jit3A_728 = arith.constant 1 : i32
        %select_n3A_729 = arith.select %eq3A_727, %jit3A_728, %jit3A_725 : i32
        %rem3A_730 = arith.remsi %add3A_15, %select_n3A_729 : i32
        %ne3A_731 = arith.constant 0 : i32
        %ne3A_732 = arith.cmpi ne, %rem3A_730, %ne3A_731 : i32
        %lt3A_733 = arith.constant 0 : i32
        %lt3A_734 = arith.cmpi slt, %rem3A_730, %lt3A_733 : i32
        %lt3A_735 = arith.constant 0 : i32
        %lt3A_736 = arith.cmpi slt, %select_n3A_729, %lt3A_735 : i32
        %ne3A_737 = arith.xori %lt3A_734, %lt3A_736 : i1
        %and3A_738 = arith.andi %ne3A_737, %ne3A_732 : i1
        %add3A_739 = arith.addi %rem3A_730, %select_n3A_729 : i32
        %select_n3A_740 = arith.select %and3A_738, %add3A_739, %rem3A_730 : i32
        %dma_start3A_741 = arith.constant 0 : i32
        %dma_start3A_742 = arith.constant 0 : i32
        %dma_start3A_743 = tpu.memref_slice %arg6[%mul3A_700, %select_n3A_724, %dma_start3A_741, %select_n3A_740, %dma_start3A_742] : memref<200x8x8x8x128xf32, #tpu.memory_space<hbm>> -> memref<4x1x8x1x128xf32, #tpu.memory_space<hbm>>
        %dma_start3A_744 = arith.constant 0 : i32
        %dma_start3A_745 = arith.constant 0 : i32
        %dma_start3A_746 = tpu.memref_slice %arg6[%mul3A_700, %select_n3A_724, %dma_start3A_744, %select_n3A_740, %dma_start3A_745] : memref<200x8x8x8x128xf32, #tpu.memory_space<hbm>> -> memref<4x1x8x1x128xf32, #tpu.memory_space<hbm>>
        tpu.enqueue_dma source(%arg11 : memref<4x1x8x1x128xf32, #tpu.memory_space<vmem>>) target(%dma_start3A_746 : memref<4x1x8x1x128xf32, #tpu.memory_space<hbm>>) target_semaphore(%arg19 : memref<!tpu.dma_semaphore, #tpu.memory_space<semaphore_mem>>)
        %add3A_747 = arith.constant 2 : i32
        %add3A_748 = arith.addi %add3A_639, %add3A_747 : i32
        %mul3A_749 = arith.constant 4096 : i32
        %mul3A_750 = arith.muli %add3A_748, %mul3A_749 : i32
        %dma_start3A_751 = tpu.memref_slice %arg15[%mul3A_750] : memref<204800xi32, #tpu.memory_space<vmem_shared>> -> memref<4096xi32, #tpu.memory_space<vmem_shared>>
        %dma_start3A_752 = tpu.memref_slice %arg15[%mul3A_750] : memref<204800xi32, #tpu.memory_space<vmem_shared>> -> memref<4096xi32, #tpu.memory_space<vmem_shared>>
        tpu.enqueue_dma source(%dma_start3A_752 : memref<4096xi32, #tpu.memory_space<vmem_shared>>) target(%arg9 : memref<4096xi32, #tpu.memory_space<vmem>>) target_semaphore(%arg17 : memref<!tpu.dma_semaphore, #tpu.memory_space<semaphore_mem>>)
      }
      %scan3A_213 = arith.constant 23 : i32
      %dma_wait3A_214 = arith.constant 196608 : i32
      %dma_wait3A_215 = tpu.memref_slice %arg15[%dma_wait3A_214] : memref<204800xi32, #tpu.memory_space<vmem_shared>> -> memref<4096xi32, #tpu.memory_space<vmem_shared>>
      %dma_wait3A_216 = arith.constant 196608 : i32
      %dma_wait3A_217 = tpu.memref_slice %arg15[%dma_wait3A_216] : memref<204800xi32, #tpu.memory_space<vmem_shared>> -> memref<4096xi32, #tpu.memory_space<vmem_shared>>
      tpu.wait_dma2 semaphore(%arg16 : memref<!tpu.dma_semaphore, #tpu.memory_space<semaphore_mem>>) src(%dma_wait3A_217 : memref<4096xi32, #tpu.memory_space<vmem_shared>>) dst(%arg8 : memref<4096xi32, #tpu.memory_space<vmem>>)
      %jit3A_218 = arith.constant 8 : i32
      %div3A_219 = arith.divsi %add3A_15, %jit3A_218 : i32
      %sign3A_220 = arith.constant 0 : i32
      %sign3A_221 = arith.cmpi sgt, %add3A_15, %sign3A_220 : i32
      %sign3A_222 = arith.extui %sign3A_221 : i1 to i32
      %sign3A_223 = arith.constant 0 : i32
      %sign3A_224 = arith.cmpi slt, %add3A_15, %sign3A_223 : i32
      %sign3A_225 = arith.extui %sign3A_224 : i1 to i32
      %sign3A_226 = arith.subi %sign3A_222, %sign3A_225 : i32
      %sign3A_227 = arith.constant 0 : i32
      %sign3A_228 = arith.cmpi sgt, %jit3A_218, %sign3A_227 : i32
      %sign3A_229 = arith.extui %sign3A_228 : i1 to i32
      %sign3A_230 = arith.constant 0 : i32
      %sign3A_231 = arith.cmpi slt, %jit3A_218, %sign3A_230 : i32
      %sign3A_232 = arith.extui %sign3A_231 : i1 to i32
      %sign3A_233 = arith.subi %sign3A_229, %sign3A_232 : i32
      %ne3A_234 = arith.cmpi ne, %sign3A_226, %sign3A_233 : i32
      %rem3A_235 = arith.remsi %add3A_15, %jit3A_218 : i32
      %ne3A_236 = arith.constant 0 : i32
      %ne3A_237 = arith.cmpi ne, %rem3A_235, %ne3A_236 : i32
      %and3A_238 = arith.andi %ne3A_234, %ne3A_237 : i1
      %sub3A_239 = arith.constant 1 : i32
      %sub3A_240 = arith.subi %div3A_219, %sub3A_239 : i32
      %select_n3A_241 = arith.select %and3A_238, %sub3A_240, %div3A_219 : i32
      %jit3A_242 = arith.constant 8 : i32
      %eq3A_243 = arith.constant 0 : i32
      %eq3A_244 = arith.cmpi eq, %jit3A_242, %eq3A_243 : i32
      %jit3A_245 = arith.constant 1 : i32
      %select_n3A_246 = arith.select %eq3A_244, %jit3A_245, %jit3A_242 : i32
      %rem3A_247 = arith.remsi %add3A_15, %select_n3A_246 : i32
      %ne3A_248 = arith.constant 0 : i32
      %ne3A_249 = arith.cmpi ne, %rem3A_247, %ne3A_248 : i32
      %lt3A_250 = arith.constant 0 : i32
      %lt3A_251 = arith.cmpi slt, %rem3A_247, %lt3A_250 : i32
      %lt3A_252 = arith.constant 0 : i32
      %lt3A_253 = arith.cmpi slt, %select_n3A_246, %lt3A_252 : i32
      %ne3A_254 = arith.xori %lt3A_251, %lt3A_253 : i1
      %and3A_255 = arith.andi %ne3A_254, %ne3A_249 : i1
      %add3A_256 = arith.addi %rem3A_247, %select_n3A_246 : i32
      %select_n3A_257 = arith.select %and3A_255, %add3A_256, %rem3A_247 : i32
      %dma_wait3A_258 = arith.constant 184 : i32
      %dma_wait3A_259 = arith.constant 0 : i32
      %dma_wait3A_260 = arith.constant 0 : i32
      %dma_wait3A_261 = tpu.memref_slice %arg6[%dma_wait3A_258, %select_n3A_241, %dma_wait3A_259, %select_n3A_257, %dma_wait3A_260] : memref<200x8x8x8x128xf32, #tpu.memory_space<hbm>> -> memref<4x1x8x1x128xf32, #tpu.memory_space<hbm>>
      %dma_wait3A_262 = arith.constant 184 : i32
      %dma_wait3A_263 = arith.constant 0 : i32
      %dma_wait3A_264 = arith.constant 0 : i32
      %dma_wait3A_265 = tpu.memref_slice %arg6[%dma_wait3A_262, %select_n3A_241, %dma_wait3A_263, %select_n3A_257, %dma_wait3A_264] : memref<200x8x8x8x128xf32, #tpu.memory_space<hbm>> -> memref<4x1x8x1x128xf32, #tpu.memory_space<hbm>>
      tpu.wait_dma2 semaphore(%arg18 : memref<!tpu.dma_semaphore, #tpu.memory_space<semaphore_mem>>) src(%arg10 : memref<4x1x8x1x128xf32, #tpu.memory_space<vmem>>) dst(%dma_wait3A_265 : memref<4x1x8x1x128xf32, #tpu.memory_space<hbm>>)
      %scan3A_266 = arith.constant 0 : i32
      %scan3A_267 = arith.constant 4 : i32
      %scan3A_268 = arith.addi %scan3A_266, %scan3A_267 : i32
      %scan3A_269 = arith.constant 1 : i32
      scf.for %scan3A_520 = %scan3A_266 to %scan3A_268 step %scan3A_269  : i32 {
        %mul3A_521 = arith.constant 1 : i32
        %mul3A_522 = arith.muli %scan3A_520, %mul3A_521 : i32
        %add3A_523 = arith.constant 0 : i32
        %add3A_524 = arith.addi %add3A_523, %mul3A_522 : i32
        %add3A_525 = arith.constant 192 : i32
        %add3A_526 = arith.addi %add3A_525, %add3A_524 : i32
        %broadcast_in_dim3A_527 = vector.broadcast %add3A_526 : i32 to vector<16xi32>
        %gather3A_528 = tpu.vector_load_idx %arg13[%broadcast_in_dim3A_527] : memref<208xf32, #tpu.memory_space<vmem>>[vector<16xi32>], vector<16xf32>,
        %scan3A_529 = arith.constant 0 : i32
        %scan3A_530 = arith.constant 4 : i32
        %scan3A_531 = arith.addi %scan3A_529, %scan3A_530 : i32
        %scan3A_532 = arith.constant 1 : i32
        scf.for %scan3A_534 = %scan3A_529 to %scan3A_531 step %scan3A_532  : i32 {
          %mul3A_535 = arith.constant 1 : i32
          %mul3A_536 = arith.muli %scan3A_534, %mul3A_535 : i32
          %add3A_537 = arith.constant 0 : i32
          %add3A_538 = arith.addi %add3A_537, %mul3A_536 : i32
          %mul3A_539 = arith.constant 1024 : i32
          %mul3A_540 = arith.muli %add3A_524, %mul3A_539 : i32
          %mul3A_541 = arith.constant 16 : i32
          %mul3A_542 = arith.muli %add3A_538, %mul3A_541 : i32
          %mul3A_543 = arith.constant 16 : i32
          %mul3A_544 = arith.muli %mul3A_542, %mul3A_543 : i32
          %add3A_545 = arith.addi %mul3A_540, %mul3A_544 : i32
          %add3A_546 = arith.constant 0 : i32
          %add3A_547 = arith.addi %add3A_545, %add3A_546 : i32
          %get3A_548 = arith.index_cast %add3A_547 : i32 to index
          %get3A_549 = tpu.vector_load %arg8[%get3A_548] {strides = array<i32>} : memref<4096xi32, #tpu.memory_space<vmem>>, vector<16xi32>,
          %add3A_550 = arith.constant 16 : i32
          %add3A_551 = arith.addi %add3A_545, %add3A_550 : i32
          %get3A_552 = arith.index_cast %add3A_551 : i32 to index
          %get3A_553 = tpu.vector_load %arg8[%get3A_552] {strides = array<i32>} : memref<4096xi32, #tpu.memory_space<vmem>>, vector<16xi32>,
          %add3A_554 = arith.constant 32 : i32
          %add3A_555 = arith.addi %add3A_545, %add3A_554 : i32
          %get3A_556 = arith.index_cast %add3A_555 : i32 to index
          %get3A_557 = tpu.vector_load %arg8[%get3A_556] {strides = array<i32>} : memref<4096xi32, #tpu.memory_space<vmem>>, vector<16xi32>,
          %add3A_558 = arith.constant 48 : i32
          %add3A_559 = arith.addi %add3A_545, %add3A_558 : i32
          %get3A_560 = arith.index_cast %add3A_559 : i32 to index
          %get3A_561 = tpu.vector_load %arg8[%get3A_560] {strides = array<i32>} : memref<4096xi32, #tpu.memory_space<vmem>>, vector<16xi32>,
          %add3A_562 = arith.constant 64 : i32
          %add3A_563 = arith.addi %add3A_545, %add3A_562 : i32
          %get3A_564 = arith.index_cast %add3A_563 : i32 to index
          %get3A_565 = tpu.vector_load %arg8[%get3A_564] {strides = array<i32>} : memref<4096xi32, #tpu.memory_space<vmem>>, vector<16xi32>,
          %add3A_566 = arith.constant 80 : i32
          %add3A_567 = arith.addi %add3A_545, %add3A_566 : i32
          %get3A_568 = arith.index_cast %add3A_567 : i32 to index
          %get3A_569 = tpu.vector_load %arg8[%get3A_568] {strides = array<i32>} : memref<4096xi32, #tpu.memory_space<vmem>>, vector<16xi32>,
          %add3A_570 = arith.constant 96 : i32
          %add3A_571 = arith.addi %add3A_545, %add3A_570 : i32
          %get3A_572 = arith.index_cast %add3A_571 : i32 to index
          %get3A_573 = tpu.vector_load %arg8[%get3A_572] {strides = array<i32>} : memref<4096xi32, #tpu.memory_space<vmem>>, vector<16xi32>,
          %add3A_574 = arith.constant 112 : i32
          %add3A_575 = arith.addi %add3A_545, %add3A_574 : i32
          %get3A_576 = arith.index_cast %add3A_575 : i32 to index
          %get3A_577 = tpu.vector_load %arg8[%get3A_576] {strides = array<i32>} : memref<4096xi32, #tpu.memory_space<vmem>>, vector<16xi32>,
          %add3A_578 = arith.constant 128 : i32
          %add3A_579 = arith.addi %add3A_545, %add3A_578 : i32
          %get3A_580 = arith.index_cast %add3A_579 : i32 to index
          %get3A_581 = tpu.vector_load %arg8[%get3A_580] {strides = array<i32>} : memref<4096xi32, #tpu.memory_space<vmem>>, vector<16xi32>,
          %add3A_582 = arith.constant 144 : i32
          %add3A_583 = arith.addi %add3A_545, %add3A_582 : i32
          %get3A_584 = arith.index_cast %add3A_583 : i32 to index
          %get3A_585 = tpu.vector_load %arg8[%get3A_584] {strides = array<i32>} : memref<4096xi32, #tpu.memory_space<vmem>>, vector<16xi32>,
          %add3A_586 = arith.constant 160 : i32
          %add3A_587 = arith.addi %add3A_545, %add3A_586 : i32
          %get3A_588 = arith.index_cast %add3A_587 : i32 to index
          %get3A_589 = tpu.vector_load %arg8[%get3A_588] {strides = array<i32>} : memref<4096xi32, #tpu.memory_space<vmem>>, vector<16xi32>,
          %add3A_590 = arith.constant 176 : i32
          %add3A_591 = arith.addi %add3A_545, %add3A_590 : i32
          %get3A_592 = arith.index_cast %add3A_591 : i32 to index
          %get3A_593 = tpu.vector_load %arg8[%get3A_592] {strides = array<i32>} : memref<4096xi32, #tpu.memory_space<vmem>>, vector<16xi32>,
          %add3A_594 = arith.constant 192 : i32
          %add3A_595 = arith.addi %add3A_545, %add3A_594 : i32
          %get3A_596 = arith.index_cast %add3A_595 : i32 to index
          %get3A_597 = tpu.vector_load %arg8[%get3A_596] {strides = array<i32>} : memref<4096xi32, #tpu.memory_space<vmem>>, vector<16xi32>,
          %add3A_598 = arith.constant 208 : i32
          %add3A_599 = arith.addi %add3A_545, %add3A_598 : i32
          %get3A_600 = arith.index_cast %add3A_599 : i32 to index
          %get3A_601 = tpu.vector_load %arg8[%get3A_600] {strides = array<i32>} : memref<4096xi32, #tpu.memory_space<vmem>>, vector<16xi32>,
          %add3A_602 = arith.constant 224 : i32
          %add3A_603 = arith.addi %add3A_545, %add3A_602 : i32
          %get3A_604 = arith.index_cast %add3A_603 : i32 to index
          %get3A_605 = tpu.vector_load %arg8[%get3A_604] {strides = array<i32>} : memref<4096xi32, #tpu.memory_space<vmem>>, vector<16xi32>,
          %add3A_606 = arith.constant 240 : i32
          %add3A_607 = arith.addi %add3A_545, %add3A_606 : i32
          %get3A_608 = arith.index_cast %add3A_607 : i32 to index
          %get3A_609 = tpu.vector_load %arg8[%get3A_608] {strides = array<i32>} : memref<4096xi32, #tpu.memory_space<vmem>>, vector<16xi32>,
          %gather3A_610 = tpu.vector_load_idx %arg7[%broadcast_in_dim3A_1, %get3A_549] : memref<1x100000xf32, #tpu.memory_space<vmem>>[vector<16xi32>, vector<16xi32>], vector<16xf32>,
          %gather3A_611 = tpu.vector_load_idx %arg7[%broadcast_in_dim3A_1, %get3A_553] : memref<1x100000xf32, #tpu.memory_space<vmem>>[vector<16xi32>, vector<16xi32>], vector<16xf32>,
          %gather3A_612 = tpu.vector_load_idx %arg7[%broadcast_in_dim3A_1, %get3A_557] : memref<1x100000xf32, #tpu.memory_space<vmem>>[vector<16xi32>, vector<16xi32>], vector<16xf32>,
          %gather3A_613 = tpu.vector_load_idx %arg7[%broadcast_in_dim3A_1, %get3A_561] : memref<1x100000xf32, #tpu.memory_space<vmem>>[vector<16xi32>, vector<16xi32>], vector<16xf32>,
          %gather3A_614 = tpu.vector_load_idx %arg7[%broadcast_in_dim3A_1, %get3A_565] : memref<1x100000xf32, #tpu.memory_space<vmem>>[vector<16xi32>, vector<16xi32>], vector<16xf32>,
          %gather3A_615 = tpu.vector_load_idx %arg7[%broadcast_in_dim3A_1, %get3A_569] : memref<1x100000xf32, #tpu.memory_space<vmem>>[vector<16xi32>, vector<16xi32>], vector<16xf32>,
          %gather3A_616 = tpu.vector_load_idx %arg7[%broadcast_in_dim3A_1, %get3A_573] : memref<1x100000xf32, #tpu.memory_space<vmem>>[vector<16xi32>, vector<16xi32>], vector<16xf32>,
          %gather3A_617 = tpu.vector_load_idx %arg7[%broadcast_in_dim3A_1, %get3A_577] : memref<1x100000xf32, #tpu.memory_space<vmem>>[vector<16xi32>, vector<16xi32>], vector<16xf32>,
          %gather3A_618 = tpu.vector_load_idx %arg7[%broadcast_in_dim3A_1, %get3A_581] : memref<1x100000xf32, #tpu.memory_space<vmem>>[vector<16xi32>, vector<16xi32>], vector<16xf32>,
          %gather3A_619 = tpu.vector_load_idx %arg7[%broadcast_in_dim3A_1, %get3A_585] : memref<1x100000xf32, #tpu.memory_space<vmem>>[vector<16xi32>, vector<16xi32>], vector<16xf32>,
          %gather3A_620 = tpu.vector_load_idx %arg7[%broadcast_in_dim3A_1, %get3A_589] : memref<1x100000xf32, #tpu.memory_space<vmem>>[vector<16xi32>, vector<16xi32>], vector<16xf32>,
          %gather3A_621 = tpu.vector_load_idx %arg7[%broadcast_in_dim3A_1, %get3A_593] : memref<1x100000xf32, #tpu.memory_space<vmem>>[vector<16xi32>, vector<16xi32>], vector<16xf32>,
          %gather3A_622 = tpu.vector_load_idx %arg7[%broadcast_in_dim3A_1, %get3A_597] : memref<1x100000xf32, #tpu.memory_space<vmem>>[vector<16xi32>, vector<16xi32>], vector<16xf32>,
          %gather3A_623 = tpu.vector_load_idx %arg7[%broadcast_in_dim3A_1, %get3A_601] : memref<1x100000xf32, #tpu.memory_space<vmem>>[vector<16xi32>, vector<16xi32>], vector<16xf32>,
          %gather3A_624 = tpu.vector_load_idx %arg7[%broadcast_in_dim3A_1, %get3A_605] : memref<1x100000xf32, #tpu.memory_space<vmem>>[vector<16xi32>, vector<16xi32>], vector<16xf32>,
          %gather3A_625 = tpu.vector_load_idx %arg7[%broadcast_in_dim3A_1, %get3A_609] : memref<1x100000xf32, #tpu.memory_space<vmem>>[vector<16xi32>, vector<16xi32>], vector<16xf32>,
          %mul3A_626 = arith.constant 16 : i32
          %mul3A_627 = arith.muli %add3A_538, %mul3A_626 : i32
          %add3A_628 = arith.constant 0 : i32
          %add3A_629 = arith.addi %mul3A_627, %add3A_628 : i32
          %jit3A_630 = arith.constant 8 : i32
          %div3A_631 = arith.divsi %add3A_629, %jit3A_630 : i32
          %sign3A_632 = arith.constant 0 : i32
          %sign3A_633 = arith.cmpi sgt, %add3A_629, %sign3A_632 : i32
          %sign3A_634 = arith.extui %sign3A_633 : i1 to i32
          %sign3A_635 = arith.constant 0 : i32
          %sign3A_636 = arith.cmpi slt, %add3A_629, %sign3A_635 : i32
          %sign3A_637 = arith.extui %sign3A_636 : i1 to i32
          %sign3A_638 = arith.subi %sign3A_634, %sign3A_637 : i32
          %sign3A_639 = arith.constant 0 : i32
          %sign3A_640 = arith.cmpi sgt, %jit3A_630, %sign3A_639 : i32
          %sign3A_641 = arith.extui %sign3A_640 : i1 to i32
          %sign3A_642 = arith.constant 0 : i32
          %sign3A_643 = arith.cmpi slt, %jit3A_630, %sign3A_642 : i32
          %sign3A_644 = arith.extui %sign3A_643 : i1 to i32
          %sign3A_645 = arith.subi %sign3A_641, %sign3A_644 : i32
          %ne3A_646 = arith.cmpi ne, %sign3A_638, %sign3A_645 : i32
          %rem3A_647 = arith.remsi %add3A_629, %jit3A_630 : i32
          %ne3A_648 = arith.constant 0 : i32
          %ne3A_649 = arith.cmpi ne, %rem3A_647, %ne3A_648 : i32
          %and3A_650 = arith.andi %ne3A_646, %ne3A_649 : i1
          %sub3A_651 = arith.constant 1 : i32
          %sub3A_652 = arith.subi %div3A_631, %sub3A_651 : i32
          %select_n3A_653 = arith.select %and3A_650, %sub3A_652, %div3A_631 : i32
          %add3A_654 = arith.addf %gather3A_610, %gather3A_528 : vector<16xf32>
          %swap3A_655 = arith.constant 0 : i32
          %swap3A_656 = arith.constant 0 : i32
          %swap3A_657 = arith.index_cast %add3A_524 : i32 to index
          %swap3A_658 = arith.index_cast %swap3A_655 : i32 to index
          %swap3A_659 = arith.index_cast %select_n3A_653 : i32 to index
          %swap3A_660 = arith.index_cast %swap3A_656 : i32 to index
          %swap3A_661 = arith.constant 0 : index
          %swap3A_662 = tpu.vector_load %arg10[%swap3A_657, %swap3A_658, %swap3A_659, %swap3A_660, %swap3A_661] {strides = array<i32>} : memref<4x1x8x1x128xf32, #tpu.memory_space<vmem>>, vector<16xf32>,
          tpu.vector_store %arg10[%swap3A_657, %swap3A_658, %swap3A_659, %swap3A_660, %swap3A_661], %add3A_654 {strides = array<i32>} : memref<4x1x8x1x128xf32, #tpu.memory_space<vmem>>, vector<16xf32>,
          %mul3A_663 = arith.constant 16 : i32
          %mul3A_664 = arith.muli %add3A_538, %mul3A_663 : i32
          %add3A_665 = arith.constant 1 : i32
          %add3A_666 = arith.addi %mul3A_664, %add3A_665 : i32
          %jit3A_667 = arith.constant 8 : i32
          %div3A_668 = arith.divsi %add3A_666, %jit3A_667 : i32
          %sign3A_669 = arith.constant 0 : i32
          %sign3A_670 = arith.cmpi sgt, %add3A_666, %sign3A_669 : i32
          %sign3A_671 = arith.extui %sign3A_670 : i1 to i32
          %sign3A_672 = arith.constant 0 : i32
          %sign3A_673 = arith.cmpi slt, %add3A_666, %sign3A_672 : i32
          %sign3A_674 = arith.extui %sign3A_673 : i1 to i32
          %sign3A_675 = arith.subi %sign3A_671, %sign3A_674 : i32
          %sign3A_676 = arith.constant 0 : i32
          %sign3A_677 = arith.cmpi sgt, %jit3A_667, %sign3A_676 : i32
          %sign3A_678 = arith.extui %sign3A_677 : i1 to i32
          %sign3A_679 = arith.constant 0 : i32
          %sign3A_680 = arith.cmpi slt, %jit3A_667, %sign3A_679 : i32
          %sign3A_681 = arith.extui %sign3A_680 : i1 to i32
          %sign3A_682 = arith.subi %sign3A_678, %sign3A_681 : i32
          %ne3A_683 = arith.cmpi ne, %sign3A_675, %sign3A_682 : i32
          %rem3A_684 = arith.remsi %add3A_666, %jit3A_667 : i32
          %ne3A_685 = arith.constant 0 : i32
          %ne3A_686 = arith.cmpi ne, %rem3A_684, %ne3A_685 : i32
          %and3A_687 = arith.andi %ne3A_683, %ne3A_686 : i1
          %sub3A_688 = arith.constant 1 : i32
          %sub3A_689 = arith.subi %div3A_668, %sub3A_688 : i32
          %select_n3A_690 = arith.select %and3A_687, %sub3A_689, %div3A_668 : i32
          %add3A_691 = arith.addf %gather3A_611, %gather3A_528 : vector<16xf32>
          %swap3A_692 = arith.constant 0 : i32
          %swap3A_693 = arith.constant 0 : i32
          %swap3A_694 = arith.index_cast %add3A_524 : i32 to index
          %swap3A_695 = arith.index_cast %swap3A_692 : i32 to index
          %swap3A_696 = arith.index_cast %select_n3A_690 : i32 to index
          %swap3A_697 = arith.index_cast %swap3A_693 : i32 to index
          %swap3A_698 = arith.constant 16 : index
          %swap3A_699 = tpu.vector_load %arg10[%swap3A_694, %swap3A_695, %swap3A_696, %swap3A_697, %swap3A_698] {strides = array<i32>} : memref<4x1x8x1x128xf32, #tpu.memory_space<vmem>>, vector<16xf32>,
          tpu.vector_store %arg10[%swap3A_694, %swap3A_695, %swap3A_696, %swap3A_697, %swap3A_698], %add3A_691 {strides = array<i32>} : memref<4x1x8x1x128xf32, #tpu.memory_space<vmem>>, vector<16xf32>,
          %mul3A_700 = arith.constant 16 : i32
          %mul3A_701 = arith.muli %add3A_538, %mul3A_700 : i32
          %add3A_702 = arith.constant 2 : i32
          %add3A_703 = arith.addi %mul3A_701, %add3A_702 : i32
          %jit3A_704 = arith.constant 8 : i32
          %div3A_705 = arith.divsi %add3A_703, %jit3A_704 : i32
          %sign3A_706 = arith.constant 0 : i32
          %sign3A_707 = arith.cmpi sgt, %add3A_703, %sign3A_706 : i32
          %sign3A_708 = arith.extui %sign3A_707 : i1 to i32
          %sign3A_709 = arith.constant 0 : i32
          %sign3A_710 = arith.cmpi slt, %add3A_703, %sign3A_709 : i32
          %sign3A_711 = arith.extui %sign3A_710 : i1 to i32
          %sign3A_712 = arith.subi %sign3A_708, %sign3A_711 : i32
          %sign3A_713 = arith.constant 0 : i32
          %sign3A_714 = arith.cmpi sgt, %jit3A_704, %sign3A_713 : i32
          %sign3A_715 = arith.extui %sign3A_714 : i1 to i32
          %sign3A_716 = arith.constant 0 : i32
          %sign3A_717 = arith.cmpi slt, %jit3A_704, %sign3A_716 : i32
          %sign3A_718 = arith.extui %sign3A_717 : i1 to i32
          %sign3A_719 = arith.subi %sign3A_715, %sign3A_718 : i32
          %ne3A_720 = arith.cmpi ne, %sign3A_712, %sign3A_719 : i32
          %rem3A_721 = arith.remsi %add3A_703, %jit3A_704 : i32
          %ne3A_722 = arith.constant 0 : i32
          %ne3A_723 = arith.cmpi ne, %rem3A_721, %ne3A_722 : i32
          %and3A_724 = arith.andi %ne3A_720, %ne3A_723 : i1
          %sub3A_725 = arith.constant 1 : i32
          %sub3A_726 = arith.subi %div3A_705, %sub3A_725 : i32
          %select_n3A_727 = arith.select %and3A_724, %sub3A_726, %div3A_705 : i32
          %add3A_728 = arith.addf %gather3A_612, %gather3A_528 : vector<16xf32>
          %swap3A_729 = arith.constant 0 : i32
          %swap3A_730 = arith.constant 0 : i32
          %swap3A_731 = arith.index_cast %add3A_524 : i32 to index
          %swap3A_732 = arith.index_cast %swap3A_729 : i32 to index
          %swap3A_733 = arith.index_cast %select_n3A_727 : i32 to index
          %swap3A_734 = arith.index_cast %swap3A_730 : i32 to index
          %swap3A_735 = arith.constant 32 : index
          %swap3A_736 = tpu.vector_load %arg10[%swap3A_731, %swap3A_732, %swap3A_733, %swap3A_734, %swap3A_735] {strides = array<i32>} : memref<4x1x8x1x128xf32, #tpu.memory_space<vmem>>, vector<16xf32>,
          tpu.vector_store %arg10[%swap3A_731, %swap3A_732, %swap3A_733, %swap3A_734, %swap3A_735], %add3A_728 {strides = array<i32>} : memref<4x1x8x1x128xf32, #tpu.memory_space<vmem>>, vector<16xf32>,
          %mul3A_737 = arith.constant 16 : i32
          %mul3A_738 = arith.muli %add3A_538, %mul3A_737 : i32
          %add3A_739 = arith.constant 3 : i32
          %add3A_740 = arith.addi %mul3A_738, %add3A_739 : i32
          %jit3A_741 = arith.constant 8 : i32
          %div3A_742 = arith.divsi %add3A_740, %jit3A_741 : i32
          %sign3A_743 = arith.constant 0 : i32
          %sign3A_744 = arith.cmpi sgt, %add3A_740, %sign3A_743 : i32
          %sign3A_745 = arith.extui %sign3A_744 : i1 to i32
          %sign3A_746 = arith.constant 0 : i32
          %sign3A_747 = arith.cmpi slt, %add3A_740, %sign3A_746 : i32
          %sign3A_748 = arith.extui %sign3A_747 : i1 to i32
          %sign3A_749 = arith.subi %sign3A_745, %sign3A_748 : i32
          %sign3A_750 = arith.constant 0 : i32
          %sign3A_751 = arith.cmpi sgt, %jit3A_741, %sign3A_750 : i32
          %sign3A_752 = arith.extui %sign3A_751 : i1 to i32
          %sign3A_753 = arith.constant 0 : i32
          %sign3A_754 = arith.cmpi slt, %jit3A_741, %sign3A_753 : i32
          %sign3A_755 = arith.extui %sign3A_754 : i1 to i32
          %sign3A_756 = arith.subi %sign3A_752, %sign3A_755 : i32
          %ne3A_757 = arith.cmpi ne, %sign3A_749, %sign3A_756 : i32
          %rem3A_758 = arith.remsi %add3A_740, %jit3A_741 : i32
          %ne3A_759 = arith.constant 0 : i32
          %ne3A_760 = arith.cmpi ne, %rem3A_758, %ne3A_759 : i32
          %and3A_761 = arith.andi %ne3A_757, %ne3A_760 : i1
          %sub3A_762 = arith.constant 1 : i32
          %sub3A_763 = arith.subi %div3A_742, %sub3A_762 : i32
          %select_n3A_764 = arith.select %and3A_761, %sub3A_763, %div3A_742 : i32
          %add3A_765 = arith.addf %gather3A_613, %gather3A_528 : vector<16xf32>
          %swap3A_766 = arith.constant 0 : i32
          %swap3A_767 = arith.constant 0 : i32
          %swap3A_768 = arith.index_cast %add3A_524 : i32 to index
          %swap3A_769 = arith.index_cast %swap3A_766 : i32 to index
          %swap3A_770 = arith.index_cast %select_n3A_764 : i32 to index
          %swap3A_771 = arith.index_cast %swap3A_767 : i32 to index
          %swap3A_772 = arith.constant 48 : index
          %swap3A_773 = tpu.vector_load %arg10[%swap3A_768, %swap3A_769, %swap3A_770, %swap3A_771, %swap3A_772] {strides = array<i32>} : memref<4x1x8x1x128xf32, #tpu.memory_space<vmem>>, vector<16xf32>,
          tpu.vector_store %arg10[%swap3A_768, %swap3A_769, %swap3A_770, %swap3A_771, %swap3A_772], %add3A_765 {strides = array<i32>} : memref<4x1x8x1x128xf32, #tpu.memory_space<vmem>>, vector<16xf32>,
          %mul3A_774 = arith.constant 16 : i32
          %mul3A_775 = arith.muli %add3A_538, %mul3A_774 : i32
          %add3A_776 = arith.constant 4 : i32
          %add3A_777 = arith.addi %mul3A_775, %add3A_776 : i32
          %jit3A_778 = arith.constant 8 : i32
          %div3A_779 = arith.divsi %add3A_777, %jit3A_778 : i32
          %sign3A_780 = arith.constant 0 : i32
          %sign3A_781 = arith.cmpi sgt, %add3A_777, %sign3A_780 : i32
          %sign3A_782 = arith.extui %sign3A_781 : i1 to i32
          %sign3A_783 = arith.constant 0 : i32
          %sign3A_784 = arith.cmpi slt, %add3A_777, %sign3A_783 : i32
          %sign3A_785 = arith.extui %sign3A_784 : i1 to i32
          %sign3A_786 = arith.subi %sign3A_782, %sign3A_785 : i32
          %sign3A_787 = arith.constant 0 : i32
          %sign3A_788 = arith.cmpi sgt, %jit3A_778, %sign3A_787 : i32
          %sign3A_789 = arith.extui %sign3A_788 : i1 to i32
          %sign3A_790 = arith.constant 0 : i32
          %sign3A_791 = arith.cmpi slt, %jit3A_778, %sign3A_790 : i32
          %sign3A_792 = arith.extui %sign3A_791 : i1 to i32
          %sign3A_793 = arith.subi %sign3A_789, %sign3A_792 : i32
          %ne3A_794 = arith.cmpi ne, %sign3A_786, %sign3A_793 : i32
          %rem3A_795 = arith.remsi %add3A_777, %jit3A_778 : i32
          %ne3A_796 = arith.constant 0 : i32
          %ne3A_797 = arith.cmpi ne, %rem3A_795, %ne3A_796 : i32
          %and3A_798 = arith.andi %ne3A_794, %ne3A_797 : i1
          %sub3A_799 = arith.constant 1 : i32
          %sub3A_800 = arith.subi %div3A_779, %sub3A_799 : i32
          %select_n3A_801 = arith.select %and3A_798, %sub3A_800, %div3A_779 : i32
          %add3A_802 = arith.addf %gather3A_614, %gather3A_528 : vector<16xf32>
          %swap3A_803 = arith.constant 0 : i32
          %swap3A_804 = arith.constant 0 : i32
          %swap3A_805 = arith.index_cast %add3A_524 : i32 to index
          %swap3A_806 = arith.index_cast %swap3A_803 : i32 to index
          %swap3A_807 = arith.index_cast %select_n3A_801 : i32 to index
          %swap3A_808 = arith.index_cast %swap3A_804 : i32 to index
          %swap3A_809 = arith.constant 64 : index
          %swap3A_810 = tpu.vector_load %arg10[%swap3A_805, %swap3A_806, %swap3A_807, %swap3A_808, %swap3A_809] {strides = array<i32>} : memref<4x1x8x1x128xf32, #tpu.memory_space<vmem>>, vector<16xf32>,
          tpu.vector_store %arg10[%swap3A_805, %swap3A_806, %swap3A_807, %swap3A_808, %swap3A_809], %add3A_802 {strides = array<i32>} : memref<4x1x8x1x128xf32, #tpu.memory_space<vmem>>, vector<16xf32>,
          %mul3A_811 = arith.constant 16 : i32
          %mul3A_812 = arith.muli %add3A_538, %mul3A_811 : i32
          %add3A_813 = arith.constant 5 : i32
          %add3A_814 = arith.addi %mul3A_812, %add3A_813 : i32
          %jit3A_815 = arith.constant 8 : i32
          %div3A_816 = arith.divsi %add3A_814, %jit3A_815 : i32
          %sign3A_817 = arith.constant 0 : i32
          %sign3A_818 = arith.cmpi sgt, %add3A_814, %sign3A_817 : i32
          %sign3A_819 = arith.extui %sign3A_818 : i1 to i32
          %sign3A_820 = arith.constant 0 : i32
          %sign3A_821 = arith.cmpi slt, %add3A_814, %sign3A_820 : i32
          %sign3A_822 = arith.extui %sign3A_821 : i1 to i32
          %sign3A_823 = arith.subi %sign3A_819, %sign3A_822 : i32
          %sign3A_824 = arith.constant 0 : i32
          %sign3A_825 = arith.cmpi sgt, %jit3A_815, %sign3A_824 : i32
          %sign3A_826 = arith.extui %sign3A_825 : i1 to i32
          %sign3A_827 = arith.constant 0 : i32
          %sign3A_828 = arith.cmpi slt, %jit3A_815, %sign3A_827 : i32
          %sign3A_829 = arith.extui %sign3A_828 : i1 to i32
          %sign3A_830 = arith.subi %sign3A_826, %sign3A_829 : i32
          %ne3A_831 = arith.cmpi ne, %sign3A_823, %sign3A_830 : i32
          %rem3A_832 = arith.remsi %add3A_814, %jit3A_815 : i32
          %ne3A_833 = arith.constant 0 : i32
          %ne3A_834 = arith.cmpi ne, %rem3A_832, %ne3A_833 : i32
          %and3A_835 = arith.andi %ne3A_831, %ne3A_834 : i1
          %sub3A_836 = arith.constant 1 : i32
          %sub3A_837 = arith.subi %div3A_816, %sub3A_836 : i32
          %select_n3A_838 = arith.select %and3A_835, %sub3A_837, %div3A_816 : i32
          %add3A_839 = arith.addf %gather3A_615, %gather3A_528 : vector<16xf32>
          %swap3A_840 = arith.constant 0 : i32
          %swap3A_841 = arith.constant 0 : i32
          %swap3A_842 = arith.index_cast %add3A_524 : i32 to index
          %swap3A_843 = arith.index_cast %swap3A_840 : i32 to index
          %swap3A_844 = arith.index_cast %select_n3A_838 : i32 to index
          %swap3A_845 = arith.index_cast %swap3A_841 : i32 to index
          %swap3A_846 = arith.constant 80 : index
          %swap3A_847 = tpu.vector_load %arg10[%swap3A_842, %swap3A_843, %swap3A_844, %swap3A_845, %swap3A_846] {strides = array<i32>} : memref<4x1x8x1x128xf32, #tpu.memory_space<vmem>>, vector<16xf32>,
          tpu.vector_store %arg10[%swap3A_842, %swap3A_843, %swap3A_844, %swap3A_845, %swap3A_846], %add3A_839 {strides = array<i32>} : memref<4x1x8x1x128xf32, #tpu.memory_space<vmem>>, vector<16xf32>,
          %mul3A_848 = arith.constant 16 : i32
          %mul3A_849 = arith.muli %add3A_538, %mul3A_848 : i32
          %add3A_850 = arith.constant 6 : i32
          %add3A_851 = arith.addi %mul3A_849, %add3A_850 : i32
          %jit3A_852 = arith.constant 8 : i32
          %div3A_853 = arith.divsi %add3A_851, %jit3A_852 : i32
          %sign3A_854 = arith.constant 0 : i32
          %sign3A_855 = arith.cmpi sgt, %add3A_851, %sign3A_854 : i32
          %sign3A_856 = arith.extui %sign3A_855 : i1 to i32
          %sign3A_857 = arith.constant 0 : i32
          %sign3A_858 = arith.cmpi slt, %add3A_851, %sign3A_857 : i32
          %sign3A_859 = arith.extui %sign3A_858 : i1 to i32
          %sign3A_860 = arith.subi %sign3A_856, %sign3A_859 : i32
          %sign3A_861 = arith.constant 0 : i32
          %sign3A_862 = arith.cmpi sgt, %jit3A_852, %sign3A_861 : i32
          %sign3A_863 = arith.extui %sign3A_862 : i1 to i32
          %sign3A_864 = arith.constant 0 : i32
          %sign3A_865 = arith.cmpi slt, %jit3A_852, %sign3A_864 : i32
          %sign3A_866 = arith.extui %sign3A_865 : i1 to i32
          %sign3A_867 = arith.subi %sign3A_863, %sign3A_866 : i32
          %ne3A_868 = arith.cmpi ne, %sign3A_860, %sign3A_867 : i32
          %rem3A_869 = arith.remsi %add3A_851, %jit3A_852 : i32
          %ne3A_870 = arith.constant 0 : i32
          %ne3A_871 = arith.cmpi ne, %rem3A_869, %ne3A_870 : i32
          %and3A_872 = arith.andi %ne3A_868, %ne3A_871 : i1
          %sub3A_873 = arith.constant 1 : i32
          %sub3A_874 = arith.subi %div3A_853, %sub3A_873 : i32
          %select_n3A_875 = arith.select %and3A_872, %sub3A_874, %div3A_853 : i32
          %add3A_876 = arith.addf %gather3A_616, %gather3A_528 : vector<16xf32>
          %swap3A_877 = arith.constant 0 : i32
          %swap3A_878 = arith.constant 0 : i32
          %swap3A_879 = arith.index_cast %add3A_524 : i32 to index
          %swap3A_880 = arith.index_cast %swap3A_877 : i32 to index
          %swap3A_881 = arith.index_cast %select_n3A_875 : i32 to index
          %swap3A_882 = arith.index_cast %swap3A_878 : i32 to index
          %swap3A_883 = arith.constant 96 : index
          %swap3A_884 = tpu.vector_load %arg10[%swap3A_879, %swap3A_880, %swap3A_881, %swap3A_882, %swap3A_883] {strides = array<i32>} : memref<4x1x8x1x128xf32, #tpu.memory_space<vmem>>, vector<16xf32>,
          tpu.vector_store %arg10[%swap3A_879, %swap3A_880, %swap3A_881, %swap3A_882, %swap3A_883], %add3A_876 {strides = array<i32>} : memref<4x1x8x1x128xf32, #tpu.memory_space<vmem>>, vector<16xf32>,
          %mul3A_885 = arith.constant 16 : i32
          %mul3A_886 = arith.muli %add3A_538, %mul3A_885 : i32
          %add3A_887 = arith.constant 7 : i32
          %add3A_888 = arith.addi %mul3A_886, %add3A_887 : i32
          %jit3A_889 = arith.constant 8 : i32
          %div3A_890 = arith.divsi %add3A_888, %jit3A_889 : i32
          %sign3A_891 = arith.constant 0 : i32
          %sign3A_892 = arith.cmpi sgt, %add3A_888, %sign3A_891 : i32
          %sign3A_893 = arith.extui %sign3A_892 : i1 to i32
          %sign3A_894 = arith.constant 0 : i32
          %sign3A_895 = arith.cmpi slt, %add3A_888, %sign3A_894 : i32
          %sign3A_896 = arith.extui %sign3A_895 : i1 to i32
          %sign3A_897 = arith.subi %sign3A_893, %sign3A_896 : i32
          %sign3A_898 = arith.constant 0 : i32
          %sign3A_899 = arith.cmpi sgt, %jit3A_889, %sign3A_898 : i32
          %sign3A_900 = arith.extui %sign3A_899 : i1 to i32
          %sign3A_901 = arith.constant 0 : i32
          %sign3A_902 = arith.cmpi slt, %jit3A_889, %sign3A_901 : i32
          %sign3A_903 = arith.extui %sign3A_902 : i1 to i32
          %sign3A_904 = arith.subi %sign3A_900, %sign3A_903 : i32
          %ne3A_905 = arith.cmpi ne, %sign3A_897, %sign3A_904 : i32
          %rem3A_906 = arith.remsi %add3A_888, %jit3A_889 : i32
          %ne3A_907 = arith.constant 0 : i32
          %ne3A_908 = arith.cmpi ne, %rem3A_906, %ne3A_907 : i32
          %and3A_909 = arith.andi %ne3A_905, %ne3A_908 : i1
          %sub3A_910 = arith.constant 1 : i32
          %sub3A_911 = arith.subi %div3A_890, %sub3A_910 : i32
          %select_n3A_912 = arith.select %and3A_909, %sub3A_911, %div3A_890 : i32
          %add3A_913 = arith.addf %gather3A_617, %gather3A_528 : vector<16xf32>
          %swap3A_914 = arith.constant 0 : i32
          %swap3A_915 = arith.constant 0 : i32
          %swap3A_916 = arith.index_cast %add3A_524 : i32 to index
          %swap3A_917 = arith.index_cast %swap3A_914 : i32 to index
          %swap3A_918 = arith.index_cast %select_n3A_912 : i32 to index
          %swap3A_919 = arith.index_cast %swap3A_915 : i32 to index
          %swap3A_920 = arith.constant 112 : index
          %swap3A_921 = tpu.vector_load %arg10[%swap3A_916, %swap3A_917, %swap3A_918, %swap3A_919, %swap3A_920] {strides = array<i32>} : memref<4x1x8x1x128xf32, #tpu.memory_space<vmem>>, vector<16xf32>,
          tpu.vector_store %arg10[%swap3A_916, %swap3A_917, %swap3A_918, %swap3A_919, %swap3A_920], %add3A_913 {strides = array<i32>} : memref<4x1x8x1x128xf32, #tpu.memory_space<vmem>>, vector<16xf32>,
          %mul3A_922 = arith.constant 16 : i32
          %mul3A_923 = arith.muli %add3A_538, %mul3A_922 : i32
          %add3A_924 = arith.constant 8 : i32
          %add3A_925 = arith.addi %mul3A_923, %add3A_924 : i32
          %jit3A_926 = arith.constant 8 : i32
          %div3A_927 = arith.divsi %add3A_925, %jit3A_926 : i32
          %sign3A_928 = arith.constant 0 : i32
          %sign3A_929 = arith.cmpi sgt, %add3A_925, %sign3A_928 : i32
          %sign3A_930 = arith.extui %sign3A_929 : i1 to i32
          %sign3A_931 = arith.constant 0 : i32
          %sign3A_932 = arith.cmpi slt, %add3A_925, %sign3A_931 : i32
          %sign3A_933 = arith.extui %sign3A_932 : i1 to i32
          %sign3A_934 = arith.subi %sign3A_930, %sign3A_933 : i32
          %sign3A_935 = arith.constant 0 : i32
          %sign3A_936 = arith.cmpi sgt, %jit3A_926, %sign3A_935 : i32
          %sign3A_937 = arith.extui %sign3A_936 : i1 to i32
          %sign3A_938 = arith.constant 0 : i32
          %sign3A_939 = arith.cmpi slt, %jit3A_926, %sign3A_938 : i32
          %sign3A_940 = arith.extui %sign3A_939 : i1 to i32
          %sign3A_941 = arith.subi %sign3A_937, %sign3A_940 : i32
          %ne3A_942 = arith.cmpi ne, %sign3A_934, %sign3A_941 : i32
          %rem3A_943 = arith.remsi %add3A_925, %jit3A_926 : i32
          %ne3A_944 = arith.constant 0 : i32
          %ne3A_945 = arith.cmpi ne, %rem3A_943, %ne3A_944 : i32
          %and3A_946 = arith.andi %ne3A_942, %ne3A_945 : i1
          %sub3A_947 = arith.constant 1 : i32
          %sub3A_948 = arith.subi %div3A_927, %sub3A_947 : i32
          %select_n3A_949 = arith.select %and3A_946, %sub3A_948, %div3A_927 : i32
          %add3A_950 = arith.addf %gather3A_618, %gather3A_528 : vector<16xf32>
          %swap3A_951 = arith.constant 0 : i32
          %swap3A_952 = arith.constant 0 : i32
          %swap3A_953 = arith.index_cast %add3A_524 : i32 to index
          %swap3A_954 = arith.index_cast %swap3A_951 : i32 to index
          %swap3A_955 = arith.index_cast %select_n3A_949 : i32 to index
          %swap3A_956 = arith.index_cast %swap3A_952 : i32 to index
          %swap3A_957 = arith.constant 0 : index
          %swap3A_958 = tpu.vector_load %arg10[%swap3A_953, %swap3A_954, %swap3A_955, %swap3A_956, %swap3A_957] {strides = array<i32>} : memref<4x1x8x1x128xf32, #tpu.memory_space<vmem>>, vector<16xf32>,
          tpu.vector_store %arg10[%swap3A_953, %swap3A_954, %swap3A_955, %swap3A_956, %swap3A_957], %add3A_950 {strides = array<i32>} : memref<4x1x8x1x128xf32, #tpu.memory_space<vmem>>, vector<16xf32>,
          %mul3A_959 = arith.constant 16 : i32
          %mul3A_960 = arith.muli %add3A_538, %mul3A_959 : i32
          %add3A_961 = arith.constant 9 : i32
          %add3A_962 = arith.addi %mul3A_960, %add3A_961 : i32
          %jit3A_963 = arith.constant 8 : i32
          %div3A_964 = arith.divsi %add3A_962, %jit3A_963 : i32
          %sign3A_965 = arith.constant 0 : i32
          %sign3A_966 = arith.cmpi sgt, %add3A_962, %sign3A_965 : i32
          %sign3A_967 = arith.extui %sign3A_966 : i1 to i32
          %sign3A_968 = arith.constant 0 : i32
          %sign3A_969 = arith.cmpi slt, %add3A_962, %sign3A_968 : i32
          %sign3A_970 = arith.extui %sign3A_969 : i1 to i32
          %sign3A_971 = arith.subi %sign3A_967, %sign3A_970 : i32
          %sign3A_972 = arith.constant 0 : i32
          %sign3A_973 = arith.cmpi sgt, %jit3A_963, %sign3A_972 : i32
          %sign3A_974 = arith.extui %sign3A_973 : i1 to i32
          %sign3A_975 = arith.constant 0 : i32
          %sign3A_976 = arith.cmpi slt, %jit3A_963, %sign3A_975 : i32
          %sign3A_977 = arith.extui %sign3A_976 : i1 to i32
          %sign3A_978 = arith.subi %sign3A_974, %sign3A_977 : i32
          %ne3A_979 = arith.cmpi ne, %sign3A_971, %sign3A_978 : i32
          %rem3A_980 = arith.remsi %add3A_962, %jit3A_963 : i32
          %ne3A_981 = arith.constant 0 : i32
          %ne3A_982 = arith.cmpi ne, %rem3A_980, %ne3A_981 : i32
          %and3A_983 = arith.andi %ne3A_979, %ne3A_982 : i1
          %sub3A_984 = arith.constant 1 : i32
          %sub3A_985 = arith.subi %div3A_964, %sub3A_984 : i32
          %select_n3A_986 = arith.select %and3A_983, %sub3A_985, %div3A_964 : i32
          %add3A_987 = arith.addf %gather3A_619, %gather3A_528 : vector<16xf32>
          %swap3A_988 = arith.constant 0 : i32
          %swap3A_989 = arith.constant 0 : i32
          %swap3A_990 = arith.index_cast %add3A_524 : i32 to index
          %swap3A_991 = arith.index_cast %swap3A_988 : i32 to index
          %swap3A_992 = arith.index_cast %select_n3A_986 : i32 to index
          %swap3A_993 = arith.index_cast %swap3A_989 : i32 to index
          %swap3A_994 = arith.constant 16 : index
          %swap3A_995 = tpu.vector_load %arg10[%swap3A_990, %swap3A_991, %swap3A_992, %swap3A_993, %swap3A_994] {strides = array<i32>} : memref<4x1x8x1x128xf32, #tpu.memory_space<vmem>>, vector<16xf32>,
          tpu.vector_store %arg10[%swap3A_990, %swap3A_991, %swap3A_992, %swap3A_993, %swap3A_994], %add3A_987 {strides = array<i32>} : memref<4x1x8x1x128xf32, #tpu.memory_space<vmem>>, vector<16xf32>,
          %mul3A_996 = arith.constant 16 : i32
          %mul3A_997 = arith.muli %add3A_538, %mul3A_996 : i32
          %add3A_998 = arith.constant 10 : i32
          %add3A_999 = arith.addi %mul3A_997, %add3A_998 : i32
          %jit3A_1000 = arith.constant 8 : i32
          %div3A_1001 = arith.divsi %add3A_999, %jit3A_1000 : i32
          %sign3A_1002 = arith.constant 0 : i32
          %sign3A_1003 = arith.cmpi sgt, %add3A_999, %sign3A_1002 : i32
          %sign3A_1004 = arith.extui %sign3A_1003 : i1 to i32
          %sign3A_1005 = arith.constant 0 : i32
          %sign3A_1006 = arith.cmpi slt, %add3A_999, %sign3A_1005 : i32
          %sign3A_1007 = arith.extui %sign3A_1006 : i1 to i32
          %sign3A_1008 = arith.subi %sign3A_1004, %sign3A_1007 : i32
          %sign3A_1009 = arith.constant 0 : i32
          %sign3A_1010 = arith.cmpi sgt, %jit3A_1000, %sign3A_1009 : i32
          %sign3A_1011 = arith.extui %sign3A_1010 : i1 to i32
          %sign3A_1012 = arith.constant 0 : i32
          %sign3A_1013 = arith.cmpi slt, %jit3A_1000, %sign3A_1012 : i32
          %sign3A_1014 = arith.extui %sign3A_1013 : i1 to i32
          %sign3A_1015 = arith.subi %sign3A_1011, %sign3A_1014 : i32
          %ne3A_1016 = arith.cmpi ne, %sign3A_1008, %sign3A_1015 : i32
          %rem3A_1017 = arith.remsi %add3A_999, %jit3A_1000 : i32
          %ne3A_1018 = arith.constant 0 : i32
          %ne3A_1019 = arith.cmpi ne, %rem3A_1017, %ne3A_1018 : i32
          %and3A_1020 = arith.andi %ne3A_1016, %ne3A_1019 : i1
          %sub3A_1021 = arith.constant 1 : i32
          %sub3A_1022 = arith.subi %div3A_1001, %sub3A_1021 : i32
          %select_n3A_1023 = arith.select %and3A_1020, %sub3A_1022, %div3A_1001 : i32
          %add3A_1024 = arith.addf %gather3A_620, %gather3A_528 : vector<16xf32>
          %swap3A_1025 = arith.constant 0 : i32
          %swap3A_1026 = arith.constant 0 : i32
          %swap3A_1027 = arith.index_cast %add3A_524 : i32 to index
          %swap3A_1028 = arith.index_cast %swap3A_1025 : i32 to index
          %swap3A_1029 = arith.index_cast %select_n3A_1023 : i32 to index
          %swap3A_1030 = arith.index_cast %swap3A_1026 : i32 to index
          %swap3A_1031 = arith.constant 32 : index
          %swap3A_1032 = tpu.vector_load %arg10[%swap3A_1027, %swap3A_1028, %swap3A_1029, %swap3A_1030, %swap3A_1031] {strides = array<i32>} : memref<4x1x8x1x128xf32, #tpu.memory_space<vmem>>, vector<16xf32>,
          tpu.vector_store %arg10[%swap3A_1027, %swap3A_1028, %swap3A_1029, %swap3A_1030, %swap3A_1031], %add3A_1024 {strides = array<i32>} : memref<4x1x8x1x128xf32, #tpu.memory_space<vmem>>, vector<16xf32>,
          %mul3A_1033 = arith.constant 16 : i32
          %mul3A_1034 = arith.muli %add3A_538, %mul3A_1033 : i32
          %add3A_1035 = arith.constant 11 : i32
          %add3A_1036 = arith.addi %mul3A_1034, %add3A_1035 : i32
          %jit3A_1037 = arith.constant 8 : i32
          %div3A_1038 = arith.divsi %add3A_1036, %jit3A_1037 : i32
          %sign3A_1039 = arith.constant 0 : i32
          %sign3A_1040 = arith.cmpi sgt, %add3A_1036, %sign3A_1039 : i32
          %sign3A_1041 = arith.extui %sign3A_1040 : i1 to i32
          %sign3A_1042 = arith.constant 0 : i32
          %sign3A_1043 = arith.cmpi slt, %add3A_1036, %sign3A_1042 : i32
          %sign3A_1044 = arith.extui %sign3A_1043 : i1 to i32
          %sign3A_1045 = arith.subi %sign3A_1041, %sign3A_1044 : i32
          %sign3A_1046 = arith.constant 0 : i32
          %sign3A_1047 = arith.cmpi sgt, %jit3A_1037, %sign3A_1046 : i32
          %sign3A_1048 = arith.extui %sign3A_1047 : i1 to i32
          %sign3A_1049 = arith.constant 0 : i32
          %sign3A_1050 = arith.cmpi slt, %jit3A_1037, %sign3A_1049 : i32
          %sign3A_1051 = arith.extui %sign3A_1050 : i1 to i32
          %sign3A_1052 = arith.subi %sign3A_1048, %sign3A_1051 : i32
          %ne3A_1053 = arith.cmpi ne, %sign3A_1045, %sign3A_1052 : i32
          %rem3A_1054 = arith.remsi %add3A_1036, %jit3A_1037 : i32
          %ne3A_1055 = arith.constant 0 : i32
          %ne3A_1056 = arith.cmpi ne, %rem3A_1054, %ne3A_1055 : i32
          %and3A_1057 = arith.andi %ne3A_1053, %ne3A_1056 : i1
          %sub3A_1058 = arith.constant 1 : i32
          %sub3A_1059 = arith.subi %div3A_1038, %sub3A_1058 : i32
          %select_n3A_1060 = arith.select %and3A_1057, %sub3A_1059, %div3A_1038 : i32
          %add3A_1061 = arith.addf %gather3A_621, %gather3A_528 : vector<16xf32>
          %swap3A_1062 = arith.constant 0 : i32
          %swap3A_1063 = arith.constant 0 : i32
          %swap3A_1064 = arith.index_cast %add3A_524 : i32 to index
          %swap3A_1065 = arith.index_cast %swap3A_1062 : i32 to index
          %swap3A_1066 = arith.index_cast %select_n3A_1060 : i32 to index
          %swap3A_1067 = arith.index_cast %swap3A_1063 : i32 to index
          %swap3A_1068 = arith.constant 48 : index
          %swap3A_1069 = tpu.vector_load %arg10[%swap3A_1064, %swap3A_1065, %swap3A_1066, %swap3A_1067, %swap3A_1068] {strides = array<i32>} : memref<4x1x8x1x128xf32, #tpu.memory_space<vmem>>, vector<16xf32>,
          tpu.vector_store %arg10[%swap3A_1064, %swap3A_1065, %swap3A_1066, %swap3A_1067, %swap3A_1068], %add3A_1061 {strides = array<i32>} : memref<4x1x8x1x128xf32, #tpu.memory_space<vmem>>, vector<16xf32>,
          %mul3A_1070 = arith.constant 16 : i32
          %mul3A_1071 = arith.muli %add3A_538, %mul3A_1070 : i32
          %add3A_1072 = arith.constant 12 : i32
          %add3A_1073 = arith.addi %mul3A_1071, %add3A_1072 : i32
          %jit3A_1074 = arith.constant 8 : i32
          %div3A_1075 = arith.divsi %add3A_1073, %jit3A_1074 : i32
          %sign3A_1076 = arith.constant 0 : i32
          %sign3A_1077 = arith.cmpi sgt, %add3A_1073, %sign3A_1076 : i32
          %sign3A_1078 = arith.extui %sign3A_1077 : i1 to i32
          %sign3A_1079 = arith.constant 0 : i32
          %sign3A_1080 = arith.cmpi slt, %add3A_1073, %sign3A_1079 : i32
          %sign3A_1081 = arith.extui %sign3A_1080 : i1 to i32
          %sign3A_1082 = arith.subi %sign3A_1078, %sign3A_1081 : i32
          %sign3A_1083 = arith.constant 0 : i32
          %sign3A_1084 = arith.cmpi sgt, %jit3A_1074, %sign3A_1083 : i32
          %sign3A_1085 = arith.extui %sign3A_1084 : i1 to i32
          %sign3A_1086 = arith.constant 0 : i32
          %sign3A_1087 = arith.cmpi slt, %jit3A_1074, %sign3A_1086 : i32
          %sign3A_1088 = arith.extui %sign3A_1087 : i1 to i32
          %sign3A_1089 = arith.subi %sign3A_1085, %sign3A_1088 : i32
          %ne3A_1090 = arith.cmpi ne, %sign3A_1082, %sign3A_1089 : i32
          %rem3A_1091 = arith.remsi %add3A_1073, %jit3A_1074 : i32
          %ne3A_1092 = arith.constant 0 : i32
          %ne3A_1093 = arith.cmpi ne, %rem3A_1091, %ne3A_1092 : i32
          %and3A_1094 = arith.andi %ne3A_1090, %ne3A_1093 : i1
          %sub3A_1095 = arith.constant 1 : i32
          %sub3A_1096 = arith.subi %div3A_1075, %sub3A_1095 : i32
          %select_n3A_1097 = arith.select %and3A_1094, %sub3A_1096, %div3A_1075 : i32
          %add3A_1098 = arith.addf %gather3A_622, %gather3A_528 : vector<16xf32>
          %swap3A_1099 = arith.constant 0 : i32
          %swap3A_1100 = arith.constant 0 : i32
          %swap3A_1101 = arith.index_cast %add3A_524 : i32 to index
          %swap3A_1102 = arith.index_cast %swap3A_1099 : i32 to index
          %swap3A_1103 = arith.index_cast %select_n3A_1097 : i32 to index
          %swap3A_1104 = arith.index_cast %swap3A_1100 : i32 to index
          %swap3A_1105 = arith.constant 64 : index
          %swap3A_1106 = tpu.vector_load %arg10[%swap3A_1101, %swap3A_1102, %swap3A_1103, %swap3A_1104, %swap3A_1105] {strides = array<i32>} : memref<4x1x8x1x128xf32, #tpu.memory_space<vmem>>, vector<16xf32>,
          tpu.vector_store %arg10[%swap3A_1101, %swap3A_1102, %swap3A_1103, %swap3A_1104, %swap3A_1105], %add3A_1098 {strides = array<i32>} : memref<4x1x8x1x128xf32, #tpu.memory_space<vmem>>, vector<16xf32>,
          %mul3A_1107 = arith.constant 16 : i32
          %mul3A_1108 = arith.muli %add3A_538, %mul3A_1107 : i32
          %add3A_1109 = arith.constant 13 : i32
          %add3A_1110 = arith.addi %mul3A_1108, %add3A_1109 : i32
          %jit3A_1111 = arith.constant 8 : i32
          %div3A_1112 = arith.divsi %add3A_1110, %jit3A_1111 : i32
          %sign3A_1113 = arith.constant 0 : i32
          %sign3A_1114 = arith.cmpi sgt, %add3A_1110, %sign3A_1113 : i32
          %sign3A_1115 = arith.extui %sign3A_1114 : i1 to i32
          %sign3A_1116 = arith.constant 0 : i32
          %sign3A_1117 = arith.cmpi slt, %add3A_1110, %sign3A_1116 : i32
          %sign3A_1118 = arith.extui %sign3A_1117 : i1 to i32
          %sign3A_1119 = arith.subi %sign3A_1115, %sign3A_1118 : i32
          %sign3A_1120 = arith.constant 0 : i32
          %sign3A_1121 = arith.cmpi sgt, %jit3A_1111, %sign3A_1120 : i32
          %sign3A_1122 = arith.extui %sign3A_1121 : i1 to i32
          %sign3A_1123 = arith.constant 0 : i32
          %sign3A_1124 = arith.cmpi slt, %jit3A_1111, %sign3A_1123 : i32
          %sign3A_1125 = arith.extui %sign3A_1124 : i1 to i32
          %sign3A_1126 = arith.subi %sign3A_1122, %sign3A_1125 : i32
          %ne3A_1127 = arith.cmpi ne, %sign3A_1119, %sign3A_1126 : i32
          %rem3A_1128 = arith.remsi %add3A_1110, %jit3A_1111 : i32
          %ne3A_1129 = arith.constant 0 : i32
          %ne3A_1130 = arith.cmpi ne, %rem3A_1128, %ne3A_1129 : i32
          %and3A_1131 = arith.andi %ne3A_1127, %ne3A_1130 : i1
          %sub3A_1132 = arith.constant 1 : i32
          %sub3A_1133 = arith.subi %div3A_1112, %sub3A_1132 : i32
          %select_n3A_1134 = arith.select %and3A_1131, %sub3A_1133, %div3A_1112 : i32
          %add3A_1135 = arith.addf %gather3A_623, %gather3A_528 : vector<16xf32>
          %swap3A_1136 = arith.constant 0 : i32
          %swap3A_1137 = arith.constant 0 : i32
          %swap3A_1138 = arith.index_cast %add3A_524 : i32 to index
          %swap3A_1139 = arith.index_cast %swap3A_1136 : i32 to index
          %swap3A_1140 = arith.index_cast %select_n3A_1134 : i32 to index
          %swap3A_1141 = arith.index_cast %swap3A_1137 : i32 to index
          %swap3A_1142 = arith.constant 80 : index
          %swap3A_1143 = tpu.vector_load %arg10[%swap3A_1138, %swap3A_1139, %swap3A_1140, %swap3A_1141, %swap3A_1142] {strides = array<i32>} : memref<4x1x8x1x128xf32, #tpu.memory_space<vmem>>, vector<16xf32>,
          tpu.vector_store %arg10[%swap3A_1138, %swap3A_1139, %swap3A_1140, %swap3A_1141, %swap3A_1142], %add3A_1135 {strides = array<i32>} : memref<4x1x8x1x128xf32, #tpu.memory_space<vmem>>, vector<16xf32>,
          %mul3A_1144 = arith.constant 16 : i32
          %mul3A_1145 = arith.muli %add3A_538, %mul3A_1144 : i32
          %add3A_1146 = arith.constant 14 : i32
          %add3A_1147 = arith.addi %mul3A_1145, %add3A_1146 : i32
          %jit3A_1148 = arith.constant 8 : i32
          %div3A_1149 = arith.divsi %add3A_1147, %jit3A_1148 : i32
          %sign3A_1150 = arith.constant 0 : i32
          %sign3A_1151 = arith.cmpi sgt, %add3A_1147, %sign3A_1150 : i32
          %sign3A_1152 = arith.extui %sign3A_1151 : i1 to i32
          %sign3A_1153 = arith.constant 0 : i32
          %sign3A_1154 = arith.cmpi slt, %add3A_1147, %sign3A_1153 : i32
          %sign3A_1155 = arith.extui %sign3A_1154 : i1 to i32
          %sign3A_1156 = arith.subi %sign3A_1152, %sign3A_1155 : i32
          %sign3A_1157 = arith.constant 0 : i32
          %sign3A_1158 = arith.cmpi sgt, %jit3A_1148, %sign3A_1157 : i32
          %sign3A_1159 = arith.extui %sign3A_1158 : i1 to i32
          %sign3A_1160 = arith.constant 0 : i32
          %sign3A_1161 = arith.cmpi slt, %jit3A_1148, %sign3A_1160 : i32
          %sign3A_1162 = arith.extui %sign3A_1161 : i1 to i32
          %sign3A_1163 = arith.subi %sign3A_1159, %sign3A_1162 : i32
          %ne3A_1164 = arith.cmpi ne, %sign3A_1156, %sign3A_1163 : i32
          %rem3A_1165 = arith.remsi %add3A_1147, %jit3A_1148 : i32
          %ne3A_1166 = arith.constant 0 : i32
          %ne3A_1167 = arith.cmpi ne, %rem3A_1165, %ne3A_1166 : i32
          %and3A_1168 = arith.andi %ne3A_1164, %ne3A_1167 : i1
          %sub3A_1169 = arith.constant 1 : i32
          %sub3A_1170 = arith.subi %div3A_1149, %sub3A_1169 : i32
          %select_n3A_1171 = arith.select %and3A_1168, %sub3A_1170, %div3A_1149 : i32
          %add3A_1172 = arith.addf %gather3A_624, %gather3A_528 : vector<16xf32>
          %swap3A_1173 = arith.constant 0 : i32
          %swap3A_1174 = arith.constant 0 : i32
          %swap3A_1175 = arith.index_cast %add3A_524 : i32 to index
          %swap3A_1176 = arith.index_cast %swap3A_1173 : i32 to index
          %swap3A_1177 = arith.index_cast %select_n3A_1171 : i32 to index
          %swap3A_1178 = arith.index_cast %swap3A_1174 : i32 to index
          %swap3A_1179 = arith.constant 96 : index
          %swap3A_1180 = tpu.vector_load %arg10[%swap3A_1175, %swap3A_1176, %swap3A_1177, %swap3A_1178, %swap3A_1179] {strides = array<i32>} : memref<4x1x8x1x128xf32, #tpu.memory_space<vmem>>, vector<16xf32>,
          tpu.vector_store %arg10[%swap3A_1175, %swap3A_1176, %swap3A_1177, %swap3A_1178, %swap3A_1179], %add3A_1172 {strides = array<i32>} : memref<4x1x8x1x128xf32, #tpu.memory_space<vmem>>, vector<16xf32>,
          %mul3A_1181 = arith.constant 16 : i32
          %mul3A_1182 = arith.muli %add3A_538, %mul3A_1181 : i32
          %add3A_1183 = arith.constant 15 : i32
          %add3A_1184 = arith.addi %mul3A_1182, %add3A_1183 : i32
          %jit3A_1185 = arith.constant 8 : i32
          %div3A_1186 = arith.divsi %add3A_1184, %jit3A_1185 : i32
          %sign3A_1187 = arith.constant 0 : i32
          %sign3A_1188 = arith.cmpi sgt, %add3A_1184, %sign3A_1187 : i32
          %sign3A_1189 = arith.extui %sign3A_1188 : i1 to i32
          %sign3A_1190 = arith.constant 0 : i32
          %sign3A_1191 = arith.cmpi slt, %add3A_1184, %sign3A_1190 : i32
          %sign3A_1192 = arith.extui %sign3A_1191 : i1 to i32
          %sign3A_1193 = arith.subi %sign3A_1189, %sign3A_1192 : i32
          %sign3A_1194 = arith.constant 0 : i32
          %sign3A_1195 = arith.cmpi sgt, %jit3A_1185, %sign3A_1194 : i32
          %sign3A_1196 = arith.extui %sign3A_1195 : i1 to i32
          %sign3A_1197 = arith.constant 0 : i32
          %sign3A_1198 = arith.cmpi slt, %jit3A_1185, %sign3A_1197 : i32
          %sign3A_1199 = arith.extui %sign3A_1198 : i1 to i32
          %sign3A_1200 = arith.subi %sign3A_1196, %sign3A_1199 : i32
          %ne3A_1201 = arith.cmpi ne, %sign3A_1193, %sign3A_1200 : i32
          %rem3A_1202 = arith.remsi %add3A_1184, %jit3A_1185 : i32
          %ne3A_1203 = arith.constant 0 : i32
          %ne3A_1204 = arith.cmpi ne, %rem3A_1202, %ne3A_1203 : i32
          %and3A_1205 = arith.andi %ne3A_1201, %ne3A_1204 : i1
          %sub3A_1206 = arith.constant 1 : i32
          %sub3A_1207 = arith.subi %div3A_1186, %sub3A_1206 : i32
          %select_n3A_1208 = arith.select %and3A_1205, %sub3A_1207, %div3A_1186 : i32
          %add3A_1209 = arith.addf %gather3A_625, %gather3A_528 : vector<16xf32>
          %swap3A_1210 = arith.constant 0 : i32
          %swap3A_1211 = arith.constant 0 : i32
          %swap3A_1212 = arith.index_cast %add3A_524 : i32 to index
          %swap3A_1213 = arith.index_cast %swap3A_1210 : i32 to index
          %swap3A_1214 = arith.index_cast %select_n3A_1208 : i32 to index
          %swap3A_1215 = arith.index_cast %swap3A_1211 : i32 to index
          %swap3A_1216 = arith.constant 112 : index
          %swap3A_1217 = tpu.vector_load %arg10[%swap3A_1212, %swap3A_1213, %swap3A_1214, %swap3A_1215, %swap3A_1216] {strides = array<i32>} : memref<4x1x8x1x128xf32, #tpu.memory_space<vmem>>, vector<16xf32>,
          tpu.vector_store %arg10[%swap3A_1212, %swap3A_1213, %swap3A_1214, %swap3A_1215, %swap3A_1216], %add3A_1209 {strides = array<i32>} : memref<4x1x8x1x128xf32, #tpu.memory_space<vmem>>, vector<16xf32>,
        }
        %scan3A_533 = arith.constant 4 : i32
      }
      %scan3A_270 = arith.constant 4 : i32
      %jit3A_271 = arith.constant 8 : i32
      %div3A_272 = arith.divsi %add3A_15, %jit3A_271 : i32
      %sign3A_273 = arith.constant 0 : i32
      %sign3A_274 = arith.cmpi sgt, %add3A_15, %sign3A_273 : i32
      %sign3A_275 = arith.extui %sign3A_274 : i1 to i32
      %sign3A_276 = arith.constant 0 : i32
      %sign3A_277 = arith.cmpi slt, %add3A_15, %sign3A_276 : i32
      %sign3A_278 = arith.extui %sign3A_277 : i1 to i32
      %sign3A_279 = arith.subi %sign3A_275, %sign3A_278 : i32
      %sign3A_280 = arith.constant 0 : i32
      %sign3A_281 = arith.cmpi sgt, %jit3A_271, %sign3A_280 : i32
      %sign3A_282 = arith.extui %sign3A_281 : i1 to i32
      %sign3A_283 = arith.constant 0 : i32
      %sign3A_284 = arith.cmpi slt, %jit3A_271, %sign3A_283 : i32
      %sign3A_285 = arith.extui %sign3A_284 : i1 to i32
      %sign3A_286 = arith.subi %sign3A_282, %sign3A_285 : i32
      %ne3A_287 = arith.cmpi ne, %sign3A_279, %sign3A_286 : i32
      %rem3A_288 = arith.remsi %add3A_15, %jit3A_271 : i32
      %ne3A_289 = arith.constant 0 : i32
      %ne3A_290 = arith.cmpi ne, %rem3A_288, %ne3A_289 : i32
      %and3A_291 = arith.andi %ne3A_287, %ne3A_290 : i1
      %sub3A_292 = arith.constant 1 : i32
      %sub3A_293 = arith.subi %div3A_272, %sub3A_292 : i32
      %select_n3A_294 = arith.select %and3A_291, %sub3A_293, %div3A_272 : i32
      %jit3A_295 = arith.constant 8 : i32
      %eq3A_296 = arith.constant 0 : i32
      %eq3A_297 = arith.cmpi eq, %jit3A_295, %eq3A_296 : i32
      %jit3A_298 = arith.constant 1 : i32
      %select_n3A_299 = arith.select %eq3A_297, %jit3A_298, %jit3A_295 : i32
      %rem3A_300 = arith.remsi %add3A_15, %select_n3A_299 : i32
      %ne3A_301 = arith.constant 0 : i32
      %ne3A_302 = arith.cmpi ne, %rem3A_300, %ne3A_301 : i32
      %lt3A_303 = arith.constant 0 : i32
      %lt3A_304 = arith.cmpi slt, %rem3A_300, %lt3A_303 : i32
      %lt3A_305 = arith.constant 0 : i32
      %lt3A_306 = arith.cmpi slt, %select_n3A_299, %lt3A_305 : i32
      %ne3A_307 = arith.xori %lt3A_304, %lt3A_306 : i1
      %and3A_308 = arith.andi %ne3A_307, %ne3A_302 : i1
      %add3A_309 = arith.addi %rem3A_300, %select_n3A_299 : i32
      %select_n3A_310 = arith.select %and3A_308, %add3A_309, %rem3A_300 : i32
      %dma_start3A_311 = arith.constant 192 : i32
      %dma_start3A_312 = arith.constant 0 : i32
      %dma_start3A_313 = arith.constant 0 : i32
      %dma_start3A_314 = tpu.memref_slice %arg6[%dma_start3A_311, %select_n3A_294, %dma_start3A_312, %select_n3A_310, %dma_start3A_313] : memref<200x8x8x8x128xf32, #tpu.memory_space<hbm>> -> memref<4x1x8x1x128xf32, #tpu.memory_space<hbm>>
      %dma_start3A_315 = arith.constant 192 : i32
      %dma_start3A_316 = arith.constant 0 : i32
      %dma_start3A_317 = arith.constant 0 : i32
      %dma_start3A_318 = tpu.memref_slice %arg6[%dma_start3A_315, %select_n3A_294, %dma_start3A_316, %select_n3A_310, %dma_start3A_317] : memref<200x8x8x8x128xf32, #tpu.memory_space<hbm>> -> memref<4x1x8x1x128xf32, #tpu.memory_space<hbm>>
      tpu.enqueue_dma source(%arg10 : memref<4x1x8x1x128xf32, #tpu.memory_space<vmem>>) target(%dma_start3A_318 : memref<4x1x8x1x128xf32, #tpu.memory_space<hbm>>) target_semaphore(%arg18 : memref<!tpu.dma_semaphore, #tpu.memory_space<semaphore_mem>>)
      %dma_wait3A_319 = arith.constant 200704 : i32
      %dma_wait3A_320 = tpu.memref_slice %arg15[%dma_wait3A_319] : memref<204800xi32, #tpu.memory_space<vmem_shared>> -> memref<4096xi32, #tpu.memory_space<vmem_shared>>
      %dma_wait3A_321 = arith.constant 200704 : i32
      %dma_wait3A_322 = tpu.memref_slice %arg15[%dma_wait3A_321] : memref<204800xi32, #tpu.memory_space<vmem_shared>> -> memref<4096xi32, #tpu.memory_space<vmem_shared>>
      tpu.wait_dma2 semaphore(%arg17 : memref<!tpu.dma_semaphore, #tpu.memory_space<semaphore_mem>>) src(%dma_wait3A_322 : memref<4096xi32, #tpu.memory_space<vmem_shared>>) dst(%arg9 : memref<4096xi32, #tpu.memory_space<vmem>>)
      %jit3A_323 = arith.constant 8 : i32
      %div3A_324 = arith.divsi %add3A_15, %jit3A_323 : i32
      %sign3A_325 = arith.constant 0 : i32
      %sign3A_326 = arith.cmpi sgt, %add3A_15, %sign3A_325 : i32
      %sign3A_327 = arith.extui %sign3A_326 : i1 to i32
      %sign3A_328 = arith.constant 0 : i32
      %sign3A_329 = arith.cmpi slt, %add3A_15, %sign3A_328 : i32
      %sign3A_330 = arith.extui %sign3A_329 : i1 to i32
      %sign3A_331 = arith.subi %sign3A_327, %sign3A_330 : i32
      %sign3A_332 = arith.constant 0 : i32
      %sign3A_333 = arith.cmpi sgt, %jit3A_323, %sign3A_332 : i32
      %sign3A_334 = arith.extui %sign3A_333 : i1 to i32
      %sign3A_335 = arith.constant 0 : i32
      %sign3A_336 = arith.cmpi slt, %jit3A_323, %sign3A_335 : i32
      %sign3A_337 = arith.extui %sign3A_336 : i1 to i32
      %sign3A_338 = arith.subi %sign3A_334, %sign3A_337 : i32
      %ne3A_339 = arith.cmpi ne, %sign3A_331, %sign3A_338 : i32
      %rem3A_340 = arith.remsi %add3A_15, %jit3A_323 : i32
      %ne3A_341 = arith.constant 0 : i32
      %ne3A_342 = arith.cmpi ne, %rem3A_340, %ne3A_341 : i32
      %and3A_343 = arith.andi %ne3A_339, %ne3A_342 : i1
      %sub3A_344 = arith.constant 1 : i32
      %sub3A_345 = arith.subi %div3A_324, %sub3A_344 : i32
      %select_n3A_346 = arith.select %and3A_343, %sub3A_345, %div3A_324 : i32
      %jit3A_347 = arith.constant 8 : i32
      %eq3A_348 = arith.constant 0 : i32
      %eq3A_349 = arith.cmpi eq, %jit3A_347, %eq3A_348 : i32
      %jit3A_350 = arith.constant 1 : i32
      %select_n3A_351 = arith.select %eq3A_349, %jit3A_350, %jit3A_347 : i32
      %rem3A_352 = arith.remsi %add3A_15, %select_n3A_351 : i32
      %ne3A_353 = arith.constant 0 : i32
      %ne3A_354 = arith.cmpi ne, %rem3A_352, %ne3A_353 : i32
      %lt3A_355 = arith.constant 0 : i32
      %lt3A_356 = arith.cmpi slt, %rem3A_352, %lt3A_355 : i32
      %lt3A_357 = arith.constant 0 : i32
      %lt3A_358 = arith.cmpi slt, %select_n3A_351, %lt3A_357 : i32
      %ne3A_359 = arith.xori %lt3A_356, %lt3A_358 : i1
      %and3A_360 = arith.andi %ne3A_359, %ne3A_354 : i1
      %add3A_361 = arith.addi %rem3A_352, %select_n3A_351 : i32
      %select_n3A_362 = arith.select %and3A_360, %add3A_361, %rem3A_352 : i32
      %dma_wait3A_363 = arith.constant 188 : i32
      %dma_wait3A_364 = arith.constant 0 : i32
      %dma_wait3A_365 = arith.constant 0 : i32
      %dma_wait3A_366 = tpu.memref_slice %arg6[%dma_wait3A_363, %select_n3A_346, %dma_wait3A_364, %select_n3A_362, %dma_wait3A_365] : memref<200x8x8x8x128xf32, #tpu.memory_space<hbm>> -> memref<4x1x8x1x128xf32, #tpu.memory_space<hbm>>
      %dma_wait3A_367 = arith.constant 188 : i32
      %dma_wait3A_368 = arith.constant 0 : i32
      %dma_wait3A_369 = arith.constant 0 : i32
      %dma_wait3A_370 = tpu.memref_slice %arg6[%dma_wait3A_367, %select_n3A_346, %dma_wait3A_368, %select_n3A_362, %dma_wait3A_369] : memref<200x8x8x8x128xf32, #tpu.memory_space<hbm>> -> memref<4x1x8x1x128xf32, #tpu.memory_space<hbm>>
      tpu.wait_dma2 semaphore(%arg19 : memref<!tpu.dma_semaphore, #tpu.memory_space<semaphore_mem>>) src(%arg11 : memref<4x1x8x1x128xf32, #tpu.memory_space<vmem>>) dst(%dma_wait3A_370 : memref<4x1x8x1x128xf32, #tpu.memory_space<hbm>>)
      %scan3A_371 = arith.constant 0 : i32
      %scan3A_372 = arith.constant 4 : i32
      %scan3A_373 = arith.addi %scan3A_371, %scan3A_372 : i32
      %scan3A_374 = arith.constant 1 : i32
      scf.for %scan3A_520 = %scan3A_371 to %scan3A_373 step %scan3A_374  : i32 {
        %mul3A_521 = arith.constant 1 : i32
        %mul3A_522 = arith.muli %scan3A_520, %mul3A_521 : i32
        %add3A_523 = arith.constant 0 : i32
        %add3A_524 = arith.addi %add3A_523, %mul3A_522 : i32
        %add3A_525 = arith.constant 196 : i32
        %add3A_526 = arith.addi %add3A_525, %add3A_524 : i32
        %broadcast_in_dim3A_527 = vector.broadcast %add3A_526 : i32 to vector<16xi32>
        %gather3A_528 = tpu.vector_load_idx %arg13[%broadcast_in_dim3A_527] : memref<208xf32, #tpu.memory_space<vmem>>[vector<16xi32>], vector<16xf32>,
        %scan3A_529 = arith.constant 0 : i32
        %scan3A_530 = arith.constant 4 : i32
        %scan3A_531 = arith.addi %scan3A_529, %scan3A_530 : i32
        %scan3A_532 = arith.constant 1 : i32
        scf.for %scan3A_534 = %scan3A_529 to %scan3A_531 step %scan3A_532  : i32 {
          %mul3A_535 = arith.constant 1 : i32
          %mul3A_536 = arith.muli %scan3A_534, %mul3A_535 : i32
          %add3A_537 = arith.constant 0 : i32
          %add3A_538 = arith.addi %add3A_537, %mul3A_536 : i32
          %mul3A_539 = arith.constant 1024 : i32
          %mul3A_540 = arith.muli %add3A_524, %mul3A_539 : i32
          %mul3A_541 = arith.constant 16 : i32
          %mul3A_542 = arith.muli %add3A_538, %mul3A_541 : i32
          %mul3A_543 = arith.constant 16 : i32
          %mul3A_544 = arith.muli %mul3A_542, %mul3A_543 : i32
          %add3A_545 = arith.addi %mul3A_540, %mul3A_544 : i32
          %add3A_546 = arith.constant 0 : i32
          %add3A_547 = arith.addi %add3A_545, %add3A_546 : i32
          %get3A_548 = arith.index_cast %add3A_547 : i32 to index
          %get3A_549 = tpu.vector_load %arg9[%get3A_548] {strides = array<i32>} : memref<4096xi32, #tpu.memory_space<vmem>>, vector<16xi32>,
          %add3A_550 = arith.constant 16 : i32
          %add3A_551 = arith.addi %add3A_545, %add3A_550 : i32
          %get3A_552 = arith.index_cast %add3A_551 : i32 to index
          %get3A_553 = tpu.vector_load %arg9[%get3A_552] {strides = array<i32>} : memref<4096xi32, #tpu.memory_space<vmem>>, vector<16xi32>,
          %add3A_554 = arith.constant 32 : i32
          %add3A_555 = arith.addi %add3A_545, %add3A_554 : i32
          %get3A_556 = arith.index_cast %add3A_555 : i32 to index
          %get3A_557 = tpu.vector_load %arg9[%get3A_556] {strides = array<i32>} : memref<4096xi32, #tpu.memory_space<vmem>>, vector<16xi32>,
          %add3A_558 = arith.constant 48 : i32
          %add3A_559 = arith.addi %add3A_545, %add3A_558 : i32
          %get3A_560 = arith.index_cast %add3A_559 : i32 to index
          %get3A_561 = tpu.vector_load %arg9[%get3A_560] {strides = array<i32>} : memref<4096xi32, #tpu.memory_space<vmem>>, vector<16xi32>,
          %add3A_562 = arith.constant 64 : i32
          %add3A_563 = arith.addi %add3A_545, %add3A_562 : i32
          %get3A_564 = arith.index_cast %add3A_563 : i32 to index
          %get3A_565 = tpu.vector_load %arg9[%get3A_564] {strides = array<i32>} : memref<4096xi32, #tpu.memory_space<vmem>>, vector<16xi32>,
          %add3A_566 = arith.constant 80 : i32
          %add3A_567 = arith.addi %add3A_545, %add3A_566 : i32
          %get3A_568 = arith.index_cast %add3A_567 : i32 to index
          %get3A_569 = tpu.vector_load %arg9[%get3A_568] {strides = array<i32>} : memref<4096xi32, #tpu.memory_space<vmem>>, vector<16xi32>,
          %add3A_570 = arith.constant 96 : i32
          %add3A_571 = arith.addi %add3A_545, %add3A_570 : i32
          %get3A_572 = arith.index_cast %add3A_571 : i32 to index
          %get3A_573 = tpu.vector_load %arg9[%get3A_572] {strides = array<i32>} : memref<4096xi32, #tpu.memory_space<vmem>>, vector<16xi32>,
          %add3A_574 = arith.constant 112 : i32
          %add3A_575 = arith.addi %add3A_545, %add3A_574 : i32
          %get3A_576 = arith.index_cast %add3A_575 : i32 to index
          %get3A_577 = tpu.vector_load %arg9[%get3A_576] {strides = array<i32>} : memref<4096xi32, #tpu.memory_space<vmem>>, vector<16xi32>,
          %add3A_578 = arith.constant 128 : i32
          %add3A_579 = arith.addi %add3A_545, %add3A_578 : i32
          %get3A_580 = arith.index_cast %add3A_579 : i32 to index
          %get3A_581 = tpu.vector_load %arg9[%get3A_580] {strides = array<i32>} : memref<4096xi32, #tpu.memory_space<vmem>>, vector<16xi32>,
          %add3A_582 = arith.constant 144 : i32
          %add3A_583 = arith.addi %add3A_545, %add3A_582 : i32
          %get3A_584 = arith.index_cast %add3A_583 : i32 to index
          %get3A_585 = tpu.vector_load %arg9[%get3A_584] {strides = array<i32>} : memref<4096xi32, #tpu.memory_space<vmem>>, vector<16xi32>,
          %add3A_586 = arith.constant 160 : i32
          %add3A_587 = arith.addi %add3A_545, %add3A_586 : i32
          %get3A_588 = arith.index_cast %add3A_587 : i32 to index
          %get3A_589 = tpu.vector_load %arg9[%get3A_588] {strides = array<i32>} : memref<4096xi32, #tpu.memory_space<vmem>>, vector<16xi32>,
          %add3A_590 = arith.constant 176 : i32
          %add3A_591 = arith.addi %add3A_545, %add3A_590 : i32
          %get3A_592 = arith.index_cast %add3A_591 : i32 to index
          %get3A_593 = tpu.vector_load %arg9[%get3A_592] {strides = array<i32>} : memref<4096xi32, #tpu.memory_space<vmem>>, vector<16xi32>,
          %add3A_594 = arith.constant 192 : i32
          %add3A_595 = arith.addi %add3A_545, %add3A_594 : i32
          %get3A_596 = arith.index_cast %add3A_595 : i32 to index
          %get3A_597 = tpu.vector_load %arg9[%get3A_596] {strides = array<i32>} : memref<4096xi32, #tpu.memory_space<vmem>>, vector<16xi32>,
          %add3A_598 = arith.constant 208 : i32
          %add3A_599 = arith.addi %add3A_545, %add3A_598 : i32
          %get3A_600 = arith.index_cast %add3A_599 : i32 to index
          %get3A_601 = tpu.vector_load %arg9[%get3A_600] {strides = array<i32>} : memref<4096xi32, #tpu.memory_space<vmem>>, vector<16xi32>,
          %add3A_602 = arith.constant 224 : i32
          %add3A_603 = arith.addi %add3A_545, %add3A_602 : i32
          %get3A_604 = arith.index_cast %add3A_603 : i32 to index
          %get3A_605 = tpu.vector_load %arg9[%get3A_604] {strides = array<i32>} : memref<4096xi32, #tpu.memory_space<vmem>>, vector<16xi32>,
          %add3A_606 = arith.constant 240 : i32
          %add3A_607 = arith.addi %add3A_545, %add3A_606 : i32
          %get3A_608 = arith.index_cast %add3A_607 : i32 to index
          %get3A_609 = tpu.vector_load %arg9[%get3A_608] {strides = array<i32>} : memref<4096xi32, #tpu.memory_space<vmem>>, vector<16xi32>,
          %gather3A_610 = tpu.vector_load_idx %arg7[%broadcast_in_dim3A_1, %get3A_549] : memref<1x100000xf32, #tpu.memory_space<vmem>>[vector<16xi32>, vector<16xi32>], vector<16xf32>,
          %gather3A_611 = tpu.vector_load_idx %arg7[%broadcast_in_dim3A_1, %get3A_553] : memref<1x100000xf32, #tpu.memory_space<vmem>>[vector<16xi32>, vector<16xi32>], vector<16xf32>,
          %gather3A_612 = tpu.vector_load_idx %arg7[%broadcast_in_dim3A_1, %get3A_557] : memref<1x100000xf32, #tpu.memory_space<vmem>>[vector<16xi32>, vector<16xi32>], vector<16xf32>,
          %gather3A_613 = tpu.vector_load_idx %arg7[%broadcast_in_dim3A_1, %get3A_561] : memref<1x100000xf32, #tpu.memory_space<vmem>>[vector<16xi32>, vector<16xi32>], vector<16xf32>,
          %gather3A_614 = tpu.vector_load_idx %arg7[%broadcast_in_dim3A_1, %get3A_565] : memref<1x100000xf32, #tpu.memory_space<vmem>>[vector<16xi32>, vector<16xi32>], vector<16xf32>,
          %gather3A_615 = tpu.vector_load_idx %arg7[%broadcast_in_dim3A_1, %get3A_569] : memref<1x100000xf32, #tpu.memory_space<vmem>>[vector<16xi32>, vector<16xi32>], vector<16xf32>,
          %gather3A_616 = tpu.vector_load_idx %arg7[%broadcast_in_dim3A_1, %get3A_573] : memref<1x100000xf32, #tpu.memory_space<vmem>>[vector<16xi32>, vector<16xi32>], vector<16xf32>,
          %gather3A_617 = tpu.vector_load_idx %arg7[%broadcast_in_dim3A_1, %get3A_577] : memref<1x100000xf32, #tpu.memory_space<vmem>>[vector<16xi32>, vector<16xi32>], vector<16xf32>,
          %gather3A_618 = tpu.vector_load_idx %arg7[%broadcast_in_dim3A_1, %get3A_581] : memref<1x100000xf32, #tpu.memory_space<vmem>>[vector<16xi32>, vector<16xi32>], vector<16xf32>,
          %gather3A_619 = tpu.vector_load_idx %arg7[%broadcast_in_dim3A_1, %get3A_585] : memref<1x100000xf32, #tpu.memory_space<vmem>>[vector<16xi32>, vector<16xi32>], vector<16xf32>,
          %gather3A_620 = tpu.vector_load_idx %arg7[%broadcast_in_dim3A_1, %get3A_589] : memref<1x100000xf32, #tpu.memory_space<vmem>>[vector<16xi32>, vector<16xi32>], vector<16xf32>,
          %gather3A_621 = tpu.vector_load_idx %arg7[%broadcast_in_dim3A_1, %get3A_593] : memref<1x100000xf32, #tpu.memory_space<vmem>>[vector<16xi32>, vector<16xi32>], vector<16xf32>,
          %gather3A_622 = tpu.vector_load_idx %arg7[%broadcast_in_dim3A_1, %get3A_597] : memref<1x100000xf32, #tpu.memory_space<vmem>>[vector<16xi32>, vector<16xi32>], vector<16xf32>,
          %gather3A_623 = tpu.vector_load_idx %arg7[%broadcast_in_dim3A_1, %get3A_601] : memref<1x100000xf32, #tpu.memory_space<vmem>>[vector<16xi32>, vector<16xi32>], vector<16xf32>,
          %gather3A_624 = tpu.vector_load_idx %arg7[%broadcast_in_dim3A_1, %get3A_605] : memref<1x100000xf32, #tpu.memory_space<vmem>>[vector<16xi32>, vector<16xi32>], vector<16xf32>,
          %gather3A_625 = tpu.vector_load_idx %arg7[%broadcast_in_dim3A_1, %get3A_609] : memref<1x100000xf32, #tpu.memory_space<vmem>>[vector<16xi32>, vector<16xi32>], vector<16xf32>,
          %mul3A_626 = arith.constant 16 : i32
          %mul3A_627 = arith.muli %add3A_538, %mul3A_626 : i32
          %add3A_628 = arith.constant 0 : i32
          %add3A_629 = arith.addi %mul3A_627, %add3A_628 : i32
          %jit3A_630 = arith.constant 8 : i32
          %div3A_631 = arith.divsi %add3A_629, %jit3A_630 : i32
          %sign3A_632 = arith.constant 0 : i32
          %sign3A_633 = arith.cmpi sgt, %add3A_629, %sign3A_632 : i32
          %sign3A_634 = arith.extui %sign3A_633 : i1 to i32
          %sign3A_635 = arith.constant 0 : i32
          %sign3A_636 = arith.cmpi slt, %add3A_629, %sign3A_635 : i32
          %sign3A_637 = arith.extui %sign3A_636 : i1 to i32
          %sign3A_638 = arith.subi %sign3A_634, %sign3A_637 : i32
          %sign3A_639 = arith.constant 0 : i32
          %sign3A_640 = arith.cmpi sgt, %jit3A_630, %sign3A_639 : i32
          %sign3A_641 = arith.extui %sign3A_640 : i1 to i32
          %sign3A_642 = arith.constant 0 : i32
          %sign3A_643 = arith.cmpi slt, %jit3A_630, %sign3A_642 : i32
          %sign3A_644 = arith.extui %sign3A_643 : i1 to i32
          %sign3A_645 = arith.subi %sign3A_641, %sign3A_644 : i32
          %ne3A_646 = arith.cmpi ne, %sign3A_638, %sign3A_645 : i32
          %rem3A_647 = arith.remsi %add3A_629, %jit3A_630 : i32
          %ne3A_648 = arith.constant 0 : i32
          %ne3A_649 = arith.cmpi ne, %rem3A_647, %ne3A_648 : i32
          %and3A_650 = arith.andi %ne3A_646, %ne3A_649 : i1
          %sub3A_651 = arith.constant 1 : i32
          %sub3A_652 = arith.subi %div3A_631, %sub3A_651 : i32
          %select_n3A_653 = arith.select %and3A_650, %sub3A_652, %div3A_631 : i32
          %add3A_654 = arith.addf %gather3A_610, %gather3A_528 : vector<16xf32>
          %swap3A_655 = arith.constant 0 : i32
          %swap3A_656 = arith.constant 0 : i32
          %swap3A_657 = arith.index_cast %add3A_524 : i32 to index
          %swap3A_658 = arith.index_cast %swap3A_655 : i32 to index
          %swap3A_659 = arith.index_cast %select_n3A_653 : i32 to index
          %swap3A_660 = arith.index_cast %swap3A_656 : i32 to index
          %swap3A_661 = arith.constant 0 : index
          %swap3A_662 = tpu.vector_load %arg11[%swap3A_657, %swap3A_658, %swap3A_659, %swap3A_660, %swap3A_661] {strides = array<i32>} : memref<4x1x8x1x128xf32, #tpu.memory_space<vmem>>, vector<16xf32>,
          tpu.vector_store %arg11[%swap3A_657, %swap3A_658, %swap3A_659, %swap3A_660, %swap3A_661], %add3A_654 {strides = array<i32>} : memref<4x1x8x1x128xf32, #tpu.memory_space<vmem>>, vector<16xf32>,
          %mul3A_663 = arith.constant 16 : i32
          %mul3A_664 = arith.muli %add3A_538, %mul3A_663 : i32
          %add3A_665 = arith.constant 1 : i32
          %add3A_666 = arith.addi %mul3A_664, %add3A_665 : i32
          %jit3A_667 = arith.constant 8 : i32
          %div3A_668 = arith.divsi %add3A_666, %jit3A_667 : i32
          %sign3A_669 = arith.constant 0 : i32
          %sign3A_670 = arith.cmpi sgt, %add3A_666, %sign3A_669 : i32
          %sign3A_671 = arith.extui %sign3A_670 : i1 to i32
          %sign3A_672 = arith.constant 0 : i32
          %sign3A_673 = arith.cmpi slt, %add3A_666, %sign3A_672 : i32
          %sign3A_674 = arith.extui %sign3A_673 : i1 to i32
          %sign3A_675 = arith.subi %sign3A_671, %sign3A_674 : i32
          %sign3A_676 = arith.constant 0 : i32
          %sign3A_677 = arith.cmpi sgt, %jit3A_667, %sign3A_676 : i32
          %sign3A_678 = arith.extui %sign3A_677 : i1 to i32
          %sign3A_679 = arith.constant 0 : i32
          %sign3A_680 = arith.cmpi slt, %jit3A_667, %sign3A_679 : i32
          %sign3A_681 = arith.extui %sign3A_680 : i1 to i32
          %sign3A_682 = arith.subi %sign3A_678, %sign3A_681 : i32
          %ne3A_683 = arith.cmpi ne, %sign3A_675, %sign3A_682 : i32
          %rem3A_684 = arith.remsi %add3A_666, %jit3A_667 : i32
          %ne3A_685 = arith.constant 0 : i32
          %ne3A_686 = arith.cmpi ne, %rem3A_684, %ne3A_685 : i32
          %and3A_687 = arith.andi %ne3A_683, %ne3A_686 : i1
          %sub3A_688 = arith.constant 1 : i32
          %sub3A_689 = arith.subi %div3A_668, %sub3A_688 : i32
          %select_n3A_690 = arith.select %and3A_687, %sub3A_689, %div3A_668 : i32
          %add3A_691 = arith.addf %gather3A_611, %gather3A_528 : vector<16xf32>
          %swap3A_692 = arith.constant 0 : i32
          %swap3A_693 = arith.constant 0 : i32
          %swap3A_694 = arith.index_cast %add3A_524 : i32 to index
          %swap3A_695 = arith.index_cast %swap3A_692 : i32 to index
          %swap3A_696 = arith.index_cast %select_n3A_690 : i32 to index
          %swap3A_697 = arith.index_cast %swap3A_693 : i32 to index
          %swap3A_698 = arith.constant 16 : index
          %swap3A_699 = tpu.vector_load %arg11[%swap3A_694, %swap3A_695, %swap3A_696, %swap3A_697, %swap3A_698] {strides = array<i32>} : memref<4x1x8x1x128xf32, #tpu.memory_space<vmem>>, vector<16xf32>,
          tpu.vector_store %arg11[%swap3A_694, %swap3A_695, %swap3A_696, %swap3A_697, %swap3A_698], %add3A_691 {strides = array<i32>} : memref<4x1x8x1x128xf32, #tpu.memory_space<vmem>>, vector<16xf32>,
          %mul3A_700 = arith.constant 16 : i32
          %mul3A_701 = arith.muli %add3A_538, %mul3A_700 : i32
          %add3A_702 = arith.constant 2 : i32
          %add3A_703 = arith.addi %mul3A_701, %add3A_702 : i32
          %jit3A_704 = arith.constant 8 : i32
          %div3A_705 = arith.divsi %add3A_703, %jit3A_704 : i32
          %sign3A_706 = arith.constant 0 : i32
          %sign3A_707 = arith.cmpi sgt, %add3A_703, %sign3A_706 : i32
          %sign3A_708 = arith.extui %sign3A_707 : i1 to i32
          %sign3A_709 = arith.constant 0 : i32
          %sign3A_710 = arith.cmpi slt, %add3A_703, %sign3A_709 : i32
          %sign3A_711 = arith.extui %sign3A_710 : i1 to i32
          %sign3A_712 = arith.subi %sign3A_708, %sign3A_711 : i32
          %sign3A_713 = arith.constant 0 : i32
          %sign3A_714 = arith.cmpi sgt, %jit3A_704, %sign3A_713 : i32
          %sign3A_715 = arith.extui %sign3A_714 : i1 to i32
          %sign3A_716 = arith.constant 0 : i32
          %sign3A_717 = arith.cmpi slt, %jit3A_704, %sign3A_716 : i32
          %sign3A_718 = arith.extui %sign3A_717 : i1 to i32
          %sign3A_719 = arith.subi %sign3A_715, %sign3A_718 : i32
          %ne3A_720 = arith.cmpi ne, %sign3A_712, %sign3A_719 : i32
          %rem3A_721 = arith.remsi %add3A_703, %jit3A_704 : i32
          %ne3A_722 = arith.constant 0 : i32
          %ne3A_723 = arith.cmpi ne, %rem3A_721, %ne3A_722 : i32
          %and3A_724 = arith.andi %ne3A_720, %ne3A_723 : i1
          %sub3A_725 = arith.constant 1 : i32
          %sub3A_726 = arith.subi %div3A_705, %sub3A_725 : i32
          %select_n3A_727 = arith.select %and3A_724, %sub3A_726, %div3A_705 : i32
          %add3A_728 = arith.addf %gather3A_612, %gather3A_528 : vector<16xf32>
          %swap3A_729 = arith.constant 0 : i32
          %swap3A_730 = arith.constant 0 : i32
          %swap3A_731 = arith.index_cast %add3A_524 : i32 to index
          %swap3A_732 = arith.index_cast %swap3A_729 : i32 to index
          %swap3A_733 = arith.index_cast %select_n3A_727 : i32 to index
          %swap3A_734 = arith.index_cast %swap3A_730 : i32 to index
          %swap3A_735 = arith.constant 32 : index
          %swap3A_736 = tpu.vector_load %arg11[%swap3A_731, %swap3A_732, %swap3A_733, %swap3A_734, %swap3A_735] {strides = array<i32>} : memref<4x1x8x1x128xf32, #tpu.memory_space<vmem>>, vector<16xf32>,
          tpu.vector_store %arg11[%swap3A_731, %swap3A_732, %swap3A_733, %swap3A_734, %swap3A_735], %add3A_728 {strides = array<i32>} : memref<4x1x8x1x128xf32, #tpu.memory_space<vmem>>, vector<16xf32>,
          %mul3A_737 = arith.constant 16 : i32
          %mul3A_738 = arith.muli %add3A_538, %mul3A_737 : i32
          %add3A_739 = arith.constant 3 : i32
          %add3A_740 = arith.addi %mul3A_738, %add3A_739 : i32
          %jit3A_741 = arith.constant 8 : i32
          %div3A_742 = arith.divsi %add3A_740, %jit3A_741 : i32
          %sign3A_743 = arith.constant 0 : i32
          %sign3A_744 = arith.cmpi sgt, %add3A_740, %sign3A_743 : i32
          %sign3A_745 = arith.extui %sign3A_744 : i1 to i32
          %sign3A_746 = arith.constant 0 : i32
          %sign3A_747 = arith.cmpi slt, %add3A_740, %sign3A_746 : i32
          %sign3A_748 = arith.extui %sign3A_747 : i1 to i32
          %sign3A_749 = arith.subi %sign3A_745, %sign3A_748 : i32
          %sign3A_750 = arith.constant 0 : i32
          %sign3A_751 = arith.cmpi sgt, %jit3A_741, %sign3A_750 : i32
          %sign3A_752 = arith.extui %sign3A_751 : i1 to i32
          %sign3A_753 = arith.constant 0 : i32
          %sign3A_754 = arith.cmpi slt, %jit3A_741, %sign3A_753 : i32
          %sign3A_755 = arith.extui %sign3A_754 : i1 to i32
          %sign3A_756 = arith.subi %sign3A_752, %sign3A_755 : i32
          %ne3A_757 = arith.cmpi ne, %sign3A_749, %sign3A_756 : i32
          %rem3A_758 = arith.remsi %add3A_740, %jit3A_741 : i32
          %ne3A_759 = arith.constant 0 : i32
          %ne3A_760 = arith.cmpi ne, %rem3A_758, %ne3A_759 : i32
          %and3A_761 = arith.andi %ne3A_757, %ne3A_760 : i1
          %sub3A_762 = arith.constant 1 : i32
          %sub3A_763 = arith.subi %div3A_742, %sub3A_762 : i32
          %select_n3A_764 = arith.select %and3A_761, %sub3A_763, %div3A_742 : i32
          %add3A_765 = arith.addf %gather3A_613, %gather3A_528 : vector<16xf32>
          %swap3A_766 = arith.constant 0 : i32
          %swap3A_767 = arith.constant 0 : i32
          %swap3A_768 = arith.index_cast %add3A_524 : i32 to index
          %swap3A_769 = arith.index_cast %swap3A_766 : i32 to index
          %swap3A_770 = arith.index_cast %select_n3A_764 : i32 to index
          %swap3A_771 = arith.index_cast %swap3A_767 : i32 to index
          %swap3A_772 = arith.constant 48 : index
          %swap3A_773 = tpu.vector_load %arg11[%swap3A_768, %swap3A_769, %swap3A_770, %swap3A_771, %swap3A_772] {strides = array<i32>} : memref<4x1x8x1x128xf32, #tpu.memory_space<vmem>>, vector<16xf32>,
          tpu.vector_store %arg11[%swap3A_768, %swap3A_769, %swap3A_770, %swap3A_771, %swap3A_772], %add3A_765 {strides = array<i32>} : memref<4x1x8x1x128xf32, #tpu.memory_space<vmem>>, vector<16xf32>,
          %mul3A_774 = arith.constant 16 : i32
          %mul3A_775 = arith.muli %add3A_538, %mul3A_774 : i32
          %add3A_776 = arith.constant 4 : i32
          %add3A_777 = arith.addi %mul3A_775, %add3A_776 : i32
          %jit3A_778 = arith.constant 8 : i32
          %div3A_779 = arith.divsi %add3A_777, %jit3A_778 : i32
          %sign3A_780 = arith.constant 0 : i32
          %sign3A_781 = arith.cmpi sgt, %add3A_777, %sign3A_780 : i32
          %sign3A_782 = arith.extui %sign3A_781 : i1 to i32
          %sign3A_783 = arith.constant 0 : i32
          %sign3A_784 = arith.cmpi slt, %add3A_777, %sign3A_783 : i32
          %sign3A_785 = arith.extui %sign3A_784 : i1 to i32
          %sign3A_786 = arith.subi %sign3A_782, %sign3A_785 : i32
          %sign3A_787 = arith.constant 0 : i32
          %sign3A_788 = arith.cmpi sgt, %jit3A_778, %sign3A_787 : i32
          %sign3A_789 = arith.extui %sign3A_788 : i1 to i32
          %sign3A_790 = arith.constant 0 : i32
          %sign3A_791 = arith.cmpi slt, %jit3A_778, %sign3A_790 : i32
          %sign3A_792 = arith.extui %sign3A_791 : i1 to i32
          %sign3A_793 = arith.subi %sign3A_789, %sign3A_792 : i32
          %ne3A_794 = arith.cmpi ne, %sign3A_786, %sign3A_793 : i32
          %rem3A_795 = arith.remsi %add3A_777, %jit3A_778 : i32
          %ne3A_796 = arith.constant 0 : i32
          %ne3A_797 = arith.cmpi ne, %rem3A_795, %ne3A_796 : i32
          %and3A_798 = arith.andi %ne3A_794, %ne3A_797 : i1
          %sub3A_799 = arith.constant 1 : i32
          %sub3A_800 = arith.subi %div3A_779, %sub3A_799 : i32
          %select_n3A_801 = arith.select %and3A_798, %sub3A_800, %div3A_779 : i32
          %add3A_802 = arith.addf %gather3A_614, %gather3A_528 : vector<16xf32>
          %swap3A_803 = arith.constant 0 : i32
          %swap3A_804 = arith.constant 0 : i32
          %swap3A_805 = arith.index_cast %add3A_524 : i32 to index
          %swap3A_806 = arith.index_cast %swap3A_803 : i32 to index
          %swap3A_807 = arith.index_cast %select_n3A_801 : i32 to index
          %swap3A_808 = arith.index_cast %swap3A_804 : i32 to index
          %swap3A_809 = arith.constant 64 : index
          %swap3A_810 = tpu.vector_load %arg11[%swap3A_805, %swap3A_806, %swap3A_807, %swap3A_808, %swap3A_809] {strides = array<i32>} : memref<4x1x8x1x128xf32, #tpu.memory_space<vmem>>, vector<16xf32>,
          tpu.vector_store %arg11[%swap3A_805, %swap3A_806, %swap3A_807, %swap3A_808, %swap3A_809], %add3A_802 {strides = array<i32>} : memref<4x1x8x1x128xf32, #tpu.memory_space<vmem>>, vector<16xf32>,
          %mul3A_811 = arith.constant 16 : i32
          %mul3A_812 = arith.muli %add3A_538, %mul3A_811 : i32
          %add3A_813 = arith.constant 5 : i32
          %add3A_814 = arith.addi %mul3A_812, %add3A_813 : i32
          %jit3A_815 = arith.constant 8 : i32
          %div3A_816 = arith.divsi %add3A_814, %jit3A_815 : i32
          %sign3A_817 = arith.constant 0 : i32
          %sign3A_818 = arith.cmpi sgt, %add3A_814, %sign3A_817 : i32
          %sign3A_819 = arith.extui %sign3A_818 : i1 to i32
          %sign3A_820 = arith.constant 0 : i32
          %sign3A_821 = arith.cmpi slt, %add3A_814, %sign3A_820 : i32
          %sign3A_822 = arith.extui %sign3A_821 : i1 to i32
          %sign3A_823 = arith.subi %sign3A_819, %sign3A_822 : i32
          %sign3A_824 = arith.constant 0 : i32
          %sign3A_825 = arith.cmpi sgt, %jit3A_815, %sign3A_824 : i32
          %sign3A_826 = arith.extui %sign3A_825 : i1 to i32
          %sign3A_827 = arith.constant 0 : i32
          %sign3A_828 = arith.cmpi slt, %jit3A_815, %sign3A_827 : i32
          %sign3A_829 = arith.extui %sign3A_828 : i1 to i32
          %sign3A_830 = arith.subi %sign3A_826, %sign3A_829 : i32
          %ne3A_831 = arith.cmpi ne, %sign3A_823, %sign3A_830 : i32
          %rem3A_832 = arith.remsi %add3A_814, %jit3A_815 : i32
          %ne3A_833 = arith.constant 0 : i32
          %ne3A_834 = arith.cmpi ne, %rem3A_832, %ne3A_833 : i32
          %and3A_835 = arith.andi %ne3A_831, %ne3A_834 : i1
          %sub3A_836 = arith.constant 1 : i32
          %sub3A_837 = arith.subi %div3A_816, %sub3A_836 : i32
          %select_n3A_838 = arith.select %and3A_835, %sub3A_837, %div3A_816 : i32
          %add3A_839 = arith.addf %gather3A_615, %gather3A_528 : vector<16xf32>
          %swap3A_840 = arith.constant 0 : i32
          %swap3A_841 = arith.constant 0 : i32
          %swap3A_842 = arith.index_cast %add3A_524 : i32 to index
          %swap3A_843 = arith.index_cast %swap3A_840 : i32 to index
          %swap3A_844 = arith.index_cast %select_n3A_838 : i32 to index
          %swap3A_845 = arith.index_cast %swap3A_841 : i32 to index
          %swap3A_846 = arith.constant 80 : index
          %swap3A_847 = tpu.vector_load %arg11[%swap3A_842, %swap3A_843, %swap3A_844, %swap3A_845, %swap3A_846] {strides = array<i32>} : memref<4x1x8x1x128xf32, #tpu.memory_space<vmem>>, vector<16xf32>,
          tpu.vector_store %arg11[%swap3A_842, %swap3A_843, %swap3A_844, %swap3A_845, %swap3A_846], %add3A_839 {strides = array<i32>} : memref<4x1x8x1x128xf32, #tpu.memory_space<vmem>>, vector<16xf32>,
          %mul3A_848 = arith.constant 16 : i32
          %mul3A_849 = arith.muli %add3A_538, %mul3A_848 : i32
          %add3A_850 = arith.constant 6 : i32
          %add3A_851 = arith.addi %mul3A_849, %add3A_850 : i32
          %jit3A_852 = arith.constant 8 : i32
          %div3A_853 = arith.divsi %add3A_851, %jit3A_852 : i32
          %sign3A_854 = arith.constant 0 : i32
          %sign3A_855 = arith.cmpi sgt, %add3A_851, %sign3A_854 : i32
          %sign3A_856 = arith.extui %sign3A_855 : i1 to i32
          %sign3A_857 = arith.constant 0 : i32
          %sign3A_858 = arith.cmpi slt, %add3A_851, %sign3A_857 : i32
          %sign3A_859 = arith.extui %sign3A_858 : i1 to i32
          %sign3A_860 = arith.subi %sign3A_856, %sign3A_859 : i32
          %sign3A_861 = arith.constant 0 : i32
          %sign3A_862 = arith.cmpi sgt, %jit3A_852, %sign3A_861 : i32
          %sign3A_863 = arith.extui %sign3A_862 : i1 to i32
          %sign3A_864 = arith.constant 0 : i32
          %sign3A_865 = arith.cmpi slt, %jit3A_852, %sign3A_864 : i32
          %sign3A_866 = arith.extui %sign3A_865 : i1 to i32
          %sign3A_867 = arith.subi %sign3A_863, %sign3A_866 : i32
          %ne3A_868 = arith.cmpi ne, %sign3A_860, %sign3A_867 : i32
          %rem3A_869 = arith.remsi %add3A_851, %jit3A_852 : i32
          %ne3A_870 = arith.constant 0 : i32
          %ne3A_871 = arith.cmpi ne, %rem3A_869, %ne3A_870 : i32
          %and3A_872 = arith.andi %ne3A_868, %ne3A_871 : i1
          %sub3A_873 = arith.constant 1 : i32
          %sub3A_874 = arith.subi %div3A_853, %sub3A_873 : i32
          %select_n3A_875 = arith.select %and3A_872, %sub3A_874, %div3A_853 : i32
          %add3A_876 = arith.addf %gather3A_616, %gather3A_528 : vector<16xf32>
          %swap3A_877 = arith.constant 0 : i32
          %swap3A_878 = arith.constant 0 : i32
          %swap3A_879 = arith.index_cast %add3A_524 : i32 to index
          %swap3A_880 = arith.index_cast %swap3A_877 : i32 to index
          %swap3A_881 = arith.index_cast %select_n3A_875 : i32 to index
          %swap3A_882 = arith.index_cast %swap3A_878 : i32 to index
          %swap3A_883 = arith.constant 96 : index
          %swap3A_884 = tpu.vector_load %arg11[%swap3A_879, %swap3A_880, %swap3A_881, %swap3A_882, %swap3A_883] {strides = array<i32>} : memref<4x1x8x1x128xf32, #tpu.memory_space<vmem>>, vector<16xf32>,
          tpu.vector_store %arg11[%swap3A_879, %swap3A_880, %swap3A_881, %swap3A_882, %swap3A_883], %add3A_876 {strides = array<i32>} : memref<4x1x8x1x128xf32, #tpu.memory_space<vmem>>, vector<16xf32>,
          %mul3A_885 = arith.constant 16 : i32
          %mul3A_886 = arith.muli %add3A_538, %mul3A_885 : i32
          %add3A_887 = arith.constant 7 : i32
          %add3A_888 = arith.addi %mul3A_886, %add3A_887 : i32
          %jit3A_889 = arith.constant 8 : i32
          %div3A_890 = arith.divsi %add3A_888, %jit3A_889 : i32
          %sign3A_891 = arith.constant 0 : i32
          %sign3A_892 = arith.cmpi sgt, %add3A_888, %sign3A_891 : i32
          %sign3A_893 = arith.extui %sign3A_892 : i1 to i32
          %sign3A_894 = arith.constant 0 : i32
          %sign3A_895 = arith.cmpi slt, %add3A_888, %sign3A_894 : i32
          %sign3A_896 = arith.extui %sign3A_895 : i1 to i32
          %sign3A_897 = arith.subi %sign3A_893, %sign3A_896 : i32
          %sign3A_898 = arith.constant 0 : i32
          %sign3A_899 = arith.cmpi sgt, %jit3A_889, %sign3A_898 : i32
          %sign3A_900 = arith.extui %sign3A_899 : i1 to i32
          %sign3A_901 = arith.constant 0 : i32
          %sign3A_902 = arith.cmpi slt, %jit3A_889, %sign3A_901 : i32
          %sign3A_903 = arith.extui %sign3A_902 : i1 to i32
          %sign3A_904 = arith.subi %sign3A_900, %sign3A_903 : i32
          %ne3A_905 = arith.cmpi ne, %sign3A_897, %sign3A_904 : i32
          %rem3A_906 = arith.remsi %add3A_888, %jit3A_889 : i32
          %ne3A_907 = arith.constant 0 : i32
          %ne3A_908 = arith.cmpi ne, %rem3A_906, %ne3A_907 : i32
          %and3A_909 = arith.andi %ne3A_905, %ne3A_908 : i1
          %sub3A_910 = arith.constant 1 : i32
          %sub3A_911 = arith.subi %div3A_890, %sub3A_910 : i32
          %select_n3A_912 = arith.select %and3A_909, %sub3A_911, %div3A_890 : i32
          %add3A_913 = arith.addf %gather3A_617, %gather3A_528 : vector<16xf32>
          %swap3A_914 = arith.constant 0 : i32
          %swap3A_915 = arith.constant 0 : i32
          %swap3A_916 = arith.index_cast %add3A_524 : i32 to index
          %swap3A_917 = arith.index_cast %swap3A_914 : i32 to index
          %swap3A_918 = arith.index_cast %select_n3A_912 : i32 to index
          %swap3A_919 = arith.index_cast %swap3A_915 : i32 to index
          %swap3A_920 = arith.constant 112 : index
          %swap3A_921 = tpu.vector_load %arg11[%swap3A_916, %swap3A_917, %swap3A_918, %swap3A_919, %swap3A_920] {strides = array<i32>} : memref<4x1x8x1x128xf32, #tpu.memory_space<vmem>>, vector<16xf32>,
          tpu.vector_store %arg11[%swap3A_916, %swap3A_917, %swap3A_918, %swap3A_919, %swap3A_920], %add3A_913 {strides = array<i32>} : memref<4x1x8x1x128xf32, #tpu.memory_space<vmem>>, vector<16xf32>,
          %mul3A_922 = arith.constant 16 : i32
          %mul3A_923 = arith.muli %add3A_538, %mul3A_922 : i32
          %add3A_924 = arith.constant 8 : i32
          %add3A_925 = arith.addi %mul3A_923, %add3A_924 : i32
          %jit3A_926 = arith.constant 8 : i32
          %div3A_927 = arith.divsi %add3A_925, %jit3A_926 : i32
          %sign3A_928 = arith.constant 0 : i32
          %sign3A_929 = arith.cmpi sgt, %add3A_925, %sign3A_928 : i32
          %sign3A_930 = arith.extui %sign3A_929 : i1 to i32
          %sign3A_931 = arith.constant 0 : i32
          %sign3A_932 = arith.cmpi slt, %add3A_925, %sign3A_931 : i32
          %sign3A_933 = arith.extui %sign3A_932 : i1 to i32
          %sign3A_934 = arith.subi %sign3A_930, %sign3A_933 : i32
          %sign3A_935 = arith.constant 0 : i32
          %sign3A_936 = arith.cmpi sgt, %jit3A_926, %sign3A_935 : i32
          %sign3A_937 = arith.extui %sign3A_936 : i1 to i32
          %sign3A_938 = arith.constant 0 : i32
          %sign3A_939 = arith.cmpi slt, %jit3A_926, %sign3A_938 : i32
          %sign3A_940 = arith.extui %sign3A_939 : i1 to i32
          %sign3A_941 = arith.subi %sign3A_937, %sign3A_940 : i32
          %ne3A_942 = arith.cmpi ne, %sign3A_934, %sign3A_941 : i32
          %rem3A_943 = arith.remsi %add3A_925, %jit3A_926 : i32
          %ne3A_944 = arith.constant 0 : i32
          %ne3A_945 = arith.cmpi ne, %rem3A_943, %ne3A_944 : i32
          %and3A_946 = arith.andi %ne3A_942, %ne3A_945 : i1
          %sub3A_947 = arith.constant 1 : i32
          %sub3A_948 = arith.subi %div3A_927, %sub3A_947 : i32
          %select_n3A_949 = arith.select %and3A_946, %sub3A_948, %div3A_927 : i32
          %add3A_950 = arith.addf %gather3A_618, %gather3A_528 : vector<16xf32>
          %swap3A_951 = arith.constant 0 : i32
          %swap3A_952 = arith.constant 0 : i32
          %swap3A_953 = arith.index_cast %add3A_524 : i32 to index
          %swap3A_954 = arith.index_cast %swap3A_951 : i32 to index
          %swap3A_955 = arith.index_cast %select_n3A_949 : i32 to index
          %swap3A_956 = arith.index_cast %swap3A_952 : i32 to index
          %swap3A_957 = arith.constant 0 : index
          %swap3A_958 = tpu.vector_load %arg11[%swap3A_953, %swap3A_954, %swap3A_955, %swap3A_956, %swap3A_957] {strides = array<i32>} : memref<4x1x8x1x128xf32, #tpu.memory_space<vmem>>, vector<16xf32>,
          tpu.vector_store %arg11[%swap3A_953, %swap3A_954, %swap3A_955, %swap3A_956, %swap3A_957], %add3A_950 {strides = array<i32>} : memref<4x1x8x1x128xf32, #tpu.memory_space<vmem>>, vector<16xf32>,
          %mul3A_959 = arith.constant 16 : i32
          %mul3A_960 = arith.muli %add3A_538, %mul3A_959 : i32
          %add3A_961 = arith.constant 9 : i32
          %add3A_962 = arith.addi %mul3A_960, %add3A_961 : i32
          %jit3A_963 = arith.constant 8 : i32
          %div3A_964 = arith.divsi %add3A_962, %jit3A_963 : i32
          %sign3A_965 = arith.constant 0 : i32
          %sign3A_966 = arith.cmpi sgt, %add3A_962, %sign3A_965 : i32
          %sign3A_967 = arith.extui %sign3A_966 : i1 to i32
          %sign3A_968 = arith.constant 0 : i32
          %sign3A_969 = arith.cmpi slt, %add3A_962, %sign3A_968 : i32
          %sign3A_970 = arith.extui %sign3A_969 : i1 to i32
          %sign3A_971 = arith.subi %sign3A_967, %sign3A_970 : i32
          %sign3A_972 = arith.constant 0 : i32
          %sign3A_973 = arith.cmpi sgt, %jit3A_963, %sign3A_972 : i32
          %sign3A_974 = arith.extui %sign3A_973 : i1 to i32
          %sign3A_975 = arith.constant 0 : i32
          %sign3A_976 = arith.cmpi slt, %jit3A_963, %sign3A_975 : i32
          %sign3A_977 = arith.extui %sign3A_976 : i1 to i32
          %sign3A_978 = arith.subi %sign3A_974, %sign3A_977 : i32
          %ne3A_979 = arith.cmpi ne, %sign3A_971, %sign3A_978 : i32
          %rem3A_980 = arith.remsi %add3A_962, %jit3A_963 : i32
          %ne3A_981 = arith.constant 0 : i32
          %ne3A_982 = arith.cmpi ne, %rem3A_980, %ne3A_981 : i32
          %and3A_983 = arith.andi %ne3A_979, %ne3A_982 : i1
          %sub3A_984 = arith.constant 1 : i32
          %sub3A_985 = arith.subi %div3A_964, %sub3A_984 : i32
          %select_n3A_986 = arith.select %and3A_983, %sub3A_985, %div3A_964 : i32
          %add3A_987 = arith.addf %gather3A_619, %gather3A_528 : vector<16xf32>
          %swap3A_988 = arith.constant 0 : i32
          %swap3A_989 = arith.constant 0 : i32
          %swap3A_990 = arith.index_cast %add3A_524 : i32 to index
          %swap3A_991 = arith.index_cast %swap3A_988 : i32 to index
          %swap3A_992 = arith.index_cast %select_n3A_986 : i32 to index
          %swap3A_993 = arith.index_cast %swap3A_989 : i32 to index
          %swap3A_994 = arith.constant 16 : index
          %swap3A_995 = tpu.vector_load %arg11[%swap3A_990, %swap3A_991, %swap3A_992, %swap3A_993, %swap3A_994] {strides = array<i32>} : memref<4x1x8x1x128xf32, #tpu.memory_space<vmem>>, vector<16xf32>,
          tpu.vector_store %arg11[%swap3A_990, %swap3A_991, %swap3A_992, %swap3A_993, %swap3A_994], %add3A_987 {strides = array<i32>} : memref<4x1x8x1x128xf32, #tpu.memory_space<vmem>>, vector<16xf32>,
          %mul3A_996 = arith.constant 16 : i32
          %mul3A_997 = arith.muli %add3A_538, %mul3A_996 : i32
          %add3A_998 = arith.constant 10 : i32
          %add3A_999 = arith.addi %mul3A_997, %add3A_998 : i32
          %jit3A_1000 = arith.constant 8 : i32
          %div3A_1001 = arith.divsi %add3A_999, %jit3A_1000 : i32
          %sign3A_1002 = arith.constant 0 : i32
          %sign3A_1003 = arith.cmpi sgt, %add3A_999, %sign3A_1002 : i32
          %sign3A_1004 = arith.extui %sign3A_1003 : i1 to i32
          %sign3A_1005 = arith.constant 0 : i32
          %sign3A_1006 = arith.cmpi slt, %add3A_999, %sign3A_1005 : i32
          %sign3A_1007 = arith.extui %sign3A_1006 : i1 to i32
          %sign3A_1008 = arith.subi %sign3A_1004, %sign3A_1007 : i32
          %sign3A_1009 = arith.constant 0 : i32
          %sign3A_1010 = arith.cmpi sgt, %jit3A_1000, %sign3A_1009 : i32
          %sign3A_1011 = arith.extui %sign3A_1010 : i1 to i32
          %sign3A_1012 = arith.constant 0 : i32
          %sign3A_1013 = arith.cmpi slt, %jit3A_1000, %sign3A_1012 : i32
          %sign3A_1014 = arith.extui %sign3A_1013 : i1 to i32
          %sign3A_1015 = arith.subi %sign3A_1011, %sign3A_1014 : i32
          %ne3A_1016 = arith.cmpi ne, %sign3A_1008, %sign3A_1015 : i32
          %rem3A_1017 = arith.remsi %add3A_999, %jit3A_1000 : i32
          %ne3A_1018 = arith.constant 0 : i32
          %ne3A_1019 = arith.cmpi ne, %rem3A_1017, %ne3A_1018 : i32
          %and3A_1020 = arith.andi %ne3A_1016, %ne3A_1019 : i1
          %sub3A_1021 = arith.constant 1 : i32
          %sub3A_1022 = arith.subi %div3A_1001, %sub3A_1021 : i32
          %select_n3A_1023 = arith.select %and3A_1020, %sub3A_1022, %div3A_1001 : i32
          %add3A_1024 = arith.addf %gather3A_620, %gather3A_528 : vector<16xf32>
          %swap3A_1025 = arith.constant 0 : i32
          %swap3A_1026 = arith.constant 0 : i32
          %swap3A_1027 = arith.index_cast %add3A_524 : i32 to index
          %swap3A_1028 = arith.index_cast %swap3A_1025 : i32 to index
          %swap3A_1029 = arith.index_cast %select_n3A_1023 : i32 to index
          %swap3A_1030 = arith.index_cast %swap3A_1026 : i32 to index
          %swap3A_1031 = arith.constant 32 : index
          %swap3A_1032 = tpu.vector_load %arg11[%swap3A_1027, %swap3A_1028, %swap3A_1029, %swap3A_1030, %swap3A_1031] {strides = array<i32>} : memref<4x1x8x1x128xf32, #tpu.memory_space<vmem>>, vector<16xf32>,
          tpu.vector_store %arg11[%swap3A_1027, %swap3A_1028, %swap3A_1029, %swap3A_1030, %swap3A_1031], %add3A_1024 {strides = array<i32>} : memref<4x1x8x1x128xf32, #tpu.memory_space<vmem>>, vector<16xf32>,
          %mul3A_1033 = arith.constant 16 : i32
          %mul3A_1034 = arith.muli %add3A_538, %mul3A_1033 : i32
          %add3A_1035 = arith.constant 11 : i32
          %add3A_1036 = arith.addi %mul3A_1034, %add3A_1035 : i32
          %jit3A_1037 = arith.constant 8 : i32
          %div3A_1038 = arith.divsi %add3A_1036, %jit3A_1037 : i32
          %sign3A_1039 = arith.constant 0 : i32
          %sign3A_1040 = arith.cmpi sgt, %add3A_1036, %sign3A_1039 : i32
          %sign3A_1041 = arith.extui %sign3A_1040 : i1 to i32
          %sign3A_1042 = arith.constant 0 : i32
          %sign3A_1043 = arith.cmpi slt, %add3A_1036, %sign3A_1042 : i32
          %sign3A_1044 = arith.extui %sign3A_1043 : i1 to i32
          %sign3A_1045 = arith.subi %sign3A_1041, %sign3A_1044 : i32
          %sign3A_1046 = arith.constant 0 : i32
          %sign3A_1047 = arith.cmpi sgt, %jit3A_1037, %sign3A_1046 : i32
          %sign3A_1048 = arith.extui %sign3A_1047 : i1 to i32
          %sign3A_1049 = arith.constant 0 : i32
          %sign3A_1050 = arith.cmpi slt, %jit3A_1037, %sign3A_1049 : i32
          %sign3A_1051 = arith.extui %sign3A_1050 : i1 to i32
          %sign3A_1052 = arith.subi %sign3A_1048, %sign3A_1051 : i32
          %ne3A_1053 = arith.cmpi ne, %sign3A_1045, %sign3A_1052 : i32
          %rem3A_1054 = arith.remsi %add3A_1036, %jit3A_1037 : i32
          %ne3A_1055 = arith.constant 0 : i32
          %ne3A_1056 = arith.cmpi ne, %rem3A_1054, %ne3A_1055 : i32
          %and3A_1057 = arith.andi %ne3A_1053, %ne3A_1056 : i1
          %sub3A_1058 = arith.constant 1 : i32
          %sub3A_1059 = arith.subi %div3A_1038, %sub3A_1058 : i32
          %select_n3A_1060 = arith.select %and3A_1057, %sub3A_1059, %div3A_1038 : i32
          %add3A_1061 = arith.addf %gather3A_621, %gather3A_528 : vector<16xf32>
          %swap3A_1062 = arith.constant 0 : i32
          %swap3A_1063 = arith.constant 0 : i32
          %swap3A_1064 = arith.index_cast %add3A_524 : i32 to index
          %swap3A_1065 = arith.index_cast %swap3A_1062 : i32 to index
          %swap3A_1066 = arith.index_cast %select_n3A_1060 : i32 to index
          %swap3A_1067 = arith.index_cast %swap3A_1063 : i32 to index
          %swap3A_1068 = arith.constant 48 : index
          %swap3A_1069 = tpu.vector_load %arg11[%swap3A_1064, %swap3A_1065, %swap3A_1066, %swap3A_1067, %swap3A_1068] {strides = array<i32>} : memref<4x1x8x1x128xf32, #tpu.memory_space<vmem>>, vector<16xf32>,
          tpu.vector_store %arg11[%swap3A_1064, %swap3A_1065, %swap3A_1066, %swap3A_1067, %swap3A_1068], %add3A_1061 {strides = array<i32>} : memref<4x1x8x1x128xf32, #tpu.memory_space<vmem>>, vector<16xf32>,
          %mul3A_1070 = arith.constant 16 : i32
          %mul3A_1071 = arith.muli %add3A_538, %mul3A_1070 : i32
          %add3A_1072 = arith.constant 12 : i32
          %add3A_1073 = arith.addi %mul3A_1071, %add3A_1072 : i32
          %jit3A_1074 = arith.constant 8 : i32
          %div3A_1075 = arith.divsi %add3A_1073, %jit3A_1074 : i32
          %sign3A_1076 = arith.constant 0 : i32
          %sign3A_1077 = arith.cmpi sgt, %add3A_1073, %sign3A_1076 : i32
          %sign3A_1078 = arith.extui %sign3A_1077 : i1 to i32
          %sign3A_1079 = arith.constant 0 : i32
          %sign3A_1080 = arith.cmpi slt, %add3A_1073, %sign3A_1079 : i32
          %sign3A_1081 = arith.extui %sign3A_1080 : i1 to i32
          %sign3A_1082 = arith.subi %sign3A_1078, %sign3A_1081 : i32
          %sign3A_1083 = arith.constant 0 : i32
          %sign3A_1084 = arith.cmpi sgt, %jit3A_1074, %sign3A_1083 : i32
          %sign3A_1085 = arith.extui %sign3A_1084 : i1 to i32
          %sign3A_1086 = arith.constant 0 : i32
          %sign3A_1087 = arith.cmpi slt, %jit3A_1074, %sign3A_1086 : i32
          %sign3A_1088 = arith.extui %sign3A_1087 : i1 to i32
          %sign3A_1089 = arith.subi %sign3A_1085, %sign3A_1088 : i32
          %ne3A_1090 = arith.cmpi ne, %sign3A_1082, %sign3A_1089 : i32
          %rem3A_1091 = arith.remsi %add3A_1073, %jit3A_1074 : i32
          %ne3A_1092 = arith.constant 0 : i32
          %ne3A_1093 = arith.cmpi ne, %rem3A_1091, %ne3A_1092 : i32
          %and3A_1094 = arith.andi %ne3A_1090, %ne3A_1093 : i1
          %sub3A_1095 = arith.constant 1 : i32
          %sub3A_1096 = arith.subi %div3A_1075, %sub3A_1095 : i32
          %select_n3A_1097 = arith.select %and3A_1094, %sub3A_1096, %div3A_1075 : i32
          %add3A_1098 = arith.addf %gather3A_622, %gather3A_528 : vector<16xf32>
          %swap3A_1099 = arith.constant 0 : i32
          %swap3A_1100 = arith.constant 0 : i32
          %swap3A_1101 = arith.index_cast %add3A_524 : i32 to index
          %swap3A_1102 = arith.index_cast %swap3A_1099 : i32 to index
          %swap3A_1103 = arith.index_cast %select_n3A_1097 : i32 to index
          %swap3A_1104 = arith.index_cast %swap3A_1100 : i32 to index
          %swap3A_1105 = arith.constant 64 : index
          %swap3A_1106 = tpu.vector_load %arg11[%swap3A_1101, %swap3A_1102, %swap3A_1103, %swap3A_1104, %swap3A_1105] {strides = array<i32>} : memref<4x1x8x1x128xf32, #tpu.memory_space<vmem>>, vector<16xf32>,
          tpu.vector_store %arg11[%swap3A_1101, %swap3A_1102, %swap3A_1103, %swap3A_1104, %swap3A_1105], %add3A_1098 {strides = array<i32>} : memref<4x1x8x1x128xf32, #tpu.memory_space<vmem>>, vector<16xf32>,
          %mul3A_1107 = arith.constant 16 : i32
          %mul3A_1108 = arith.muli %add3A_538, %mul3A_1107 : i32
          %add3A_1109 = arith.constant 13 : i32
          %add3A_1110 = arith.addi %mul3A_1108, %add3A_1109 : i32
          %jit3A_1111 = arith.constant 8 : i32
          %div3A_1112 = arith.divsi %add3A_1110, %jit3A_1111 : i32
          %sign3A_1113 = arith.constant 0 : i32
          %sign3A_1114 = arith.cmpi sgt, %add3A_1110, %sign3A_1113 : i32
          %sign3A_1115 = arith.extui %sign3A_1114 : i1 to i32
          %sign3A_1116 = arith.constant 0 : i32
          %sign3A_1117 = arith.cmpi slt, %add3A_1110, %sign3A_1116 : i32
          %sign3A_1118 = arith.extui %sign3A_1117 : i1 to i32
          %sign3A_1119 = arith.subi %sign3A_1115, %sign3A_1118 : i32
          %sign3A_1120 = arith.constant 0 : i32
          %sign3A_1121 = arith.cmpi sgt, %jit3A_1111, %sign3A_1120 : i32
          %sign3A_1122 = arith.extui %sign3A_1121 : i1 to i32
          %sign3A_1123 = arith.constant 0 : i32
          %sign3A_1124 = arith.cmpi slt, %jit3A_1111, %sign3A_1123 : i32
          %sign3A_1125 = arith.extui %sign3A_1124 : i1 to i32
          %sign3A_1126 = arith.subi %sign3A_1122, %sign3A_1125 : i32
          %ne3A_1127 = arith.cmpi ne, %sign3A_1119, %sign3A_1126 : i32
          %rem3A_1128 = arith.remsi %add3A_1110, %jit3A_1111 : i32
          %ne3A_1129 = arith.constant 0 : i32
          %ne3A_1130 = arith.cmpi ne, %rem3A_1128, %ne3A_1129 : i32
          %and3A_1131 = arith.andi %ne3A_1127, %ne3A_1130 : i1
          %sub3A_1132 = arith.constant 1 : i32
          %sub3A_1133 = arith.subi %div3A_1112, %sub3A_1132 : i32
          %select_n3A_1134 = arith.select %and3A_1131, %sub3A_1133, %div3A_1112 : i32
          %add3A_1135 = arith.addf %gather3A_623, %gather3A_528 : vector<16xf32>
          %swap3A_1136 = arith.constant 0 : i32
          %swap3A_1137 = arith.constant 0 : i32
          %swap3A_1138 = arith.index_cast %add3A_524 : i32 to index
          %swap3A_1139 = arith.index_cast %swap3A_1136 : i32 to index
          %swap3A_1140 = arith.index_cast %select_n3A_1134 : i32 to index
          %swap3A_1141 = arith.index_cast %swap3A_1137 : i32 to index
          %swap3A_1142 = arith.constant 80 : index
          %swap3A_1143 = tpu.vector_load %arg11[%swap3A_1138, %swap3A_1139, %swap3A_1140, %swap3A_1141, %swap3A_1142] {strides = array<i32>} : memref<4x1x8x1x128xf32, #tpu.memory_space<vmem>>, vector<16xf32>,
          tpu.vector_store %arg11[%swap3A_1138, %swap3A_1139, %swap3A_1140, %swap3A_1141, %swap3A_1142], %add3A_1135 {strides = array<i32>} : memref<4x1x8x1x128xf32, #tpu.memory_space<vmem>>, vector<16xf32>,
          %mul3A_1144 = arith.constant 16 : i32
          %mul3A_1145 = arith.muli %add3A_538, %mul3A_1144 : i32
          %add3A_1146 = arith.constant 14 : i32
          %add3A_1147 = arith.addi %mul3A_1145, %add3A_1146 : i32
          %jit3A_1148 = arith.constant 8 : i32
          %div3A_1149 = arith.divsi %add3A_1147, %jit3A_1148 : i32
          %sign3A_1150 = arith.constant 0 : i32
          %sign3A_1151 = arith.cmpi sgt, %add3A_1147, %sign3A_1150 : i32
          %sign3A_1152 = arith.extui %sign3A_1151 : i1 to i32
          %sign3A_1153 = arith.constant 0 : i32
          %sign3A_1154 = arith.cmpi slt, %add3A_1147, %sign3A_1153 : i32
          %sign3A_1155 = arith.extui %sign3A_1154 : i1 to i32
          %sign3A_1156 = arith.subi %sign3A_1152, %sign3A_1155 : i32
          %sign3A_1157 = arith.constant 0 : i32
          %sign3A_1158 = arith.cmpi sgt, %jit3A_1148, %sign3A_1157 : i32
          %sign3A_1159 = arith.extui %sign3A_1158 : i1 to i32
          %sign3A_1160 = arith.constant 0 : i32
          %sign3A_1161 = arith.cmpi slt, %jit3A_1148, %sign3A_1160 : i32
          %sign3A_1162 = arith.extui %sign3A_1161 : i1 to i32
          %sign3A_1163 = arith.subi %sign3A_1159, %sign3A_1162 : i32
          %ne3A_1164 = arith.cmpi ne, %sign3A_1156, %sign3A_1163 : i32
          %rem3A_1165 = arith.remsi %add3A_1147, %jit3A_1148 : i32
          %ne3A_1166 = arith.constant 0 : i32
          %ne3A_1167 = arith.cmpi ne, %rem3A_1165, %ne3A_1166 : i32
          %and3A_1168 = arith.andi %ne3A_1164, %ne3A_1167 : i1
          %sub3A_1169 = arith.constant 1 : i32
          %sub3A_1170 = arith.subi %div3A_1149, %sub3A_1169 : i32
          %select_n3A_1171 = arith.select %and3A_1168, %sub3A_1170, %div3A_1149 : i32
          %add3A_1172 = arith.addf %gather3A_624, %gather3A_528 : vector<16xf32>
          %swap3A_1173 = arith.constant 0 : i32
          %swap3A_1174 = arith.constant 0 : i32
          %swap3A_1175 = arith.index_cast %add3A_524 : i32 to index
          %swap3A_1176 = arith.index_cast %swap3A_1173 : i32 to index
          %swap3A_1177 = arith.index_cast %select_n3A_1171 : i32 to index
          %swap3A_1178 = arith.index_cast %swap3A_1174 : i32 to index
          %swap3A_1179 = arith.constant 96 : index
          %swap3A_1180 = tpu.vector_load %arg11[%swap3A_1175, %swap3A_1176, %swap3A_1177, %swap3A_1178, %swap3A_1179] {strides = array<i32>} : memref<4x1x8x1x128xf32, #tpu.memory_space<vmem>>, vector<16xf32>,
          tpu.vector_store %arg11[%swap3A_1175, %swap3A_1176, %swap3A_1177, %swap3A_1178, %swap3A_1179], %add3A_1172 {strides = array<i32>} : memref<4x1x8x1x128xf32, #tpu.memory_space<vmem>>, vector<16xf32>,
          %mul3A_1181 = arith.constant 16 : i32
          %mul3A_1182 = arith.muli %add3A_538, %mul3A_1181 : i32
          %add3A_1183 = arith.constant 15 : i32
          %add3A_1184 = arith.addi %mul3A_1182, %add3A_1183 : i32
          %jit3A_1185 = arith.constant 8 : i32
          %div3A_1186 = arith.divsi %add3A_1184, %jit3A_1185 : i32
          %sign3A_1187 = arith.constant 0 : i32
          %sign3A_1188 = arith.cmpi sgt, %add3A_1184, %sign3A_1187 : i32
          %sign3A_1189 = arith.extui %sign3A_1188 : i1 to i32
          %sign3A_1190 = arith.constant 0 : i32
          %sign3A_1191 = arith.cmpi slt, %add3A_1184, %sign3A_1190 : i32
          %sign3A_1192 = arith.extui %sign3A_1191 : i1 to i32
          %sign3A_1193 = arith.subi %sign3A_1189, %sign3A_1192 : i32
          %sign3A_1194 = arith.constant 0 : i32
          %sign3A_1195 = arith.cmpi sgt, %jit3A_1185, %sign3A_1194 : i32
          %sign3A_1196 = arith.extui %sign3A_1195 : i1 to i32
          %sign3A_1197 = arith.constant 0 : i32
          %sign3A_1198 = arith.cmpi slt, %jit3A_1185, %sign3A_1197 : i32
          %sign3A_1199 = arith.extui %sign3A_1198 : i1 to i32
          %sign3A_1200 = arith.subi %sign3A_1196, %sign3A_1199 : i32
          %ne3A_1201 = arith.cmpi ne, %sign3A_1193, %sign3A_1200 : i32
          %rem3A_1202 = arith.remsi %add3A_1184, %jit3A_1185 : i32
          %ne3A_1203 = arith.constant 0 : i32
          %ne3A_1204 = arith.cmpi ne, %rem3A_1202, %ne3A_1203 : i32
          %and3A_1205 = arith.andi %ne3A_1201, %ne3A_1204 : i1
          %sub3A_1206 = arith.constant 1 : i32
          %sub3A_1207 = arith.subi %div3A_1186, %sub3A_1206 : i32
          %select_n3A_1208 = arith.select %and3A_1205, %sub3A_1207, %div3A_1186 : i32
          %add3A_1209 = arith.addf %gather3A_625, %gather3A_528 : vector<16xf32>
          %swap3A_1210 = arith.constant 0 : i32
          %swap3A_1211 = arith.constant 0 : i32
          %swap3A_1212 = arith.index_cast %add3A_524 : i32 to index
          %swap3A_1213 = arith.index_cast %swap3A_1210 : i32 to index
          %swap3A_1214 = arith.index_cast %select_n3A_1208 : i32 to index
          %swap3A_1215 = arith.index_cast %swap3A_1211 : i32 to index
          %swap3A_1216 = arith.constant 112 : index
          %swap3A_1217 = tpu.vector_load %arg11[%swap3A_1212, %swap3A_1213, %swap3A_1214, %swap3A_1215, %swap3A_1216] {strides = array<i32>} : memref<4x1x8x1x128xf32, #tpu.memory_space<vmem>>, vector<16xf32>,
          tpu.vector_store %arg11[%swap3A_1212, %swap3A_1213, %swap3A_1214, %swap3A_1215, %swap3A_1216], %add3A_1209 {strides = array<i32>} : memref<4x1x8x1x128xf32, #tpu.memory_space<vmem>>, vector<16xf32>,
        }
        %scan3A_533 = arith.constant 4 : i32
      }
      %scan3A_375 = arith.constant 4 : i32
      %jit3A_376 = arith.constant 8 : i32
      %div3A_377 = arith.divsi %add3A_15, %jit3A_376 : i32
      %sign3A_378 = arith.constant 0 : i32
      %sign3A_379 = arith.cmpi sgt, %add3A_15, %sign3A_378 : i32
      %sign3A_380 = arith.extui %sign3A_379 : i1 to i32
      %sign3A_381 = arith.constant 0 : i32
      %sign3A_382 = arith.cmpi slt, %add3A_15, %sign3A_381 : i32
      %sign3A_383 = arith.extui %sign3A_382 : i1 to i32
      %sign3A_384 = arith.subi %sign3A_380, %sign3A_383 : i32
      %sign3A_385 = arith.constant 0 : i32
      %sign3A_386 = arith.cmpi sgt, %jit3A_376, %sign3A_385 : i32
      %sign3A_387 = arith.extui %sign3A_386 : i1 to i32
      %sign3A_388 = arith.constant 0 : i32
      %sign3A_389 = arith.cmpi slt, %jit3A_376, %sign3A_388 : i32
      %sign3A_390 = arith.extui %sign3A_389 : i1 to i32
      %sign3A_391 = arith.subi %sign3A_387, %sign3A_390 : i32
      %ne3A_392 = arith.cmpi ne, %sign3A_384, %sign3A_391 : i32
      %rem3A_393 = arith.remsi %add3A_15, %jit3A_376 : i32
      %ne3A_394 = arith.constant 0 : i32
      %ne3A_395 = arith.cmpi ne, %rem3A_393, %ne3A_394 : i32
      %and3A_396 = arith.andi %ne3A_392, %ne3A_395 : i1
      %sub3A_397 = arith.constant 1 : i32
      %sub3A_398 = arith.subi %div3A_377, %sub3A_397 : i32
      %select_n3A_399 = arith.select %and3A_396, %sub3A_398, %div3A_377 : i32
      %jit3A_400 = arith.constant 8 : i32
      %eq3A_401 = arith.constant 0 : i32
      %eq3A_402 = arith.cmpi eq, %jit3A_400, %eq3A_401 : i32
      %jit3A_403 = arith.constant 1 : i32
      %select_n3A_404 = arith.select %eq3A_402, %jit3A_403, %jit3A_400 : i32
      %rem3A_405 = arith.remsi %add3A_15, %select_n3A_404 : i32
      %ne3A_406 = arith.constant 0 : i32
      %ne3A_407 = arith.cmpi ne, %rem3A_405, %ne3A_406 : i32
      %lt3A_408 = arith.constant 0 : i32
      %lt3A_409 = arith.cmpi slt, %rem3A_405, %lt3A_408 : i32
      %lt3A_410 = arith.constant 0 : i32
      %lt3A_411 = arith.cmpi slt, %select_n3A_404, %lt3A_410 : i32
      %ne3A_412 = arith.xori %lt3A_409, %lt3A_411 : i1
      %and3A_413 = arith.andi %ne3A_412, %ne3A_407 : i1
      %add3A_414 = arith.addi %rem3A_405, %select_n3A_404 : i32
      %select_n3A_415 = arith.select %and3A_413, %add3A_414, %rem3A_405 : i32
      %dma_start3A_416 = arith.constant 196 : i32
      %dma_start3A_417 = arith.constant 0 : i32
      %dma_start3A_418 = arith.constant 0 : i32
      %dma_start3A_419 = tpu.memref_slice %arg6[%dma_start3A_416, %select_n3A_399, %dma_start3A_417, %select_n3A_415, %dma_start3A_418] : memref<200x8x8x8x128xf32, #tpu.memory_space<hbm>> -> memref<4x1x8x1x128xf32, #tpu.memory_space<hbm>>
      %dma_start3A_420 = arith.constant 196 : i32
      %dma_start3A_421 = arith.constant 0 : i32
      %dma_start3A_422 = arith.constant 0 : i32
      %dma_start3A_423 = tpu.memref_slice %arg6[%dma_start3A_420, %select_n3A_399, %dma_start3A_421, %select_n3A_415, %dma_start3A_422] : memref<200x8x8x8x128xf32, #tpu.memory_space<hbm>> -> memref<4x1x8x1x128xf32, #tpu.memory_space<hbm>>
      tpu.enqueue_dma source(%arg11 : memref<4x1x8x1x128xf32, #tpu.memory_space<vmem>>) target(%dma_start3A_423 : memref<4x1x8x1x128xf32, #tpu.memory_space<hbm>>) target_semaphore(%arg19 : memref<!tpu.dma_semaphore, #tpu.memory_space<semaphore_mem>>)
      %jit3A_424 = arith.constant 8 : i32
      %div3A_425 = arith.divsi %add3A_15, %jit3A_424 : i32
      %sign3A_426 = arith.constant 0 : i32
      %sign3A_427 = arith.cmpi sgt, %add3A_15, %sign3A_426 : i32
      %sign3A_428 = arith.extui %sign3A_427 : i1 to i32
      %sign3A_429 = arith.constant 0 : i32
      %sign3A_430 = arith.cmpi slt, %add3A_15, %sign3A_429 : i32
      %sign3A_431 = arith.extui %sign3A_430 : i1 to i32
      %sign3A_432 = arith.subi %sign3A_428, %sign3A_431 : i32
      %sign3A_433 = arith.constant 0 : i32
      %sign3A_434 = arith.cmpi sgt, %jit3A_424, %sign3A_433 : i32
      %sign3A_435 = arith.extui %sign3A_434 : i1 to i32
      %sign3A_436 = arith.constant 0 : i32
      %sign3A_437 = arith.cmpi slt, %jit3A_424, %sign3A_436 : i32
      %sign3A_438 = arith.extui %sign3A_437 : i1 to i32
      %sign3A_439 = arith.subi %sign3A_435, %sign3A_438 : i32
      %ne3A_440 = arith.cmpi ne, %sign3A_432, %sign3A_439 : i32
      %rem3A_441 = arith.remsi %add3A_15, %jit3A_424 : i32
      %ne3A_442 = arith.constant 0 : i32
      %ne3A_443 = arith.cmpi ne, %rem3A_441, %ne3A_442 : i32
      %and3A_444 = arith.andi %ne3A_440, %ne3A_443 : i1
      %sub3A_445 = arith.constant 1 : i32
      %sub3A_446 = arith.subi %div3A_425, %sub3A_445 : i32
      %select_n3A_447 = arith.select %and3A_444, %sub3A_446, %div3A_425 : i32
      %jit3A_448 = arith.constant 8 : i32
      %eq3A_449 = arith.constant 0 : i32
      %eq3A_450 = arith.cmpi eq, %jit3A_448, %eq3A_449 : i32
      %jit3A_451 = arith.constant 1 : i32
      %select_n3A_452 = arith.select %eq3A_450, %jit3A_451, %jit3A_448 : i32
      %rem3A_453 = arith.remsi %add3A_15, %select_n3A_452 : i32
      %ne3A_454 = arith.constant 0 : i32
      %ne3A_455 = arith.cmpi ne, %rem3A_453, %ne3A_454 : i32
      %lt3A_456 = arith.constant 0 : i32
      %lt3A_457 = arith.cmpi slt, %rem3A_453, %lt3A_456 : i32
      %lt3A_458 = arith.constant 0 : i32
      %lt3A_459 = arith.cmpi slt, %select_n3A_452, %lt3A_458 : i32
      %ne3A_460 = arith.xori %lt3A_457, %lt3A_459 : i1
      %and3A_461 = arith.andi %ne3A_460, %ne3A_455 : i1
      %add3A_462 = arith.addi %rem3A_453, %select_n3A_452 : i32
      %select_n3A_463 = arith.select %and3A_461, %add3A_462, %rem3A_453 : i32
      %dma_wait3A_464 = arith.constant 192 : i32
      %dma_wait3A_465 = arith.constant 0 : i32
      %dma_wait3A_466 = arith.constant 0 : i32
      %dma_wait3A_467 = tpu.memref_slice %arg6[%dma_wait3A_464, %select_n3A_447, %dma_wait3A_465, %select_n3A_463, %dma_wait3A_466] : memref<200x8x8x8x128xf32, #tpu.memory_space<hbm>> -> memref<4x1x8x1x128xf32, #tpu.memory_space<hbm>>
      %dma_wait3A_468 = arith.constant 192 : i32
      %dma_wait3A_469 = arith.constant 0 : i32
      %dma_wait3A_470 = arith.constant 0 : i32
      %dma_wait3A_471 = tpu.memref_slice %arg6[%dma_wait3A_468, %select_n3A_447, %dma_wait3A_469, %select_n3A_463, %dma_wait3A_470] : memref<200x8x8x8x128xf32, #tpu.memory_space<hbm>> -> memref<4x1x8x1x128xf32, #tpu.memory_space<hbm>>
      tpu.wait_dma2 semaphore(%arg18 : memref<!tpu.dma_semaphore, #tpu.memory_space<semaphore_mem>>) src(%arg10 : memref<4x1x8x1x128xf32, #tpu.memory_space<vmem>>) dst(%dma_wait3A_471 : memref<4x1x8x1x128xf32, #tpu.memory_space<hbm>>)
      %jit3A_472 = arith.constant 8 : i32
      %div3A_473 = arith.divsi %add3A_15, %jit3A_472 : i32
      %sign3A_474 = arith.constant 0 : i32
      %sign3A_475 = arith.cmpi sgt, %add3A_15, %sign3A_474 : i32
      %sign3A_476 = arith.extui %sign3A_475 : i1 to i32
      %sign3A_477 = arith.constant 0 : i32
      %sign3A_478 = arith.cmpi slt, %add3A_15, %sign3A_477 : i32
      %sign3A_479 = arith.extui %sign3A_478 : i1 to i32
      %sign3A_480 = arith.subi %sign3A_476, %sign3A_479 : i32
      %sign3A_481 = arith.constant 0 : i32
      %sign3A_482 = arith.cmpi sgt, %jit3A_472, %sign3A_481 : i32
      %sign3A_483 = arith.extui %sign3A_482 : i1 to i32
      %sign3A_484 = arith.constant 0 : i32
      %sign3A_485 = arith.cmpi slt, %jit3A_472, %sign3A_484 : i32
      %sign3A_486 = arith.extui %sign3A_485 : i1 to i32
      %sign3A_487 = arith.subi %sign3A_483, %sign3A_486 : i32
      %ne3A_488 = arith.cmpi ne, %sign3A_480, %sign3A_487 : i32
      %rem3A_489 = arith.remsi %add3A_15, %jit3A_472 : i32
      %ne3A_490 = arith.constant 0 : i32
      %ne3A_491 = arith.cmpi ne, %rem3A_489, %ne3A_490 : i32
      %and3A_492 = arith.andi %ne3A_488, %ne3A_491 : i1
      %sub3A_493 = arith.constant 1 : i32
      %sub3A_494 = arith.subi %div3A_473, %sub3A_493 : i32
      %select_n3A_495 = arith.select %and3A_492, %sub3A_494, %div3A_473 : i32
      %jit3A_496 = arith.constant 8 : i32
      %eq3A_497 = arith.constant 0 : i32
      %eq3A_498 = arith.cmpi eq, %jit3A_496, %eq3A_497 : i32
      %jit3A_499 = arith.constant 1 : i32
      %select_n3A_500 = arith.select %eq3A_498, %jit3A_499, %jit3A_496 : i32
      %rem3A_501 = arith.remsi %add3A_15, %select_n3A_500 : i32
      %ne3A_502 = arith.constant 0 : i32
      %ne3A_503 = arith.cmpi ne, %rem3A_501, %ne3A_502 : i32
      %lt3A_504 = arith.constant 0 : i32
      %lt3A_505 = arith.cmpi slt, %rem3A_501, %lt3A_504 : i32
      %lt3A_506 = arith.constant 0 : i32
      %lt3A_507 = arith.cmpi slt, %select_n3A_500, %lt3A_506 : i32
      %ne3A_508 = arith.xori %lt3A_505, %lt3A_507 : i1
      %and3A_509 = arith.andi %ne3A_508, %ne3A_503 : i1
      %add3A_510 = arith.addi %rem3A_501, %select_n3A_500 : i32
      %select_n3A_511 = arith.select %and3A_509, %add3A_510, %rem3A_501 : i32
      %dma_wait3A_512 = arith.constant 196 : i32
      %dma_wait3A_513 = arith.constant 0 : i32
      %dma_wait3A_514 = arith.constant 0 : i32
      %dma_wait3A_515 = tpu.memref_slice %arg6[%dma_wait3A_512, %select_n3A_495, %dma_wait3A_513, %select_n3A_511, %dma_wait3A_514] : memref<200x8x8x8x128xf32, #tpu.memory_space<hbm>> -> memref<4x1x8x1x128xf32, #tpu.memory_space<hbm>>
      %dma_wait3A_516 = arith.constant 196 : i32
      %dma_wait3A_517 = arith.constant 0 : i32
      %dma_wait3A_518 = arith.constant 0 : i32
      %dma_wait3A_519 = tpu.memref_slice %arg6[%dma_wait3A_516, %select_n3A_495, %dma_wait3A_517, %select_n3A_511, %dma_wait3A_518] : memref<200x8x8x8x128xf32, #tpu.memory_space<hbm>> -> memref<4x1x8x1x128xf32, #tpu.memory_space<hbm>>
      tpu.wait_dma2 semaphore(%arg19 : memref<!tpu.dma_semaphore, #tpu.memory_space<semaphore_mem>>) src(%arg11 : memref<4x1x8x1x128xf32, #tpu.memory_space<vmem>>) dst(%dma_wait3A_519 : memref<4x1x8x1x128xf32, #tpu.memory_space<hbm>>)
    }
    %scan3A_7 = arith.constant 2 : i32
    return
  }
}

</mosaic_0001>

<sc_bundles>
// kernel: kernel.3.cloned.1.call-start
scs
__scs_entry_jumppad:
0x0: {  	(pc) =	sbr.rel $0x88, $3  }
0x1: {  	(tag) =	ssettag $0x0;
	lr =	simm.s32 $0x1  }
0x2: {  	[smem:$0x3F9D] =	sst lr;
	_ =	strace $0xD0000000  }
0x3: {  	_ = 	snop  }
0x4: {  	_ = 	snop  }
0x5: {  	_ = 	snop  }
0x6: {  	_ = 	snop  }
0x7: {  	_ = 	snop  }
__scs_overlays_trampoline_lowered:
0x8: {  	[smem:$0x3FAC] =	sst s0  }
0x9: {  	[smem:$0x3FAD] =	sst s1  }
0xa: {  	[smem:$0x3FAE] =	sst s2  }
0xb: {  	[smem:$0x3FAF] =	sst s3  }
0xc: {  	[smem:$0x3FB0] =	sst s4  }
0xd: {  	[smem:$0x3FB1] =	sst s5  }
0xe: {  	[smem:$0x3FB2] =	sst s6  }
0xf: {  	[smem:$0x3FB3] =	sst s7  }
0x10: {  	[smem:$0x3FB4] =	sst s8  }
0x11: {  	[smem:$0x3FB5] =	sst s9;
	s0 =	simm.s32 @!p0 $0x0  }
0x12: {  	s1 =	sld [smem:$0x3F9B];
	s0 =	simm.s32 @p0 $0x1  }
0x13: {  	[smem:$0x3FB6] =	sst s0;
	s0 =	simm.s32 @!p1 $0x0  }
0x14: {  	s2 =	sld [smem:$0x3F9A];
	s0 =	simm.s32 @p1 $0x1  }
0x15: {  	[smem:$0x3FB7] =	sst s0;
	s0 =	simm.s32 @!p2 $0x0  }
0x16: {  	s3 =	sld [smem:$0x3FDB];
	s0 =	simm.s32 @p2 $0x1  }
0x17: {  	s4 =	simm.s32 $0x1BF5;
	[smem:$0x3FB9] =	sst s0  }
0x18: {  	s0 =	sld [smem:$0x3F9C];
	_ =	swait.ge [sflag:s4], $0x0  }
0x19: {  	s7 =	sld [smem:$0x3F9D]  }
0x1a: {  	s8 =	sadd.s32 $0xFFFFE003, lr  }
0x1b: {  	s9 =	sadd.s32 $0xFFFFFEF7, lr;
	s5 =	simm.s32 $0xFFFFFFFF;
	p2 =	slt.u32 s8, $0xFFFFF086  }
0x1c: {  	p1 =	slt.u32 s9, $0xF7A;
	s5 =	simm.s32 @!p2 $0x0  }
0x1d: {  	s5 =	simm.s32 @p1 $0x1;
	p0 =	seq.s32 s7, s2  }
0x1e: {  	s7 =	smul.u32 @!p0 $0xF7A, s2;
	p2 =	seq.s32 @!p0 s5, $0x0  }
0x1f: {  	s9 =	smul.u32 $0xF7A, s1;
	s8 =	simm.s32 @!p0 $0x1BF5;
	p2 =	por !p2, p0  }
0x20: {  	[sflag:s8] =	ssyncset.s32 @!p0 $0xFFFFF086;
	s6 =	sadd.s32 @!p0 s3, s7;
	s7 =	simm.s32 @!p0 $0x108  }
0x21: {  	s3 =	sadd.s32 s3, s9;
	s6 =	sadd.s32 @!p0 $0x88, s6;
	s7 =	simm.s32 @p2 $0x1082  }
0x22: {  	[simem:s7], [sflag:s8] =	dma.local @!p0 [hbm:s6], $0xF7A  }
0x23: {  	s9 =	sor.u32 $0xD0000000, s2;
	s6 =	simm.s32 $0x108;
	_ =	swait.ge @!p0 [sflag:s8], $0x0  }
0x24: {  	s3 =	sadd.s32 $0x88, s3;
	s6 =	simm.s32 @!p1 $0x1082;
	[sflag:s4] =	ssyncset.s32 $0xFFFFF086  }
0x25: {  	[simem:s6], [sflag:s4] =	dma.local [hbm:s3], $0xF7A  }
0x26: {  	[smem:$0x3F9D] =	sst s1;
	(tag) =	ssettag s2;
	_ =	strace s9  }
0x27: {  	s1 =	sld [smem:$0x3FAD]  }
0x28: {  	s2 =	sld [smem:$0x3FAE]  }
0x29: {  	s4 =	sld [smem:$0x3FB0]  }
0x2a: {  	p0 =	seq.s32 s5, $0x0;
	s5 =	sld [smem:$0x3FB1]  }
0x2b: {  	s6 =	sld [smem:$0x3FB2]  }
0x2c: {  	s7 =	sld [smem:$0x3FB3]  }
0x2d: {  	s3 =	simm.s32 $0x108;
	s8 =	sld [smem:$0x3FB4]  }
0x2e: {  	s3 =	simm.s32 @!p0 $0x1082;
	s9 =	sld [smem:$0x3FB5]  }
0x2f: {  	lr =	sadd.s32 s0, s3;
	s0 =	sld [smem:$0x3FAC]  }
0x30: {  	s3 =	sld [smem:$0x3FAF]  }
0x31: {  	[smem:$0x3FB8] =	sst s10  }
0x32: {  	s10 =	sld [smem:$0x3FB6];
	_ =	sdelay $0x3  }
0x33: {  	p0 =	seq.s32 s10, $0x1;
	s10 =	sld [smem:$0x3FB8];
	_ =	sdelay $0x3  }
0x34: {  	[smem:$0x3FB8] =	sst s10  }
0x35: {  	s10 =	sld [smem:$0x3FB7];
	_ =	sdelay $0x3  }
0x36: {  	p1 =	seq.s32 s10, $0x1;
	s10 =	sld [smem:$0x3FB8];
	_ =	sdelay $0x3  }
0x37: {  	[smem:$0x3FB8] =	sst s10  }
0x38: {  	s10 =	sld [smem:$0x3FB9]  }
0x39: {  	_ = 	snop;
	(pc) =	sbr.ind lr, $3  }
0x3a: {  	_ = 	snop  }
0x3b: {  	_ = 	snop  }
0x3c: {  	p2 =	seq.s32 s10, $0x1;
	s10 =	sld [smem:$0x3FB8]  }
0x3d: {  	_ =	shalt  }
0x3e: {  	_ =	shalt  }
0x3f: {  	_ =	shalt  }
0x40: {  	_ =	shalt  }
0x41: {  	_ =	shalt  }
0x42: {  	_ =	shalt  }
0x43: {  	_ =	shalt  }
0x44: {  	_ =	shalt  }
0x45: {  	_ =	shalt  }
0x46: {  	_ =	shalt  }
0x47: {  	_ =	shalt  }
0x48: {  	_ =	shalt  }
0x49: {  	_ =	shalt  }
0x4a: {  	_ =	shalt  }
0x4b: {  	_ =	shalt  }
0x4c: {  	_ =	shalt  }
0x4d: {  	_ =	shalt  }
0x4e: {  	_ =	shalt  }
0x4f: {  	_ =	shalt  }
0x50: {  	_ =	shalt  }
0x51: {  	_ =	shalt  }
0x52: {  	_ =	shalt  }
0x53: {  	_ =	shalt  }
0x54: {  	_ =	shalt  }
0x55: {  	_ =	shalt  }
0x56: {  	_ =	shalt  }
0x57: {  	_ =	shalt  }
0x58: {  	_ =	shalt  }
0x59: {  	_ =	shalt  }
0x5a: {  	_ =	shalt  }
0x5b: {  	_ =	shalt  }
0x5c: {  	_ =	shalt  }
0x5d: {  	_ =	shalt  }
0x5e: {  	_ =	shalt  }
0x5f: {  	_ =	shalt  }
0x60: {  	_ =	shalt  }
0x61: {  	_ =	shalt  }
0x62: {  	_ =	shalt  }
0x63: {  	_ =	shalt  }
0x64: {  	_ =	shalt  }
0x65: {  	_ =	shalt  }
0x66: {  	_ =	shalt  }
0x67: {  	_ =	shalt  }
0x68: {  	_ =	shalt  }
0x69: {  	_ =	shalt  }
0x6a: {  	_ =	shalt  }
0x6b: {  	_ =	shalt  }
0x6c: {  	_ =	shalt  }
0x6d: {  	_ =	shalt  }
0x6e: {  	_ =	shalt  }
0x6f: {  	_ =	shalt  }
0x70: {  	_ =	shalt  }
0x71: {  	_ =	shalt  }
0x72: {  	_ =	shalt  }
0x73: {  	_ =	shalt  }
0x74: {  	_ =	shalt  }
0x75: {  	_ =	shalt  }
0x76: {  	_ =	shalt  }
0x77: {  	_ =	shalt  }
0x78: {  	_ =	shalt  }
0x79: {  	_ =	shalt  }
0x7a: {  	_ =	shalt  }
0x7b: {  	_ =	shalt  }
0x7c: {  	_ =	shalt  }
0x7d: {  	_ =	shalt  }
0x7e: {  	_ =	shalt  }
0x7f: {  	_ =	shalt  }
0x80: {  	_ =	shalt  }
0x81: {  	_ =	shalt  }
0x82: {  	_ =	shalt  }
0x83: {  	_ =	shalt  }
0x84: {  	_ =	shalt  }
0x85: {  	_ =	shalt  }
0x86: {  	_ =	shalt  }
0x87: {  	_ =	shalt  }
.Lfunc_end0:
.L_simem_size_0:
called_computation_lowered:
.L_overlay_start_0:
0x88: {  	s2 =	sld [smem:$0x3FD9]  }
0x89: {  	s3 =	sld [smem:$0x3FFE];
	_ =	sdelay $0x1  }
0x8a: {  	s1 =	srdreg.scid  }
0x8b: {  	s0 =	sand.u32 $0x1, s1  }
0x8c: {  	s17 =	sshll.u32 s0, $0xA;
	s2 =	sadd.s32 s3, s2  }
0x8d: {  	s2 =	sadd.s32 s2, s17  }
0x8e: {  	[smem:$0x3FC4] =	sst s2  }
0x8f: {  	_ = 	snop  }
0x90: {  	s2 =	sld [smem:$0x3FC8]  }
0x91: {  	s18 =	sld [smem:$0x3FD0];
	(tm) =	ssettm $0x1  }
0x92: {  	s4 =	sld [smem:$0x3FFB];
	_ =	sdelay $0x3  }
0x93: {  	_ =	strace s4  }
0x94: {  	s4 =	sld [smem:$0x3FFC];
	_ =	sdelay $0x3  }
0x95: {  	_ =	strace s4  }
0x96: {  	s4 =	sld [smem:$0x3FFD];
	_ =	sdelay $0x3  }
0x97: {  	_ =	strace s4  }
0x98: {  	_ =	strace $0x8FFFFFFF  }
0x99: {  	s19 =	sld [smem:$0x3FDB];
	_ =	sdelay $0x1  }
0x9a: {  	s5 =	simm.s32 $_scs_section_size  }
0x9b: {  	s6 =	simm.s32 $_size__tile_overlayer_lowered;
	s7 =	simm.s32 $_tile_overlayer_lowered  }
0x9c: {  	s22 =	simm.s32 $0x1BFF;
	s21 =	sshll.u32 s7, $0x1;
	s4 =	sadd.s32 s5, s19  }
0x9d: {  	s8 =	simm.s32 $0x0;
	s20 =	sshll.u32 s6, $0x1;
	s6 =	sadd.s32 s21, s4  }
0x9e: {  	[timem:s8], [sflag:s22] =	dma.local [hbm:s6], s20  }
0x9f: {  	_ =	swait.ge [sflag:s22], s20  }
0xa0: {  	s5 =	ssub.s32 $0x0, s20;
	[sflag:s22] =	ssyncset.done $0x0  }
0xa1: {  	[sflag:s22] =	ssyncadd.s32 s5;
	_ =	sdelay $0x1  }
0xa2: {  	s23 =	simm.s32 $0x1B8B  }
0xa3: {  	_ =	swait.ge [sflag:s23], $0x1  }
0xa4: {  	[sflag:s23] =	ssyncset.done $0x0  }
0xa5: {  	s25 =	simm.s32 $0x1B8E;
	s24 =	sld [smem:$0x3FFE];
	[sflag:s23] =	ssyncadd.s32 $0xFFFFFFFF  }
0xa6: {  	s26 =	simm.s32 $execute0_lowered;
	[smem:$0x3FD2] =	sst s25  }
0xa7: {  	s6 =	sshll.u32 s26, $0x1;
	_ =	strace $0x80000046;
	[dreg:$0x1] =	wrdreg $0xFFFFFFFF  }
0xa8: {  	s28 =	simm.s32 $_size_execute0_lowered;
	s4 =	sadd.s32 s4, s6;
	[dreg:$0x0] =	wrdreg $0x0  }
0xa9: {  	s6 =	sshll.u32 s28, $0x1;
	[dreg:$0x2] =	wrdreg s4  }
0xaa: {  	[dreg:$0x3] =	wrdreg s6  }
0xab: {  	[dreg:$0x4] =	wrdreg $0xC0  }
0xac: {  	_ =	task [dreg:s8], $0x5FFFF  }
0xad: {  	[dreg:$0x1] =	wrdreg $0xFFFFFFFF  }
0xae: {  	[dreg:$0x0] =	wrdreg $0x60  }
0xaf: {  	[dreg:$0x2] =	wrdreg s24  }
0xb0: {  	[dreg:$0x3] =	wrdreg s2  }
0xb1: {  	[dreg:$0x4] =	wrdreg s18  }
0xb2: {  	[dreg:$0x5] =	wrdreg $0x1C9800  }
0xb3: {  	[dreg:$0x6] =	wrdreg $0x9  }
0xb4: {  	_ =	task.clear_ibuf [dreg:s8], $0x7FFFF;
	_ =	strace $0x90000046  }
0xb5: {  	s29 =	simm.s32 $0x9;
	_ =	strace $0x80000048  }
0xb6: {  	_ =	swait.ge [sflag:s29], $0x1  }
0xb7: {  	[sflag:s29] =	ssyncadd.s32 $0xFFFFFFFF  }
0xb8: {  	_ =	strace $0x90000048  }
0xb9: {  	_ =	sfence  }
0xba: {  	s30 =	sld [smem:$0x0];
	_ =	sdelay $0x2  }
0xbb: {  	s31 =	sshll.u32 s1, $0xD;
	s1 =	sshrl.u32 s1, $0x2  }
0xbc: {  	s3 =	sand.u32 $0x4000, s31;
	s1 =	sadd.s32 s1, s30  }
0xbd: {  	s0 =	sor.u32 s3, s0;
	s1 =	sshll.u32 s1, $0x11  }
0xbe: {  	s0 =	sor.u32 s1, s0  }
0xbf: {  	s0 =	sadd.s32 $0x8F2B, s0  }
0xc0: {  	[sflag:s0] =	ssyncadd.remote.s32 $0x1  }
0xc1: {  	_ =	sfence.sel $0xFFFF  }
0xc2: {  	[dreg:$0x0] =	wrdreg $0xFFFFFFFF;
	(pc) =	sbr.abs _section_cstart, $3  }
0xc3: {  	[dreg:$0x1] =	wrdreg $0xFFFFFFFF  }
0xc4: {  	_ =	task.clear_ibuf [dreg:s8], $0x2FFFF;
	_ =	strace $0x9FFFFFFF  }
0xc5: {  	(tm) =	ssettm $0x7FFFFFFF  }
tec
execute0_lowered:
.L_overlay_start_1:
0x0: {  	(tag) =	ssettag $0x1  }
0x1: {  	s0 =	rddreg [dreg:$0x0]  }
0x2: {  	s2 =	rddreg [dreg:$0x2]  }
0x3: {  	s3 =	rddreg [dreg:$0x3]  }
0x4: {  	s4 =	simm.s32 $0x0;
	s1 =	srdreg.scid;
	s15 =	stileid.u32  }
0x5: {  	s28 =	simm.s32 $0x1;
	s29 =	simm.s32 $0x1C800;
	s30 =	simm.s32 $0x1A700  }
0x6: {  	s31 =	simm.s32 $0x1AB00;
	s7 =	simm.s32 $0x2;
	s9 =	simm.s32 $0x0  }
0x7: {  	[smem:$0x7FF] =	sst s4;
	s1 =	sand.u32 $0x1, s1;
	s5 =	sadd.s32 $0x1600, s0  }
0x8: {  	s13 =	sadd.s32 $0x600, s0;
	_ =	strace $0x80000047;
	[dreg:$0x5] =	wrdreg s5  }
0x9: {  	s0 =	sadd.s32 $0x400, s0;
	s16 =	sshll.u32 s15, $0x2;
	[dreg:$0x6] =	wrdreg s13  }
0xa: {  	s17 =	sshrl.u32 s15, $0x1;
	s19 =	sadd.s32 $0x1000, s3;
	[dreg:$0x7] =	wrdreg s0  }
0xb: {  	s18 =	sshll.u32 s15, $0xC;
	s21 =	sadd.s32 $0x2000, s3;
	[dreg:$0xa] =	wrdreg s19  }
0xc: {  	s22 =	sadd.s32 $0x8000, s2;
	s23 =	sadd.s32 $0x3000, s3;
	[dreg:$0xc] =	wrdreg s21  }
0xd: {  	s24 =	sadd.s32 $0x180000, s2;
	s25 =	sadd.s32 $0x188000, s2;
	[dreg:$0xd] =	wrdreg s22  }
0xe: {  	p0 =	sne.s32 s15, $0x0;
	s14 =	ssub.s32 $0x2, s1;
	[dreg:$0xe] =	wrdreg s23  }
0xf: {  	s1 =	sshll.u32 s1, $0x1;
	s20 =	sand.u32 $0xE000, s18;
	[dreg:$0xf] =	wrdreg s24  }
0x10: {  	[dreg:$0x10] =	wrdreg s25;
	s0 =	sshrl.u32 @!p0 s3, $0x3;
	s21 =	simm.s32 $0x80  }
0x11: {  	s22 =	simm.s32 $0x400;
	s23 =	simm.s32 $0x18700;
	s24 =	simm.s32 $0x19700  }
0x12: {  	s18 =	simm.s32 $0x1BB00;
	s25 =	simm.s32 $0x1C300;
	[dreg:$0xb] =	wrdreg s20  }
0x13: {  	s19 =	simm.s32 $0x3;
	s1 =	sor.u32 s1, s16;
	[dreg:$0x12] =	wrdreg s0  }
0x14: {  	s6 =	sshrl.u32 s14, $0x1;
	[dreg:$0x8] =	wrdreg s1;
	s1 =	smul.u32 $0xC3800, s17  }
0x15: {  	s0 =	simm.s32 $0x1AF00;
	s5 =	ssub.s32 s14, s6;
	s17 =	simm.s32 $0x1B700  }
0x16: {  	s6 =	simm.s32 $0x4;
	s26 =	smax.u32 s5, $0x1;
	[dreg:$0x9] =	wrdreg s1  }
0x17: {  	s5 =	simm.s32 $0x1B300;
	[dreg:$0x11] =	wrdreg s26;
	s1 =	simm.s32 $0x1BF00  }
.LBB2_1:
0x18: {  	[dreg:$0x13] =	wrdreg s9  }
0x19: {  	s9 =	rddreg [dreg:$0x5]  }
0x1a: {  	s8 =	simm.s32 @!p0 $0x1C06;
	s10 =	rddreg [dreg:$0x12]  }
0x1b: {  	[spmem:s10], [sflag:s8] =	dma.local @!p0 [hbm:s9], $0x6400  }
0x1c: {  	s8 =	simm.s32 @!p0 $0x6  }
0x1d: {  	_ =	swait.ge @!p0 [sflag:s8], $0x6400  }
0x1e: {  	s20 =	simm.s32 $0x1C900;
	[sflag:s8] =	ssyncset.done @!p0 $0x0  }
0x1f: {  	s26 =	simm.s32 $0x6;
	s16 =	rddreg [dreg:$0x7];
	[sflag:s8] =	ssyncadd.s32 @!p0 $0xFFFF9C00  }
0x20: {  	[tilespmem:s20], [sflag:$0x6] =	stream.linear.gather [hbm4b:s16+s4], $0x40, $0x38;
	[tilespmem:$0x1FB80] =	vst v63  }
0x21: {  	_ =	swait.ge [sflag:s26], $0x40  }
0x22: {  	[sflag:s26] =	ssyncset.done $0x0  }
0x23: {  	[sflag:s26] =	ssyncadd.s32 $0xFFFFFFC0  }
0x24: {  	p2 =	por $0x1, $0x1;
	s8 =	simm.s32 $0x0;
	[bflag:$0x0] =	sbarrier.arrive $0xFFFF  }
.LBB2_2:
0x25: {  	s9 =	rddreg [dreg:$0x8]  }
0x26: {  	s10 =	sor.u32 s9, s8  }
0x27: {  	s8 =	sshll.u32 s10, $0x7  }
0x28: {  	s12 =	rddreg [dreg:$0x9];
	s8 =	sand.u32 $0x380, s8  }
0x29: {  	s9 =	sor.u32 s12, s8  }
0x2a: {  	s11 =	rddreg [dreg:$0x1];
	s9 =	sshrl.u32 s9, $0x3  }
0x2b: {  	s11 =	sadd.s32 s11, s9;
	s9 =	simm.s32 $0x0  }
0x2c: {  	[tilespmem:s9], [sflag:$0x5] =	stream.strided.gather [hbm4b:s11+s21], $0x18700, s22, s21, $0x38;
	[tilespmem:$0x1FB80] =	vst v63  }
0x2d: {  	s13 =	rddreg [dreg:$0xa]  }
0x2e: {  	[tilespmem:s23], [sflag:$0x1] =	stream.linear.gather [spmem:s3], $0x1000, $0x38;
	[tilespmem:$0x1FB80] =	vst v63  }
0x2f: {  	s14 =	sshll.u32 s10, $0x6;
	s12 =	rddreg [dreg:$0x6]  }
0x30: {  	[tilespmem:s24], [sflag:$0x2] =	stream.linear.gather [spmem:s13], $0x1000, $0x38;
	[tilespmem:$0x1FB80] =	vst v63  }
0x31: {  	s15 =	simm.s32 $0x1C700;
	s16 =	simm.s32 $0x6;
	v0 =	vmov s10;
	s11 =	sadd.s32 s12, s14  }
0x32: {  	[tilespmem:s15], [sflag:$0x6] =	stream.linear.gather [hbm4b:s11+s9], $0xD0, $0x38;
	[tilespmem:$0x1FB80] =	vst v63  }
0x33: {  	_ =	swait.ge [sflag:s16], $0xD0  }
0x34: {  	[sflag:s16] =	ssyncset.done $0x0  }
0x35: {  	s20 =	simm.s32 $0x1C900;
	[sflag:s16] =	ssyncadd.s32 $0xFFFFFF30  }
0x36: {  	v0 =	vld.idx.msk [tilespmem:v0+s20+$0x0], $0xffff  }
0x37: {  	v1 =	vld [tilespmem:$0x1C700]  }
0x38: {  	v2 =	vld [tilespmem:$0x1C710]  }
0x39: {  	v3 =	vld [tilespmem:$0x1C720]  }
0x3a: {  	v4 =	vld [tilespmem:$0x1C730]  }
0x3b: {  	v5 =	vld [tilespmem:$0x1C740]  }
0x3c: {  	v6 =	vld [tilespmem:$0x1C750];
	v1 =	vadd.f32 v1, v0  }
0x3d: {  	v7 =	vld [tilespmem:$0x1C760];
	v2 =	vadd.f32 v2, v0  }
0x3e: {  	v49 =	vld [tilespmem:$0x1C770];
	v48 =	vadd.f32 v3, v0;
	[tilespmem:$0x1C800] =	vst v1  }
0x3f: {  	v51 =	vld [tilespmem:$0x1C780];
	v50 =	vadd.f32 v4, v0;
	[tilespmem:$0x1C810] =	vst v2  }
0x40: {  	v53 =	vld [tilespmem:$0x1C790];
	v52 =	vadd.f32 v5, v0;
	[tilespmem:$0x1C820] =	vst v48  }
0x41: {  	v55 =	vld [tilespmem:$0x1C7A0];
	v54 =	vadd.f32 v6, v0;
	[tilespmem:$0x1C830] =	vst v50  }
0x42: {  	v57 =	vld [tilespmem:$0x1C7B0];
	v56 =	vadd.f32 v7, v0;
	[tilespmem:$0x1C840] =	vst v52  }
0x43: {  	v59 =	vld [tilespmem:$0x1C7C0];
	v58 =	vadd.f32 v49, v0;
	[tilespmem:$0x1C850] =	vst v54  }
0x44: {  	v60 =	vadd.f32 v51, v0;
	[tilespmem:$0x1C860] =	vst v56  }
0x45: {  	v61 =	vadd.f32 v53, v0;
	[tilespmem:$0x1C870] =	vst v58  }
0x46: {  	v62 =	vadd.f32 v55, v0;
	[tilespmem:$0x1C880] =	vst v60  }
0x47: {  	v63 =	vadd.f32 v57, v0;
	[tilespmem:$0x1C890] =	vst v61  }
0x48: {  	v0 =	vadd.f32 v59, v0;
	[tilespmem:$0x1C8A0] =	vst v62  }
0x49: {  	[tilespmem:$0x1C8B0] =	vst v63  }
0x4a: {  	s26 =	simm.s32 $0x5;
	[tilespmem:$0x1C8C0] =	vst v0  }
0x4b: {  	_ =	swait.ge [sflag:s26], $0x18700  }
0x4c: {  	[sflag:s26] =	ssyncset.done $0x0  }
0x4d: {  	[sflag:s26] =	ssyncadd.s32 $0xFFFE7900  }
0x4e: {  	_ =	swait.ge [sflag:s28], $0x1000  }
0x4f: {  	p1 =	por p2, p2;
	[sflag:s28] =	ssyncset.done $0x0  }
0x50: {  	s10 =	simm.s32 $0x187F0;
	s11 =	simm.s32 $0x1A780;
	[sflag:s28] =	ssyncadd.s32 $0xFFFFF000  }
.LBB2_3:
0x51: {  	v0 =	vmov s9  }
0x52: {  	v1 =	vmov s10;
	_ =	sdelay $0x3  }
0x53: {  	s12 =	simm.s32 $0x0;
	v0 =	vld.idx.msk [tilespmem:v0+s29+$0x0], $0xffff  }
0x54: {  	v4 =	vld.idx.msk [tilespmem:v1+s12+$0xFFFFFFF0 ss:$0x1], $0xffff  }
0x55: {  	v3 =	vld.idx.msk [tilespmem:v1+s12+$0x0 ss:$0x1], $0xffff  }
0x56: {  	v2 =	vld.idx.msk [tilespmem:v1+s12+$0xFFFFFFC0 ss:$0x1], $0xffff  }
0x57: {  	v6 =	vld.idx.msk [tilespmem:v1+s12+$0xFFFFFFE0 ss:$0x1], $0xffff  }
0x58: {  	v7 =	vld.idx.msk [tilespmem:v1+s12+$0xFFFFFFD0 ss:$0x1], $0xffff  }
0x59: {  	v14 =	vld.idx.msk [tilespmem:v1+s12+$0xFFFFFFA0 ss:$0x1], $0xffff  }
0x5a: {  	v8 =	vld.idx.msk [tilespmem:v1+s12+$0xFFFFFFB0 ss:$0x1], $0xffff  }
0x5b: {  	v5 =	vld.idx.msk [tilespmem:v1+s12+$0xFFFFFF80 ss:$0x1], $0xffff  }
0x5c: {  	v10 =	vld.idx.msk [tilespmem:v1+s12+$0xFFFFFF60 ss:$0x1], $0xffff  }
0x5d: {  	v9 =	vld.idx.msk [tilespmem:v1+s12+$0xFFFFFF50 ss:$0x1], $0xffff  }
0x5e: {  	v11 =	vld.idx.msk [tilespmem:v1+s12+$0xFFFFFF40 ss:$0x1], $0xffff  }
0x5f: {  	v12 =	vld.idx.msk [tilespmem:v1+s12+$0xFFFFFF90 ss:$0x1], $0xffff  }
0x60: {  	v13 =	vld.idx.msk [tilespmem:v1+s12+$0xFFFFFF20 ss:$0x1], $0xffff  }
0x61: {  	v15 =	vld.idx.msk [tilespmem:v1+s12+$0xFFFFFF30 ss:$0x1], $0xffff  }
0x62: {  	v18 =	vld.idx.msk [tilespmem:v1+s12+$0xFFFFFF70 ss:$0x1], $0xffff  }
0x63: {  	v16 =	vld.idx.msk [tilespmem:v1+s12+$0xFFFFFF10 ss:$0x1], $0xffff  }
0x64: {  	v5 =	vld.idx.msk [tilespmem:v5+s4+$0x0], $0xffff  }
0x65: {  	v19 =	vld.idx.msk [tilespmem:v9+s4+$0x0], $0xffff  }
0x66: {  	v11 =	vld.idx.msk [tilespmem:v11+s4+$0x0], $0xffff  }
0x67: {  	v20 =	vld.idx.msk [tilespmem:v12+s4+$0x0], $0xffff  }
0x68: {  	v13 =	vld.idx.msk [tilespmem:v13+s4+$0x0], $0xffff  }
0x69: {  	v21 =	vld.idx.msk [tilespmem:v15+s4+$0x0], $0xffff  }
0x6a: {  	v9 =	vld.idx.msk [tilespmem:v8+s4+$0x0], $0xffff  }
0x6b: {  	v10 =	vld.idx.msk [tilespmem:v10+s4+$0x0], $0xffff  }
0x6c: {  	v17 =	vld.idx.msk [tilespmem:v16+s4+$0x0], $0xffff  }
0x6d: {  	v6 =	vld.idx.msk [tilespmem:v6+s4+$0x0], $0xffff  }
0x6e: {  	v8 =	vld.idx.msk [tilespmem:v2+s4+$0x0], $0xffff  }
0x6f: {  	v12 =	vld.idx.msk [tilespmem:v7+s4+$0x0], $0xffff;
	v2 =	vmov s11  }
0x70: {  	v15 =	vld.idx.msk [tilespmem:v18+s4+$0x0], $0xffff;
	v7 =	vadd.f32 v20, v0;
	v16 =	vadd.f32 v13, v0  }
0x71: {  	s13 =	simm.s32 $0x400;
	v14 =	vld.idx.msk [tilespmem:v14+s4+$0x0], $0xffff;
	v13 =	vadd.f32 v19, v0;
	v18 =	vadd.f32 v21, v0  }
.LBB2_4:
0x72: {  	p2 =	sne.s32 s13, $0xC00;
	v4 =	vld.idx.msk [tilespmem:v4+s4+$0x0], $0xffff;
	v17 =	vadd.f32 v17, v0;
	s14 =	smov.u32 s13;
	s13 =	sadd.s32 $0x400, s13  }
0x73: {  	v11 =	vadd.f32 v11, v0;
	v3 =	vld.idx.msk [tilespmem:v3+s4+$0x0], $0xffff  }
0x74: {  	v9 =	vadd.f32 v9, v0;
	[tilespmem:v2+s12+$0xFFFFFF80 ss:$0x1] =	vst.idx.msk $0xffff, v17  }
0x75: {  	[tilespmem:v2+s12+$0xFFFFFF90 ss:$0x1] =	vst.idx.msk $0xffff, v16  }
0x76: {  	v12 =	vadd.f32 v12, v0;
	v15 =	vadd.f32 v15, v0;
	[tilespmem:v2+s12+$0xFFFFFFA0 ss:$0x1] =	vst.idx.msk $0xffff, v18  }
0x77: {  	v10 =	vadd.f32 v10, v0;
	v5 =	vadd.f32 v5, v0;
	[tilespmem:v2+s12+$0xFFFFFFB0 ss:$0x1] =	vst.idx.msk $0xffff, v11  }
0x78: {  	[tilespmem:v2+s12+$0xFFFFFFC0 ss:$0x1] =	vst.idx.msk $0xffff, v13  }
0x79: {  	v6 =	vadd.f32 v6, v0;
	[tilespmem:v2+s12+$0xFFFFFFD0 ss:$0x1] =	vst.idx.msk $0xffff, v10;
	v10 =	vadd.f32 v14, v0  }
0x7a: {  	[tilespmem:v2+s12+$0xFFFFFFE0 ss:$0x1] =	vst.idx.msk $0xffff, v15  }
0x7b: {  	v4 =	vadd.f32 v4, v0;
	[tilespmem:v2+s12+$0xFFFFFFF0 ss:$0x1] =	vst.idx.msk $0xffff, v5;
	v5 =	vadd.f32 v8, v0  }
0x7c: {  	[tilespmem:v2+s12+$0x0 ss:$0x1] =	vst.idx.msk $0xffff, v7  }
0x7d: {  	[tilespmem:v2+s12+$0x10 ss:$0x1] =	vst.idx.msk $0xffff, v10  }
0x7e: {  	[tilespmem:v2+s12+$0x20 ss:$0x1] =	vst.idx.msk $0xffff, v9  }
0x7f: {  	[tilespmem:v2+s12+$0x30 ss:$0x1] =	vst.idx.msk $0xffff, v5  }
0x80: {  	[tilespmem:v2+s12+$0x40 ss:$0x1] =	vst.idx.msk $0xffff, v12  }
0x81: {  	v3 =	vadd.f32 v3, v0;
	[tilespmem:v2+s12+$0x50 ss:$0x1] =	vst.idx.msk $0xffff, v6  }
0x82: {  	s14 =	sshra.s32 s14, $0x2;
	[tilespmem:v2+s12+$0x60 ss:$0x1] =	vst.idx.msk $0xffff, v4  }
0x83: {  	[tilespmem:v2+s12+$0x70 ss:$0x1] =	vst.idx.msk $0xffff, v3;
	s12 =	smov.u32 s14  }
0x84: {  	v4 =	vld.idx.msk [tilespmem:v1+s12+$0xFFFFFFF0 ss:$0x1], $0xffff  }
0x85: {  	v3 =	vld.idx.msk [tilespmem:v1+s12+$0x0 ss:$0x1], $0xffff  }
0x86: {  	v8 =	vld.idx.msk [tilespmem:v1+s12+$0xFFFFFFC0 ss:$0x1], $0xffff  }
0x87: {  	v6 =	vld.idx.msk [tilespmem:v1+s12+$0xFFFFFFE0 ss:$0x1], $0xffff  }
0x88: {  	v12 =	vld.idx.msk [tilespmem:v1+s12+$0xFFFFFFD0 ss:$0x1], $0xffff  }
0x89: {  	v14 =	vld.idx.msk [tilespmem:v1+s12+$0xFFFFFFA0 ss:$0x1], $0xffff  }
0x8a: {  	v7 =	vld.idx.msk [tilespmem:v1+s12+$0xFFFFFFB0 ss:$0x1], $0xffff  }
0x8b: {  	v5 =	vld.idx.msk [tilespmem:v1+s12+$0xFFFFFF80 ss:$0x1], $0xffff  }
0x8c: {  	v10 =	vld.idx.msk [tilespmem:v1+s12+$0xFFFFFF60 ss:$0x1], $0xffff  }
0x8d: {  	v9 =	vld.idx.msk [tilespmem:v1+s12+$0xFFFFFF50 ss:$0x1], $0xffff  }
0x8e: {  	v11 =	vld.idx.msk [tilespmem:v1+s12+$0xFFFFFF40 ss:$0x1], $0xffff  }
0x8f: {  	v13 =	vld.idx.msk [tilespmem:v1+s12+$0xFFFFFF90 ss:$0x1], $0xffff  }
0x90: {  	v15 =	vld.idx.msk [tilespmem:v1+s12+$0xFFFFFF20 ss:$0x1], $0xffff  }
0x91: {  	v16 =	vld.idx.msk [tilespmem:v1+s12+$0xFFFFFF30 ss:$0x1], $0xffff  }
0x92: {  	v18 =	vld.idx.msk [tilespmem:v1+s12+$0xFFFFFF70 ss:$0x1], $0xffff  }
0x93: {  	v5 =	vld.idx.msk [tilespmem:v5+s4+$0x0], $0xffff  }
0x94: {  	v17 =	vld.idx.msk [tilespmem:v1+s12+$0xFFFFFF10 ss:$0x1], $0xffff  }
0x95: {  	v19 =	vld.idx.msk [tilespmem:v9+s4+$0x0], $0xffff  }
0x96: {  	v11 =	vld.idx.msk [tilespmem:v11+s4+$0x0], $0xffff  }
0x97: {  	v13 =	vld.idx.msk [tilespmem:v13+s4+$0x0], $0xffff  }
0x98: {  	v15 =	vld.idx.msk [tilespmem:v15+s4+$0x0], $0xffff  }
0x99: {  	v20 =	vld.idx.msk [tilespmem:v16+s4+$0x0], $0xffff  }
0x9a: {  	v9 =	vld.idx.msk [tilespmem:v7+s4+$0x0], $0xffff  }
0x9b: {  	v10 =	vld.idx.msk [tilespmem:v10+s4+$0x0], $0xffff  }
0x9c: {  	v17 =	vld.idx.msk [tilespmem:v17+s4+$0x0], $0xffff  }
.Ltmp0:
0x9d: {  	v7 =	vadd.f32 v13, v0;
	v6 =	vld.idx.msk [tilespmem:v6+s4+$0x0], $0xffff;
	(pc) =	sbr.rel @p2 .LBB2_4-.Ltmp0, $4  }
0x9e: {  	v8 =	vld.idx.msk [tilespmem:v8+s4+$0x0], $0xffff  }
0x9f: {  	v13 =	vadd.f32 v19, v0;
	v16 =	vadd.f32 v15, v0;
	v12 =	vld.idx.msk [tilespmem:v12+s4+$0x0], $0xffff  }
0xa0: {  	v15 =	vld.idx.msk [tilespmem:v18+s4+$0x0], $0xffff;
	v18 =	vadd.f32 v20, v0  }
0xa1: {  	v14 =	vld.idx.msk [tilespmem:v14+s4+$0x0], $0xffff  }
0xa2: {  	_ =	sdelay $0x2  }
0xa3: {  	v54 =	vadd.f32 v17, v0  }
0xa4: {  	v1 =	vld.idx.msk [tilespmem:v4+s4+$0x0], $0xffff  }
0xa5: {  	v3 =	vld.idx.msk [tilespmem:v3+s4+$0x0], $0xffff;
	[tilespmem:v2+s12+$0xFFFFFF80 ss:$0x1] =	vst.idx.msk $0xffff, v54  }
0xa6: {  	v55 =	vadd.f32 v11, v0;
	[tilespmem:v2+s12+$0xFFFFFF90 ss:$0x1] =	vst.idx.msk $0xffff, v16  }
0xa7: {  	[tilespmem:v2+s12+$0xFFFFFFA0 ss:$0x1] =	vst.idx.msk $0xffff, v18  }
0xa8: {  	v56 =	vadd.f32 v10, v0;
	[tilespmem:v2+s12+$0xFFFFFFB0 ss:$0x1] =	vst.idx.msk $0xffff, v55  }
0xa9: {  	v57 =	vadd.f32 v15, v0;
	[tilespmem:v2+s12+$0xFFFFFFC0 ss:$0x1] =	vst.idx.msk $0xffff, v13  }
0xaa: {  	v5 =	vadd.f32 v5, v0;
	[tilespmem:v2+s12+$0xFFFFFFD0 ss:$0x1] =	vst.idx.msk $0xffff, v56  }
0xab: {  	[tilespmem:v2+s12+$0xFFFFFFE0 ss:$0x1] =	vst.idx.msk $0xffff, v57  }
0xac: {  	v58 =	vadd.f32 v14, v0;
	[tilespmem:v2+s12+$0xFFFFFFF0 ss:$0x1] =	vst.idx.msk $0xffff, v5  }
0xad: {  	v59 =	vadd.f32 v9, v0;
	[tilespmem:v2+s12+$0x0 ss:$0x1] =	vst.idx.msk $0xffff, v7  }
0xae: {  	s9 =	sadd.s32 $0x1, s9;
	v60 =	vadd.f32 v8, v0;
	[tilespmem:v2+s12+$0x10 ss:$0x1] =	vst.idx.msk $0xffff, v58  }
0xaf: {  	p2 =	sne.s32 s9, $0x4;
	v61 =	vadd.f32 v12, v0;
	[tilespmem:v2+s12+$0x20 ss:$0x1] =	vst.idx.msk $0xffff, v59  }
.Ltmp1:
0xb0: {  	v62 =	vadd.f32 v6, v0;
	[tilespmem:v2+s12+$0x30 ss:$0x1] =	vst.idx.msk $0xffff, v60;
	(pc) =	sbr.rel @p2 .LBB2_3-.Ltmp1, $4  }
0xb1: {  	v1 =	vadd.f32 v1, v0;
	[tilespmem:v2+s12+$0x40 ss:$0x1] =	vst.idx.msk $0xffff, v61  }
0xb2: {  	v63 =	vadd.f32 v3, v0;
	[tilespmem:v2+s12+$0x50 ss:$0x1] =	vst.idx.msk $0xffff, v62  }
0xb3: {  	[tilespmem:v2+s12+$0x60 ss:$0x1] =	vst.idx.msk $0xffff, v1  }
0xb4: {  	s10 =	sadd.s32 $0x400, s10;
	s11 =	sadd.s32 $0x400, s11;
	[tilespmem:v2+s12+$0x70 ss:$0x1] =	vst.idx.msk $0xffff, v63  }
0xb5: {  	s9 =	rddreg [dreg:$0xb]  }
0xb6: {  	s9 =	sor.u32 s9, s8  }
0xb7: {  	s16 =	sshrl.u32 s9, $0x3  }
0xb8: {  	s10 =	sadd.s32 s2, s16  }
0xb9: {  	[hbm4b:s10+s21] =	stream.strided.scatter [tilespmem:s30], [sflag:$0x3], $0x400, s22, s21, $0x38;
	[tilespmem:$0x1FB80] =	vst v63  }
0xba: {  	s11 =	sadd.s32 $0x2000, s10  }
0xbb: {  	[hbm4b:s11+s21] =	stream.strided.scatter [tilespmem:s31], [sflag:$0x3], $0x400, s22, s21, $0x38;
	[tilespmem:$0x1FB80] =	vst v63  }
0xbc: {  	s20 =	sadd.s32 $0x4000, s10  }
0xbd: {  	[hbm4b:s20+s21] =	stream.strided.scatter [tilespmem:s0], [sflag:$0x3], $0x400, s22, s21, $0x38;
	[tilespmem:$0x1FB80] =	vst v63  }
0xbe: {  	s10 =	sadd.s32 $0x6000, s10  }
0xbf: {  	[hbm4b:s10+s21] =	stream.strided.scatter [tilespmem:s5], [sflag:$0x3], $0x400, s22, s21, $0x38;
	[tilespmem:$0x1FB80] =	vst v63  }
0xc0: {  	s26 =	rddreg [dreg:$0xc]  }
0xc1: {  	[tilespmem:s23], [sflag:$0x1] =	stream.linear.gather [spmem:s26], $0x1000, $0x38;
	[tilespmem:$0x1FB80] =	vst v63  }
0xc2: {  	_ =	swait.ge [sflag:s7], $0x1000  }
0xc3: {  	s12 =	simm.s32 $0x1B780;
	[sflag:s7] =	ssyncset.done $0x0  }
0xc4: {  	s11 =	simm.s32 $0x197F0;
	s10 =	simm.s32 $0x0;
	[sflag:s7] =	ssyncadd.s32 $0xFFFFF000  }
.LBB2_7:
0xc5: {  	v1 =	vmov s11;
	_ =	sdelay $0x2  }
0xc6: {  	s13 =	sor.u32 $0x4, s10  }
0xc7: {  	v0 =	vmov s13;
	s13 =	simm.s32 $0x0  }
0xc8: {  	v4 =	vld.idx.msk [tilespmem:v1+s13+$0xFFFFFFF0 ss:$0x1], $0xffff  }
0xc9: {  	v3 =	vld.idx.msk [tilespmem:v1+s13+$0x0 ss:$0x1], $0xffff  }
0xca: {  	v2 =	vld.idx.msk [tilespmem:v1+s13+$0xFFFFFFC0 ss:$0x1], $0xffff  }
0xcb: {  	v6 =	vld.idx.msk [tilespmem:v1+s13+$0xFFFFFFE0 ss:$0x1], $0xffff  }
0xcc: {  	v7 =	vld.idx.msk [tilespmem:v1+s13+$0xFFFFFFD0 ss:$0x1], $0xffff  }
0xcd: {  	v14 =	vld.idx.msk [tilespmem:v1+s13+$0xFFFFFFA0 ss:$0x1], $0xffff  }
0xce: {  	v8 =	vld.idx.msk [tilespmem:v1+s13+$0xFFFFFFB0 ss:$0x1], $0xffff  }
0xcf: {  	v5 =	vld.idx.msk [tilespmem:v1+s13+$0xFFFFFF80 ss:$0x1], $0xffff  }
0xd0: {  	v10 =	vld.idx.msk [tilespmem:v1+s13+$0xFFFFFF60 ss:$0x1], $0xffff  }
0xd1: {  	v9 =	vld.idx.msk [tilespmem:v1+s13+$0xFFFFFF50 ss:$0x1], $0xffff  }
0xd2: {  	v11 =	vld.idx.msk [tilespmem:v1+s13+$0xFFFFFF40 ss:$0x1], $0xffff  }
0xd3: {  	v12 =	vld.idx.msk [tilespmem:v1+s13+$0xFFFFFF90 ss:$0x1], $0xffff  }
0xd4: {  	v13 =	vld.idx.msk [tilespmem:v1+s13+$0xFFFFFF20 ss:$0x1], $0xffff  }
0xd5: {  	v15 =	vld.idx.msk [tilespmem:v1+s13+$0xFFFFFF30 ss:$0x1], $0xffff  }
0xd6: {  	v18 =	vld.idx.msk [tilespmem:v1+s13+$0xFFFFFF70 ss:$0x1], $0xffff  }
0xd7: {  	v16 =	vld.idx.msk [tilespmem:v1+s13+$0xFFFFFF10 ss:$0x1], $0xffff  }
0xd8: {  	v0 =	vld.idx.msk [tilespmem:v0+s29+$0x0], $0xffff  }
0xd9: {  	v5 =	vld.idx.msk [tilespmem:v5+s4+$0x0], $0xffff  }
0xda: {  	v19 =	vld.idx.msk [tilespmem:v9+s4+$0x0], $0xffff  }
0xdb: {  	v11 =	vld.idx.msk [tilespmem:v11+s4+$0x0], $0xffff  }
0xdc: {  	v20 =	vld.idx.msk [tilespmem:v12+s4+$0x0], $0xffff  }
0xdd: {  	v13 =	vld.idx.msk [tilespmem:v13+s4+$0x0], $0xffff  }
0xde: {  	v21 =	vld.idx.msk [tilespmem:v15+s4+$0x0], $0xffff  }
0xdf: {  	v9 =	vld.idx.msk [tilespmem:v8+s4+$0x0], $0xffff  }
0xe0: {  	v10 =	vld.idx.msk [tilespmem:v10+s4+$0x0], $0xffff  }
0xe1: {  	v17 =	vld.idx.msk [tilespmem:v16+s4+$0x0], $0xffff  }
0xe2: {  	v6 =	vld.idx.msk [tilespmem:v6+s4+$0x0], $0xffff  }
0xe3: {  	v8 =	vld.idx.msk [tilespmem:v2+s4+$0x0], $0xffff  }
0xe4: {  	v12 =	vld.idx.msk [tilespmem:v7+s4+$0x0], $0xffff;
	v2 =	vmov s12  }
0xe5: {  	v15 =	vld.idx.msk [tilespmem:v18+s4+$0x0], $0xffff;
	v7 =	vadd.f32 v20, v0;
	v16 =	vadd.f32 v13, v0  }
0xe6: {  	s14 =	simm.s32 $0x400;
	v14 =	vld.idx.msk [tilespmem:v14+s4+$0x0], $0xffff;
	v13 =	vadd.f32 v19, v0;
	v18 =	vadd.f32 v21, v0  }
.LBB2_8:
0xe7: {  	p2 =	sne.s32 s14, $0xC00;
	v4 =	vld.idx.msk [tilespmem:v4+s4+$0x0], $0xffff;
	v17 =	vadd.f32 v17, v0;
	s15 =	smov.u32 s14;
	s14 =	sadd.s32 $0x400, s14  }
0xe8: {  	v11 =	vadd.f32 v11, v0;
	v3 =	vld.idx.msk [tilespmem:v3+s4+$0x0], $0xffff  }
0xe9: {  	v9 =	vadd.f32 v9, v0;
	[tilespmem:v2+s13+$0xFFFFFF80 ss:$0x1] =	vst.idx.msk $0xffff, v17  }
0xea: {  	[tilespmem:v2+s13+$0xFFFFFF90 ss:$0x1] =	vst.idx.msk $0xffff, v16  }
0xeb: {  	v12 =	vadd.f32 v12, v0;
	v15 =	vadd.f32 v15, v0;
	[tilespmem:v2+s13+$0xFFFFFFA0 ss:$0x1] =	vst.idx.msk $0xffff, v18  }
0xec: {  	v10 =	vadd.f32 v10, v0;
	v5 =	vadd.f32 v5, v0;
	[tilespmem:v2+s13+$0xFFFFFFB0 ss:$0x1] =	vst.idx.msk $0xffff, v11  }
0xed: {  	[tilespmem:v2+s13+$0xFFFFFFC0 ss:$0x1] =	vst.idx.msk $0xffff, v13  }
0xee: {  	v6 =	vadd.f32 v6, v0;
	[tilespmem:v2+s13+$0xFFFFFFD0 ss:$0x1] =	vst.idx.msk $0xffff, v10;
	v10 =	vadd.f32 v14, v0  }
0xef: {  	[tilespmem:v2+s13+$0xFFFFFFE0 ss:$0x1] =	vst.idx.msk $0xffff, v15  }
0xf0: {  	v4 =	vadd.f32 v4, v0;
	[tilespmem:v2+s13+$0xFFFFFFF0 ss:$0x1] =	vst.idx.msk $0xffff, v5;
	v5 =	vadd.f32 v8, v0  }
0xf1: {  	[tilespmem:v2+s13+$0x0 ss:$0x1] =	vst.idx.msk $0xffff, v7  }
0xf2: {  	[tilespmem:v2+s13+$0x10 ss:$0x1] =	vst.idx.msk $0xffff, v10  }
0xf3: {  	[tilespmem:v2+s13+$0x20 ss:$0x1] =	vst.idx.msk $0xffff, v9  }
0xf4: {  	[tilespmem:v2+s13+$0x30 ss:$0x1] =	vst.idx.msk $0xffff, v5  }
0xf5: {  	[tilespmem:v2+s13+$0x40 ss:$0x1] =	vst.idx.msk $0xffff, v12  }
0xf6: {  	v3 =	vadd.f32 v3, v0;
	[tilespmem:v2+s13+$0x50 ss:$0x1] =	vst.idx.msk $0xffff, v6  }
0xf7: {  	s15 =	sshra.s32 s15, $0x2;
	[tilespmem:v2+s13+$0x60 ss:$0x1] =	vst.idx.msk $0xffff, v4  }
0xf8: {  	[tilespmem:v2+s13+$0x70 ss:$0x1] =	vst.idx.msk $0xffff, v3;
	s13 =	smov.u32 s15  }
0xf9: {  	v4 =	vld.idx.msk [tilespmem:v1+s13+$0xFFFFFFF0 ss:$0x1], $0xffff  }
0xfa: {  	v3 =	vld.idx.msk [tilespmem:v1+s13+$0x0 ss:$0x1], $0xffff  }
0xfb: {  	v8 =	vld.idx.msk [tilespmem:v1+s13+$0xFFFFFFC0 ss:$0x1], $0xffff  }
0xfc: {  	v6 =	vld.idx.msk [tilespmem:v1+s13+$0xFFFFFFE0 ss:$0x1], $0xffff  }
0xfd: {  	v12 =	vld.idx.msk [tilespmem:v1+s13+$0xFFFFFFD0 ss:$0x1], $0xffff  }
0xfe: {  	v14 =	vld.idx.msk [tilespmem:v1+s13+$0xFFFFFFA0 ss:$0x1], $0xffff  }
0xff: {  	v7 =	vld.idx.msk [tilespmem:v1+s13+$0xFFFFFFB0 ss:$0x1], $0xffff  }
0x100: {  	v5 =	vld.idx.msk [tilespmem:v1+s13+$0xFFFFFF80 ss:$0x1], $0xffff  }
0x101: {  	v10 =	vld.idx.msk [tilespmem:v1+s13+$0xFFFFFF60 ss:$0x1], $0xffff  }
0x102: {  	v9 =	vld.idx.msk [tilespmem:v1+s13+$0xFFFFFF50 ss:$0x1], $0xffff  }
0x103: {  	v11 =	vld.idx.msk [tilespmem:v1+s13+$0xFFFFFF40 ss:$0x1], $0xffff  }
0x104: {  	v13 =	vld.idx.msk [tilespmem:v1+s13+$0xFFFFFF90 ss:$0x1], $0xffff  }
0x105: {  	v15 =	vld.idx.msk [tilespmem:v1+s13+$0xFFFFFF20 ss:$0x1], $0xffff  }
0x106: {  	v16 =	vld.idx.msk [tilespmem:v1+s13+$0xFFFFFF30 ss:$0x1], $0xffff  }
0x107: {  	v18 =	vld.idx.msk [tilespmem:v1+s13+$0xFFFFFF70 ss:$0x1], $0xffff  }
0x108: {  	v5 =	vld.idx.msk [tilespmem:v5+s4+$0x0], $0xffff  }
0x109: {  	v17 =	vld.idx.msk [tilespmem:v1+s13+$0xFFFFFF10 ss:$0x1], $0xffff  }
0x10a: {  	v19 =	vld.idx.msk [tilespmem:v9+s4+$0x0], $0xffff  }
0x10b: {  	v11 =	vld.idx.msk [tilespmem:v11+s4+$0x0], $0xffff  }
0x10c: {  	v13 =	vld.idx.msk [tilespmem:v13+s4+$0x0], $0xffff  }
0x10d: {  	v15 =	vld.idx.msk [tilespmem:v15+s4+$0x0], $0xffff  }
0x10e: {  	v20 =	vld.idx.msk [tilespmem:v16+s4+$0x0], $0xffff  }
0x10f: {  	v9 =	vld.idx.msk [tilespmem:v7+s4+$0x0], $0xffff  }
0x110: {  	v10 =	vld.idx.msk [tilespmem:v10+s4+$0x0], $0xffff  }
0x111: {  	v17 =	vld.idx.msk [tilespmem:v17+s4+$0x0], $0xffff  }
.Ltmp2:
0x112: {  	v7 =	vadd.f32 v13, v0;
	v6 =	vld.idx.msk [tilespmem:v6+s4+$0x0], $0xffff;
	(pc) =	sbr.rel @p2 .LBB2_8-.Ltmp2, $4  }
0x113: {  	v8 =	vld.idx.msk [tilespmem:v8+s4+$0x0], $0xffff  }
0x114: {  	v13 =	vadd.f32 v19, v0;
	v16 =	vadd.f32 v15, v0;
	v12 =	vld.idx.msk [tilespmem:v12+s4+$0x0], $0xffff  }
0x115: {  	v15 =	vld.idx.msk [tilespmem:v18+s4+$0x0], $0xffff;
	v18 =	vadd.f32 v20, v0  }
0x116: {  	v14 =	vld.idx.msk [tilespmem:v14+s4+$0x0], $0xffff  }
0x117: {  	_ =	sdelay $0x2  }
0x118: {  	v54 =	vadd.f32 v17, v0  }
0x119: {  	v1 =	vld.idx.msk [tilespmem:v4+s4+$0x0], $0xffff  }
0x11a: {  	v3 =	vld.idx.msk [tilespmem:v3+s4+$0x0], $0xffff;
	[tilespmem:v2+s13+$0xFFFFFF80 ss:$0x1] =	vst.idx.msk $0xffff, v54  }
0x11b: {  	v55 =	vadd.f32 v11, v0;
	[tilespmem:v2+s13+$0xFFFFFF90 ss:$0x1] =	vst.idx.msk $0xffff, v16  }
0x11c: {  	[tilespmem:v2+s13+$0xFFFFFFA0 ss:$0x1] =	vst.idx.msk $0xffff, v18  }
0x11d: {  	v56 =	vadd.f32 v10, v0;
	[tilespmem:v2+s13+$0xFFFFFFB0 ss:$0x1] =	vst.idx.msk $0xffff, v55  }
0x11e: {  	v57 =	vadd.f32 v15, v0;
	[tilespmem:v2+s13+$0xFFFFFFC0 ss:$0x1] =	vst.idx.msk $0xffff, v13  }
0x11f: {  	v5 =	vadd.f32 v5, v0;
	[tilespmem:v2+s13+$0xFFFFFFD0 ss:$0x1] =	vst.idx.msk $0xffff, v56  }
0x120: {  	[tilespmem:v2+s13+$0xFFFFFFE0 ss:$0x1] =	vst.idx.msk $0xffff, v57  }
0x121: {  	v58 =	vadd.f32 v14, v0;
	[tilespmem:v2+s13+$0xFFFFFFF0 ss:$0x1] =	vst.idx.msk $0xffff, v5  }
0x122: {  	v59 =	vadd.f32 v9, v0;
	[tilespmem:v2+s13+$0x0 ss:$0x1] =	vst.idx.msk $0xffff, v7  }
0x123: {  	s10 =	sadd.s32 $0x1, s10;
	v60 =	vadd.f32 v8, v0;
	[tilespmem:v2+s13+$0x10 ss:$0x1] =	vst.idx.msk $0xffff, v58  }
0x124: {  	p2 =	sne.s32 s10, $0x4;
	v61 =	vadd.f32 v12, v0;
	[tilespmem:v2+s13+$0x20 ss:$0x1] =	vst.idx.msk $0xffff, v59  }
.Ltmp3:
0x125: {  	v62 =	vadd.f32 v6, v0;
	[tilespmem:v2+s13+$0x30 ss:$0x1] =	vst.idx.msk $0xffff, v60;
	(pc) =	sbr.rel @p2 .LBB2_7-.Ltmp3, $4  }
0x126: {  	v1 =	vadd.f32 v1, v0;
	[tilespmem:v2+s13+$0x40 ss:$0x1] =	vst.idx.msk $0xffff, v61  }
0x127: {  	v63 =	vadd.f32 v3, v0;
	[tilespmem:v2+s13+$0x50 ss:$0x1] =	vst.idx.msk $0xffff, v62  }
0x128: {  	[tilespmem:v2+s13+$0x60 ss:$0x1] =	vst.idx.msk $0xffff, v1  }
0x129: {  	s11 =	sadd.s32 $0x400, s11;
	s12 =	sadd.s32 $0x400, s12;
	[tilespmem:v2+s13+$0x70 ss:$0x1] =	vst.idx.msk $0xffff, v63  }
0x12a: {  	s8 =	rddreg [dreg:$0xd]  }
0x12b: {  	s10 =	sadd.s32 s16, s8  }
0x12c: {  	[hbm4b:s10+s21] =	stream.strided.scatter [tilespmem:s17], [sflag:$0x4], $0x400, s22, s21, $0x38;
	[tilespmem:$0x1FB80] =	vst v63  }
0x12d: {  	s11 =	sadd.s32 $0x2000, s10  }
0x12e: {  	[hbm4b:s11+s21] =	stream.strided.scatter [tilespmem:s18], [sflag:$0x4], $0x400, s22, s21, $0x38;
	[tilespmem:$0x1FB80] =	vst v63  }
0x12f: {  	s20 =	sadd.s32 $0x4000, s10  }
0x130: {  	[hbm4b:s20+s21] =	stream.strided.scatter [tilespmem:s1], [sflag:$0x4], $0x400, s22, s21, $0x38;
	[tilespmem:$0x1FB80] =	vst v63  }
0x131: {  	[dreg:$0x14] =	wrdreg s16;
	s10 =	sadd.s32 $0x6000, s10  }
0x132: {  	[hbm4b:s10+s21] =	stream.strided.scatter [tilespmem:s25], [sflag:$0x4], $0x400, s22, s21, $0x38;
	[tilespmem:$0x1FB80] =	vst v63  }
0x133: {  	s26 =	rddreg [dreg:$0xe];
	s10 =	simm.s32 $0x0  }
0x134: {  	[tilespmem:s24], [sflag:$0x2] =	stream.linear.gather [spmem:s26], $0x1000, $0x38;
	[tilespmem:$0x1FB80] =	vst v63  }
.LBB2_11:
0x135: {  	_ =	swait.ge [sflag:s28], $0x1000  }
0x136: {  	[sflag:s28] =	ssyncset.done $0x0  }
0x137: {  	[sflag:s28] =	ssyncadd.s32 $0xFFFFF000  }
0x138: {  	s11 =	sshll.u32 s10, $0x1;
	s14 =	simm.s32 $0x187F0;
	_ =	swait.ge [sflag:s19], $0x1000  }
0x139: {  	s15 =	simm.s32 $0x1A780;
	s12 =	sadd.s32 $0x2, s11;
	[sflag:s19] =	ssyncset.done $0x0  }
0x13a: {  	s16 =	simm.s32 $0x0;
	s13 =	sshll.u32 s12, $0x2;
	[sflag:s19] =	ssyncadd.s32 $0xFFFFF000  }
.LBB2_12:
0x13b: {  	v1 =	vmov s14;
	_ =	sdelay $0x3  }
0x13c: {  	s26 =	simm.s32 $0x0  }
0x13d: {  	v4 =	vld.idx.msk [tilespmem:v1+s26+$0xFFFFFFF0 ss:$0x1], $0xffff  }
0x13e: {  	v3 =	vld.idx.msk [tilespmem:v1+s26+$0x0 ss:$0x1], $0xffff  }
0x13f: {  	v2 =	vld.idx.msk [tilespmem:v1+s26+$0xFFFFFFC0 ss:$0x1], $0xffff  }
0x140: {  	v6 =	vld.idx.msk [tilespmem:v1+s26+$0xFFFFFFE0 ss:$0x1], $0xffff  }
0x141: {  	v7 =	vld.idx.msk [tilespmem:v1+s26+$0xFFFFFFD0 ss:$0x1], $0xffff  }
0x142: {  	v14 =	vld.idx.msk [tilespmem:v1+s26+$0xFFFFFFA0 ss:$0x1], $0xffff  }
0x143: {  	v8 =	vld.idx.msk [tilespmem:v1+s26+$0xFFFFFFB0 ss:$0x1], $0xffff  }
0x144: {  	v5 =	vld.idx.msk [tilespmem:v1+s26+$0xFFFFFF80 ss:$0x1], $0xffff  }
0x145: {  	v10 =	vld.idx.msk [tilespmem:v1+s26+$0xFFFFFF60 ss:$0x1], $0xffff  }
0x146: {  	v9 =	vld.idx.msk [tilespmem:v1+s26+$0xFFFFFF50 ss:$0x1], $0xffff  }
0x147: {  	s20 =	sadd.s32 s13, s16;
	v11 =	vld.idx.msk [tilespmem:v1+s26+$0xFFFFFF40 ss:$0x1], $0xffff  }
0x148: {  	v0 =	vmov s20;
	v12 =	vld.idx.msk [tilespmem:v1+s26+$0xFFFFFF90 ss:$0x1], $0xffff  }
0x149: {  	v13 =	vld.idx.msk [tilespmem:v1+s26+$0xFFFFFF20 ss:$0x1], $0xffff  }
0x14a: {  	v15 =	vld.idx.msk [tilespmem:v1+s26+$0xFFFFFF30 ss:$0x1], $0xffff  }
0x14b: {  	v18 =	vld.idx.msk [tilespmem:v1+s26+$0xFFFFFF70 ss:$0x1], $0xffff  }
0x14c: {  	v16 =	vld.idx.msk [tilespmem:v1+s26+$0xFFFFFF10 ss:$0x1], $0xffff  }
0x14d: {  	v0 =	vld.idx.msk [tilespmem:v0+s29+$0x0], $0xffff  }
0x14e: {  	v5 =	vld.idx.msk [tilespmem:v5+s4+$0x0], $0xffff  }
0x14f: {  	v19 =	vld.idx.msk [tilespmem:v9+s4+$0x0], $0xffff  }
0x150: {  	v11 =	vld.idx.msk [tilespmem:v11+s4+$0x0], $0xffff  }
0x151: {  	v20 =	vld.idx.msk [tilespmem:v12+s4+$0x0], $0xffff  }
0x152: {  	v13 =	vld.idx.msk [tilespmem:v13+s4+$0x0], $0xffff  }
0x153: {  	v21 =	vld.idx.msk [tilespmem:v15+s4+$0x0], $0xffff  }
0x154: {  	v9 =	vld.idx.msk [tilespmem:v8+s4+$0x0], $0xffff  }
0x155: {  	v10 =	vld.idx.msk [tilespmem:v10+s4+$0x0], $0xffff  }
0x156: {  	v17 =	vld.idx.msk [tilespmem:v16+s4+$0x0], $0xffff  }
0x157: {  	v6 =	vld.idx.msk [tilespmem:v6+s4+$0x0], $0xffff  }
0x158: {  	v8 =	vld.idx.msk [tilespmem:v2+s4+$0x0], $0xffff  }
0x159: {  	v12 =	vld.idx.msk [tilespmem:v7+s4+$0x0], $0xffff;
	v2 =	vmov s15  }
0x15a: {  	v15 =	vld.idx.msk [tilespmem:v18+s4+$0x0], $0xffff;
	v7 =	vadd.f32 v20, v0;
	v16 =	vadd.f32 v13, v0  }
0x15b: {  	s20 =	simm.s32 $0x400;
	v14 =	vld.idx.msk [tilespmem:v14+s4+$0x0], $0xffff;
	v13 =	vadd.f32 v19, v0;
	v18 =	vadd.f32 v21, v0  }
.LBB2_13:
0x15c: {  	p2 =	sne.s32 s20, $0xC00;
	v4 =	vld.idx.msk [tilespmem:v4+s4+$0x0], $0xffff;
	v17 =	vadd.f32 v17, v0;
	s8 =	smov.u32 s20;
	s20 =	sadd.s32 $0x400, s20  }
0x15d: {  	v11 =	vadd.f32 v11, v0;
	v3 =	vld.idx.msk [tilespmem:v3+s4+$0x0], $0xffff  }
0x15e: {  	v9 =	vadd.f32 v9, v0;
	[tilespmem:v2+s26+$0xFFFFFF80 ss:$0x1] =	vst.idx.msk $0xffff, v17  }
0x15f: {  	[tilespmem:v2+s26+$0xFFFFFF90 ss:$0x1] =	vst.idx.msk $0xffff, v16  }
0x160: {  	v12 =	vadd.f32 v12, v0;
	v15 =	vadd.f32 v15, v0;
	[tilespmem:v2+s26+$0xFFFFFFA0 ss:$0x1] =	vst.idx.msk $0xffff, v18  }
0x161: {  	v10 =	vadd.f32 v10, v0;
	v5 =	vadd.f32 v5, v0;
	[tilespmem:v2+s26+$0xFFFFFFB0 ss:$0x1] =	vst.idx.msk $0xffff, v11  }
0x162: {  	[tilespmem:v2+s26+$0xFFFFFFC0 ss:$0x1] =	vst.idx.msk $0xffff, v13  }
0x163: {  	v6 =	vadd.f32 v6, v0;
	[tilespmem:v2+s26+$0xFFFFFFD0 ss:$0x1] =	vst.idx.msk $0xffff, v10;
	v10 =	vadd.f32 v14, v0  }
0x164: {  	[tilespmem:v2+s26+$0xFFFFFFE0 ss:$0x1] =	vst.idx.msk $0xffff, v15  }
0x165: {  	v4 =	vadd.f32 v4, v0;
	[tilespmem:v2+s26+$0xFFFFFFF0 ss:$0x1] =	vst.idx.msk $0xffff, v5;
	v5 =	vadd.f32 v8, v0  }
0x166: {  	[tilespmem:v2+s26+$0x0 ss:$0x1] =	vst.idx.msk $0xffff, v7  }
0x167: {  	[tilespmem:v2+s26+$0x10 ss:$0x1] =	vst.idx.msk $0xffff, v10  }
0x168: {  	[tilespmem:v2+s26+$0x20 ss:$0x1] =	vst.idx.msk $0xffff, v9  }
0x169: {  	[tilespmem:v2+s26+$0x30 ss:$0x1] =	vst.idx.msk $0xffff, v5  }
0x16a: {  	[tilespmem:v2+s26+$0x40 ss:$0x1] =	vst.idx.msk $0xffff, v12  }
0x16b: {  	v3 =	vadd.f32 v3, v0;
	[tilespmem:v2+s26+$0x50 ss:$0x1] =	vst.idx.msk $0xffff, v6  }
0x16c: {  	s8 =	sshra.s32 s8, $0x2;
	[tilespmem:v2+s26+$0x60 ss:$0x1] =	vst.idx.msk $0xffff, v4  }
0x16d: {  	[tilespmem:v2+s26+$0x70 ss:$0x1] =	vst.idx.msk $0xffff, v3;
	s26 =	smov.u32 s8  }
0x16e: {  	v4 =	vld.idx.msk [tilespmem:v1+s26+$0xFFFFFFF0 ss:$0x1], $0xffff  }
0x16f: {  	v3 =	vld.idx.msk [tilespmem:v1+s26+$0x0 ss:$0x1], $0xffff  }
0x170: {  	v8 =	vld.idx.msk [tilespmem:v1+s26+$0xFFFFFFC0 ss:$0x1], $0xffff  }
0x171: {  	v6 =	vld.idx.msk [tilespmem:v1+s26+$0xFFFFFFE0 ss:$0x1], $0xffff  }
0x172: {  	v12 =	vld.idx.msk [tilespmem:v1+s26+$0xFFFFFFD0 ss:$0x1], $0xffff  }
0x173: {  	v14 =	vld.idx.msk [tilespmem:v1+s26+$0xFFFFFFA0 ss:$0x1], $0xffff  }
0x174: {  	v7 =	vld.idx.msk [tilespmem:v1+s26+$0xFFFFFFB0 ss:$0x1], $0xffff  }
0x175: {  	v5 =	vld.idx.msk [tilespmem:v1+s26+$0xFFFFFF80 ss:$0x1], $0xffff  }
0x176: {  	v10 =	vld.idx.msk [tilespmem:v1+s26+$0xFFFFFF60 ss:$0x1], $0xffff  }
0x177: {  	v9 =	vld.idx.msk [tilespmem:v1+s26+$0xFFFFFF50 ss:$0x1], $0xffff  }
0x178: {  	v11 =	vld.idx.msk [tilespmem:v1+s26+$0xFFFFFF40 ss:$0x1], $0xffff  }
0x179: {  	v13 =	vld.idx.msk [tilespmem:v1+s26+$0xFFFFFF90 ss:$0x1], $0xffff  }
0x17a: {  	v15 =	vld.idx.msk [tilespmem:v1+s26+$0xFFFFFF20 ss:$0x1], $0xffff  }
0x17b: {  	v16 =	vld.idx.msk [tilespmem:v1+s26+$0xFFFFFF30 ss:$0x1], $0xffff  }
0x17c: {  	v18 =	vld.idx.msk [tilespmem:v1+s26+$0xFFFFFF70 ss:$0x1], $0xffff  }
0x17d: {  	v5 =	vld.idx.msk [tilespmem:v5+s4+$0x0], $0xffff  }
0x17e: {  	v17 =	vld.idx.msk [tilespmem:v1+s26+$0xFFFFFF10 ss:$0x1], $0xffff  }
0x17f: {  	v19 =	vld.idx.msk [tilespmem:v9+s4+$0x0], $0xffff  }
0x180: {  	v11 =	vld.idx.msk [tilespmem:v11+s4+$0x0], $0xffff  }
0x181: {  	v13 =	vld.idx.msk [tilespmem:v13+s4+$0x0], $0xffff  }
0x182: {  	v15 =	vld.idx.msk [tilespmem:v15+s4+$0x0], $0xffff  }
0x183: {  	v20 =	vld.idx.msk [tilespmem:v16+s4+$0x0], $0xffff  }
0x184: {  	v9 =	vld.idx.msk [tilespmem:v7+s4+$0x0], $0xffff  }
0x185: {  	v10 =	vld.idx.msk [tilespmem:v10+s4+$0x0], $0xffff  }
0x186: {  	v17 =	vld.idx.msk [tilespmem:v17+s4+$0x0], $0xffff  }
.Ltmp4:
0x187: {  	v7 =	vadd.f32 v13, v0;
	v6 =	vld.idx.msk [tilespmem:v6+s4+$0x0], $0xffff;
	(pc) =	sbr.rel @p2 .LBB2_13-.Ltmp4, $4  }
0x188: {  	v8 =	vld.idx.msk [tilespmem:v8+s4+$0x0], $0xffff  }
0x189: {  	v13 =	vadd.f32 v19, v0;
	v16 =	vadd.f32 v15, v0;
	v12 =	vld.idx.msk [tilespmem:v12+s4+$0x0], $0xffff  }
0x18a: {  	v15 =	vld.idx.msk [tilespmem:v18+s4+$0x0], $0xffff;
	v18 =	vadd.f32 v20, v0  }
0x18b: {  	v14 =	vld.idx.msk [tilespmem:v14+s4+$0x0], $0xffff  }
0x18c: {  	_ =	sdelay $0x2  }
0x18d: {  	v54 =	vadd.f32 v17, v0  }
0x18e: {  	v1 =	vld.idx.msk [tilespmem:v4+s4+$0x0], $0xffff  }
0x18f: {  	v3 =	vld.idx.msk [tilespmem:v3+s4+$0x0], $0xffff;
	[tilespmem:v2+s26+$0xFFFFFF80 ss:$0x1] =	vst.idx.msk $0xffff, v54  }
0x190: {  	v55 =	vadd.f32 v11, v0;
	[tilespmem:v2+s26+$0xFFFFFF90 ss:$0x1] =	vst.idx.msk $0xffff, v16  }
0x191: {  	[tilespmem:v2+s26+$0xFFFFFFA0 ss:$0x1] =	vst.idx.msk $0xffff, v18  }
0x192: {  	v56 =	vadd.f32 v10, v0;
	[tilespmem:v2+s26+$0xFFFFFFB0 ss:$0x1] =	vst.idx.msk $0xffff, v55  }
0x193: {  	v57 =	vadd.f32 v15, v0;
	[tilespmem:v2+s26+$0xFFFFFFC0 ss:$0x1] =	vst.idx.msk $0xffff, v13  }
0x194: {  	v5 =	vadd.f32 v5, v0;
	[tilespmem:v2+s26+$0xFFFFFFD0 ss:$0x1] =	vst.idx.msk $0xffff, v56  }
0x195: {  	[tilespmem:v2+s26+$0xFFFFFFE0 ss:$0x1] =	vst.idx.msk $0xffff, v57  }
0x196: {  	v58 =	vadd.f32 v14, v0;
	[tilespmem:v2+s26+$0xFFFFFFF0 ss:$0x1] =	vst.idx.msk $0xffff, v5  }
0x197: {  	v59 =	vadd.f32 v9, v0;
	[tilespmem:v2+s26+$0x0 ss:$0x1] =	vst.idx.msk $0xffff, v7  }
0x198: {  	s16 =	sadd.s32 $0x1, s16;
	v60 =	vadd.f32 v8, v0;
	[tilespmem:v2+s26+$0x10 ss:$0x1] =	vst.idx.msk $0xffff, v58  }
0x199: {  	p2 =	sne.s32 s16, $0x4;
	v61 =	vadd.f32 v12, v0;
	[tilespmem:v2+s26+$0x20 ss:$0x1] =	vst.idx.msk $0xffff, v59  }
.Ltmp5:
0x19a: {  	v62 =	vadd.f32 v6, v0;
	[tilespmem:v2+s26+$0x30 ss:$0x1] =	vst.idx.msk $0xffff, v60;
	(pc) =	sbr.rel @p2 .LBB2_12-.Ltmp5, $4  }
0x19b: {  	v1 =	vadd.f32 v1, v0;
	[tilespmem:v2+s26+$0x40 ss:$0x1] =	vst.idx.msk $0xffff, v61  }
0x19c: {  	v63 =	vadd.f32 v3, v0;
	[tilespmem:v2+s26+$0x50 ss:$0x1] =	vst.idx.msk $0xffff, v62  }
0x19d: {  	[tilespmem:v2+s26+$0x60 ss:$0x1] =	vst.idx.msk $0xffff, v1  }
0x19e: {  	s14 =	sadd.s32 $0x400, s14;
	s15 =	sadd.s32 $0x400, s15;
	[tilespmem:v2+s26+$0x70 ss:$0x1] =	vst.idx.msk $0xffff, v63  }
0x19f: {  	s8 =	sshll.u32 s12, $0x12  }
0x1a0: {  	s8 =	sor.u32 s9, s8  }
0x1a1: {  	s8 =	sshrl.u32 s8, $0x3  }
0x1a2: {  	s8 =	sadd.s32 s2, s8  }
0x1a3: {  	[hbm4b:s8+s21] =	stream.strided.scatter [tilespmem:s30], [sflag:$0x3], $0x400, s22, s21, $0x38;
	[tilespmem:$0x1FB80] =	vst v63  }
0x1a4: {  	s16 =	sadd.s32 $0x2000, s8  }
0x1a5: {  	[hbm4b:s16+s21] =	stream.strided.scatter [tilespmem:s31], [sflag:$0x3], $0x400, s22, s21, $0x38;
	[tilespmem:$0x1FB80] =	vst v63  }
0x1a6: {  	s20 =	sadd.s32 $0x4000, s8  }
0x1a7: {  	[hbm4b:s20+s21] =	stream.strided.scatter [tilespmem:s0], [sflag:$0x3], $0x400, s22, s21, $0x38;
	[tilespmem:$0x1FB80] =	vst v63  }
0x1a8: {  	s26 =	sshll.u32 s10, $0xD;
	s8 =	sadd.s32 $0x6000, s8  }
0x1a9: {  	[hbm4b:s8+s21] =	stream.strided.scatter [tilespmem:s5], [sflag:$0x3], $0x400, s22, s21, $0x38;
	[tilespmem:$0x1FB80] =	vst v63  }
0x1aa: {  	s8 =	sand.u32 $0x3FFFE000, s26  }
0x1ab: {  	s12 =	sadd.s32 s8, s3  }
0x1ac: {  	s8 =	sadd.s32 $0x4000, s12  }
0x1ad: {  	[tilespmem:s23], [sflag:$0x1] =	stream.linear.gather [spmem:s8], $0x1000, $0x38;
	[tilespmem:$0x1FB80] =	vst v63  }
0x1ae: {  	_ =	swait.ge [sflag:s7], $0x1000  }
0x1af: {  	[sflag:s7] =	ssyncset.done $0x0  }
0x1b0: {  	[sflag:s7] =	ssyncadd.s32 $0xFFFFF000  }
0x1b1: {  	s11 =	sadd.s32 $0x3, s11;
	_ =	swait.ge [sflag:s6], $0x1000  }
0x1b2: {  	s14 =	simm.s32 $0x0;
	s15 =	simm.s32 $0x197F0;
	[sflag:s6] =	ssyncset.done $0x0  }
0x1b3: {  	s13 =	sshll.u32 s11, $0x2;
	s16 =	simm.s32 $0x1B780;
	[sflag:s6] =	ssyncadd.s32 $0xFFFFF000  }
.LBB2_16:
0x1b4: {  	v1 =	vmov s15;
	_ =	sdelay $0x3  }
0x1b5: {  	s26 =	simm.s32 $0x0  }
0x1b6: {  	v4 =	vld.idx.msk [tilespmem:v1+s26+$0xFFFFFFF0 ss:$0x1], $0xffff  }
0x1b7: {  	v3 =	vld.idx.msk [tilespmem:v1+s26+$0x0 ss:$0x1], $0xffff  }
0x1b8: {  	v2 =	vld.idx.msk [tilespmem:v1+s26+$0xFFFFFFC0 ss:$0x1], $0xffff  }
0x1b9: {  	v6 =	vld.idx.msk [tilespmem:v1+s26+$0xFFFFFFE0 ss:$0x1], $0xffff  }
0x1ba: {  	v7 =	vld.idx.msk [tilespmem:v1+s26+$0xFFFFFFD0 ss:$0x1], $0xffff  }
0x1bb: {  	v14 =	vld.idx.msk [tilespmem:v1+s26+$0xFFFFFFA0 ss:$0x1], $0xffff  }
0x1bc: {  	v8 =	vld.idx.msk [tilespmem:v1+s26+$0xFFFFFFB0 ss:$0x1], $0xffff  }
0x1bd: {  	v5 =	vld.idx.msk [tilespmem:v1+s26+$0xFFFFFF80 ss:$0x1], $0xffff  }
0x1be: {  	v10 =	vld.idx.msk [tilespmem:v1+s26+$0xFFFFFF60 ss:$0x1], $0xffff  }
0x1bf: {  	v9 =	vld.idx.msk [tilespmem:v1+s26+$0xFFFFFF50 ss:$0x1], $0xffff  }
0x1c0: {  	s8 =	sadd.s32 s13, s14;
	v11 =	vld.idx.msk [tilespmem:v1+s26+$0xFFFFFF40 ss:$0x1], $0xffff  }
0x1c1: {  	v0 =	vmov s8;
	v12 =	vld.idx.msk [tilespmem:v1+s26+$0xFFFFFF90 ss:$0x1], $0xffff  }
0x1c2: {  	v13 =	vld.idx.msk [tilespmem:v1+s26+$0xFFFFFF20 ss:$0x1], $0xffff  }
0x1c3: {  	v15 =	vld.idx.msk [tilespmem:v1+s26+$0xFFFFFF30 ss:$0x1], $0xffff  }
0x1c4: {  	v18 =	vld.idx.msk [tilespmem:v1+s26+$0xFFFFFF70 ss:$0x1], $0xffff  }
0x1c5: {  	v16 =	vld.idx.msk [tilespmem:v1+s26+$0xFFFFFF10 ss:$0x1], $0xffff  }
0x1c6: {  	v0 =	vld.idx.msk [tilespmem:v0+s29+$0x0], $0xffff  }
0x1c7: {  	v5 =	vld.idx.msk [tilespmem:v5+s4+$0x0], $0xffff  }
0x1c8: {  	v19 =	vld.idx.msk [tilespmem:v9+s4+$0x0], $0xffff  }
0x1c9: {  	v11 =	vld.idx.msk [tilespmem:v11+s4+$0x0], $0xffff  }
0x1ca: {  	v20 =	vld.idx.msk [tilespmem:v12+s4+$0x0], $0xffff  }
0x1cb: {  	v13 =	vld.idx.msk [tilespmem:v13+s4+$0x0], $0xffff  }
0x1cc: {  	v21 =	vld.idx.msk [tilespmem:v15+s4+$0x0], $0xffff  }
0x1cd: {  	v9 =	vld.idx.msk [tilespmem:v8+s4+$0x0], $0xffff  }
0x1ce: {  	v10 =	vld.idx.msk [tilespmem:v10+s4+$0x0], $0xffff  }
0x1cf: {  	v17 =	vld.idx.msk [tilespmem:v16+s4+$0x0], $0xffff  }
0x1d0: {  	v6 =	vld.idx.msk [tilespmem:v6+s4+$0x0], $0xffff  }
0x1d1: {  	v8 =	vld.idx.msk [tilespmem:v2+s4+$0x0], $0xffff  }
0x1d2: {  	v12 =	vld.idx.msk [tilespmem:v7+s4+$0x0], $0xffff;
	v2 =	vmov s16  }
0x1d3: {  	v15 =	vld.idx.msk [tilespmem:v18+s4+$0x0], $0xffff;
	v7 =	vadd.f32 v20, v0;
	v16 =	vadd.f32 v13, v0  }
0x1d4: {  	s20 =	simm.s32 $0x400;
	v14 =	vld.idx.msk [tilespmem:v14+s4+$0x0], $0xffff;
	v13 =	vadd.f32 v19, v0;
	v18 =	vadd.f32 v21, v0  }
.LBB2_17:
0x1d5: {  	p2 =	sne.s32 s20, $0xC00;
	v4 =	vld.idx.msk [tilespmem:v4+s4+$0x0], $0xffff;
	v17 =	vadd.f32 v17, v0;
	s8 =	smov.u32 s20;
	s20 =	sadd.s32 $0x400, s20  }
0x1d6: {  	v11 =	vadd.f32 v11, v0;
	v3 =	vld.idx.msk [tilespmem:v3+s4+$0x0], $0xffff  }
0x1d7: {  	v9 =	vadd.f32 v9, v0;
	[tilespmem:v2+s26+$0xFFFFFF80 ss:$0x1] =	vst.idx.msk $0xffff, v17  }
0x1d8: {  	[tilespmem:v2+s26+$0xFFFFFF90 ss:$0x1] =	vst.idx.msk $0xffff, v16  }
0x1d9: {  	v12 =	vadd.f32 v12, v0;
	v15 =	vadd.f32 v15, v0;
	[tilespmem:v2+s26+$0xFFFFFFA0 ss:$0x1] =	vst.idx.msk $0xffff, v18  }
0x1da: {  	v10 =	vadd.f32 v10, v0;
	v5 =	vadd.f32 v5, v0;
	[tilespmem:v2+s26+$0xFFFFFFB0 ss:$0x1] =	vst.idx.msk $0xffff, v11  }
0x1db: {  	[tilespmem:v2+s26+$0xFFFFFFC0 ss:$0x1] =	vst.idx.msk $0xffff, v13  }
0x1dc: {  	v6 =	vadd.f32 v6, v0;
	[tilespmem:v2+s26+$0xFFFFFFD0 ss:$0x1] =	vst.idx.msk $0xffff, v10;
	v10 =	vadd.f32 v14, v0  }
0x1dd: {  	[tilespmem:v2+s26+$0xFFFFFFE0 ss:$0x1] =	vst.idx.msk $0xffff, v15  }
0x1de: {  	v4 =	vadd.f32 v4, v0;
	[tilespmem:v2+s26+$0xFFFFFFF0 ss:$0x1] =	vst.idx.msk $0xffff, v5;
	v5 =	vadd.f32 v8, v0  }
0x1df: {  	[tilespmem:v2+s26+$0x0 ss:$0x1] =	vst.idx.msk $0xffff, v7  }
0x1e0: {  	[tilespmem:v2+s26+$0x10 ss:$0x1] =	vst.idx.msk $0xffff, v10  }
0x1e1: {  	[tilespmem:v2+s26+$0x20 ss:$0x1] =	vst.idx.msk $0xffff, v9  }
0x1e2: {  	[tilespmem:v2+s26+$0x30 ss:$0x1] =	vst.idx.msk $0xffff, v5  }
0x1e3: {  	[tilespmem:v2+s26+$0x40 ss:$0x1] =	vst.idx.msk $0xffff, v12  }
0x1e4: {  	v3 =	vadd.f32 v3, v0;
	[tilespmem:v2+s26+$0x50 ss:$0x1] =	vst.idx.msk $0xffff, v6  }
0x1e5: {  	s8 =	sshra.s32 s8, $0x2;
	[tilespmem:v2+s26+$0x60 ss:$0x1] =	vst.idx.msk $0xffff, v4  }
0x1e6: {  	[tilespmem:v2+s26+$0x70 ss:$0x1] =	vst.idx.msk $0xffff, v3;
	s26 =	smov.u32 s8  }
0x1e7: {  	v4 =	vld.idx.msk [tilespmem:v1+s26+$0xFFFFFFF0 ss:$0x1], $0xffff  }
0x1e8: {  	v3 =	vld.idx.msk [tilespmem:v1+s26+$0x0 ss:$0x1], $0xffff  }
0x1e9: {  	v8 =	vld.idx.msk [tilespmem:v1+s26+$0xFFFFFFC0 ss:$0x1], $0xffff  }
0x1ea: {  	v6 =	vld.idx.msk [tilespmem:v1+s26+$0xFFFFFFE0 ss:$0x1], $0xffff  }
0x1eb: {  	v12 =	vld.idx.msk [tilespmem:v1+s26+$0xFFFFFFD0 ss:$0x1], $0xffff  }
0x1ec: {  	v14 =	vld.idx.msk [tilespmem:v1+s26+$0xFFFFFFA0 ss:$0x1], $0xffff  }
0x1ed: {  	v7 =	vld.idx.msk [tilespmem:v1+s26+$0xFFFFFFB0 ss:$0x1], $0xffff  }
0x1ee: {  	v5 =	vld.idx.msk [tilespmem:v1+s26+$0xFFFFFF80 ss:$0x1], $0xffff  }
0x1ef: {  	v10 =	vld.idx.msk [tilespmem:v1+s26+$0xFFFFFF60 ss:$0x1], $0xffff  }
0x1f0: {  	v9 =	vld.idx.msk [tilespmem:v1+s26+$0xFFFFFF50 ss:$0x1], $0xffff  }
0x1f1: {  	v11 =	vld.idx.msk [tilespmem:v1+s26+$0xFFFFFF40 ss:$0x1], $0xffff  }
0x1f2: {  	v13 =	vld.idx.msk [tilespmem:v1+s26+$0xFFFFFF90 ss:$0x1], $0xffff  }
0x1f3: {  	v15 =	vld.idx.msk [tilespmem:v1+s26+$0xFFFFFF20 ss:$0x1], $0xffff  }
0x1f4: {  	v16 =	vld.idx.msk [tilespmem:v1+s26+$0xFFFFFF30 ss:$0x1], $0xffff  }
0x1f5: {  	v18 =	vld.idx.msk [tilespmem:v1+s26+$0xFFFFFF70 ss:$0x1], $0xffff  }
0x1f6: {  	v5 =	vld.idx.msk [tilespmem:v5+s4+$0x0], $0xffff  }
0x1f7: {  	v17 =	vld.idx.msk [tilespmem:v1+s26+$0xFFFFFF10 ss:$0x1], $0xffff  }
0x1f8: {  	v19 =	vld.idx.msk [tilespmem:v9+s4+$0x0], $0xffff  }
0x1f9: {  	v11 =	vld.idx.msk [tilespmem:v11+s4+$0x0], $0xffff  }
0x1fa: {  	v13 =	vld.idx.msk [tilespmem:v13+s4+$0x0], $0xffff  }
0x1fb: {  	v15 =	vld.idx.msk [tilespmem:v15+s4+$0x0], $0xffff  }
0x1fc: {  	v20 =	vld.idx.msk [tilespmem:v16+s4+$0x0], $0xffff  }
0x1fd: {  	v9 =	vld.idx.msk [tilespmem:v7+s4+$0x0], $0xffff  }
0x1fe: {  	v10 =	vld.idx.msk [tilespmem:v10+s4+$0x0], $0xffff  }
0x1ff: {  	v17 =	vld.idx.msk [tilespmem:v17+s4+$0x0], $0xffff  }
.Ltmp6:
0x200: {  	v7 =	vadd.f32 v13, v0;
	v6 =	vld.idx.msk [tilespmem:v6+s4+$0x0], $0xffff;
	(pc) =	sbr.rel @p2 .LBB2_17-.Ltmp6, $4  }
0x201: {  	v8 =	vld.idx.msk [tilespmem:v8+s4+$0x0], $0xffff  }
0x202: {  	v13 =	vadd.f32 v19, v0;
	v16 =	vadd.f32 v15, v0;
	v12 =	vld.idx.msk [tilespmem:v12+s4+$0x0], $0xffff  }
0x203: {  	v15 =	vld.idx.msk [tilespmem:v18+s4+$0x0], $0xffff;
	v18 =	vadd.f32 v20, v0  }
0x204: {  	v14 =	vld.idx.msk [tilespmem:v14+s4+$0x0], $0xffff  }
0x205: {  	_ =	sdelay $0x2  }
0x206: {  	v54 =	vadd.f32 v17, v0  }
0x207: {  	v1 =	vld.idx.msk [tilespmem:v4+s4+$0x0], $0xffff  }
0x208: {  	v3 =	vld.idx.msk [tilespmem:v3+s4+$0x0], $0xffff;
	[tilespmem:v2+s26+$0xFFFFFF80 ss:$0x1] =	vst.idx.msk $0xffff, v54  }
0x209: {  	v55 =	vadd.f32 v11, v0;
	[tilespmem:v2+s26+$0xFFFFFF90 ss:$0x1] =	vst.idx.msk $0xffff, v16  }
0x20a: {  	[tilespmem:v2+s26+$0xFFFFFFA0 ss:$0x1] =	vst.idx.msk $0xffff, v18  }
0x20b: {  	v56 =	vadd.f32 v10, v0;
	[tilespmem:v2+s26+$0xFFFFFFB0 ss:$0x1] =	vst.idx.msk $0xffff, v55  }
0x20c: {  	v57 =	vadd.f32 v15, v0;
	[tilespmem:v2+s26+$0xFFFFFFC0 ss:$0x1] =	vst.idx.msk $0xffff, v13  }
0x20d: {  	v5 =	vadd.f32 v5, v0;
	[tilespmem:v2+s26+$0xFFFFFFD0 ss:$0x1] =	vst.idx.msk $0xffff, v56  }
0x20e: {  	[tilespmem:v2+s26+$0xFFFFFFE0 ss:$0x1] =	vst.idx.msk $0xffff, v57  }
0x20f: {  	v58 =	vadd.f32 v14, v0;
	[tilespmem:v2+s26+$0xFFFFFFF0 ss:$0x1] =	vst.idx.msk $0xffff, v5  }
0x210: {  	v59 =	vadd.f32 v9, v0;
	[tilespmem:v2+s26+$0x0 ss:$0x1] =	vst.idx.msk $0xffff, v7  }
0x211: {  	s14 =	sadd.s32 $0x1, s14;
	v60 =	vadd.f32 v8, v0;
	[tilespmem:v2+s26+$0x10 ss:$0x1] =	vst.idx.msk $0xffff, v58  }
0x212: {  	p2 =	sne.s32 s14, $0x4;
	v61 =	vadd.f32 v12, v0;
	[tilespmem:v2+s26+$0x20 ss:$0x1] =	vst.idx.msk $0xffff, v59  }
.Ltmp7:
0x213: {  	v62 =	vadd.f32 v6, v0;
	[tilespmem:v2+s26+$0x30 ss:$0x1] =	vst.idx.msk $0xffff, v60;
	(pc) =	sbr.rel @p2 .LBB2_16-.Ltmp7, $4  }
0x214: {  	v1 =	vadd.f32 v1, v0;
	[tilespmem:v2+s26+$0x40 ss:$0x1] =	vst.idx.msk $0xffff, v61  }
0x215: {  	v63 =	vadd.f32 v3, v0;
	[tilespmem:v2+s26+$0x50 ss:$0x1] =	vst.idx.msk $0xffff, v62  }
0x216: {  	[tilespmem:v2+s26+$0x60 ss:$0x1] =	vst.idx.msk $0xffff, v1  }
0x217: {  	s15 =	sadd.s32 $0x400, s15;
	s16 =	sadd.s32 $0x400, s16;
	[tilespmem:v2+s26+$0x70 ss:$0x1] =	vst.idx.msk $0xffff, v63  }
0x218: {  	s8 =	sshll.u32 s11, $0x12  }
0x219: {  	s8 =	sor.u32 s9, s8  }
0x21a: {  	s8 =	sshrl.u32 s8, $0x3  }
0x21b: {  	s8 =	sadd.s32 s2, s8  }
0x21c: {  	[hbm4b:s8+s21] =	stream.strided.scatter [tilespmem:s17], [sflag:$0x4], $0x400, s22, s21, $0x38;
	[tilespmem:$0x1FB80] =	vst v63  }
0x21d: {  	s10 =	sadd.s32 $0x1, s10;
	s16 =	sadd.s32 $0x2000, s8  }
0x21e: {  	[hbm4b:s16+s21] =	stream.strided.scatter [tilespmem:s18], [sflag:$0x4], $0x400, s22, s21, $0x38;
	[tilespmem:$0x1FB80] =	vst v63  }
0x21f: {  	p2 =	sne.s32 s10, $0x17;
	s20 =	sadd.s32 $0x4000, s8  }
0x220: {  	[hbm4b:s20+s21] =	stream.strided.scatter [tilespmem:s1], [sflag:$0x4], $0x400, s22, s21, $0x38;
	[tilespmem:$0x1FB80] =	vst v63  }
.Ltmp8:
0x221: {  	_ = 	snop;
	(pc) =	sbr.rel @p2 .LBB2_11-.Ltmp8, $4  }
0x222: {  	s8 =	sadd.s32 $0x6000, s8  }
0x223: {  	[hbm4b:s8+s21] =	stream.strided.scatter [tilespmem:s25], [sflag:$0x4], $0x400, s22, s21, $0x38;
	[tilespmem:$0x1FB80] =	vst v63  }
0x224: {  	s26 =	sadd.s32 $0x5000, s12  }
0x225: {  	[tilespmem:s24], [sflag:$0x2] =	stream.linear.gather [spmem:s26], $0x1000, $0x38;
	[tilespmem:$0x1FB80] =	vst v63  }
0x226: {  	_ =	swait.ge [sflag:s28], $0x1000  }
0x227: {  	[sflag:s28] =	ssyncset.done $0x0  }
0x228: {  	[sflag:s28] =	ssyncadd.s32 $0xFFFFF000  }
0x229: {  	_ =	swait.ge [sflag:s19], $0x1000  }
0x22a: {  	s9 =	simm.s32 $0x0;
	s10 =	simm.s32 $0x187F0;
	[sflag:s19] =	ssyncset.done $0x0  }
0x22b: {  	s11 =	simm.s32 $0x1A780;
	s14 =	rddreg [dreg:$0x14];
	[sflag:s19] =	ssyncadd.s32 $0xFFFFF000  }
.LBB2_21:
0x22c: {  	v1 =	vmov s10;
	_ =	sdelay $0x3  }
0x22d: {  	s12 =	simm.s32 $0x0  }
0x22e: {  	v4 =	vld.idx.msk [tilespmem:v1+s12+$0xFFFFFFF0 ss:$0x1], $0xffff  }
0x22f: {  	v3 =	vld.idx.msk [tilespmem:v1+s12+$0x0 ss:$0x1], $0xffff  }
0x230: {  	v2 =	vld.idx.msk [tilespmem:v1+s12+$0xFFFFFFC0 ss:$0x1], $0xffff  }
0x231: {  	v6 =	vld.idx.msk [tilespmem:v1+s12+$0xFFFFFFE0 ss:$0x1], $0xffff  }
0x232: {  	v7 =	vld.idx.msk [tilespmem:v1+s12+$0xFFFFFFD0 ss:$0x1], $0xffff  }
0x233: {  	v14 =	vld.idx.msk [tilespmem:v1+s12+$0xFFFFFFA0 ss:$0x1], $0xffff  }
0x234: {  	v8 =	vld.idx.msk [tilespmem:v1+s12+$0xFFFFFFB0 ss:$0x1], $0xffff  }
0x235: {  	v5 =	vld.idx.msk [tilespmem:v1+s12+$0xFFFFFF80 ss:$0x1], $0xffff  }
0x236: {  	v10 =	vld.idx.msk [tilespmem:v1+s12+$0xFFFFFF60 ss:$0x1], $0xffff  }
0x237: {  	v9 =	vld.idx.msk [tilespmem:v1+s12+$0xFFFFFF50 ss:$0x1], $0xffff  }
0x238: {  	s8 =	sor.u32 $0xC0, s9;
	v11 =	vld.idx.msk [tilespmem:v1+s12+$0xFFFFFF40 ss:$0x1], $0xffff  }
0x239: {  	v0 =	vmov s8;
	v12 =	vld.idx.msk [tilespmem:v1+s12+$0xFFFFFF90 ss:$0x1], $0xffff  }
0x23a: {  	v13 =	vld.idx.msk [tilespmem:v1+s12+$0xFFFFFF20 ss:$0x1], $0xffff  }
0x23b: {  	v15 =	vld.idx.msk [tilespmem:v1+s12+$0xFFFFFF30 ss:$0x1], $0xffff  }
0x23c: {  	v18 =	vld.idx.msk [tilespmem:v1+s12+$0xFFFFFF70 ss:$0x1], $0xffff  }
0x23d: {  	v16 =	vld.idx.msk [tilespmem:v1+s12+$0xFFFFFF10 ss:$0x1], $0xffff  }
0x23e: {  	v0 =	vld.idx.msk [tilespmem:v0+s29+$0x0], $0xffff  }
0x23f: {  	v5 =	vld.idx.msk [tilespmem:v5+s4+$0x0], $0xffff  }
0x240: {  	v19 =	vld.idx.msk [tilespmem:v9+s4+$0x0], $0xffff  }
0x241: {  	v11 =	vld.idx.msk [tilespmem:v11+s4+$0x0], $0xffff  }
0x242: {  	v20 =	vld.idx.msk [tilespmem:v12+s4+$0x0], $0xffff  }
0x243: {  	v13 =	vld.idx.msk [tilespmem:v13+s4+$0x0], $0xffff  }
0x244: {  	v21 =	vld.idx.msk [tilespmem:v15+s4+$0x0], $0xffff  }
0x245: {  	v9 =	vld.idx.msk [tilespmem:v8+s4+$0x0], $0xffff  }
0x246: {  	v10 =	vld.idx.msk [tilespmem:v10+s4+$0x0], $0xffff  }
0x247: {  	v17 =	vld.idx.msk [tilespmem:v16+s4+$0x0], $0xffff  }
0x248: {  	v6 =	vld.idx.msk [tilespmem:v6+s4+$0x0], $0xffff  }
0x249: {  	v8 =	vld.idx.msk [tilespmem:v2+s4+$0x0], $0xffff  }
0x24a: {  	v12 =	vld.idx.msk [tilespmem:v7+s4+$0x0], $0xffff;
	v2 =	vmov s11  }
0x24b: {  	v15 =	vld.idx.msk [tilespmem:v18+s4+$0x0], $0xffff;
	v7 =	vadd.f32 v20, v0;
	v16 =	vadd.f32 v13, v0  }
0x24c: {  	s13 =	simm.s32 $0x400;
	v14 =	vld.idx.msk [tilespmem:v14+s4+$0x0], $0xffff;
	v13 =	vadd.f32 v19, v0;
	v18 =	vadd.f32 v21, v0  }
.LBB2_22:
0x24d: {  	p2 =	sne.s32 s13, $0xC00;
	v4 =	vld.idx.msk [tilespmem:v4+s4+$0x0], $0xffff;
	v17 =	vadd.f32 v17, v0;
	s8 =	smov.u32 s13;
	s13 =	sadd.s32 $0x400, s13  }
0x24e: {  	v11 =	vadd.f32 v11, v0;
	v3 =	vld.idx.msk [tilespmem:v3+s4+$0x0], $0xffff  }
0x24f: {  	v9 =	vadd.f32 v9, v0;
	[tilespmem:v2+s12+$0xFFFFFF80 ss:$0x1] =	vst.idx.msk $0xffff, v17  }
0x250: {  	[tilespmem:v2+s12+$0xFFFFFF90 ss:$0x1] =	vst.idx.msk $0xffff, v16  }
0x251: {  	v12 =	vadd.f32 v12, v0;
	v15 =	vadd.f32 v15, v0;
	[tilespmem:v2+s12+$0xFFFFFFA0 ss:$0x1] =	vst.idx.msk $0xffff, v18  }
0x252: {  	v10 =	vadd.f32 v10, v0;
	v5 =	vadd.f32 v5, v0;
	[tilespmem:v2+s12+$0xFFFFFFB0 ss:$0x1] =	vst.idx.msk $0xffff, v11  }
0x253: {  	[tilespmem:v2+s12+$0xFFFFFFC0 ss:$0x1] =	vst.idx.msk $0xffff, v13  }
0x254: {  	v6 =	vadd.f32 v6, v0;
	[tilespmem:v2+s12+$0xFFFFFFD0 ss:$0x1] =	vst.idx.msk $0xffff, v10;
	v10 =	vadd.f32 v14, v0  }
0x255: {  	[tilespmem:v2+s12+$0xFFFFFFE0 ss:$0x1] =	vst.idx.msk $0xffff, v15  }
0x256: {  	v4 =	vadd.f32 v4, v0;
	[tilespmem:v2+s12+$0xFFFFFFF0 ss:$0x1] =	vst.idx.msk $0xffff, v5;
	v5 =	vadd.f32 v8, v0  }
0x257: {  	[tilespmem:v2+s12+$0x0 ss:$0x1] =	vst.idx.msk $0xffff, v7  }
0x258: {  	[tilespmem:v2+s12+$0x10 ss:$0x1] =	vst.idx.msk $0xffff, v10  }
0x259: {  	[tilespmem:v2+s12+$0x20 ss:$0x1] =	vst.idx.msk $0xffff, v9  }
0x25a: {  	[tilespmem:v2+s12+$0x30 ss:$0x1] =	vst.idx.msk $0xffff, v5  }
0x25b: {  	[tilespmem:v2+s12+$0x40 ss:$0x1] =	vst.idx.msk $0xffff, v12  }
0x25c: {  	v3 =	vadd.f32 v3, v0;
	[tilespmem:v2+s12+$0x50 ss:$0x1] =	vst.idx.msk $0xffff, v6  }
0x25d: {  	s8 =	sshra.s32 s8, $0x2;
	[tilespmem:v2+s12+$0x60 ss:$0x1] =	vst.idx.msk $0xffff, v4  }
0x25e: {  	[tilespmem:v2+s12+$0x70 ss:$0x1] =	vst.idx.msk $0xffff, v3;
	s12 =	smov.u32 s8  }
0x25f: {  	v4 =	vld.idx.msk [tilespmem:v1+s12+$0xFFFFFFF0 ss:$0x1], $0xffff  }
0x260: {  	v3 =	vld.idx.msk [tilespmem:v1+s12+$0x0 ss:$0x1], $0xffff  }
0x261: {  	v8 =	vld.idx.msk [tilespmem:v1+s12+$0xFFFFFFC0 ss:$0x1], $0xffff  }
0x262: {  	v6 =	vld.idx.msk [tilespmem:v1+s12+$0xFFFFFFE0 ss:$0x1], $0xffff  }
0x263: {  	v12 =	vld.idx.msk [tilespmem:v1+s12+$0xFFFFFFD0 ss:$0x1], $0xffff  }
0x264: {  	v14 =	vld.idx.msk [tilespmem:v1+s12+$0xFFFFFFA0 ss:$0x1], $0xffff  }
0x265: {  	v7 =	vld.idx.msk [tilespmem:v1+s12+$0xFFFFFFB0 ss:$0x1], $0xffff  }
0x266: {  	v5 =	vld.idx.msk [tilespmem:v1+s12+$0xFFFFFF80 ss:$0x1], $0xffff  }
0x267: {  	v10 =	vld.idx.msk [tilespmem:v1+s12+$0xFFFFFF60 ss:$0x1], $0xffff  }
0x268: {  	v9 =	vld.idx.msk [tilespmem:v1+s12+$0xFFFFFF50 ss:$0x1], $0xffff  }
0x269: {  	v11 =	vld.idx.msk [tilespmem:v1+s12+$0xFFFFFF40 ss:$0x1], $0xffff  }
0x26a: {  	v13 =	vld.idx.msk [tilespmem:v1+s12+$0xFFFFFF90 ss:$0x1], $0xffff  }
0x26b: {  	v15 =	vld.idx.msk [tilespmem:v1+s12+$0xFFFFFF20 ss:$0x1], $0xffff  }
0x26c: {  	v16 =	vld.idx.msk [tilespmem:v1+s12+$0xFFFFFF30 ss:$0x1], $0xffff  }
0x26d: {  	v18 =	vld.idx.msk [tilespmem:v1+s12+$0xFFFFFF70 ss:$0x1], $0xffff  }
0x26e: {  	v5 =	vld.idx.msk [tilespmem:v5+s4+$0x0], $0xffff  }
0x26f: {  	v17 =	vld.idx.msk [tilespmem:v1+s12+$0xFFFFFF10 ss:$0x1], $0xffff  }
0x270: {  	v19 =	vld.idx.msk [tilespmem:v9+s4+$0x0], $0xffff  }
0x271: {  	v11 =	vld.idx.msk [tilespmem:v11+s4+$0x0], $0xffff  }
0x272: {  	v13 =	vld.idx.msk [tilespmem:v13+s4+$0x0], $0xffff  }
0x273: {  	v15 =	vld.idx.msk [tilespmem:v15+s4+$0x0], $0xffff  }
0x274: {  	v20 =	vld.idx.msk [tilespmem:v16+s4+$0x0], $0xffff  }
0x275: {  	v9 =	vld.idx.msk [tilespmem:v7+s4+$0x0], $0xffff  }
0x276: {  	v10 =	vld.idx.msk [tilespmem:v10+s4+$0x0], $0xffff  }
0x277: {  	v17 =	vld.idx.msk [tilespmem:v17+s4+$0x0], $0xffff  }
.Ltmp9:
0x278: {  	v7 =	vadd.f32 v13, v0;
	v6 =	vld.idx.msk [tilespmem:v6+s4+$0x0], $0xffff;
	(pc) =	sbr.rel @p2 .LBB2_22-.Ltmp9, $4  }
0x279: {  	v8 =	vld.idx.msk [tilespmem:v8+s4+$0x0], $0xffff  }
0x27a: {  	v13 =	vadd.f32 v19, v0;
	v16 =	vadd.f32 v15, v0;
	v12 =	vld.idx.msk [tilespmem:v12+s4+$0x0], $0xffff  }
0x27b: {  	v15 =	vld.idx.msk [tilespmem:v18+s4+$0x0], $0xffff;
	v18 =	vadd.f32 v20, v0  }
0x27c: {  	v14 =	vld.idx.msk [tilespmem:v14+s4+$0x0], $0xffff  }
0x27d: {  	_ =	sdelay $0x2  }
0x27e: {  	v54 =	vadd.f32 v17, v0  }
0x27f: {  	v1 =	vld.idx.msk [tilespmem:v4+s4+$0x0], $0xffff  }
0x280: {  	v3 =	vld.idx.msk [tilespmem:v3+s4+$0x0], $0xffff;
	[tilespmem:v2+s12+$0xFFFFFF80 ss:$0x1] =	vst.idx.msk $0xffff, v54  }
0x281: {  	v55 =	vadd.f32 v11, v0;
	[tilespmem:v2+s12+$0xFFFFFF90 ss:$0x1] =	vst.idx.msk $0xffff, v16  }
0x282: {  	[tilespmem:v2+s12+$0xFFFFFFA0 ss:$0x1] =	vst.idx.msk $0xffff, v18  }
0x283: {  	v56 =	vadd.f32 v10, v0;
	[tilespmem:v2+s12+$0xFFFFFFB0 ss:$0x1] =	vst.idx.msk $0xffff, v55  }
0x284: {  	v57 =	vadd.f32 v15, v0;
	[tilespmem:v2+s12+$0xFFFFFFC0 ss:$0x1] =	vst.idx.msk $0xffff, v13  }
0x285: {  	v5 =	vadd.f32 v5, v0;
	[tilespmem:v2+s12+$0xFFFFFFD0 ss:$0x1] =	vst.idx.msk $0xffff, v56  }
0x286: {  	[tilespmem:v2+s12+$0xFFFFFFE0 ss:$0x1] =	vst.idx.msk $0xffff, v57  }
0x287: {  	v58 =	vadd.f32 v14, v0;
	[tilespmem:v2+s12+$0xFFFFFFF0 ss:$0x1] =	vst.idx.msk $0xffff, v5  }
0x288: {  	v59 =	vadd.f32 v9, v0;
	[tilespmem:v2+s12+$0x0 ss:$0x1] =	vst.idx.msk $0xffff, v7  }
0x289: {  	s9 =	sadd.s32 $0x1, s9;
	v60 =	vadd.f32 v8, v0;
	[tilespmem:v2+s12+$0x10 ss:$0x1] =	vst.idx.msk $0xffff, v58  }
0x28a: {  	p2 =	sne.s32 s9, $0x4;
	v61 =	vadd.f32 v12, v0;
	[tilespmem:v2+s12+$0x20 ss:$0x1] =	vst.idx.msk $0xffff, v59  }
.Ltmp10:
0x28b: {  	v62 =	vadd.f32 v6, v0;
	[tilespmem:v2+s12+$0x30 ss:$0x1] =	vst.idx.msk $0xffff, v60;
	(pc) =	sbr.rel @p2 .LBB2_21-.Ltmp10, $4  }
0x28c: {  	v1 =	vadd.f32 v1, v0;
	[tilespmem:v2+s12+$0x40 ss:$0x1] =	vst.idx.msk $0xffff, v61  }
0x28d: {  	v63 =	vadd.f32 v3, v0;
	[tilespmem:v2+s12+$0x50 ss:$0x1] =	vst.idx.msk $0xffff, v62  }
0x28e: {  	[tilespmem:v2+s12+$0x60 ss:$0x1] =	vst.idx.msk $0xffff, v1  }
0x28f: {  	s10 =	sadd.s32 $0x400, s10;
	s11 =	sadd.s32 $0x400, s11;
	[tilespmem:v2+s12+$0x70 ss:$0x1] =	vst.idx.msk $0xffff, v63  }
0x290: {  	s8 =	rddreg [dreg:$0xf]  }
0x291: {  	s8 =	sadd.s32 s14, s8  }
0x292: {  	[hbm4b:s8+s21] =	stream.strided.scatter [tilespmem:s30], [sflag:$0x3], $0x400, s22, s21, $0x38;
	[tilespmem:$0x1FB80] =	vst v63  }
0x293: {  	s9 =	sadd.s32 $0x2000, s8  }
0x294: {  	[hbm4b:s9+s21] =	stream.strided.scatter [tilespmem:s31], [sflag:$0x3], $0x400, s22, s21, $0x38;
	[tilespmem:$0x1FB80] =	vst v63  }
0x295: {  	s26 =	sadd.s32 $0x4000, s8  }
0x296: {  	[hbm4b:s26+s21] =	stream.strided.scatter [tilespmem:s0], [sflag:$0x3], $0x400, s22, s21, $0x38;
	[tilespmem:$0x1FB80] =	vst v63  }
0x297: {  	s8 =	sadd.s32 $0x6000, s8  }
0x298: {  	[hbm4b:s8+s21] =	stream.strided.scatter [tilespmem:s5], [sflag:$0x3], $0x400, s22, s21, $0x38;
	[tilespmem:$0x1FB80] =	vst v63  }
0x299: {  	_ =	swait.ge [sflag:s7], $0x1000  }
0x29a: {  	[sflag:s7] =	ssyncset.done $0x0  }
0x29b: {  	[sflag:s7] =	ssyncadd.s32 $0xFFFFF000  }
0x29c: {  	_ =	swait.ge [sflag:s6], $0x1000  }
0x29d: {  	s10 =	simm.s32 $0x197F0;
	[sflag:s6] =	ssyncset.done $0x0  }
0x29e: {  	s11 =	simm.s32 $0x1B780;
	s9 =	simm.s32 $0x0;
	[sflag:s6] =	ssyncadd.s32 $0xFFFFF000  }
.LBB2_25:
0x29f: {  	v1 =	vmov s10;
	_ =	sdelay $0x3  }
0x2a0: {  	s12 =	simm.s32 $0x0  }
0x2a1: {  	v4 =	vld.idx.msk [tilespmem:v1+s12+$0xFFFFFFF0 ss:$0x1], $0xffff  }
0x2a2: {  	v3 =	vld.idx.msk [tilespmem:v1+s12+$0x0 ss:$0x1], $0xffff  }
0x2a3: {  	v2 =	vld.idx.msk [tilespmem:v1+s12+$0xFFFFFFC0 ss:$0x1], $0xffff  }
0x2a4: {  	v6 =	vld.idx.msk [tilespmem:v1+s12+$0xFFFFFFE0 ss:$0x1], $0xffff  }
0x2a5: {  	v7 =	vld.idx.msk [tilespmem:v1+s12+$0xFFFFFFD0 ss:$0x1], $0xffff  }
0x2a6: {  	v14 =	vld.idx.msk [tilespmem:v1+s12+$0xFFFFFFA0 ss:$0x1], $0xffff  }
0x2a7: {  	v8 =	vld.idx.msk [tilespmem:v1+s12+$0xFFFFFFB0 ss:$0x1], $0xffff  }
0x2a8: {  	v5 =	vld.idx.msk [tilespmem:v1+s12+$0xFFFFFF80 ss:$0x1], $0xffff  }
0x2a9: {  	v10 =	vld.idx.msk [tilespmem:v1+s12+$0xFFFFFF60 ss:$0x1], $0xffff  }
0x2aa: {  	v9 =	vld.idx.msk [tilespmem:v1+s12+$0xFFFFFF50 ss:$0x1], $0xffff  }
0x2ab: {  	s8 =	sor.u32 $0xC4, s9;
	v11 =	vld.idx.msk [tilespmem:v1+s12+$0xFFFFFF40 ss:$0x1], $0xffff  }
0x2ac: {  	v0 =	vmov s8;
	v12 =	vld.idx.msk [tilespmem:v1+s12+$0xFFFFFF90 ss:$0x1], $0xffff  }
0x2ad: {  	v13 =	vld.idx.msk [tilespmem:v1+s12+$0xFFFFFF20 ss:$0x1], $0xffff  }
0x2ae: {  	v15 =	vld.idx.msk [tilespmem:v1+s12+$0xFFFFFF30 ss:$0x1], $0xffff  }
0x2af: {  	v18 =	vld.idx.msk [tilespmem:v1+s12+$0xFFFFFF70 ss:$0x1], $0xffff  }
0x2b0: {  	v16 =	vld.idx.msk [tilespmem:v1+s12+$0xFFFFFF10 ss:$0x1], $0xffff  }
0x2b1: {  	v0 =	vld.idx.msk [tilespmem:v0+s29+$0x0], $0xffff  }
0x2b2: {  	v5 =	vld.idx.msk [tilespmem:v5+s4+$0x0], $0xffff  }
0x2b3: {  	v19 =	vld.idx.msk [tilespmem:v9+s4+$0x0], $0xffff  }
0x2b4: {  	v11 =	vld.idx.msk [tilespmem:v11+s4+$0x0], $0xffff  }
0x2b5: {  	v20 =	vld.idx.msk [tilespmem:v12+s4+$0x0], $0xffff  }
0x2b6: {  	v13 =	vld.idx.msk [tilespmem:v13+s4+$0x0], $0xffff  }
0x2b7: {  	v21 =	vld.idx.msk [tilespmem:v15+s4+$0x0], $0xffff  }
0x2b8: {  	v9 =	vld.idx.msk [tilespmem:v8+s4+$0x0], $0xffff  }
0x2b9: {  	v10 =	vld.idx.msk [tilespmem:v10+s4+$0x0], $0xffff  }
0x2ba: {  	v17 =	vld.idx.msk [tilespmem:v16+s4+$0x0], $0xffff  }
0x2bb: {  	v6 =	vld.idx.msk [tilespmem:v6+s4+$0x0], $0xffff  }
0x2bc: {  	v8 =	vld.idx.msk [tilespmem:v2+s4+$0x0], $0xffff  }
0x2bd: {  	v12 =	vld.idx.msk [tilespmem:v7+s4+$0x0], $0xffff;
	v2 =	vmov s11  }
0x2be: {  	v15 =	vld.idx.msk [tilespmem:v18+s4+$0x0], $0xffff;
	v7 =	vadd.f32 v20, v0;
	v16 =	vadd.f32 v13, v0  }
0x2bf: {  	s13 =	simm.s32 $0x400;
	v14 =	vld.idx.msk [tilespmem:v14+s4+$0x0], $0xffff;
	v13 =	vadd.f32 v19, v0;
	v18 =	vadd.f32 v21, v0  }
.LBB2_26:
0x2c0: {  	p2 =	sne.s32 s13, $0xC00;
	v4 =	vld.idx.msk [tilespmem:v4+s4+$0x0], $0xffff;
	v17 =	vadd.f32 v17, v0;
	s8 =	smov.u32 s13;
	s13 =	sadd.s32 $0x400, s13  }
0x2c1: {  	v11 =	vadd.f32 v11, v0;
	v3 =	vld.idx.msk [tilespmem:v3+s4+$0x0], $0xffff  }
0x2c2: {  	v9 =	vadd.f32 v9, v0;
	[tilespmem:v2+s12+$0xFFFFFF80 ss:$0x1] =	vst.idx.msk $0xffff, v17  }
0x2c3: {  	[tilespmem:v2+s12+$0xFFFFFF90 ss:$0x1] =	vst.idx.msk $0xffff, v16  }
0x2c4: {  	v12 =	vadd.f32 v12, v0;
	v15 =	vadd.f32 v15, v0;
	[tilespmem:v2+s12+$0xFFFFFFA0 ss:$0x1] =	vst.idx.msk $0xffff, v18  }
0x2c5: {  	v10 =	vadd.f32 v10, v0;
	v5 =	vadd.f32 v5, v0;
	[tilespmem:v2+s12+$0xFFFFFFB0 ss:$0x1] =	vst.idx.msk $0xffff, v11  }
0x2c6: {  	[tilespmem:v2+s12+$0xFFFFFFC0 ss:$0x1] =	vst.idx.msk $0xffff, v13  }
0x2c7: {  	v6 =	vadd.f32 v6, v0;
	[tilespmem:v2+s12+$0xFFFFFFD0 ss:$0x1] =	vst.idx.msk $0xffff, v10;
	v10 =	vadd.f32 v14, v0  }
0x2c8: {  	[tilespmem:v2+s12+$0xFFFFFFE0 ss:$0x1] =	vst.idx.msk $0xffff, v15  }
0x2c9: {  	v4 =	vadd.f32 v4, v0;
	[tilespmem:v2+s12+$0xFFFFFFF0 ss:$0x1] =	vst.idx.msk $0xffff, v5;
	v5 =	vadd.f32 v8, v0  }
0x2ca: {  	[tilespmem:v2+s12+$0x0 ss:$0x1] =	vst.idx.msk $0xffff, v7  }
0x2cb: {  	[tilespmem:v2+s12+$0x10 ss:$0x1] =	vst.idx.msk $0xffff, v10  }
0x2cc: {  	[tilespmem:v2+s12+$0x20 ss:$0x1] =	vst.idx.msk $0xffff, v9  }
0x2cd: {  	[tilespmem:v2+s12+$0x30 ss:$0x1] =	vst.idx.msk $0xffff, v5  }
0x2ce: {  	[tilespmem:v2+s12+$0x40 ss:$0x1] =	vst.idx.msk $0xffff, v12  }
0x2cf: {  	v3 =	vadd.f32 v3, v0;
	[tilespmem:v2+s12+$0x50 ss:$0x1] =	vst.idx.msk $0xffff, v6  }
0x2d0: {  	s8 =	sshra.s32 s8, $0x2;
	[tilespmem:v2+s12+$0x60 ss:$0x1] =	vst.idx.msk $0xffff, v4  }
0x2d1: {  	[tilespmem:v2+s12+$0x70 ss:$0x1] =	vst.idx.msk $0xffff, v3;
	s12 =	smov.u32 s8  }
0x2d2: {  	v4 =	vld.idx.msk [tilespmem:v1+s12+$0xFFFFFFF0 ss:$0x1], $0xffff  }
0x2d3: {  	v3 =	vld.idx.msk [tilespmem:v1+s12+$0x0 ss:$0x1], $0xffff  }
0x2d4: {  	v8 =	vld.idx.msk [tilespmem:v1+s12+$0xFFFFFFC0 ss:$0x1], $0xffff  }
0x2d5: {  	v6 =	vld.idx.msk [tilespmem:v1+s12+$0xFFFFFFE0 ss:$0x1], $0xffff  }
0x2d6: {  	v12 =	vld.idx.msk [tilespmem:v1+s12+$0xFFFFFFD0 ss:$0x1], $0xffff  }
0x2d7: {  	v14 =	vld.idx.msk [tilespmem:v1+s12+$0xFFFFFFA0 ss:$0x1], $0xffff  }
0x2d8: {  	v7 =	vld.idx.msk [tilespmem:v1+s12+$0xFFFFFFB0 ss:$0x1], $0xffff  }
0x2d9: {  	v5 =	vld.idx.msk [tilespmem:v1+s12+$0xFFFFFF80 ss:$0x1], $0xffff  }
0x2da: {  	v10 =	vld.idx.msk [tilespmem:v1+s12+$0xFFFFFF60 ss:$0x1], $0xffff  }
0x2db: {  	v9 =	vld.idx.msk [tilespmem:v1+s12+$0xFFFFFF50 ss:$0x1], $0xffff  }
0x2dc: {  	v11 =	vld.idx.msk [tilespmem:v1+s12+$0xFFFFFF40 ss:$0x1], $0xffff  }
0x2dd: {  	v13 =	vld.idx.msk [tilespmem:v1+s12+$0xFFFFFF90 ss:$0x1], $0xffff  }
0x2de: {  	v15 =	vld.idx.msk [tilespmem:v1+s12+$0xFFFFFF20 ss:$0x1], $0xffff  }
0x2df: {  	v16 =	vld.idx.msk [tilespmem:v1+s12+$0xFFFFFF30 ss:$0x1], $0xffff  }
0x2e0: {  	v18 =	vld.idx.msk [tilespmem:v1+s12+$0xFFFFFF70 ss:$0x1], $0xffff  }
0x2e1: {  	v5 =	vld.idx.msk [tilespmem:v5+s4+$0x0], $0xffff  }
0x2e2: {  	v17 =	vld.idx.msk [tilespmem:v1+s12+$0xFFFFFF10 ss:$0x1], $0xffff  }
0x2e3: {  	v19 =	vld.idx.msk [tilespmem:v9+s4+$0x0], $0xffff  }
0x2e4: {  	v11 =	vld.idx.msk [tilespmem:v11+s4+$0x0], $0xffff  }
0x2e5: {  	v13 =	vld.idx.msk [tilespmem:v13+s4+$0x0], $0xffff  }
0x2e6: {  	v15 =	vld.idx.msk [tilespmem:v15+s4+$0x0], $0xffff  }
0x2e7: {  	v20 =	vld.idx.msk [tilespmem:v16+s4+$0x0], $0xffff  }
0x2e8: {  	v9 =	vld.idx.msk [tilespmem:v7+s4+$0x0], $0xffff  }
0x2e9: {  	v10 =	vld.idx.msk [tilespmem:v10+s4+$0x0], $0xffff  }
0x2ea: {  	v17 =	vld.idx.msk [tilespmem:v17+s4+$0x0], $0xffff  }
.Ltmp11:
0x2eb: {  	v7 =	vadd.f32 v13, v0;
	v6 =	vld.idx.msk [tilespmem:v6+s4+$0x0], $0xffff;
	(pc) =	sbr.rel @p2 .LBB2_26-.Ltmp11, $4  }
0x2ec: {  	v8 =	vld.idx.msk [tilespmem:v8+s4+$0x0], $0xffff  }
0x2ed: {  	v13 =	vadd.f32 v19, v0;
	v16 =	vadd.f32 v15, v0;
	v12 =	vld.idx.msk [tilespmem:v12+s4+$0x0], $0xffff  }
0x2ee: {  	v15 =	vld.idx.msk [tilespmem:v18+s4+$0x0], $0xffff;
	v18 =	vadd.f32 v20, v0  }
0x2ef: {  	v14 =	vld.idx.msk [tilespmem:v14+s4+$0x0], $0xffff  }
0x2f0: {  	_ =	sdelay $0x2  }
0x2f1: {  	v54 =	vadd.f32 v17, v0  }
0x2f2: {  	v1 =	vld.idx.msk [tilespmem:v4+s4+$0x0], $0xffff  }
0x2f3: {  	v3 =	vld.idx.msk [tilespmem:v3+s4+$0x0], $0xffff;
	[tilespmem:v2+s12+$0xFFFFFF80 ss:$0x1] =	vst.idx.msk $0xffff, v54  }
0x2f4: {  	v55 =	vadd.f32 v11, v0;
	[tilespmem:v2+s12+$0xFFFFFF90 ss:$0x1] =	vst.idx.msk $0xffff, v16  }
0x2f5: {  	[tilespmem:v2+s12+$0xFFFFFFA0 ss:$0x1] =	vst.idx.msk $0xffff, v18  }
0x2f6: {  	v56 =	vadd.f32 v10, v0;
	[tilespmem:v2+s12+$0xFFFFFFB0 ss:$0x1] =	vst.idx.msk $0xffff, v55  }
0x2f7: {  	v57 =	vadd.f32 v15, v0;
	[tilespmem:v2+s12+$0xFFFFFFC0 ss:$0x1] =	vst.idx.msk $0xffff, v13  }
0x2f8: {  	v5 =	vadd.f32 v5, v0;
	[tilespmem:v2+s12+$0xFFFFFFD0 ss:$0x1] =	vst.idx.msk $0xffff, v56  }
0x2f9: {  	[tilespmem:v2+s12+$0xFFFFFFE0 ss:$0x1] =	vst.idx.msk $0xffff, v57  }
0x2fa: {  	v58 =	vadd.f32 v14, v0;
	[tilespmem:v2+s12+$0xFFFFFFF0 ss:$0x1] =	vst.idx.msk $0xffff, v5  }
0x2fb: {  	v59 =	vadd.f32 v9, v0;
	[tilespmem:v2+s12+$0x0 ss:$0x1] =	vst.idx.msk $0xffff, v7  }
0x2fc: {  	s9 =	sadd.s32 $0x1, s9;
	v60 =	vadd.f32 v8, v0;
	[tilespmem:v2+s12+$0x10 ss:$0x1] =	vst.idx.msk $0xffff, v58  }
0x2fd: {  	p2 =	sne.s32 s9, $0x4;
	v61 =	vadd.f32 v12, v0;
	[tilespmem:v2+s12+$0x20 ss:$0x1] =	vst.idx.msk $0xffff, v59  }
.Ltmp12:
0x2fe: {  	v62 =	vadd.f32 v6, v0;
	[tilespmem:v2+s12+$0x30 ss:$0x1] =	vst.idx.msk $0xffff, v60;
	(pc) =	sbr.rel @p2 .LBB2_25-.Ltmp12, $4  }
0x2ff: {  	v1 =	vadd.f32 v1, v0;
	[tilespmem:v2+s12+$0x40 ss:$0x1] =	vst.idx.msk $0xffff, v61  }
0x300: {  	v63 =	vadd.f32 v3, v0;
	[tilespmem:v2+s12+$0x50 ss:$0x1] =	vst.idx.msk $0xffff, v62  }
0x301: {  	[tilespmem:v2+s12+$0x60 ss:$0x1] =	vst.idx.msk $0xffff, v1  }
0x302: {  	s10 =	sadd.s32 $0x400, s10;
	s11 =	sadd.s32 $0x400, s11;
	[tilespmem:v2+s12+$0x70 ss:$0x1] =	vst.idx.msk $0xffff, v63  }
0x303: {  	s8 =	rddreg [dreg:$0x10]  }
0x304: {  	s8 =	sadd.s32 s14, s8  }
0x305: {  	[hbm4b:s8+s21] =	stream.strided.scatter [tilespmem:s17], [sflag:$0x4], $0x400, s22, s21, $0x38;
	[tilespmem:$0x1FB80] =	vst v63  }
0x306: {  	s9 =	sadd.s32 $0x2000, s8  }
0x307: {  	[hbm4b:s9+s21] =	stream.strided.scatter [tilespmem:s18], [sflag:$0x4], $0x400, s22, s21, $0x38;
	[tilespmem:$0x1FB80] =	vst v63  }
0x308: {  	s26 =	sadd.s32 $0x4000, s8  }
0x309: {  	[hbm4b:s26+s21] =	stream.strided.scatter [tilespmem:s1], [sflag:$0x4], $0x400, s22, s21, $0x38;
	[tilespmem:$0x1FB80] =	vst v63  }
0x30a: {  	s8 =	sadd.s32 $0x6000, s8  }
0x30b: {  	[hbm4b:s8+s21] =	stream.strided.scatter [tilespmem:s25], [sflag:$0x4], $0x400, s22, s21, $0x38;
	[tilespmem:$0x1FB80] =	vst v63  }
0x30c: {  	_ =	swait.ge [sflag:s19], $0x1000  }
.Ltmp13:
0x30d: {  	[sflag:s19] =	ssyncset.done $0x0;
	(pc) =	sbr.rel @p1 .LBB2_2-.Ltmp13, $4  }
0x30e: {  	[sflag:s19] =	ssyncadd.s32 $0xFFFFF000  }
0x30f: {  	_ =	swait.ge [sflag:s6], $0x1000  }
0x310: {  	[sflag:s6] =	ssyncset.done $0x0  }
0x311: {  	p2 =	por $0x0, $0x0;
	s8 =	simm.s32 $0x1;
	[sflag:s6] =	ssyncadd.s32 $0xFFFFF000  }
0x312: {  	s9 =	rddreg [dreg:$0x13]  }
0x313: {  	s8 =	rddreg [dreg:$0x11];
	s9 =	sadd.s32 $0x1, s9  }
0x314: {  	p1 =	sne.s32 s9, s8  }
.Ltmp14:
0x315: {  	_ = 	snop;
	(pc) =	sbr.rel @p1 .LBB2_1-.Ltmp14, $1  }
0x316: {  	_ =	sdelay $0x3  }
0x317: {  	_ =	sfence.sel $0x180000  }
0x318: {  	[bflag:$0x0] =	sbarrier.arrive $0xFFFF  }
0x319: {  	_ =	strace $0x90000047  }
0x31a: {  	[bflag:$0x2] =	sbarrier.arrive $0xFFFF  }
0x31b: {  	s0 =	rddreg [dreg:$0x4]  }
0x31c: {  	s0 =	sadd.s32 @!p0 $0x100000, s0  }
0x31d: {  	[sflag:s0] =	ssyncadd.tile.s32 @!p0 $0x1;
	_ =	shalt  }
.Lfunc_end2:
_tile_overlayer_lowered:
.L_overlay_start_2:
0x31e: {  	(tag) =	ssettag $0x2  }
0x31f: {  	s0 =	rddreg [dreg:$0x0];
	s2 =	stileid.u32  }
0x320: {  	s1 =	rddreg [dreg:$0x1];
	p0 =	sne.s32 s2, $0x0  }
0x321: {  	s3 =	rddreg [dreg:$0x2];
	[bflag:$0x3] =	sbarrier.arrive $0xFFFF;
	s2 =	simm.s32 @!p0 $0x1C06  }
0x322: {  	[timem:s3], [sflag:s2] =	dma.local @!p0 [hbm:s0], s1  }
0x323: {  	s0 =	simm.s32 @!p0 $0x6  }
0x324: {  	_ =	swait.ge @!p0 [sflag:s0], s1  }
0x325: {  	s1 =	ssub.s32 @!p0 $0x0, s1;
	[sflag:s0] =	ssyncset.done @!p0 $0x0  }
0x326: {  	[sflag:s0] =	ssyncadd.s32 @!p0 s1  }
0x327: {  	[bflag:$0x3] =	sbarrier.arrive $0xFFFF  }
0x328: {  	_ =	shalt  }

</sc_bundles>
